<compile_context>
chip_gen: v7x
topology: tpu7x:2x2x1
jax: 0.10.2.dev20260603
libtpu: 0.0.44.dev20260713+nightly
codegen_flags: <defaults>
</compile_context>

<pallas_src>
import functools

import jax
import jax.numpy as jnp
from jax import lax
from jax.experimental import pallas as pl
from jax.experimental.pallas import tpu as pltpu
from jax.experimental.pallas import tpu_sc as plsc

N = 10000
E = 320000
C = 128
NPAD = 10240
NB = 10
BLK = 1024
NW = 32
CHUNK = 128
NCHUNK = 80
EPW = CHUNK * NCHUNK
EPAD = NW * EPW
ROWS_PER_SUB = NPAD // 16


def _tc1_body(x_ref, wg_ref, ws_ref, as_ref, ad_ref,
              xw_ref, scx_ref, asrc_ref, adst_ref, es_ref):
    xb = x_ref[...]
    xw = jnp.dot(xb, wg_ref[...], preferred_element_type=jnp.float32)
    xw_ref[...] = xw
    scx_ref[...] = jnp.dot(xb, ws_ref[...], preferred_element_type=jnp.float32)
    a_s = jnp.sum(xw * as_ref[...], axis=1)
    a_d = jnp.sum(xw * ad_ref[...], axis=1)
    asrc_ref[...] = a_s
    adst_ref[...] = a_d
    al = a_s + a_d
    al = jnp.where(al >= 0, al, 0.2 * al)
    es_ref[...] = jnp.exp(al)


def _tc1(x, W_gat, W_sc, att_src_row, att_dst_row):
    return pl.pallas_call(
        _tc1_body,
        grid=(NB,),
        in_specs=[
            pl.BlockSpec((BLK, C), lambda i: (i, 0)),
            pl.BlockSpec((C, C), lambda i: (0, 0)),
            pl.BlockSpec((C, C), lambda i: (0, 0)),
            pl.BlockSpec((1, C), lambda i: (0, 0)),
            pl.BlockSpec((1, C), lambda i: (0, 0)),
        ],
        out_specs=[
            pl.BlockSpec((BLK, C), lambda i: (i, 0)),
            pl.BlockSpec((BLK, C), lambda i: (i, 0)),
            pl.BlockSpec((BLK,), lambda i: (i,)),
            pl.BlockSpec((BLK,), lambda i: (i,)),
            pl.BlockSpec((BLK,), lambda i: (i,)),
        ],
        out_shape=[
            jax.ShapeDtypeStruct((N, C), jnp.float32),
            jax.ShapeDtypeStruct((N, C), jnp.float32),
            jax.ShapeDtypeStruct((N,), jnp.float32),
            jax.ShapeDtypeStruct((N,), jnp.float32),
            jax.ShapeDtypeStruct((N,), jnp.float32),
        ],
    )(x, W_gat, W_sc, att_src_row, att_dst_row)


def _sc_body(src_hbm, dst_hbm, asrc_hbm, adst_hbm, xw_hbm,
             out_hbm, den_hbm,
             rowsi0, rowsi1, src0, src1, dst0, dst1, e0, e1,
             av0, av1, ad0, ad1,
             si0, si1, di0, di1, sr0, sr1, sa0, sa1, sb0, sb1,
             wr0, wr1, we0, we1, sr20, sr21,
             out_sh, den_sh):
    rowsi = (rowsi0, rowsi1)
    rowsf = rowsi
    srcb = (src0, src1)
    dstb = (dst0, dst1)
    eb = (e0, e1)
    avb = (av0, av1)
    adb = (ad0, ad1)
    sem_si = (si0, si1)
    sem_di = (di0, di1)
    sem_r = (sr0, sr1)
    sem_a = (sa0, sa1)
    sem_b = (sb0, sb1)
    sem_wr = (wr0, wr1)
    sem_we = (we0, we1)
    sem_r2 = (sr20, sr21)

    cid = lax.axis_index("c")
    sid = lax.axis_index("s")
    wid = sid * 2 + cid
    base = wid * EPW

    def _zrow(r, carry):
        for b in range(8):
            rowsi0[r, pl.ds(b * 16, 16)] = jnp.zeros((16,), jnp.float32)
        return carry
    lax.fori_loop(0, CHUNK, _zrow, 0)
    for g in range(8):
        e0[pl.ds(g * 16, 16)] = jnp.zeros((16,), jnp.float32)

    zbase = sid * ROWS_PER_SUB
    for q in range(ROWS_PER_SUB // CHUNK):
        pltpu.sync_copy(rowsi0, out_sh.at[pl.ds(zbase + q * CHUNK, CHUNK)])
        pltpu.sync_copy(e0, den_sh.at[pl.ds(zbase + q * CHUNK, CHUNK)])
    plsc.subcore_barrier()

    def issue_idx(k, p):
        ebase = base + k * CHUNK
        pltpu.async_copy(src_hbm.at[pl.ds(ebase, CHUNK)], srcb[p], sem_si[p])
        pltpu.async_copy(dst_hbm.at[pl.ds(ebase, CHUNK)], dstb[p], sem_di[p])

    def wait_idx(p):
        pltpu.make_async_copy(src_hbm.at[pl.ds(0, CHUNK)], srcb[p],
                              sem_si[p]).wait()
        pltpu.make_async_copy(dst_hbm.at[pl.ds(0, CHUNK)], dstb[p],
                              sem_di[p]).wait()

    def issue_gathers(p):
        pltpu.async_copy(asrc_hbm.at[srcb[p]], avb[p], sem_a[p])
        pltpu.async_copy(adst_hbm.at[dstb[p]], adb[p], sem_b[p])
        pltpu.async_copy(xw_hbm.at[srcb[p].at[pl.ds(0, CHUNK // 2)]],
                         rowsi[p].at[pl.ds(0, CHUNK // 2)], sem_r[p])
        pltpu.async_copy(xw_hbm.at[srcb[p].at[pl.ds(CHUNK // 2, CHUNK // 2)]],
                         rowsi[p].at[pl.ds(CHUNK // 2, CHUNK // 2)], sem_r2[p])

    def wait_gathers(p):
        pltpu.make_async_copy(asrc_hbm.at[srcb[p]], avb[p], sem_a[p]).wait()
        pltpu.make_async_copy(adst_hbm.at[dstb[p]], adb[p], sem_b[p]).wait()
        pltpu.make_async_copy(xw_hbm.at[srcb[p].at[pl.ds(0, CHUNK // 2)]],
                              rowsi[p].at[pl.ds(0, CHUNK // 2)],
                              sem_r[p]).wait()
        pltpu.make_async_copy(xw_hbm.at[srcb[p].at[pl.ds(CHUNK // 2,
                                                         CHUNK // 2)]],
                              rowsi[p].at[pl.ds(CHUNK // 2, CHUNK // 2)],
                              sem_r2[p]).wait()

    def issue_scatters(p):
        pltpu.async_copy(rowsf[p], out_sh.at[dstb[p]], sem_wr[p], add=True)
        pltpu.async_copy(eb[p], den_sh.at[dstb[p]], sem_we[p], add=True)

    def wait_scatters(p):
        pltpu.make_async_copy(rowsf[p], out_sh.at[dstb[p]], sem_wr[p]).wait()
        pltpu.make_async_copy(eb[p], den_sh.at[dstb[p]], sem_we[p]).wait()

    def compute_scale(p):
        rowsi_v = rowsf_v = rowsi[p]
        e_v, av_v, ad_v = eb[p], avb[p], adb[p]
        for g in range(8):
            al = av_v[pl.ds(g * 16, 16)] + ad_v[pl.ds(g * 16, 16)]
            al = jnp.where(al >= 0, al, 0.2 * al)
            e_v[pl.ds(g * 16, 16)] = jnp.exp(al)

        def _rowgrp(g, c2):
            r0 = g * 16
            ev16 = e_v[pl.ds(r0, 16)]
            for l in range(16):
                ev = ev16[l]
                r = r0 + l
                for b in range(8):
                    rowsf_v[r, pl.ds(b * 16, 16)] = (
                        rowsi_v[r, pl.ds(b * 16, 16)] * ev)
            return c2
        lax.fori_loop(0, CHUNK // 16, _rowgrp, 0)

    def phase(k, p):
        @pl.when(k >= 1)
        def _():
            wait_scatters(1 - p)

        @pl.when(k + 1 < NCHUNK)
        def _():
            issue_idx(k + 1, 1 - p)
            wait_idx(1 - p)
            issue_gathers(1 - p)
        wait_gathers(p)
        compute_scale(p)
        issue_scatters(p)

    issue_idx(0, 0)
    wait_idx(0)
    issue_gathers(0)

    def _outer(t, carry):
        phase(2 * t, 0)
        phase(2 * t + 1, 1)
        return carry
    lax.fori_loop(0, NCHUNK // 2, _outer, 0)
    wait_scatters(1)

    plsc.subcore_barrier()
    pltpu.sync_copy(out_sh.at[pl.ds(zbase, ROWS_PER_SUB)],
                    out_hbm.at[cid, pl.ds(zbase, ROWS_PER_SUB)])
    pltpu.sync_copy(den_sh.at[pl.ds(zbase, ROWS_PER_SUB)],
                    den_hbm.at[cid, 0, pl.ds(zbase, ROWS_PER_SUB)])


_sc_edge_pass = functools.partial(
    pl.kernel,
    out_type=(jax.ShapeDtypeStruct((2, NPAD, C), jnp.float32),
              jax.ShapeDtypeStruct((2, 1, NPAD), jnp.float32)),
    mesh=plsc.VectorSubcoreMesh(core_axis_name="c", subcore_axis_name="s"),
    compiler_params=pltpu.CompilerParams(needs_layout_passes=False),
    scratch_types=[
        pltpu.VMEM((CHUNK, C), jnp.float32),
        pltpu.VMEM((CHUNK, C), jnp.float32),
        pltpu.VMEM((CHUNK,), jnp.int32),
        pltpu.VMEM((CHUNK,), jnp.int32),
        pltpu.VMEM((CHUNK,), jnp.int32),
        pltpu.VMEM((CHUNK,), jnp.int32),
        pltpu.VMEM((CHUNK,), jnp.float32),
        pltpu.VMEM((CHUNK,), jnp.float32),
        pltpu.VMEM((CHUNK,), jnp.float32),
        pltpu.VMEM((CHUNK,), jnp.float32),
        pltpu.VMEM((CHUNK,), jnp.float32),
        pltpu.VMEM((CHUNK,), jnp.float32),
    ] + [pltpu.SemaphoreType.DMA] * 16 + [
        pltpu.VMEM_SHARED((NPAD, C), jnp.float32),
        pltpu.VMEM_SHARED((NPAD,), jnp.float32),
    ],
)(_sc_body)


def _tc2_body(o_ref, d_ref, es_ref, xw_ref, scx_ref, b_ref, bs_ref, gx_ref):
    es = es_ref[...]
    den = d_ref[0, :] + d_ref[1, :] + es
    num = o_ref[0] + o_ref[1] + es[:, None] * xw_ref[...]
    gx_ref[...] = (num / den[:, None] + b_ref[...]
                   + scx_ref[...] + bs_ref[...])


def _tc2(out_p, den_p, es, xw, scx, bias_row, bsc_row):
    return pl.pallas_call(
        _tc2_body,
        grid=(NB,),
        in_specs=[
            pl.BlockSpec((2, BLK, C), lambda i: (0, i, 0)),
            pl.BlockSpec((2, BLK), lambda i: (0, i)),
            pl.BlockSpec((BLK,), lambda i: (i,)),
            pl.BlockSpec((BLK, C), lambda i: (i, 0)),
            pl.BlockSpec((BLK, C), lambda i: (i, 0)),
            pl.BlockSpec((1, C), lambda i: (0, 0)),
            pl.BlockSpec((1, C), lambda i: (0, 0)),
        ],
        out_specs=pl.BlockSpec((BLK, C), lambda i: (i, 0)),
        out_shape=jax.ShapeDtypeStruct((N, C), jnp.float32),
    )(out_p, den_p, es, xw, scx, bias_row, bsc_row)


def kernel(x, edge_index, W_gat, att_src, att_dst, bias_gat, W_sc, b_sc):
    att_s = att_src.reshape(1, C)
    att_d = att_dst.reshape(1, C)
    xw, scx, asrc, adst, es = _tc1(x, W_gat, W_sc, att_s, att_d)

    asrc_pad = jnp.pad(asrc, (0, NPAD - N))
    adst_pad = jnp.pad(adst, (0, NPAD - N))
    src_pad = jnp.concatenate(
        [edge_index[0], jnp.zeros((EPAD - E,), jnp.int32)])
    dst_pad = jnp.concatenate(
        [edge_index[1], jnp.full((EPAD - E,), N + 8, jnp.int32)])

    out_p, den_p = _sc_edge_pass(src_pad, dst_pad, asrc_pad, adst_pad, xw)

    den_p = den_p.reshape(2, NPAD)
    gx = _tc2(out_p, den_p, es, xw, scx,
              bias_gat.reshape(1, C), b_sc.reshape(1, C))
    return (gx, edge_index)

# --- scband reference (transcript-rebuilt; emitter-appended) ---
"""Pipeline reference for scband-gnn-layer-25683904430547 (READ-ONLY COPY).

The authoritative reference and input builder live on the scoring server;
editing this copy changes nothing except your own understanding.
"""

import jax, jax.numpy as jnp
import numpy as np

N = 10000
E = 320000
IN = 128
H = 1
C = 128


def setup_inputs(seed: int = 0):
    key = jax.random.key(seed)
    k = jax.random.split(key, 8)
    x = jax.random.normal(k[0], (N, IN), dtype=jnp.float32)
    edge_index = jax.random.randint(k[1], (2, E), 0, N, dtype=jnp.int32)
    sw = (2.0 / (IN + H * C)) ** 0.5
    aw = (2.0 / (1 + C)) ** 0.5
    W_gat = jax.random.normal(k[2], (IN, H * C), dtype=jnp.float32) * sw
    att_src = jax.random.normal(k[3], (1, H, C), dtype=jnp.float32) * aw
    att_dst = jax.random.normal(k[4], (1, H, C), dtype=jnp.float32) * aw
    bias_gat = jnp.zeros((H * C,), dtype=jnp.float32)
    W_sc = jax.random.normal(k[5], (IN, H * C), dtype=jnp.float32) * sw
    b_sc = jnp.zeros((H * C,), dtype=jnp.float32)
    return {"x": x, "edge_index": edge_index, "W_gat": W_gat, "att_src": att_src,
            "att_dst": att_dst, "bias_gat": bias_gat, "W_sc": W_sc, "b_sc": b_sc}


def reference(x, edge_index, W_gat, att_src, att_dst, bias_gat, W_sc, b_sc):
    n = x.shape[0]
    # add self loops (add_self_loops=True in GATConv)
    loops = jnp.arange(n, dtype=edge_index.dtype)
    src = jnp.concatenate([edge_index[0], loops])
    dst = jnp.concatenate([edge_index[1], loops])
    # linear projection -> [N, H, C]
    xw = (x @ W_gat).reshape(n, H, C)
    # per-node attention logits
    a_src = (xw * att_src).sum(-1)  # [N, H]
    a_dst = (xw * att_dst).sum(-1)  # [N, H]
    # gather to edges
    alpha = a_src[src] + a_dst[dst]  # [E', H]
    alpha = jax.nn.leaky_relu(alpha, 0.2)
    # softmax over incoming edges per destination node
    amax = jax.ops.segment_max(alpha, dst, num_segments=n)
    amax = jax.lax.stop_gradient(amax)
    ex = jnp.exp(alpha - amax[dst])
    denom = jax.ops.segment_sum(ex, dst, num_segments=n)
    alpha = ex / (denom[dst] + 1e-16)
    # weighted message aggregation (scatter-add by dst)
    msg = xw[src] * alpha[:, :, None]  # [E', H, C]
    out = jax.ops.segment_sum(msg, dst, num_segments=n)  # [N, H, C]
    gx = out.reshape(n, H * C) + bias_gat
    # shortcut connection
    gx = gx + (x @ W_sc + b_sc)
    # act is None -> identity
    return (gx, edge_index)

if __name__ == "__main__":
    import jax
    _d = setup_inputs()
    print(jax.jit(kernel)(*tuple(_d.values())))

</pallas_src>

<mosaic_0001>
#map = affine_map<(d0, d1) -> (0)>
#map1 = affine_map<(d0, d1) -> (0, 0)>
#map2 = affine_map<(d0, d1) -> (0, 0, 0)>
module attributes {stable_mosaic.version = 14 : i64} {
  func.func @_sc_body(%arg0: i32, %arg1: i32, %arg2: memref<327680xi32, #tpu.memory_space<hbm>>, %arg3: memref<327680xi32, #tpu.memory_space<hbm>>, %arg4: memref<10240xf32, #tpu.memory_space<hbm>>, %arg5: memref<10240xf32, #tpu.memory_space<hbm>>, %arg6: memref<10000x128xf32, #tpu.memory_space<hbm>>, %arg7: memref<2x10240x128xf32, #tpu.memory_space<hbm>>, %arg8: memref<2x1x10240xf32, #tpu.memory_space<hbm>>, %arg9: memref<128x128xf32, #tpu.memory_space<vmem>>, %arg10: memref<128x128xf32, #tpu.memory_space<vmem>>, %arg11: memref<128xi32, #tpu.memory_space<vmem>>, %arg12: memref<128xi32, #tpu.memory_space<vmem>>, %arg13: memref<128xi32, #tpu.memory_space<vmem>>, %arg14: memref<128xi32, #tpu.memory_space<vmem>>, %arg15: memref<128xf32, #tpu.memory_space<vmem>>, %arg16: memref<128xf32, #tpu.memory_space<vmem>>, %arg17: memref<128xf32, #tpu.memory_space<vmem>>, %arg18: memref<128xf32, #tpu.memory_space<vmem>>, %arg19: memref<128xf32, #tpu.memory_space<vmem>>, %arg20: memref<128xf32, #tpu.memory_space<vmem>>, %arg21: memref<!tpu.dma_semaphore, #tpu.memory_space<semaphore_mem>>, %arg22: memref<!tpu.dma_semaphore, #tpu.memory_space<semaphore_mem>>, %arg23: memref<!tpu.dma_semaphore, #tpu.memory_space<semaphore_mem>>, %arg24: memref<!tpu.dma_semaphore, #tpu.memory_space<semaphore_mem>>, %arg25: memref<!tpu.dma_semaphore, #tpu.memory_space<semaphore_mem>>, %arg26: memref<!tpu.dma_semaphore, #tpu.memory_space<semaphore_mem>>, %arg27: memref<!tpu.dma_semaphore, #tpu.memory_space<semaphore_mem>>, %arg28: memref<!tpu.dma_semaphore, #tpu.memory_space<semaphore_mem>>, %arg29: memref<!tpu.dma_semaphore, #tpu.memory_space<semaphore_mem>>, %arg30: memref<!tpu.dma_semaphore, #tpu.memory_space<semaphore_mem>>, %arg31: memref<!tpu.dma_semaphore, #tpu.memory_space<semaphore_mem>>, %arg32: memref<!tpu.dma_semaphore, #tpu.memory_space<semaphore_mem>>, %arg33: memref<!tpu.dma_semaphore, #tpu.memory_space<semaphore_mem>>, %arg34: memref<!tpu.dma_semaphore, #tpu.memory_space<semaphore_mem>>, %arg35: memref<!tpu.dma_semaphore, #tpu.memory_space<semaphore_mem>>, %arg36: memref<!tpu.dma_semaphore, #tpu.memory_space<semaphore_mem>>, %arg37: memref<10240x128xf32, #tpu.memory_space<vmem_shared>>, %arg38: memref<10240xf32, #tpu.memory_space<vmem_shared>>) attributes {dimension_semantics = [#tpu.dimension_semantics<core_parallel>, #tpu.dimension_semantics<subcore_parallel>], iteration_bounds = array<i64: 2, 16>, scalar_prefetch = 0 : i64, scratch_operands = 30 : i64, tpu.core_type = #tpu.core_type<sc_vector_subcore>, window_params = [{transform_indices = #map}, {transform_indices = #map}, {transform_indices = #map}, {transform_indices = #map}, {transform_indices = #map1}, {transform_indices = #map2}, {transform_indices = #map2}]} {
    %mul3A = arith.constant 2 : i32
    %mul3A_0 = arith.muli %arg1, %mul3A : i32
    %add3A = arith.addi %mul3A_0, %arg0 : i32
    %mul3A_1 = arith.constant 10240 : i32
    %mul3A_2 = arith.muli %add3A, %mul3A_1 : i32
    %scan3A = arith.constant 0 : i32
    %scan3A_3 = arith.constant 0 : i32
    %scan3A_4 = arith.constant 128 : i32
    %scan3A_5 = arith.addi %scan3A_3, %scan3A_4 : i32
    %scan3A_6 = arith.constant 1 : i32
    scf.for %scan3A_104 = %scan3A_3 to %scan3A_5 step %scan3A_6  : i32 {
      %broadcast_in_dim3A_105 = arith.constant 0.000000e+00 : f32
      %broadcast_in_dim3A_106 = vector.broadcast %broadcast_in_dim3A_105 : f32 to vector<16xf32>
      %swap3A_107 = arith.index_cast %scan3A_104 : i32 to index
      %swap3A_108 = arith.constant 0 : index
      %swap3A_109 = tpu.vector_load %arg9[%swap3A_107, %swap3A_108] {strides = array<i32>} : memref<128x128xf32, #tpu.memory_space<vmem>>, vector<16xf32>,
      tpu.vector_store %arg9[%swap3A_107, %swap3A_108], %broadcast_in_dim3A_106 {strides = array<i32>} : memref<128x128xf32, #tpu.memory_space<vmem>>, vector<16xf32>,
      %broadcast_in_dim3A_110 = arith.constant 0.000000e+00 : f32
      %broadcast_in_dim3A_111 = vector.broadcast %broadcast_in_dim3A_110 : f32 to vector<16xf32>
      %swap3A_112 = arith.index_cast %scan3A_104 : i32 to index
      %swap3A_113 = arith.constant 16 : index
      %swap3A_114 = tpu.vector_load %arg9[%swap3A_112, %swap3A_113] {strides = array<i32>} : memref<128x128xf32, #tpu.memory_space<vmem>>, vector<16xf32>,
      tpu.vector_store %arg9[%swap3A_112, %swap3A_113], %broadcast_in_dim3A_111 {strides = array<i32>} : memref<128x128xf32, #tpu.memory_space<vmem>>, vector<16xf32>,
      %broadcast_in_dim3A_115 = arith.constant 0.000000e+00 : f32
      %broadcast_in_dim3A_116 = vector.broadcast %broadcast_in_dim3A_115 : f32 to vector<16xf32>
      %swap3A_117 = arith.index_cast %scan3A_104 : i32 to index
      %swap3A_118 = arith.constant 32 : index
      %swap3A_119 = tpu.vector_load %arg9[%swap3A_117, %swap3A_118] {strides = array<i32>} : memref<128x128xf32, #tpu.memory_space<vmem>>, vector<16xf32>,
      tpu.vector_store %arg9[%swap3A_117, %swap3A_118], %broadcast_in_dim3A_116 {strides = array<i32>} : memref<128x128xf32, #tpu.memory_space<vmem>>, vector<16xf32>,
      %broadcast_in_dim3A_120 = arith.constant 0.000000e+00 : f32
      %broadcast_in_dim3A_121 = vector.broadcast %broadcast_in_dim3A_120 : f32 to vector<16xf32>
      %swap3A_122 = arith.index_cast %scan3A_104 : i32 to index
      %swap3A_123 = arith.constant 48 : index
      %swap3A_124 = tpu.vector_load %arg9[%swap3A_122, %swap3A_123] {strides = array<i32>} : memref<128x128xf32, #tpu.memory_space<vmem>>, vector<16xf32>,
      tpu.vector_store %arg9[%swap3A_122, %swap3A_123], %broadcast_in_dim3A_121 {strides = array<i32>} : memref<128x128xf32, #tpu.memory_space<vmem>>, vector<16xf32>,
      %broadcast_in_dim3A_125 = arith.constant 0.000000e+00 : f32
      %broadcast_in_dim3A_126 = vector.broadcast %broadcast_in_dim3A_125 : f32 to vector<16xf32>
      %swap3A_127 = arith.index_cast %scan3A_104 : i32 to index
      %swap3A_128 = arith.constant 64 : index
      %swap3A_129 = tpu.vector_load %arg9[%swap3A_127, %swap3A_128] {strides = array<i32>} : memref<128x128xf32, #tpu.memory_space<vmem>>, vector<16xf32>,
      tpu.vector_store %arg9[%swap3A_127, %swap3A_128], %broadcast_in_dim3A_126 {strides = array<i32>} : memref<128x128xf32, #tpu.memory_space<vmem>>, vector<16xf32>,
      %broadcast_in_dim3A_130 = arith.constant 0.000000e+00 : f32
      %broadcast_in_dim3A_131 = vector.broadcast %broadcast_in_dim3A_130 : f32 to vector<16xf32>
      %swap3A_132 = arith.index_cast %scan3A_104 : i32 to index
      %swap3A_133 = arith.constant 80 : index
      %swap3A_134 = tpu.vector_load %arg9[%swap3A_132, %swap3A_133] {strides = array<i32>} : memref<128x128xf32, #tpu.memory_space<vmem>>, vector<16xf32>,
      tpu.vector_store %arg9[%swap3A_132, %swap3A_133], %broadcast_in_dim3A_131 {strides = array<i32>} : memref<128x128xf32, #tpu.memory_space<vmem>>, vector<16xf32>,
      %broadcast_in_dim3A_135 = arith.constant 0.000000e+00 : f32
      %broadcast_in_dim3A_136 = vector.broadcast %broadcast_in_dim3A_135 : f32 to vector<16xf32>
      %swap3A_137 = arith.index_cast %scan3A_104 : i32 to index
      %swap3A_138 = arith.constant 96 : index
      %swap3A_139 = tpu.vector_load %arg9[%swap3A_137, %swap3A_138] {strides = array<i32>} : memref<128x128xf32, #tpu.memory_space<vmem>>, vector<16xf32>,
      tpu.vector_store %arg9[%swap3A_137, %swap3A_138], %broadcast_in_dim3A_136 {strides = array<i32>} : memref<128x128xf32, #tpu.memory_space<vmem>>, vector<16xf32>,
      %broadcast_in_dim3A_140 = arith.constant 0.000000e+00 : f32
      %broadcast_in_dim3A_141 = vector.broadcast %broadcast_in_dim3A_140 : f32 to vector<16xf32>
      %swap3A_142 = arith.index_cast %scan3A_104 : i32 to index
      %swap3A_143 = arith.constant 112 : index
      %swap3A_144 = tpu.vector_load %arg9[%swap3A_142, %swap3A_143] {strides = array<i32>} : memref<128x128xf32, #tpu.memory_space<vmem>>, vector<16xf32>,
      tpu.vector_store %arg9[%swap3A_142, %swap3A_143], %broadcast_in_dim3A_141 {strides = array<i32>} : memref<128x128xf32, #tpu.memory_space<vmem>>, vector<16xf32>,
    }
    %scan3A_7 = arith.constant 128 : i32
    %broadcast_in_dim3A = arith.constant 0.000000e+00 : f32
    %broadcast_in_dim3A_8 = vector.broadcast %broadcast_in_dim3A : f32 to vector<16xf32>
    %swap3A = arith.constant 0 : index
    %swap3A_9 = tpu.vector_load %arg15[%swap3A] {strides = array<i32>} : memref<128xf32, #tpu.memory_space<vmem>>, vector<16xf32>,
    tpu.vector_store %arg15[%swap3A], %broadcast_in_dim3A_8 {strides = array<i32>} : memref<128xf32, #tpu.memory_space<vmem>>, vector<16xf32>,
    %broadcast_in_dim3A_10 = arith.constant 0.000000e+00 : f32
    %broadcast_in_dim3A_11 = vector.broadcast %broadcast_in_dim3A_10 : f32 to vector<16xf32>
    %swap3A_12 = arith.constant 16 : index
    %swap3A_13 = tpu.vector_load %arg15[%swap3A_12] {strides = array<i32>} : memref<128xf32, #tpu.memory_space<vmem>>, vector<16xf32>,
    tpu.vector_store %arg15[%swap3A_12], %broadcast_in_dim3A_11 {strides = array<i32>} : memref<128xf32, #tpu.memory_space<vmem>>, vector<16xf32>,
    %broadcast_in_dim3A_14 = arith.constant 0.000000e+00 : f32
    %broadcast_in_dim3A_15 = vector.broadcast %broadcast_in_dim3A_14 : f32 to vector<16xf32>
    %swap3A_16 = arith.constant 32 : index
    %swap3A_17 = tpu.vector_load %arg15[%swap3A_16] {strides = array<i32>} : memref<128xf32, #tpu.memory_space<vmem>>, vector<16xf32>,
    tpu.vector_store %arg15[%swap3A_16], %broadcast_in_dim3A_15 {strides = array<i32>} : memref<128xf32, #tpu.memory_space<vmem>>, vector<16xf32>,
    %broadcast_in_dim3A_18 = arith.constant 0.000000e+00 : f32
    %broadcast_in_dim3A_19 = vector.broadcast %broadcast_in_dim3A_18 : f32 to vector<16xf32>
    %swap3A_20 = arith.constant 48 : index
    %swap3A_21 = tpu.vector_load %arg15[%swap3A_20] {strides = array<i32>} : memref<128xf32, #tpu.memory_space<vmem>>, vector<16xf32>,
    tpu.vector_store %arg15[%swap3A_20], %broadcast_in_dim3A_19 {strides = array<i32>} : memref<128xf32, #tpu.memory_space<vmem>>, vector<16xf32>,
    %broadcast_in_dim3A_22 = arith.constant 0.000000e+00 : f32
    %broadcast_in_dim3A_23 = vector.broadcast %broadcast_in_dim3A_22 : f32 to vector<16xf32>
    %swap3A_24 = arith.constant 64 : index
    %swap3A_25 = tpu.vector_load %arg15[%swap3A_24] {strides = array<i32>} : memref<128xf32, #tpu.memory_space<vmem>>, vector<16xf32>,
    tpu.vector_store %arg15[%swap3A_24], %broadcast_in_dim3A_23 {strides = array<i32>} : memref<128xf32, #tpu.memory_space<vmem>>, vector<16xf32>,
    %broadcast_in_dim3A_26 = arith.constant 0.000000e+00 : f32
    %broadcast_in_dim3A_27 = vector.broadcast %broadcast_in_dim3A_26 : f32 to vector<16xf32>
    %swap3A_28 = arith.constant 80 : index
    %swap3A_29 = tpu.vector_load %arg15[%swap3A_28] {strides = array<i32>} : memref<128xf32, #tpu.memory_space<vmem>>, vector<16xf32>,
    tpu.vector_store %arg15[%swap3A_28], %broadcast_in_dim3A_27 {strides = array<i32>} : memref<128xf32, #tpu.memory_space<vmem>>, vector<16xf32>,
    %broadcast_in_dim3A_30 = arith.constant 0.000000e+00 : f32
    %broadcast_in_dim3A_31 = vector.broadcast %broadcast_in_dim3A_30 : f32 to vector<16xf32>
    %swap3A_32 = arith.constant 96 : index
    %swap3A_33 = tpu.vector_load %arg15[%swap3A_32] {strides = array<i32>} : memref<128xf32, #tpu.memory_space<vmem>>, vector<16xf32>,
    tpu.vector_store %arg15[%swap3A_32], %broadcast_in_dim3A_31 {strides = array<i32>} : memref<128xf32, #tpu.memory_space<vmem>>, vector<16xf32>,
    %broadcast_in_dim3A_34 = arith.constant 0.000000e+00 : f32
    %broadcast_in_dim3A_35 = vector.broadcast %broadcast_in_dim3A_34 : f32 to vector<16xf32>
    %swap3A_36 = arith.constant 112 : index
    %swap3A_37 = tpu.vector_load %arg15[%swap3A_36] {strides = array<i32>} : memref<128xf32, #tpu.memory_space<vmem>>, vector<16xf32>,
    tpu.vector_store %arg15[%swap3A_36], %broadcast_in_dim3A_35 {strides = array<i32>} : memref<128xf32, #tpu.memory_space<vmem>>, vector<16xf32>,
    %mul3A_38 = arith.constant 640 : i32
    %mul3A_39 = arith.muli %arg1, %mul3A_38 : i32
    %add3A_40 = arith.constant 0 : i32
    %add3A_41 = arith.addi %mul3A_39, %add3A_40 : i32
    "tpu.region"() ({
      %run_scoped3A_104 = tpu.sem_alloc : memref<!tpu.dma_semaphore, #tpu.memory_space<semaphore_mem>>
      %dma_start3A_105 = arith.constant 0 : i32
      %dma_start3A_106 = tpu.memref_slice %arg37[%add3A_41, %dma_start3A_105] : memref<10240x128xf32, #tpu.memory_space<vmem_shared>> -> memref<128x128xf32, #tpu.memory_space<vmem_shared>>
      %dma_start3A_107 = arith.constant 0 : i32
      %dma_start3A_108 = tpu.memref_slice %arg37[%add3A_41, %dma_start3A_107] : memref<10240x128xf32, #tpu.memory_space<vmem_shared>> -> memref<128x128xf32, #tpu.memory_space<vmem_shared>>
      tpu.enqueue_dma source(%arg9 : memref<128x128xf32, #tpu.memory_space<vmem>>) target(%dma_start3A_108 : memref<128x128xf32, #tpu.memory_space<vmem_shared>>) target_semaphore(%run_scoped3A_104 : memref<!tpu.dma_semaphore, #tpu.memory_space<semaphore_mem>>)
      %dma_wait3A_109 = arith.constant 0 : i32
      %dma_wait3A_110 = tpu.memref_slice %arg37[%add3A_41, %dma_wait3A_109] : memref<10240x128xf32, #tpu.memory_space<vmem_shared>> -> memref<128x128xf32, #tpu.memory_space<vmem_shared>>
      %dma_wait3A_111 = arith.constant 0 : i32
      %dma_wait3A_112 = tpu.memref_slice %arg37[%add3A_41, %dma_wait3A_111] : memref<10240x128xf32, #tpu.memory_space<vmem_shared>> -> memref<128x128xf32, #tpu.memory_space<vmem_shared>>
      tpu.wait_dma2 semaphore(%run_scoped3A_104 : memref<!tpu.dma_semaphore, #tpu.memory_space<semaphore_mem>>) src(%arg9 : memref<128x128xf32, #tpu.memory_space<vmem>>) dst(%dma_wait3A_112 : memref<128x128xf32, #tpu.memory_space<vmem_shared>>)
      tpu.yield
    }) : () -> ()
    %add3A_42 = arith.constant 0 : i32
    %add3A_43 = arith.addi %mul3A_39, %add3A_42 : i32
    "tpu.region"() ({
      %run_scoped3A_104 = tpu.sem_alloc : memref<!tpu.dma_semaphore, #tpu.memory_space<semaphore_mem>>
      %dma_start3A_105 = tpu.memref_slice %arg38[%add3A_43] : memref<10240xf32, #tpu.memory_space<vmem_shared>> -> memref<128xf32, #tpu.memory_space<vmem_shared>>
      %dma_start3A_106 = tpu.memref_slice %arg38[%add3A_43] : memref<10240xf32, #tpu.memory_space<vmem_shared>> -> memref<128xf32, #tpu.memory_space<vmem_shared>>
      tpu.enqueue_dma source(%arg15 : memref<128xf32, #tpu.memory_space<vmem>>) target(%dma_start3A_106 : memref<128xf32, #tpu.memory_space<vmem_shared>>) target_semaphore(%run_scoped3A_104 : memref<!tpu.dma_semaphore, #tpu.memory_space<semaphore_mem>>)
      %dma_wait3A_107 = tpu.memref_slice %arg38[%add3A_43] : memref<10240xf32, #tpu.memory_space<vmem_shared>> -> memref<128xf32, #tpu.memory_space<vmem_shared>>
      %dma_wait3A_108 = tpu.memref_slice %arg38[%add3A_43] : memref<10240xf32, #tpu.memory_space<vmem_shared>> -> memref<128xf32, #tpu.memory_space<vmem_shared>>
      tpu.wait_dma2 semaphore(%run_scoped3A_104 : memref<!tpu.dma_semaphore, #tpu.memory_space<semaphore_mem>>) src(%arg15 : memref<128xf32, #tpu.memory_space<vmem>>) dst(%dma_wait3A_108 : memref<128xf32, #tpu.memory_space<vmem_shared>>)
      tpu.yield
    }) : () -> ()
    %add3A_44 = arith.constant 128 : i32
    %add3A_45 = arith.addi %mul3A_39, %add3A_44 : i32
    "tpu.region"() ({
      %run_scoped3A_104 = tpu.sem_alloc : memref<!tpu.dma_semaphore, #tpu.memory_space<semaphore_mem>>
      %dma_start3A_105 = arith.constant 0 : i32
      %dma_start3A_106 = tpu.memref_slice %arg37[%add3A_45, %dma_start3A_105] : memref<10240x128xf32, #tpu.memory_space<vmem_shared>> -> memref<128x128xf32, #tpu.memory_space<vmem_shared>>
      %dma_start3A_107 = arith.constant 0 : i32
      %dma_start3A_108 = tpu.memref_slice %arg37[%add3A_45, %dma_start3A_107] : memref<10240x128xf32, #tpu.memory_space<vmem_shared>> -> memref<128x128xf32, #tpu.memory_space<vmem_shared>>
      tpu.enqueue_dma source(%arg9 : memref<128x128xf32, #tpu.memory_space<vmem>>) target(%dma_start3A_108 : memref<128x128xf32, #tpu.memory_space<vmem_shared>>) target_semaphore(%run_scoped3A_104 : memref<!tpu.dma_semaphore, #tpu.memory_space<semaphore_mem>>)
      %dma_wait3A_109 = arith.constant 0 : i32
      %dma_wait3A_110 = tpu.memref_slice %arg37[%add3A_45, %dma_wait3A_109] : memref<10240x128xf32, #tpu.memory_space<vmem_shared>> -> memref<128x128xf32, #tpu.memory_space<vmem_shared>>
      %dma_wait3A_111 = arith.constant 0 : i32
      %dma_wait3A_112 = tpu.memref_slice %arg37[%add3A_45, %dma_wait3A_111] : memref<10240x128xf32, #tpu.memory_space<vmem_shared>> -> memref<128x128xf32, #tpu.memory_space<vmem_shared>>
      tpu.wait_dma2 semaphore(%run_scoped3A_104 : memref<!tpu.dma_semaphore, #tpu.memory_space<semaphore_mem>>) src(%arg9 : memref<128x128xf32, #tpu.memory_space<vmem>>) dst(%dma_wait3A_112 : memref<128x128xf32, #tpu.memory_space<vmem_shared>>)
      tpu.yield
    }) : () -> ()
    %add3A_46 = arith.constant 128 : i32
    %add3A_47 = arith.addi %mul3A_39, %add3A_46 : i32
    "tpu.region"() ({
      %run_scoped3A_104 = tpu.sem_alloc : memref<!tpu.dma_semaphore, #tpu.memory_space<semaphore_mem>>
      %dma_start3A_105 = tpu.memref_slice %arg38[%add3A_47] : memref<10240xf32, #tpu.memory_space<vmem_shared>> -> memref<128xf32, #tpu.memory_space<vmem_shared>>
      %dma_start3A_106 = tpu.memref_slice %arg38[%add3A_47] : memref<10240xf32, #tpu.memory_space<vmem_shared>> -> memref<128xf32, #tpu.memory_space<vmem_shared>>
      tpu.enqueue_dma source(%arg15 : memref<128xf32, #tpu.memory_space<vmem>>) target(%dma_start3A_106 : memref<128xf32, #tpu.memory_space<vmem_shared>>) target_semaphore(%run_scoped3A_104 : memref<!tpu.dma_semaphore, #tpu.memory_space<semaphore_mem>>)
      %dma_wait3A_107 = tpu.memref_slice %arg38[%add3A_47] : memref<10240xf32, #tpu.memory_space<vmem_shared>> -> memref<128xf32, #tpu.memory_space<vmem_shared>>
      %dma_wait3A_108 = tpu.memref_slice %arg38[%add3A_47] : memref<10240xf32, #tpu.memory_space<vmem_shared>> -> memref<128xf32, #tpu.memory_space<vmem_shared>>
      tpu.wait_dma2 semaphore(%run_scoped3A_104 : memref<!tpu.dma_semaphore, #tpu.memory_space<semaphore_mem>>) src(%arg15 : memref<128xf32, #tpu.memory_space<vmem>>) dst(%dma_wait3A_108 : memref<128xf32, #tpu.memory_space<vmem_shared>>)
      tpu.yield
    }) : () -> ()
    %add3A_48 = arith.constant 256 : i32
    %add3A_49 = arith.addi %mul3A_39, %add3A_48 : i32
    "tpu.region"() ({
      %run_scoped3A_104 = tpu.sem_alloc : memref<!tpu.dma_semaphore, #tpu.memory_space<semaphore_mem>>
      %dma_start3A_105 = arith.constant 0 : i32
      %dma_start3A_106 = tpu.memref_slice %arg37[%add3A_49, %dma_start3A_105] : memref<10240x128xf32, #tpu.memory_space<vmem_shared>> -> memref<128x128xf32, #tpu.memory_space<vmem_shared>>
      %dma_start3A_107 = arith.constant 0 : i32
      %dma_start3A_108 = tpu.memref_slice %arg37[%add3A_49, %dma_start3A_107] : memref<10240x128xf32, #tpu.memory_space<vmem_shared>> -> memref<128x128xf32, #tpu.memory_space<vmem_shared>>
      tpu.enqueue_dma source(%arg9 : memref<128x128xf32, #tpu.memory_space<vmem>>) target(%dma_start3A_108 : memref<128x128xf32, #tpu.memory_space<vmem_shared>>) target_semaphore(%run_scoped3A_104 : memref<!tpu.dma_semaphore, #tpu.memory_space<semaphore_mem>>)
      %dma_wait3A_109 = arith.constant 0 : i32
      %dma_wait3A_110 = tpu.memref_slice %arg37[%add3A_49, %dma_wait3A_109] : memref<10240x128xf32, #tpu.memory_space<vmem_shared>> -> memref<128x128xf32, #tpu.memory_space<vmem_shared>>
      %dma_wait3A_111 = arith.constant 0 : i32
      %dma_wait3A_112 = tpu.memref_slice %arg37[%add3A_49, %dma_wait3A_111] : memref<10240x128xf32, #tpu.memory_space<vmem_shared>> -> memref<128x128xf32, #tpu.memory_space<vmem_shared>>
      tpu.wait_dma2 semaphore(%run_scoped3A_104 : memref<!tpu.dma_semaphore, #tpu.memory_space<semaphore_mem>>) src(%arg9 : memref<128x128xf32, #tpu.memory_space<vmem>>) dst(%dma_wait3A_112 : memref<128x128xf32, #tpu.memory_space<vmem_shared>>)
      tpu.yield
    }) : () -> ()
    %add3A_50 = arith.constant 256 : i32
    %add3A_51 = arith.addi %mul3A_39, %add3A_50 : i32
    "tpu.region"() ({
      %run_scoped3A_104 = tpu.sem_alloc : memref<!tpu.dma_semaphore, #tpu.memory_space<semaphore_mem>>
      %dma_start3A_105 = tpu.memref_slice %arg38[%add3A_51] : memref<10240xf32, #tpu.memory_space<vmem_shared>> -> memref<128xf32, #tpu.memory_space<vmem_shared>>
      %dma_start3A_106 = tpu.memref_slice %arg38[%add3A_51] : memref<10240xf32, #tpu.memory_space<vmem_shared>> -> memref<128xf32, #tpu.memory_space<vmem_shared>>
      tpu.enqueue_dma source(%arg15 : memref<128xf32, #tpu.memory_space<vmem>>) target(%dma_start3A_106 : memref<128xf32, #tpu.memory_space<vmem_shared>>) target_semaphore(%run_scoped3A_104 : memref<!tpu.dma_semaphore, #tpu.memory_space<semaphore_mem>>)
      %dma_wait3A_107 = tpu.memref_slice %arg38[%add3A_51] : memref<10240xf32, #tpu.memory_space<vmem_shared>> -> memref<128xf32, #tpu.memory_space<vmem_shared>>
      %dma_wait3A_108 = tpu.memref_slice %arg38[%add3A_51] : memref<10240xf32, #tpu.memory_space<vmem_shared>> -> memref<128xf32, #tpu.memory_space<vmem_shared>>
      tpu.wait_dma2 semaphore(%run_scoped3A_104 : memref<!tpu.dma_semaphore, #tpu.memory_space<semaphore_mem>>) src(%arg15 : memref<128xf32, #tpu.memory_space<vmem>>) dst(%dma_wait3A_108 : memref<128xf32, #tpu.memory_space<vmem_shared>>)
      tpu.yield
    }) : () -> ()
    %add3A_52 = arith.constant 384 : i32
    %add3A_53 = arith.addi %mul3A_39, %add3A_52 : i32
    "tpu.region"() ({
      %run_scoped3A_104 = tpu.sem_alloc : memref<!tpu.dma_semaphore, #tpu.memory_space<semaphore_mem>>
      %dma_start3A_105 = arith.constant 0 : i32
      %dma_start3A_106 = tpu.memref_slice %arg37[%add3A_53, %dma_start3A_105] : memref<10240x128xf32, #tpu.memory_space<vmem_shared>> -> memref<128x128xf32, #tpu.memory_space<vmem_shared>>
      %dma_start3A_107 = arith.constant 0 : i32
      %dma_start3A_108 = tpu.memref_slice %arg37[%add3A_53, %dma_start3A_107] : memref<10240x128xf32, #tpu.memory_space<vmem_shared>> -> memref<128x128xf32, #tpu.memory_space<vmem_shared>>
      tpu.enqueue_dma source(%arg9 : memref<128x128xf32, #tpu.memory_space<vmem>>) target(%dma_start3A_108 : memref<128x128xf32, #tpu.memory_space<vmem_shared>>) target_semaphore(%run_scoped3A_104 : memref<!tpu.dma_semaphore, #tpu.memory_space<semaphore_mem>>)
      %dma_wait3A_109 = arith.constant 0 : i32
      %dma_wait3A_110 = tpu.memref_slice %arg37[%add3A_53, %dma_wait3A_109] : memref<10240x128xf32, #tpu.memory_space<vmem_shared>> -> memref<128x128xf32, #tpu.memory_space<vmem_shared>>
      %dma_wait3A_111 = arith.constant 0 : i32
      %dma_wait3A_112 = tpu.memref_slice %arg37[%add3A_53, %dma_wait3A_111] : memref<10240x128xf32, #tpu.memory_space<vmem_shared>> -> memref<128x128xf32, #tpu.memory_space<vmem_shared>>
      tpu.wait_dma2 semaphore(%run_scoped3A_104 : memref<!tpu.dma_semaphore, #tpu.memory_space<semaphore_mem>>) src(%arg9 : memref<128x128xf32, #tpu.memory_space<vmem>>) dst(%dma_wait3A_112 : memref<128x128xf32, #tpu.memory_space<vmem_shared>>)
      tpu.yield
    }) : () -> ()
    %add3A_54 = arith.constant 384 : i32
    %add3A_55 = arith.addi %mul3A_39, %add3A_54 : i32
    "tpu.region"() ({
      %run_scoped3A_104 = tpu.sem_alloc : memref<!tpu.dma_semaphore, #tpu.memory_space<semaphore_mem>>
      %dma_start3A_105 = tpu.memref_slice %arg38[%add3A_55] : memref<10240xf32, #tpu.memory_space<vmem_shared>> -> memref<128xf32, #tpu.memory_space<vmem_shared>>
      %dma_start3A_106 = tpu.memref_slice %arg38[%add3A_55] : memref<10240xf32, #tpu.memory_space<vmem_shared>> -> memref<128xf32, #tpu.memory_space<vmem_shared>>
      tpu.enqueue_dma source(%arg15 : memref<128xf32, #tpu.memory_space<vmem>>) target(%dma_start3A_106 : memref<128xf32, #tpu.memory_space<vmem_shared>>) target_semaphore(%run_scoped3A_104 : memref<!tpu.dma_semaphore, #tpu.memory_space<semaphore_mem>>)
      %dma_wait3A_107 = tpu.memref_slice %arg38[%add3A_55] : memref<10240xf32, #tpu.memory_space<vmem_shared>> -> memref<128xf32, #tpu.memory_space<vmem_shared>>
      %dma_wait3A_108 = tpu.memref_slice %arg38[%add3A_55] : memref<10240xf32, #tpu.memory_space<vmem_shared>> -> memref<128xf32, #tpu.memory_space<vmem_shared>>
      tpu.wait_dma2 semaphore(%run_scoped3A_104 : memref<!tpu.dma_semaphore, #tpu.memory_space<semaphore_mem>>) src(%arg15 : memref<128xf32, #tpu.memory_space<vmem>>) dst(%dma_wait3A_108 : memref<128xf32, #tpu.memory_space<vmem_shared>>)
      tpu.yield
    }) : () -> ()
    %add3A_56 = arith.constant 512 : i32
    %add3A_57 = arith.addi %mul3A_39, %add3A_56 : i32
    "tpu.region"() ({
      %run_scoped3A_104 = tpu.sem_alloc : memref<!tpu.dma_semaphore, #tpu.memory_space<semaphore_mem>>
      %dma_start3A_105 = arith.constant 0 : i32
      %dma_start3A_106 = tpu.memref_slice %arg37[%add3A_57, %dma_start3A_105] : memref<10240x128xf32, #tpu.memory_space<vmem_shared>> -> memref<128x128xf32, #tpu.memory_space<vmem_shared>>
      %dma_start3A_107 = arith.constant 0 : i32
      %dma_start3A_108 = tpu.memref_slice %arg37[%add3A_57, %dma_start3A_107] : memref<10240x128xf32, #tpu.memory_space<vmem_shared>> -> memref<128x128xf32, #tpu.memory_space<vmem_shared>>
      tpu.enqueue_dma source(%arg9 : memref<128x128xf32, #tpu.memory_space<vmem>>) target(%dma_start3A_108 : memref<128x128xf32, #tpu.memory_space<vmem_shared>>) target_semaphore(%run_scoped3A_104 : memref<!tpu.dma_semaphore, #tpu.memory_space<semaphore_mem>>)
      %dma_wait3A_109 = arith.constant 0 : i32
      %dma_wait3A_110 = tpu.memref_slice %arg37[%add3A_57, %dma_wait3A_109] : memref<10240x128xf32, #tpu.memory_space<vmem_shared>> -> memref<128x128xf32, #tpu.memory_space<vmem_shared>>
      %dma_wait3A_111 = arith.constant 0 : i32
      %dma_wait3A_112 = tpu.memref_slice %arg37[%add3A_57, %dma_wait3A_111] : memref<10240x128xf32, #tpu.memory_space<vmem_shared>> -> memref<128x128xf32, #tpu.memory_space<vmem_shared>>
      tpu.wait_dma2 semaphore(%run_scoped3A_104 : memref<!tpu.dma_semaphore, #tpu.memory_space<semaphore_mem>>) src(%arg9 : memref<128x128xf32, #tpu.memory_space<vmem>>) dst(%dma_wait3A_112 : memref<128x128xf32, #tpu.memory_space<vmem_shared>>)
      tpu.yield
    }) : () -> ()
    %add3A_58 = arith.constant 512 : i32
    %add3A_59 = arith.addi %mul3A_39, %add3A_58 : i32
    "tpu.region"() ({
      %run_scoped3A_104 = tpu.sem_alloc : memref<!tpu.dma_semaphore, #tpu.memory_space<semaphore_mem>>
      %dma_start3A_105 = tpu.memref_slice %arg38[%add3A_59] : memref<10240xf32, #tpu.memory_space<vmem_shared>> -> memref<128xf32, #tpu.memory_space<vmem_shared>>
      %dma_start3A_106 = tpu.memref_slice %arg38[%add3A_59] : memref<10240xf32, #tpu.memory_space<vmem_shared>> -> memref<128xf32, #tpu.memory_space<vmem_shared>>
      tpu.enqueue_dma source(%arg15 : memref<128xf32, #tpu.memory_space<vmem>>) target(%dma_start3A_106 : memref<128xf32, #tpu.memory_space<vmem_shared>>) target_semaphore(%run_scoped3A_104 : memref<!tpu.dma_semaphore, #tpu.memory_space<semaphore_mem>>)
      %dma_wait3A_107 = tpu.memref_slice %arg38[%add3A_59] : memref<10240xf32, #tpu.memory_space<vmem_shared>> -> memref<128xf32, #tpu.memory_space<vmem_shared>>
      %dma_wait3A_108 = tpu.memref_slice %arg38[%add3A_59] : memref<10240xf32, #tpu.memory_space<vmem_shared>> -> memref<128xf32, #tpu.memory_space<vmem_shared>>
      tpu.wait_dma2 semaphore(%run_scoped3A_104 : memref<!tpu.dma_semaphore, #tpu.memory_space<semaphore_mem>>) src(%arg15 : memref<128xf32, #tpu.memory_space<vmem>>) dst(%dma_wait3A_108 : memref<128xf32, #tpu.memory_space<vmem_shared>>)
      tpu.yield
    }) : () -> ()
    %barrier3A = arith.constant 0 : index
    tpu.barrier barrier_id(%barrier3A)
    %add3A_60 = arith.constant 0 : i32
    %add3A_61 = arith.addi %mul3A_2, %add3A_60 : i32
    %dma_start3A = tpu.memref_slice %arg2[%add3A_61] : memref<327680xi32, #tpu.memory_space<hbm>> -> memref<128xi32, #tpu.memory_space<hbm>>
    %dma_start3A_62 = tpu.memref_slice %arg2[%add3A_61] : memref<327680xi32, #tpu.memory_space<hbm>> -> memref<128xi32, #tpu.memory_space<hbm>>
    tpu.enqueue_dma source(%dma_start3A_62 : memref<128xi32, #tpu.memory_space<hbm>>) target(%arg11 : memref<128xi32, #tpu.memory_space<vmem>>) target_semaphore(%arg21 : memref<!tpu.dma_semaphore, #tpu.memory_space<semaphore_mem>>)
    %dma_start3A_63 = tpu.memref_slice %arg3[%add3A_61] : memref<327680xi32, #tpu.memory_space<hbm>> -> memref<128xi32, #tpu.memory_space<hbm>>
    %dma_start3A_64 = tpu.memref_slice %arg3[%add3A_61] : memref<327680xi32, #tpu.memory_space<hbm>> -> memref<128xi32, #tpu.memory_space<hbm>>
    tpu.enqueue_dma source(%dma_start3A_64 : memref<128xi32, #tpu.memory_space<hbm>>) target(%arg13 : memref<128xi32, #tpu.memory_space<vmem>>) target_semaphore(%arg23 : memref<!tpu.dma_semaphore, #tpu.memory_space<semaphore_mem>>)
    %dma_wait3A = arith.constant 0 : i32
    %dma_wait3A_65 = tpu.memref_slice %arg2[%dma_wait3A] : memref<327680xi32, #tpu.memory_space<hbm>> -> memref<128xi32, #tpu.memory_space<hbm>>
    %dma_wait3A_66 = arith.constant 0 : i32
    %dma_wait3A_67 = tpu.memref_slice %arg2[%dma_wait3A_66] : memref<327680xi32, #tpu.memory_space<hbm>> -> memref<128xi32, #tpu.memory_space<hbm>>
    tpu.wait_dma2 semaphore(%arg21 : memref<!tpu.dma_semaphore, #tpu.memory_space<semaphore_mem>>) src(%dma_wait3A_67 : memref<128xi32, #tpu.memory_space<hbm>>) dst(%arg11 : memref<128xi32, #tpu.memory_space<vmem>>)
    %dma_wait3A_68 = arith.constant 0 : i32
    %dma_wait3A_69 = tpu.memref_slice %arg3[%dma_wait3A_68] : memref<327680xi32, #tpu.memory_space<hbm>> -> memref<128xi32, #tpu.memory_space<hbm>>
    %dma_wait3A_70 = arith.constant 0 : i32
    %dma_wait3A_71 = tpu.memref_slice %arg3[%dma_wait3A_70] : memref<327680xi32, #tpu.memory_space<hbm>> -> memref<128xi32, #tpu.memory_space<hbm>>
    tpu.wait_dma2 semaphore(%arg23 : memref<!tpu.dma_semaphore, #tpu.memory_space<semaphore_mem>>) src(%dma_wait3A_71 : memref<128xi32, #tpu.memory_space<hbm>>) dst(%arg13 : memref<128xi32, #tpu.memory_space<vmem>>)
    %dma_start3A_72 = arith.constant 0 : i32
    %dma_start3A_73 = tpu.memref_slice %arg4[%dma_start3A_72] : memref<10240xf32, #tpu.memory_space<hbm>> -> memref<10240xf32, #tpu.memory_space<hbm>>
    tpu.enqueue_indirect_dma source(%dma_start3A_73 : memref<10240xf32, #tpu.memory_space<hbm>>) target(%arg17 : memref<128xf32, #tpu.memory_space<vmem>>) offsets(%arg11 : memref<128xi32, #tpu.memory_space<vmem>>) semaphore(%arg27 : memref<!tpu.dma_semaphore, #tpu.memory_space<semaphore_mem>>)
    %dma_start3A_74 = arith.constant 0 : i32
    %dma_start3A_75 = tpu.memref_slice %arg5[%dma_start3A_74] : memref<10240xf32, #tpu.memory_space<hbm>> -> memref<10240xf32, #tpu.memory_space<hbm>>
    tpu.enqueue_indirect_dma source(%dma_start3A_75 : memref<10240xf32, #tpu.memory_space<hbm>>) target(%arg19 : memref<128xf32, #tpu.memory_space<vmem>>) offsets(%arg13 : memref<128xi32, #tpu.memory_space<vmem>>) semaphore(%arg29 : memref<!tpu.dma_semaphore, #tpu.memory_space<semaphore_mem>>)
    %dma_start3A_76 = arith.constant 0 : i32
    %dma_start3A_77 = arith.constant 0 : i32
    %dma_start3A_78 = tpu.memref_slice %arg9[%dma_start3A_76, %dma_start3A_77] : memref<128x128xf32, #tpu.memory_space<vmem>> -> memref<64x128xf32, #tpu.memory_space<vmem>>
    %dma_start3A_79 = arith.constant 0 : i32
    %dma_start3A_80 = tpu.memref_slice %arg11[%dma_start3A_79] : memref<128xi32, #tpu.memory_space<vmem>> -> memref<64xi32, #tpu.memory_space<vmem>>
    %dma_start3A_81 = arith.constant 0 : i32
    %dma_start3A_82 = arith.constant 0 : i32
    %dma_start3A_83 = tpu.memref_slice %arg6[%dma_start3A_81, %dma_start3A_82] : memref<10000x128xf32, #tpu.memory_space<hbm>> -> memref<10000x128xf32, #tpu.memory_space<hbm>>
    tpu.enqueue_indirect_dma source(%dma_start3A_83 : memref<10000x128xf32, #tpu.memory_space<hbm>>) target(%dma_start3A_78 : memref<64x128xf32, #tpu.memory_space<vmem>>) offsets(%dma_start3A_80 : memref<64xi32, #tpu.memory_space<vmem>>) semaphore(%arg25 : memref<!tpu.dma_semaphore, #tpu.memory_space<semaphore_mem>>)
    %dma_start3A_84 = arith.constant 64 : i32
    %dma_start3A_85 = arith.constant 0 : i32
    %dma_start3A_86 = tpu.memref_slice %arg9[%dma_start3A_84, %dma_start3A_85] : memref<128x128xf32, #tpu.memory_space<vmem>> -> memref<64x128xf32, #tpu.memory_space<vmem>>
    %dma_start3A_87 = arith.constant 64 : i32
    %dma_start3A_88 = tpu.memref_slice %arg11[%dma_start3A_87] : memref<128xi32, #tpu.memory_space<vmem>> -> memref<64xi32, #tpu.memory_space<vmem>>
    %dma_start3A_89 = arith.constant 0 : i32
    %dma_start3A_90 = arith.constant 0 : i32
    %dma_start3A_91 = tpu.memref_slice %arg6[%dma_start3A_89, %dma_start3A_90] : memref<10000x128xf32, #tpu.memory_space<hbm>> -> memref<10000x128xf32, #tpu.memory_space<hbm>>
    tpu.enqueue_indirect_dma source(%dma_start3A_91 : memref<10000x128xf32, #tpu.memory_space<hbm>>) target(%dma_start3A_86 : memref<64x128xf32, #tpu.memory_space<vmem>>) offsets(%dma_start3A_88 : memref<64xi32, #tpu.memory_space<vmem>>) semaphore(%arg35 : memref<!tpu.dma_semaphore, #tpu.memory_space<semaphore_mem>>)
    %scan3A_92 = arith.constant 0 : i32
    %scan3A_93 = arith.constant 0 : i32
    %scan3A_94 = arith.constant 40 : i32
    %scan3A_95 = arith.addi %scan3A_93, %scan3A_94 : i32
    %scan3A_96 = arith.constant 1 : i32
    scf.for %scan3A_104 = %scan3A_93 to %scan3A_95 step %scan3A_96  : i32 {
      %mul3A_105 = arith.constant 2 : i32
      %mul3A_106 = arith.muli %mul3A_105, %scan3A_104 : i32
      %ge3A = arith.constant 1 : i32
      %ge3A_107 = arith.cmpi sge, %mul3A_106, %ge3A : i32
      %convert_element_type3A = arith.extui %ge3A_107 : i1 to i32
      %cond3A = arith.constant 0 : i32
      %cond3A_108 = arith.cmpi ne, %convert_element_type3A, %cond3A : i32
      scf.if %cond3A_108 {
        %dma_wait3A_430 = arith.constant 0 : i32
        %dma_wait3A_431 = arith.constant 0 : i32
        %dma_wait3A_432 = tpu.memref_slice %arg37[%dma_wait3A_430, %dma_wait3A_431] : memref<10240x128xf32, #tpu.memory_space<vmem_shared>> -> memref<10240x128xf32, #tpu.memory_space<vmem_shared>>
        tpu.wait_indirect_dma semaphore(%arg32 : memref<!tpu.dma_semaphore, #tpu.memory_space<semaphore_mem>>) src(%arg10 : memref<128x128xf32, #tpu.memory_space<vmem>>) dst(%dma_wait3A_432 : memref<10240x128xf32, #tpu.memory_space<vmem_shared>>)
        %dma_wait3A_433 = arith.constant 0 : i32
        %dma_wait3A_434 = tpu.memref_slice %arg38[%dma_wait3A_433] : memref<10240xf32, #tpu.memory_space<vmem_shared>> -> memref<10240xf32, #tpu.memory_space<vmem_shared>>
        tpu.wait_indirect_dma semaphore(%arg34 : memref<!tpu.dma_semaphore, #tpu.memory_space<semaphore_mem>>) src(%arg16 : memref<128xf32, #tpu.memory_space<vmem>>) dst(%dma_wait3A_434 : memref<10240xf32, #tpu.memory_space<vmem_shared>>)
      } else {
      }
      %add3A_109 = arith.constant 1 : i32
      %add3A_110 = arith.addi %mul3A_106, %add3A_109 : i32
      %lt3A = arith.constant 80 : i32
      %lt3A_111 = arith.cmpi slt, %add3A_110, %lt3A : i32
      %convert_element_type3A_112 = arith.extui %lt3A_111 : i1 to i32
      %cond3A_113 = arith.constant 0 : i32
      %cond3A_114 = arith.cmpi ne, %convert_element_type3A_112, %cond3A_113 : i32
      scf.if %cond3A_114 {
        %add3A_430 = arith.constant 1 : i32
        %add3A_431 = arith.addi %mul3A_106, %add3A_430 : i32
        %mul3A_432 = arith.constant 128 : i32
        %mul3A_433 = arith.muli %add3A_431, %mul3A_432 : i32
        %add3A_434 = arith.addi %mul3A_2, %mul3A_433 : i32
        %dma_start3A_435 = tpu.memref_slice %arg2[%add3A_434] : memref<327680xi32, #tpu.memory_space<hbm>> -> memref<128xi32, #tpu.memory_space<hbm>>
        %dma_start3A_436 = tpu.memref_slice %arg2[%add3A_434] : memref<327680xi32, #tpu.memory_space<hbm>> -> memref<128xi32, #tpu.memory_space<hbm>>
        tpu.enqueue_dma source(%dma_start3A_436 : memref<128xi32, #tpu.memory_space<hbm>>) target(%arg12 : memref<128xi32, #tpu.memory_space<vmem>>) target_semaphore(%arg22 : memref<!tpu.dma_semaphore, #tpu.memory_space<semaphore_mem>>)
        %dma_start3A_437 = tpu.memref_slice %arg3[%add3A_434] : memref<327680xi32, #tpu.memory_space<hbm>> -> memref<128xi32, #tpu.memory_space<hbm>>
        %dma_start3A_438 = tpu.memref_slice %arg3[%add3A_434] : memref<327680xi32, #tpu.memory_space<hbm>> -> memref<128xi32, #tpu.memory_space<hbm>>
        tpu.enqueue_dma source(%dma_start3A_438 : memref<128xi32, #tpu.memory_space<hbm>>) target(%arg14 : memref<128xi32, #tpu.memory_space<vmem>>) target_semaphore(%arg24 : memref<!tpu.dma_semaphore, #tpu.memory_space<semaphore_mem>>)
        %dma_wait3A_439 = arith.constant 0 : i32
        %dma_wait3A_440 = tpu.memref_slice %arg2[%dma_wait3A_439] : memref<327680xi32, #tpu.memory_space<hbm>> -> memref<128xi32, #tpu.memory_space<hbm>>
        %dma_wait3A_441 = arith.constant 0 : i32
        %dma_wait3A_442 = tpu.memref_slice %arg2[%dma_wait3A_441] : memref<327680xi32, #tpu.memory_space<hbm>> -> memref<128xi32, #tpu.memory_space<hbm>>
        tpu.wait_dma2 semaphore(%arg22 : memref<!tpu.dma_semaphore, #tpu.memory_space<semaphore_mem>>) src(%dma_wait3A_442 : memref<128xi32, #tpu.memory_space<hbm>>) dst(%arg12 : memref<128xi32, #tpu.memory_space<vmem>>)
        %dma_wait3A_443 = arith.constant 0 : i32
        %dma_wait3A_444 = tpu.memref_slice %arg3[%dma_wait3A_443] : memref<327680xi32, #tpu.memory_space<hbm>> -> memref<128xi32, #tpu.memory_space<hbm>>
        %dma_wait3A_445 = arith.constant 0 : i32
        %dma_wait3A_446 = tpu.memref_slice %arg3[%dma_wait3A_445] : memref<327680xi32, #tpu.memory_space<hbm>> -> memref<128xi32, #tpu.memory_space<hbm>>
        tpu.wait_dma2 semaphore(%arg24 : memref<!tpu.dma_semaphore, #tpu.memory_space<semaphore_mem>>) src(%dma_wait3A_446 : memref<128xi32, #tpu.memory_space<hbm>>) dst(%arg14 : memref<128xi32, #tpu.memory_space<vmem>>)
        %dma_start3A_447 = arith.constant 0 : i32
        %dma_start3A_448 = tpu.memref_slice %arg4[%dma_start3A_447] : memref<10240xf32, #tpu.memory_space<hbm>> -> memref<10240xf32, #tpu.memory_space<hbm>>
        tpu.enqueue_indirect_dma source(%dma_start3A_448 : memref<10240xf32, #tpu.memory_space<hbm>>) target(%arg18 : memref<128xf32, #tpu.memory_space<vmem>>) offsets(%arg12 : memref<128xi32, #tpu.memory_space<vmem>>) semaphore(%arg28 : memref<!tpu.dma_semaphore, #tpu.memory_space<semaphore_mem>>)
        %dma_start3A_449 = arith.constant 0 : i32
        %dma_start3A_450 = tpu.memref_slice %arg5[%dma_start3A_449] : memref<10240xf32, #tpu.memory_space<hbm>> -> memref<10240xf32, #tpu.memory_space<hbm>>
        tpu.enqueue_indirect_dma source(%dma_start3A_450 : memref<10240xf32, #tpu.memory_space<hbm>>) target(%arg20 : memref<128xf32, #tpu.memory_space<vmem>>) offsets(%arg14 : memref<128xi32, #tpu.memory_space<vmem>>) semaphore(%arg30 : memref<!tpu.dma_semaphore, #tpu.memory_space<semaphore_mem>>)
        %dma_start3A_451 = arith.constant 0 : i32
        %dma_start3A_452 = arith.constant 0 : i32
        %dma_start3A_453 = tpu.memref_slice %arg10[%dma_start3A_451, %dma_start3A_452] : memref<128x128xf32, #tpu.memory_space<vmem>> -> memref<64x128xf32, #tpu.memory_space<vmem>>
        %dma_start3A_454 = arith.constant 0 : i32
        %dma_start3A_455 = tpu.memref_slice %arg12[%dma_start3A_454] : memref<128xi32, #tpu.memory_space<vmem>> -> memref<64xi32, #tpu.memory_space<vmem>>
        %dma_start3A_456 = arith.constant 0 : i32
        %dma_start3A_457 = arith.constant 0 : i32
        %dma_start3A_458 = tpu.memref_slice %arg6[%dma_start3A_456, %dma_start3A_457] : memref<10000x128xf32, #tpu.memory_space<hbm>> -> memref<10000x128xf32, #tpu.memory_space<hbm>>
        tpu.enqueue_indirect_dma source(%dma_start3A_458 : memref<10000x128xf32, #tpu.memory_space<hbm>>) target(%dma_start3A_453 : memref<64x128xf32, #tpu.memory_space<vmem>>) offsets(%dma_start3A_455 : memref<64xi32, #tpu.memory_space<vmem>>) semaphore(%arg26 : memref<!tpu.dma_semaphore, #tpu.memory_space<semaphore_mem>>)
        %dma_start3A_459 = arith.constant 64 : i32
        %dma_start3A_460 = arith.constant 0 : i32
        %dma_start3A_461 = tpu.memref_slice %arg10[%dma_start3A_459, %dma_start3A_460] : memref<128x128xf32, #tpu.memory_space<vmem>> -> memref<64x128xf32, #tpu.memory_space<vmem>>
        %dma_start3A_462 = arith.constant 64 : i32
        %dma_start3A_463 = tpu.memref_slice %arg12[%dma_start3A_462] : memref<128xi32, #tpu.memory_space<vmem>> -> memref<64xi32, #tpu.memory_space<vmem>>
        %dma_start3A_464 = arith.constant 0 : i32
        %dma_start3A_465 = arith.constant 0 : i32
        %dma_start3A_466 = tpu.memref_slice %arg6[%dma_start3A_464, %dma_start3A_465] : memref<10000x128xf32, #tpu.memory_space<hbm>> -> memref<10000x128xf32, #tpu.memory_space<hbm>>
        tpu.enqueue_indirect_dma source(%dma_start3A_466 : memref<10000x128xf32, #tpu.memory_space<hbm>>) target(%dma_start3A_461 : memref<64x128xf32, #tpu.memory_space<vmem>>) offsets(%dma_start3A_463 : memref<64xi32, #tpu.memory_space<vmem>>) semaphore(%arg36 : memref<!tpu.dma_semaphore, #tpu.memory_space<semaphore_mem>>)
      } else {
      }
      %dma_wait3A_115 = arith.constant 0 : i32
      %dma_wait3A_116 = tpu.memref_slice %arg4[%dma_wait3A_115] : memref<10240xf32, #tpu.memory_space<hbm>> -> memref<10240xf32, #tpu.memory_space<hbm>>
      tpu.wait_indirect_dma semaphore(%arg27 : memref<!tpu.dma_semaphore, #tpu.memory_space<semaphore_mem>>) src(%dma_wait3A_116 : memref<10240xf32, #tpu.memory_space<hbm>>) dst(%arg17 : memref<128xf32, #tpu.memory_space<vmem>>)
      %dma_wait3A_117 = arith.constant 0 : i32
      %dma_wait3A_118 = tpu.memref_slice %arg5[%dma_wait3A_117] : memref<10240xf32, #tpu.memory_space<hbm>> -> memref<10240xf32, #tpu.memory_space<hbm>>
      tpu.wait_indirect_dma semaphore(%arg29 : memref<!tpu.dma_semaphore, #tpu.memory_space<semaphore_mem>>) src(%dma_wait3A_118 : memref<10240xf32, #tpu.memory_space<hbm>>) dst(%arg19 : memref<128xf32, #tpu.memory_space<vmem>>)
      %dma_wait3A_119 = arith.constant 0 : i32
      %dma_wait3A_120 = arith.constant 0 : i32
      %dma_wait3A_121 = tpu.memref_slice %arg9[%dma_wait3A_119, %dma_wait3A_120] : memref<128x128xf32, #tpu.memory_space<vmem>> -> memref<64x128xf32, #tpu.memory_space<vmem>>
      %dma_wait3A_122 = arith.constant 0 : i32
      %dma_wait3A_123 = tpu.memref_slice %arg11[%dma_wait3A_122] : memref<128xi32, #tpu.memory_space<vmem>> -> memref<64xi32, #tpu.memory_space<vmem>>
      %dma_wait3A_124 = arith.constant 0 : i32
      %dma_wait3A_125 = arith.constant 0 : i32
      %dma_wait3A_126 = tpu.memref_slice %arg6[%dma_wait3A_124, %dma_wait3A_125] : memref<10000x128xf32, #tpu.memory_space<hbm>> -> memref<10000x128xf32, #tpu.memory_space<hbm>>
      tpu.wait_indirect_dma semaphore(%arg25 : memref<!tpu.dma_semaphore, #tpu.memory_space<semaphore_mem>>) src(%dma_wait3A_126 : memref<10000x128xf32, #tpu.memory_space<hbm>>) dst(%dma_wait3A_121 : memref<64x128xf32, #tpu.memory_space<vmem>>)
      %dma_wait3A_127 = arith.constant 64 : i32
      %dma_wait3A_128 = arith.constant 0 : i32
      %dma_wait3A_129 = tpu.memref_slice %arg9[%dma_wait3A_127, %dma_wait3A_128] : memref<128x128xf32, #tpu.memory_space<vmem>> -> memref<64x128xf32, #tpu.memory_space<vmem>>
      %dma_wait3A_130 = arith.constant 64 : i32
      %dma_wait3A_131 = tpu.memref_slice %arg11[%dma_wait3A_130] : memref<128xi32, #tpu.memory_space<vmem>> -> memref<64xi32, #tpu.memory_space<vmem>>
      %dma_wait3A_132 = arith.constant 0 : i32
      %dma_wait3A_133 = arith.constant 0 : i32
      %dma_wait3A_134 = tpu.memref_slice %arg6[%dma_wait3A_132, %dma_wait3A_133] : memref<10000x128xf32, #tpu.memory_space<hbm>> -> memref<10000x128xf32, #tpu.memory_space<hbm>>
      tpu.wait_indirect_dma semaphore(%arg35 : memref<!tpu.dma_semaphore, #tpu.memory_space<semaphore_mem>>) src(%dma_wait3A_134 : memref<10000x128xf32, #tpu.memory_space<hbm>>) dst(%dma_wait3A_129 : memref<64x128xf32, #tpu.memory_space<vmem>>)
      %get3A = arith.constant 0 : index
      %get3A_135 = tpu.vector_load %arg17[%get3A] {strides = array<i32>} : memref<128xf32, #tpu.memory_space<vmem>>, vector<16xf32>,
      %get3A_136 = arith.constant 0 : index
      %get3A_137 = tpu.vector_load %arg19[%get3A_136] {strides = array<i32>} : memref<128xf32, #tpu.memory_space<vmem>>, vector<16xf32>,
      %add3A_138 = arith.addf %get3A_135, %get3A_137 : vector<16xf32>
      %ge3A_139 = arith.constant 0.000000e+00 : f32
      %ge3A_140 = vector.broadcast %ge3A_139 : f32 to vector<16xf32>
      %ge3A_141 = arith.cmpf oge, %add3A_138, %ge3A_140 : vector<16xf32>
      %mul3A_142 = arith.constant 2.000000e-01 : f32
      %mul3A_143 = vector.broadcast %mul3A_142 : f32 to vector<16xf32>
      %mul3A_144 = arith.mulf %mul3A_143, %add3A_138 : vector<16xf32>
      %select_n3A = arith.select %ge3A_141, %add3A_138, %mul3A_144 : vector<16xi1>, vector<16xf32>
      %exp3A = math.exp %select_n3A : vector<16xf32>
      %swap3A_145 = arith.constant 0 : index
      %swap3A_146 = tpu.vector_load %arg15[%swap3A_145] {strides = array<i32>} : memref<128xf32, #tpu.memory_space<vmem>>, vector<16xf32>,
      tpu.vector_store %arg15[%swap3A_145], %exp3A {strides = array<i32>} : memref<128xf32, #tpu.memory_space<vmem>>, vector<16xf32>,
      %get3A_147 = arith.constant 16 : index
      %get3A_148 = tpu.vector_load %arg17[%get3A_147] {strides = array<i32>} : memref<128xf32, #tpu.memory_space<vmem>>, vector<16xf32>,
      %get3A_149 = arith.constant 16 : index
      %get3A_150 = tpu.vector_load %arg19[%get3A_149] {strides = array<i32>} : memref<128xf32, #tpu.memory_space<vmem>>, vector<16xf32>,
      %add3A_151 = arith.addf %get3A_148, %get3A_150 : vector<16xf32>
      %ge3A_152 = arith.constant 0.000000e+00 : f32
      %ge3A_153 = vector.broadcast %ge3A_152 : f32 to vector<16xf32>
      %ge3A_154 = arith.cmpf oge, %add3A_151, %ge3A_153 : vector<16xf32>
      %mul3A_155 = arith.constant 2.000000e-01 : f32
      %mul3A_156 = vector.broadcast %mul3A_155 : f32 to vector<16xf32>
      %mul3A_157 = arith.mulf %mul3A_156, %add3A_151 : vector<16xf32>
      %select_n3A_158 = arith.select %ge3A_154, %add3A_151, %mul3A_157 : vector<16xi1>, vector<16xf32>
      %exp3A_159 = math.exp %select_n3A_158 : vector<16xf32>
      %swap3A_160 = arith.constant 16 : index
      %swap3A_161 = tpu.vector_load %arg15[%swap3A_160] {strides = array<i32>} : memref<128xf32, #tpu.memory_space<vmem>>, vector<16xf32>,
      tpu.vector_store %arg15[%swap3A_160], %exp3A_159 {strides = array<i32>} : memref<128xf32, #tpu.memory_space<vmem>>, vector<16xf32>,
      %get3A_162 = arith.constant 32 : index
      %get3A_163 = tpu.vector_load %arg17[%get3A_162] {strides = array<i32>} : memref<128xf32, #tpu.memory_space<vmem>>, vector<16xf32>,
      %get3A_164 = arith.constant 32 : index
      %get3A_165 = tpu.vector_load %arg19[%get3A_164] {strides = array<i32>} : memref<128xf32, #tpu.memory_space<vmem>>, vector<16xf32>,
      %add3A_166 = arith.addf %get3A_163, %get3A_165 : vector<16xf32>
      %ge3A_167 = arith.constant 0.000000e+00 : f32
      %ge3A_168 = vector.broadcast %ge3A_167 : f32 to vector<16xf32>
      %ge3A_169 = arith.cmpf oge, %add3A_166, %ge3A_168 : vector<16xf32>
      %mul3A_170 = arith.constant 2.000000e-01 : f32
      %mul3A_171 = vector.broadcast %mul3A_170 : f32 to vector<16xf32>
      %mul3A_172 = arith.mulf %mul3A_171, %add3A_166 : vector<16xf32>
      %select_n3A_173 = arith.select %ge3A_169, %add3A_166, %mul3A_172 : vector<16xi1>, vector<16xf32>
      %exp3A_174 = math.exp %select_n3A_173 : vector<16xf32>
      %swap3A_175 = arith.constant 32 : index
      %swap3A_176 = tpu.vector_load %arg15[%swap3A_175] {strides = array<i32>} : memref<128xf32, #tpu.memory_space<vmem>>, vector<16xf32>,
      tpu.vector_store %arg15[%swap3A_175], %exp3A_174 {strides = array<i32>} : memref<128xf32, #tpu.memory_space<vmem>>, vector<16xf32>,
      %get3A_177 = arith.constant 48 : index
      %get3A_178 = tpu.vector_load %arg17[%get3A_177] {strides = array<i32>} : memref<128xf32, #tpu.memory_space<vmem>>, vector<16xf32>,
      %get3A_179 = arith.constant 48 : index
      %get3A_180 = tpu.vector_load %arg19[%get3A_179] {strides = array<i32>} : memref<128xf32, #tpu.memory_space<vmem>>, vector<16xf32>,
      %add3A_181 = arith.addf %get3A_178, %get3A_180 : vector<16xf32>
      %ge3A_182 = arith.constant 0.000000e+00 : f32
      %ge3A_183 = vector.broadcast %ge3A_182 : f32 to vector<16xf32>
      %ge3A_184 = arith.cmpf oge, %add3A_181, %ge3A_183 : vector<16xf32>
      %mul3A_185 = arith.constant 2.000000e-01 : f32
      %mul3A_186 = vector.broadcast %mul3A_185 : f32 to vector<16xf32>
      %mul3A_187 = arith.mulf %mul3A_186, %add3A_181 : vector<16xf32>
      %select_n3A_188 = arith.select %ge3A_184, %add3A_181, %mul3A_187 : vector<16xi1>, vector<16xf32>
      %exp3A_189 = math.exp %select_n3A_188 : vector<16xf32>
      %swap3A_190 = arith.constant 48 : index
      %swap3A_191 = tpu.vector_load %arg15[%swap3A_190] {strides = array<i32>} : memref<128xf32, #tpu.memory_space<vmem>>, vector<16xf32>,
      tpu.vector_store %arg15[%swap3A_190], %exp3A_189 {strides = array<i32>} : memref<128xf32, #tpu.memory_space<vmem>>, vector<16xf32>,
      %get3A_192 = arith.constant 64 : index
      %get3A_193 = tpu.vector_load %arg17[%get3A_192] {strides = array<i32>} : memref<128xf32, #tpu.memory_space<vmem>>, vector<16xf32>,
      %get3A_194 = arith.constant 64 : index
      %get3A_195 = tpu.vector_load %arg19[%get3A_194] {strides = array<i32>} : memref<128xf32, #tpu.memory_space<vmem>>, vector<16xf32>,
      %add3A_196 = arith.addf %get3A_193, %get3A_195 : vector<16xf32>
      %ge3A_197 = arith.constant 0.000000e+00 : f32
      %ge3A_198 = vector.broadcast %ge3A_197 : f32 to vector<16xf32>
      %ge3A_199 = arith.cmpf oge, %add3A_196, %ge3A_198 : vector<16xf32>
      %mul3A_200 = arith.constant 2.000000e-01 : f32
      %mul3A_201 = vector.broadcast %mul3A_200 : f32 to vector<16xf32>
      %mul3A_202 = arith.mulf %mul3A_201, %add3A_196 : vector<16xf32>
      %select_n3A_203 = arith.select %ge3A_199, %add3A_196, %mul3A_202 : vector<16xi1>, vector<16xf32>
      %exp3A_204 = math.exp %select_n3A_203 : vector<16xf32>
      %swap3A_205 = arith.constant 64 : index
      %swap3A_206 = tpu.vector_load %arg15[%swap3A_205] {strides = array<i32>} : memref<128xf32, #tpu.memory_space<vmem>>, vector<16xf32>,
      tpu.vector_store %arg15[%swap3A_205], %exp3A_204 {strides = array<i32>} : memref<128xf32, #tpu.memory_space<vmem>>, vector<16xf32>,
      %get3A_207 = arith.constant 80 : index
      %get3A_208 = tpu.vector_load %arg17[%get3A_207] {strides = array<i32>} : memref<128xf32, #tpu.memory_space<vmem>>, vector<16xf32>,
      %get3A_209 = arith.constant 80 : index
      %get3A_210 = tpu.vector_load %arg19[%get3A_209] {strides = array<i32>} : memref<128xf32, #tpu.memory_space<vmem>>, vector<16xf32>,
      %add3A_211 = arith.addf %get3A_208, %get3A_210 : vector<16xf32>
      %ge3A_212 = arith.constant 0.000000e+00 : f32
      %ge3A_213 = vector.broadcast %ge3A_212 : f32 to vector<16xf32>
      %ge3A_214 = arith.cmpf oge, %add3A_211, %ge3A_213 : vector<16xf32>
      %mul3A_215 = arith.constant 2.000000e-01 : f32
      %mul3A_216 = vector.broadcast %mul3A_215 : f32 to vector<16xf32>
      %mul3A_217 = arith.mulf %mul3A_216, %add3A_211 : vector<16xf32>
      %select_n3A_218 = arith.select %ge3A_214, %add3A_211, %mul3A_217 : vector<16xi1>, vector<16xf32>
      %exp3A_219 = math.exp %select_n3A_218 : vector<16xf32>
      %swap3A_220 = arith.constant 80 : index
      %swap3A_221 = tpu.vector_load %arg15[%swap3A_220] {strides = array<i32>} : memref<128xf32, #tpu.memory_space<vmem>>, vector<16xf32>,
      tpu.vector_store %arg15[%swap3A_220], %exp3A_219 {strides = array<i32>} : memref<128xf32, #tpu.memory_space<vmem>>, vector<16xf32>,
      %get3A_222 = arith.constant 96 : index
      %get3A_223 = tpu.vector_load %arg17[%get3A_222] {strides = array<i32>} : memref<128xf32, #tpu.memory_space<vmem>>, vector<16xf32>,
      %get3A_224 = arith.constant 96 : index
      %get3A_225 = tpu.vector_load %arg19[%get3A_224] {strides = array<i32>} : memref<128xf32, #tpu.memory_space<vmem>>, vector<16xf32>,
      %add3A_226 = arith.addf %get3A_223, %get3A_225 : vector<16xf32>
      %ge3A_227 = arith.constant 0.000000e+00 : f32
      %ge3A_228 = vector.broadcast %ge3A_227 : f32 to vector<16xf32>
      %ge3A_229 = arith.cmpf oge, %add3A_226, %ge3A_228 : vector<16xf32>
      %mul3A_230 = arith.constant 2.000000e-01 : f32
      %mul3A_231 = vector.broadcast %mul3A_230 : f32 to vector<16xf32>
      %mul3A_232 = arith.mulf %mul3A_231, %add3A_226 : vector<16xf32>
      %select_n3A_233 = arith.select %ge3A_229, %add3A_226, %mul3A_232 : vector<16xi1>, vector<16xf32>
      %exp3A_234 = math.exp %select_n3A_233 : vector<16xf32>
      %swap3A_235 = arith.constant 96 : index
      %swap3A_236 = tpu.vector_load %arg15[%swap3A_235] {strides = array<i32>} : memref<128xf32, #tpu.memory_space<vmem>>, vector<16xf32>,
      tpu.vector_store %arg15[%swap3A_235], %exp3A_234 {strides = array<i32>} : memref<128xf32, #tpu.memory_space<vmem>>, vector<16xf32>,
      %get3A_237 = arith.constant 112 : index
      %get3A_238 = tpu.vector_load %arg17[%get3A_237] {strides = array<i32>} : memref<128xf32, #tpu.memory_space<vmem>>, vector<16xf32>,
      %get3A_239 = arith.constant 112 : index
      %get3A_240 = tpu.vector_load %arg19[%get3A_239] {strides = array<i32>} : memref<128xf32, #tpu.memory_space<vmem>>, vector<16xf32>,
      %add3A_241 = arith.addf %get3A_238, %get3A_240 : vector<16xf32>
      %ge3A_242 = arith.constant 0.000000e+00 : f32
      %ge3A_243 = vector.broadcast %ge3A_242 : f32 to vector<16xf32>
      %ge3A_244 = arith.cmpf oge, %add3A_241, %ge3A_243 : vector<16xf32>
      %mul3A_245 = arith.constant 2.000000e-01 : f32
      %mul3A_246 = vector.broadcast %mul3A_245 : f32 to vector<16xf32>
      %mul3A_247 = arith.mulf %mul3A_246, %add3A_241 : vector<16xf32>
      %select_n3A_248 = arith.select %ge3A_244, %add3A_241, %mul3A_247 : vector<16xi1>, vector<16xf32>
      %exp3A_249 = math.exp %select_n3A_248 : vector<16xf32>
      %swap3A_250 = arith.constant 112 : index
      %swap3A_251 = tpu.vector_load %arg15[%swap3A_250] {strides = array<i32>} : memref<128xf32, #tpu.memory_space<vmem>>, vector<16xf32>,
      tpu.vector_store %arg15[%swap3A_250], %exp3A_249 {strides = array<i32>} : memref<128xf32, #tpu.memory_space<vmem>>, vector<16xf32>,
      %scan3A_252 = arith.constant 0 : i32
      %scan3A_253 = arith.constant 0 : i32
      %scan3A_254 = arith.constant 8 : i32
      %scan3A_255 = arith.addi %scan3A_253, %scan3A_254 : i32
      %scan3A_256 = arith.constant 1 : i32
      scf.for %scan3A_430 = %scan3A_253 to %scan3A_255 step %scan3A_256  : i32 {
        %mul3A_431 = arith.constant 16 : i32
        %mul3A_432 = arith.muli %scan3A_430, %mul3A_431 : i32
        %get3A_433 = arith.index_cast %mul3A_432 : i32 to index
        %get3A_434 = tpu.vector_load %arg15[%get3A_433] {strides = array<i32>} : memref<128xf32, #tpu.memory_space<vmem>>, vector<16xf32>,
        %slice3A = vector.extract_strided_slice %get3A_434 {offsets = [0], sizes = [1], strides = [1]} : vector<16xf32> to vector<1xf32>
        %squeeze3A = vector.extract %slice3A[0] : f32 from vector<1xf32>
        %add3A_435 = arith.constant 0 : i32
        %add3A_436 = arith.addi %mul3A_432, %add3A_435 : i32
        %get3A_437 = arith.index_cast %add3A_436 : i32 to index
        %get3A_438 = arith.constant 0 : index
        %get3A_439 = tpu.vector_load %arg9[%get3A_437, %get3A_438] {strides = array<i32>} : memref<128x128xf32, #tpu.memory_space<vmem>>, vector<16xf32>,
        %mul3A_440 = vector.broadcast %squeeze3A : f32 to vector<16xf32>
        %mul3A_441 = arith.mulf %get3A_439, %mul3A_440 : vector<16xf32>
        %swap3A_442 = arith.index_cast %add3A_436 : i32 to index
        %swap3A_443 = arith.constant 0 : index
        %swap3A_444 = tpu.vector_load %arg9[%swap3A_442, %swap3A_443] {strides = array<i32>} : memref<128x128xf32, #tpu.memory_space<vmem>>, vector<16xf32>,
        tpu.vector_store %arg9[%swap3A_442, %swap3A_443], %mul3A_441 {strides = array<i32>} : memref<128x128xf32, #tpu.memory_space<vmem>>, vector<16xf32>,
        %get3A_445 = arith.index_cast %add3A_436 : i32 to index
        %get3A_446 = arith.constant 16 : index
        %get3A_447 = tpu.vector_load %arg9[%get3A_445, %get3A_446] {strides = array<i32>} : memref<128x128xf32, #tpu.memory_space<vmem>>, vector<16xf32>,
        %mul3A_448 = vector.broadcast %squeeze3A : f32 to vector<16xf32>
        %mul3A_449 = arith.mulf %get3A_447, %mul3A_448 : vector<16xf32>
        %swap3A_450 = arith.index_cast %add3A_436 : i32 to index
        %swap3A_451 = arith.constant 16 : index
        %swap3A_452 = tpu.vector_load %arg9[%swap3A_450, %swap3A_451] {strides = array<i32>} : memref<128x128xf32, #tpu.memory_space<vmem>>, vector<16xf32>,
        tpu.vector_store %arg9[%swap3A_450, %swap3A_451], %mul3A_449 {strides = array<i32>} : memref<128x128xf32, #tpu.memory_space<vmem>>, vector<16xf32>,
        %get3A_453 = arith.index_cast %add3A_436 : i32 to index
        %get3A_454 = arith.constant 32 : index
        %get3A_455 = tpu.vector_load %arg9[%get3A_453, %get3A_454] {strides = array<i32>} : memref<128x128xf32, #tpu.memory_space<vmem>>, vector<16xf32>,
        %mul3A_456 = vector.broadcast %squeeze3A : f32 to vector<16xf32>
        %mul3A_457 = arith.mulf %get3A_455, %mul3A_456 : vector<16xf32>
        %swap3A_458 = arith.index_cast %add3A_436 : i32 to index
        %swap3A_459 = arith.constant 32 : index
        %swap3A_460 = tpu.vector_load %arg9[%swap3A_458, %swap3A_459] {strides = array<i32>} : memref<128x128xf32, #tpu.memory_space<vmem>>, vector<16xf32>,
        tpu.vector_store %arg9[%swap3A_458, %swap3A_459], %mul3A_457 {strides = array<i32>} : memref<128x128xf32, #tpu.memory_space<vmem>>, vector<16xf32>,
        %get3A_461 = arith.index_cast %add3A_436 : i32 to index
        %get3A_462 = arith.constant 48 : index
        %get3A_463 = tpu.vector_load %arg9[%get3A_461, %get3A_462] {strides = array<i32>} : memref<128x128xf32, #tpu.memory_space<vmem>>, vector<16xf32>,
        %mul3A_464 = vector.broadcast %squeeze3A : f32 to vector<16xf32>
        %mul3A_465 = arith.mulf %get3A_463, %mul3A_464 : vector<16xf32>
        %swap3A_466 = arith.index_cast %add3A_436 : i32 to index
        %swap3A_467 = arith.constant 48 : index
        %swap3A_468 = tpu.vector_load %arg9[%swap3A_466, %swap3A_467] {strides = array<i32>} : memref<128x128xf32, #tpu.memory_space<vmem>>, vector<16xf32>,
        tpu.vector_store %arg9[%swap3A_466, %swap3A_467], %mul3A_465 {strides = array<i32>} : memref<128x128xf32, #tpu.memory_space<vmem>>, vector<16xf32>,
        %get3A_469 = arith.index_cast %add3A_436 : i32 to index
        %get3A_470 = arith.constant 64 : index
        %get3A_471 = tpu.vector_load %arg9[%get3A_469, %get3A_470] {strides = array<i32>} : memref<128x128xf32, #tpu.memory_space<vmem>>, vector<16xf32>,
        %mul3A_472 = vector.broadcast %squeeze3A : f32 to vector<16xf32>
        %mul3A_473 = arith.mulf %get3A_471, %mul3A_472 : vector<16xf32>
        %swap3A_474 = arith.index_cast %add3A_436 : i32 to index
        %swap3A_475 = arith.constant 64 : index
        %swap3A_476 = tpu.vector_load %arg9[%swap3A_474, %swap3A_475] {strides = array<i32>} : memref<128x128xf32, #tpu.memory_space<vmem>>, vector<16xf32>,
        tpu.vector_store %arg9[%swap3A_474, %swap3A_475], %mul3A_473 {strides = array<i32>} : memref<128x128xf32, #tpu.memory_space<vmem>>, vector<16xf32>,
        %get3A_477 = arith.index_cast %add3A_436 : i32 to index
        %get3A_478 = arith.constant 80 : index
        %get3A_479 = tpu.vector_load %arg9[%get3A_477, %get3A_478] {strides = array<i32>} : memref<128x128xf32, #tpu.memory_space<vmem>>, vector<16xf32>,
        %mul3A_480 = vector.broadcast %squeeze3A : f32 to vector<16xf32>
        %mul3A_481 = arith.mulf %get3A_479, %mul3A_480 : vector<16xf32>
        %swap3A_482 = arith.index_cast %add3A_436 : i32 to index
        %swap3A_483 = arith.constant 80 : index
        %swap3A_484 = tpu.vector_load %arg9[%swap3A_482, %swap3A_483] {strides = array<i32>} : memref<128x128xf32, #tpu.memory_space<vmem>>, vector<16xf32>,
        tpu.vector_store %arg9[%swap3A_482, %swap3A_483], %mul3A_481 {strides = array<i32>} : memref<128x128xf32, #tpu.memory_space<vmem>>, vector<16xf32>,
        %get3A_485 = arith.index_cast %add3A_436 : i32 to index
        %get3A_486 = arith.constant 96 : index
        %get3A_487 = tpu.vector_load %arg9[%get3A_485, %get3A_486] {strides = array<i32>} : memref<128x128xf32, #tpu.memory_space<vmem>>, vector<16xf32>,
        %mul3A_488 = vector.broadcast %squeeze3A : f32 to vector<16xf32>
        %mul3A_489 = arith.mulf %get3A_487, %mul3A_488 : vector<16xf32>
        %swap3A_490 = arith.index_cast %add3A_436 : i32 to index
        %swap3A_491 = arith.constant 96 : index
        %swap3A_492 = tpu.vector_load %arg9[%swap3A_490, %swap3A_491] {strides = array<i32>} : memref<128x128xf32, #tpu.memory_space<vmem>>, vector<16xf32>,
        tpu.vector_store %arg9[%swap3A_490, %swap3A_491], %mul3A_489 {strides = array<i32>} : memref<128x128xf32, #tpu.memory_space<vmem>>, vector<16xf32>,
        %get3A_493 = arith.index_cast %add3A_436 : i32 to index
        %get3A_494 = arith.constant 112 : index
        %get3A_495 = tpu.vector_load %arg9[%get3A_493, %get3A_494] {strides = array<i32>} : memref<128x128xf32, #tpu.memory_space<vmem>>, vector<16xf32>,
        %mul3A_496 = vector.broadcast %squeeze3A : f32 to vector<16xf32>
        %mul3A_497 = arith.mulf %get3A_495, %mul3A_496 : vector<16xf32>
        %swap3A_498 = arith.index_cast %add3A_436 : i32 to index
        %swap3A_499 = arith.constant 112 : index
        %swap3A_500 = tpu.vector_load %arg9[%swap3A_498, %swap3A_499] {strides = array<i32>} : memref<128x128xf32, #tpu.memory_space<vmem>>, vector<16xf32>,
        tpu.vector_store %arg9[%swap3A_498, %swap3A_499], %mul3A_497 {strides = array<i32>} : memref<128x128xf32, #tpu.memory_space<vmem>>, vector<16xf32>,
        %slice3A_501 = vector.extract_strided_slice %get3A_434 {offsets = [1], sizes = [1], strides = [1]} : vector<16xf32> to vector<1xf32>
        %squeeze3A_502 = vector.extract %slice3A_501[0] : f32 from vector<1xf32>
        %add3A_503 = arith.constant 1 : i32
        %add3A_504 = arith.addi %mul3A_432, %add3A_503 : i32
        %get3A_505 = arith.index_cast %add3A_504 : i32 to index
        %get3A_506 = arith.constant 0 : index
        %get3A_507 = tpu.vector_load %arg9[%get3A_505, %get3A_506] {strides = array<i32>} : memref<128x128xf32, #tpu.memory_space<vmem>>, vector<16xf32>,
        %mul3A_508 = vector.broadcast %squeeze3A_502 : f32 to vector<16xf32>
        %mul3A_509 = arith.mulf %get3A_507, %mul3A_508 : vector<16xf32>
        %swap3A_510 = arith.index_cast %add3A_504 : i32 to index
        %swap3A_511 = arith.constant 0 : index
        %swap3A_512 = tpu.vector_load %arg9[%swap3A_510, %swap3A_511] {strides = array<i32>} : memref<128x128xf32, #tpu.memory_space<vmem>>, vector<16xf32>,
        tpu.vector_store %arg9[%swap3A_510, %swap3A_511], %mul3A_509 {strides = array<i32>} : memref<128x128xf32, #tpu.memory_space<vmem>>, vector<16xf32>,
        %get3A_513 = arith.index_cast %add3A_504 : i32 to index
        %get3A_514 = arith.constant 16 : index
        %get3A_515 = tpu.vector_load %arg9[%get3A_513, %get3A_514] {strides = array<i32>} : memref<128x128xf32, #tpu.memory_space<vmem>>, vector<16xf32>,
        %mul3A_516 = vector.broadcast %squeeze3A_502 : f32 to vector<16xf32>
        %mul3A_517 = arith.mulf %get3A_515, %mul3A_516 : vector<16xf32>
        %swap3A_518 = arith.index_cast %add3A_504 : i32 to index
        %swap3A_519 = arith.constant 16 : index
        %swap3A_520 = tpu.vector_load %arg9[%swap3A_518, %swap3A_519] {strides = array<i32>} : memref<128x128xf32, #tpu.memory_space<vmem>>, vector<16xf32>,
        tpu.vector_store %arg9[%swap3A_518, %swap3A_519], %mul3A_517 {strides = array<i32>} : memref<128x128xf32, #tpu.memory_space<vmem>>, vector<16xf32>,
        %get3A_521 = arith.index_cast %add3A_504 : i32 to index
        %get3A_522 = arith.constant 32 : index
        %get3A_523 = tpu.vector_load %arg9[%get3A_521, %get3A_522] {strides = array<i32>} : memref<128x128xf32, #tpu.memory_space<vmem>>, vector<16xf32>,
        %mul3A_524 = vector.broadcast %squeeze3A_502 : f32 to vector<16xf32>
        %mul3A_525 = arith.mulf %get3A_523, %mul3A_524 : vector<16xf32>
        %swap3A_526 = arith.index_cast %add3A_504 : i32 to index
        %swap3A_527 = arith.constant 32 : index
        %swap3A_528 = tpu.vector_load %arg9[%swap3A_526, %swap3A_527] {strides = array<i32>} : memref<128x128xf32, #tpu.memory_space<vmem>>, vector<16xf32>,
        tpu.vector_store %arg9[%swap3A_526, %swap3A_527], %mul3A_525 {strides = array<i32>} : memref<128x128xf32, #tpu.memory_space<vmem>>, vector<16xf32>,
        %get3A_529 = arith.index_cast %add3A_504 : i32 to index
        %get3A_530 = arith.constant 48 : index
        %get3A_531 = tpu.vector_load %arg9[%get3A_529, %get3A_530] {strides = array<i32>} : memref<128x128xf32, #tpu.memory_space<vmem>>, vector<16xf32>,
        %mul3A_532 = vector.broadcast %squeeze3A_502 : f32 to vector<16xf32>
        %mul3A_533 = arith.mulf %get3A_531, %mul3A_532 : vector<16xf32>
        %swap3A_534 = arith.index_cast %add3A_504 : i32 to index
        %swap3A_535 = arith.constant 48 : index
        %swap3A_536 = tpu.vector_load %arg9[%swap3A_534, %swap3A_535] {strides = array<i32>} : memref<128x128xf32, #tpu.memory_space<vmem>>, vector<16xf32>,
        tpu.vector_store %arg9[%swap3A_534, %swap3A_535], %mul3A_533 {strides = array<i32>} : memref<128x128xf32, #tpu.memory_space<vmem>>, vector<16xf32>,
        %get3A_537 = arith.index_cast %add3A_504 : i32 to index
        %get3A_538 = arith.constant 64 : index
        %get3A_539 = tpu.vector_load %arg9[%get3A_537, %get3A_538] {strides = array<i32>} : memref<128x128xf32, #tpu.memory_space<vmem>>, vector<16xf32>,
        %mul3A_540 = vector.broadcast %squeeze3A_502 : f32 to vector<16xf32>
        %mul3A_541 = arith.mulf %get3A_539, %mul3A_540 : vector<16xf32>
        %swap3A_542 = arith.index_cast %add3A_504 : i32 to index
        %swap3A_543 = arith.constant 64 : index
        %swap3A_544 = tpu.vector_load %arg9[%swap3A_542, %swap3A_543] {strides = array<i32>} : memref<128x128xf32, #tpu.memory_space<vmem>>, vector<16xf32>,
        tpu.vector_store %arg9[%swap3A_542, %swap3A_543], %mul3A_541 {strides = array<i32>} : memref<128x128xf32, #tpu.memory_space<vmem>>, vector<16xf32>,
        %get3A_545 = arith.index_cast %add3A_504 : i32 to index
        %get3A_546 = arith.constant 80 : index
        %get3A_547 = tpu.vector_load %arg9[%get3A_545, %get3A_546] {strides = array<i32>} : memref<128x128xf32, #tpu.memory_space<vmem>>, vector<16xf32>,
        %mul3A_548 = vector.broadcast %squeeze3A_502 : f32 to vector<16xf32>
        %mul3A_549 = arith.mulf %get3A_547, %mul3A_548 : vector<16xf32>
        %swap3A_550 = arith.index_cast %add3A_504 : i32 to index
        %swap3A_551 = arith.constant 80 : index
        %swap3A_552 = tpu.vector_load %arg9[%swap3A_550, %swap3A_551] {strides = array<i32>} : memref<128x128xf32, #tpu.memory_space<vmem>>, vector<16xf32>,
        tpu.vector_store %arg9[%swap3A_550, %swap3A_551], %mul3A_549 {strides = array<i32>} : memref<128x128xf32, #tpu.memory_space<vmem>>, vector<16xf32>,
        %get3A_553 = arith.index_cast %add3A_504 : i32 to index
        %get3A_554 = arith.constant 96 : index
        %get3A_555 = tpu.vector_load %arg9[%get3A_553, %get3A_554] {strides = array<i32>} : memref<128x128xf32, #tpu.memory_space<vmem>>, vector<16xf32>,
        %mul3A_556 = vector.broadcast %squeeze3A_502 : f32 to vector<16xf32>
        %mul3A_557 = arith.mulf %get3A_555, %mul3A_556 : vector<16xf32>
        %swap3A_558 = arith.index_cast %add3A_504 : i32 to index
        %swap3A_559 = arith.constant 96 : index
        %swap3A_560 = tpu.vector_load %arg9[%swap3A_558, %swap3A_559] {strides = array<i32>} : memref<128x128xf32, #tpu.memory_space<vmem>>, vector<16xf32>,
        tpu.vector_store %arg9[%swap3A_558, %swap3A_559], %mul3A_557 {strides = array<i32>} : memref<128x128xf32, #tpu.memory_space<vmem>>, vector<16xf32>,
        %get3A_561 = arith.index_cast %add3A_504 : i32 to index
        %get3A_562 = arith.constant 112 : index
        %get3A_563 = tpu.vector_load %arg9[%get3A_561, %get3A_562] {strides = array<i32>} : memref<128x128xf32, #tpu.memory_space<vmem>>, vector<16xf32>,
        %mul3A_564 = vector.broadcast %squeeze3A_502 : f32 to vector<16xf32>
        %mul3A_565 = arith.mulf %get3A_563, %mul3A_564 : vector<16xf32>
        %swap3A_566 = arith.index_cast %add3A_504 : i32 to index
        %swap3A_567 = arith.constant 112 : index
        %swap3A_568 = tpu.vector_load %arg9[%swap3A_566, %swap3A_567] {strides = array<i32>} : memref<128x128xf32, #tpu.memory_space<vmem>>, vector<16xf32>,
        tpu.vector_store %arg9[%swap3A_566, %swap3A_567], %mul3A_565 {strides = array<i32>} : memref<128x128xf32, #tpu.memory_space<vmem>>, vector<16xf32>,
        %slice3A_569 = vector.extract_strided_slice %get3A_434 {offsets = [2], sizes = [1], strides = [1]} : vector<16xf32> to vector<1xf32>
        %squeeze3A_570 = vector.extract %slice3A_569[0] : f32 from vector<1xf32>
        %add3A_571 = arith.constant 2 : i32
        %add3A_572 = arith.addi %mul3A_432, %add3A_571 : i32
        %get3A_573 = arith.index_cast %add3A_572 : i32 to index
        %get3A_574 = arith.constant 0 : index
        %get3A_575 = tpu.vector_load %arg9[%get3A_573, %get3A_574] {strides = array<i32>} : memref<128x128xf32, #tpu.memory_space<vmem>>, vector<16xf32>,
        %mul3A_576 = vector.broadcast %squeeze3A_570 : f32 to vector<16xf32>
        %mul3A_577 = arith.mulf %get3A_575, %mul3A_576 : vector<16xf32>
        %swap3A_578 = arith.index_cast %add3A_572 : i32 to index
        %swap3A_579 = arith.constant 0 : index
        %swap3A_580 = tpu.vector_load %arg9[%swap3A_578, %swap3A_579] {strides = array<i32>} : memref<128x128xf32, #tpu.memory_space<vmem>>, vector<16xf32>,
        tpu.vector_store %arg9[%swap3A_578, %swap3A_579], %mul3A_577 {strides = array<i32>} : memref<128x128xf32, #tpu.memory_space<vmem>>, vector<16xf32>,
        %get3A_581 = arith.index_cast %add3A_572 : i32 to index
        %get3A_582 = arith.constant 16 : index
        %get3A_583 = tpu.vector_load %arg9[%get3A_581, %get3A_582] {strides = array<i32>} : memref<128x128xf32, #tpu.memory_space<vmem>>, vector<16xf32>,
        %mul3A_584 = vector.broadcast %squeeze3A_570 : f32 to vector<16xf32>
        %mul3A_585 = arith.mulf %get3A_583, %mul3A_584 : vector<16xf32>
        %swap3A_586 = arith.index_cast %add3A_572 : i32 to index
        %swap3A_587 = arith.constant 16 : index
        %swap3A_588 = tpu.vector_load %arg9[%swap3A_586, %swap3A_587] {strides = array<i32>} : memref<128x128xf32, #tpu.memory_space<vmem>>, vector<16xf32>,
        tpu.vector_store %arg9[%swap3A_586, %swap3A_587], %mul3A_585 {strides = array<i32>} : memref<128x128xf32, #tpu.memory_space<vmem>>, vector<16xf32>,
        %get3A_589 = arith.index_cast %add3A_572 : i32 to index
        %get3A_590 = arith.constant 32 : index
        %get3A_591 = tpu.vector_load %arg9[%get3A_589, %get3A_590] {strides = array<i32>} : memref<128x128xf32, #tpu.memory_space<vmem>>, vector<16xf32>,
        %mul3A_592 = vector.broadcast %squeeze3A_570 : f32 to vector<16xf32>
        %mul3A_593 = arith.mulf %get3A_591, %mul3A_592 : vector<16xf32>
        %swap3A_594 = arith.index_cast %add3A_572 : i32 to index
        %swap3A_595 = arith.constant 32 : index
        %swap3A_596 = tpu.vector_load %arg9[%swap3A_594, %swap3A_595] {strides = array<i32>} : memref<128x128xf32, #tpu.memory_space<vmem>>, vector<16xf32>,
        tpu.vector_store %arg9[%swap3A_594, %swap3A_595], %mul3A_593 {strides = array<i32>} : memref<128x128xf32, #tpu.memory_space<vmem>>, vector<16xf32>,
        %get3A_597 = arith.index_cast %add3A_572 : i32 to index
        %get3A_598 = arith.constant 48 : index
        %get3A_599 = tpu.vector_load %arg9[%get3A_597, %get3A_598] {strides = array<i32>} : memref<128x128xf32, #tpu.memory_space<vmem>>, vector<16xf32>,
        %mul3A_600 = vector.broadcast %squeeze3A_570 : f32 to vector<16xf32>
        %mul3A_601 = arith.mulf %get3A_599, %mul3A_600 : vector<16xf32>
        %swap3A_602 = arith.index_cast %add3A_572 : i32 to index
        %swap3A_603 = arith.constant 48 : index
        %swap3A_604 = tpu.vector_load %arg9[%swap3A_602, %swap3A_603] {strides = array<i32>} : memref<128x128xf32, #tpu.memory_space<vmem>>, vector<16xf32>,
        tpu.vector_store %arg9[%swap3A_602, %swap3A_603], %mul3A_601 {strides = array<i32>} : memref<128x128xf32, #tpu.memory_space<vmem>>, vector<16xf32>,
        %get3A_605 = arith.index_cast %add3A_572 : i32 to index
        %get3A_606 = arith.constant 64 : index
        %get3A_607 = tpu.vector_load %arg9[%get3A_605, %get3A_606] {strides = array<i32>} : memref<128x128xf32, #tpu.memory_space<vmem>>, vector<16xf32>,
        %mul3A_608 = vector.broadcast %squeeze3A_570 : f32 to vector<16xf32>
        %mul3A_609 = arith.mulf %get3A_607, %mul3A_608 : vector<16xf32>
        %swap3A_610 = arith.index_cast %add3A_572 : i32 to index
        %swap3A_611 = arith.constant 64 : index
        %swap3A_612 = tpu.vector_load %arg9[%swap3A_610, %swap3A_611] {strides = array<i32>} : memref<128x128xf32, #tpu.memory_space<vmem>>, vector<16xf32>,
        tpu.vector_store %arg9[%swap3A_610, %swap3A_611], %mul3A_609 {strides = array<i32>} : memref<128x128xf32, #tpu.memory_space<vmem>>, vector<16xf32>,
        %get3A_613 = arith.index_cast %add3A_572 : i32 to index
        %get3A_614 = arith.constant 80 : index
        %get3A_615 = tpu.vector_load %arg9[%get3A_613, %get3A_614] {strides = array<i32>} : memref<128x128xf32, #tpu.memory_space<vmem>>, vector<16xf32>,
        %mul3A_616 = vector.broadcast %squeeze3A_570 : f32 to vector<16xf32>
        %mul3A_617 = arith.mulf %get3A_615, %mul3A_616 : vector<16xf32>
        %swap3A_618 = arith.index_cast %add3A_572 : i32 to index
        %swap3A_619 = arith.constant 80 : index
        %swap3A_620 = tpu.vector_load %arg9[%swap3A_618, %swap3A_619] {strides = array<i32>} : memref<128x128xf32, #tpu.memory_space<vmem>>, vector<16xf32>,
        tpu.vector_store %arg9[%swap3A_618, %swap3A_619], %mul3A_617 {strides = array<i32>} : memref<128x128xf32, #tpu.memory_space<vmem>>, vector<16xf32>,
        %get3A_621 = arith.index_cast %add3A_572 : i32 to index
        %get3A_622 = arith.constant 96 : index
        %get3A_623 = tpu.vector_load %arg9[%get3A_621, %get3A_622] {strides = array<i32>} : memref<128x128xf32, #tpu.memory_space<vmem>>, vector<16xf32>,
        %mul3A_624 = vector.broadcast %squeeze3A_570 : f32 to vector<16xf32>
        %mul3A_625 = arith.mulf %get3A_623, %mul3A_624 : vector<16xf32>
        %swap3A_626 = arith.index_cast %add3A_572 : i32 to index
        %swap3A_627 = arith.constant 96 : index
        %swap3A_628 = tpu.vector_load %arg9[%swap3A_626, %swap3A_627] {strides = array<i32>} : memref<128x128xf32, #tpu.memory_space<vmem>>, vector<16xf32>,
        tpu.vector_store %arg9[%swap3A_626, %swap3A_627], %mul3A_625 {strides = array<i32>} : memref<128x128xf32, #tpu.memory_space<vmem>>, vector<16xf32>,
        %get3A_629 = arith.index_cast %add3A_572 : i32 to index
        %get3A_630 = arith.constant 112 : index
        %get3A_631 = tpu.vector_load %arg9[%get3A_629, %get3A_630] {strides = array<i32>} : memref<128x128xf32, #tpu.memory_space<vmem>>, vector<16xf32>,
        %mul3A_632 = vector.broadcast %squeeze3A_570 : f32 to vector<16xf32>
        %mul3A_633 = arith.mulf %get3A_631, %mul3A_632 : vector<16xf32>
        %swap3A_634 = arith.index_cast %add3A_572 : i32 to index
        %swap3A_635 = arith.constant 112 : index
        %swap3A_636 = tpu.vector_load %arg9[%swap3A_634, %swap3A_635] {strides = array<i32>} : memref<128x128xf32, #tpu.memory_space<vmem>>, vector<16xf32>,
        tpu.vector_store %arg9[%swap3A_634, %swap3A_635], %mul3A_633 {strides = array<i32>} : memref<128x128xf32, #tpu.memory_space<vmem>>, vector<16xf32>,
        %slice3A_637 = vector.extract_strided_slice %get3A_434 {offsets = [3], sizes = [1], strides = [1]} : vector<16xf32> to vector<1xf32>
        %squeeze3A_638 = vector.extract %slice3A_637[0] : f32 from vector<1xf32>
        %add3A_639 = arith.constant 3 : i32
        %add3A_640 = arith.addi %mul3A_432, %add3A_639 : i32
        %get3A_641 = arith.index_cast %add3A_640 : i32 to index
        %get3A_642 = arith.constant 0 : index
        %get3A_643 = tpu.vector_load %arg9[%get3A_641, %get3A_642] {strides = array<i32>} : memref<128x128xf32, #tpu.memory_space<vmem>>, vector<16xf32>,
        %mul3A_644 = vector.broadcast %squeeze3A_638 : f32 to vector<16xf32>
        %mul3A_645 = arith.mulf %get3A_643, %mul3A_644 : vector<16xf32>
        %swap3A_646 = arith.index_cast %add3A_640 : i32 to index
        %swap3A_647 = arith.constant 0 : index
        %swap3A_648 = tpu.vector_load %arg9[%swap3A_646, %swap3A_647] {strides = array<i32>} : memref<128x128xf32, #tpu.memory_space<vmem>>, vector<16xf32>,
        tpu.vector_store %arg9[%swap3A_646, %swap3A_647], %mul3A_645 {strides = array<i32>} : memref<128x128xf32, #tpu.memory_space<vmem>>, vector<16xf32>,
        %get3A_649 = arith.index_cast %add3A_640 : i32 to index
        %get3A_650 = arith.constant 16 : index
        %get3A_651 = tpu.vector_load %arg9[%get3A_649, %get3A_650] {strides = array<i32>} : memref<128x128xf32, #tpu.memory_space<vmem>>, vector<16xf32>,
        %mul3A_652 = vector.broadcast %squeeze3A_638 : f32 to vector<16xf32>
        %mul3A_653 = arith.mulf %get3A_651, %mul3A_652 : vector<16xf32>
        %swap3A_654 = arith.index_cast %add3A_640 : i32 to index
        %swap3A_655 = arith.constant 16 : index
        %swap3A_656 = tpu.vector_load %arg9[%swap3A_654, %swap3A_655] {strides = array<i32>} : memref<128x128xf32, #tpu.memory_space<vmem>>, vector<16xf32>,
        tpu.vector_store %arg9[%swap3A_654, %swap3A_655], %mul3A_653 {strides = array<i32>} : memref<128x128xf32, #tpu.memory_space<vmem>>, vector<16xf32>,
        %get3A_657 = arith.index_cast %add3A_640 : i32 to index
        %get3A_658 = arith.constant 32 : index
        %get3A_659 = tpu.vector_load %arg9[%get3A_657, %get3A_658] {strides = array<i32>} : memref<128x128xf32, #tpu.memory_space<vmem>>, vector<16xf32>,
        %mul3A_660 = vector.broadcast %squeeze3A_638 : f32 to vector<16xf32>
        %mul3A_661 = arith.mulf %get3A_659, %mul3A_660 : vector<16xf32>
        %swap3A_662 = arith.index_cast %add3A_640 : i32 to index
        %swap3A_663 = arith.constant 32 : index
        %swap3A_664 = tpu.vector_load %arg9[%swap3A_662, %swap3A_663] {strides = array<i32>} : memref<128x128xf32, #tpu.memory_space<vmem>>, vector<16xf32>,
        tpu.vector_store %arg9[%swap3A_662, %swap3A_663], %mul3A_661 {strides = array<i32>} : memref<128x128xf32, #tpu.memory_space<vmem>>, vector<16xf32>,
        %get3A_665 = arith.index_cast %add3A_640 : i32 to index
        %get3A_666 = arith.constant 48 : index
        %get3A_667 = tpu.vector_load %arg9[%get3A_665, %get3A_666] {strides = array<i32>} : memref<128x128xf32, #tpu.memory_space<vmem>>, vector<16xf32>,
        %mul3A_668 = vector.broadcast %squeeze3A_638 : f32 to vector<16xf32>
        %mul3A_669 = arith.mulf %get3A_667, %mul3A_668 : vector<16xf32>
        %swap3A_670 = arith.index_cast %add3A_640 : i32 to index
        %swap3A_671 = arith.constant 48 : index
        %swap3A_672 = tpu.vector_load %arg9[%swap3A_670, %swap3A_671] {strides = array<i32>} : memref<128x128xf32, #tpu.memory_space<vmem>>, vector<16xf32>,
        tpu.vector_store %arg9[%swap3A_670, %swap3A_671], %mul3A_669 {strides = array<i32>} : memref<128x128xf32, #tpu.memory_space<vmem>>, vector<16xf32>,
        %get3A_673 = arith.index_cast %add3A_640 : i32 to index
        %get3A_674 = arith.constant 64 : index
        %get3A_675 = tpu.vector_load %arg9[%get3A_673, %get3A_674] {strides = array<i32>} : memref<128x128xf32, #tpu.memory_space<vmem>>, vector<16xf32>,
        %mul3A_676 = vector.broadcast %squeeze3A_638 : f32 to vector<16xf32>
        %mul3A_677 = arith.mulf %get3A_675, %mul3A_676 : vector<16xf32>
        %swap3A_678 = arith.index_cast %add3A_640 : i32 to index
        %swap3A_679 = arith.constant 64 : index
        %swap3A_680 = tpu.vector_load %arg9[%swap3A_678, %swap3A_679] {strides = array<i32>} : memref<128x128xf32, #tpu.memory_space<vmem>>, vector<16xf32>,
        tpu.vector_store %arg9[%swap3A_678, %swap3A_679], %mul3A_677 {strides = array<i32>} : memref<128x128xf32, #tpu.memory_space<vmem>>, vector<16xf32>,
        %get3A_681 = arith.index_cast %add3A_640 : i32 to index
        %get3A_682 = arith.constant 80 : index
        %get3A_683 = tpu.vector_load %arg9[%get3A_681, %get3A_682] {strides = array<i32>} : memref<128x128xf32, #tpu.memory_space<vmem>>, vector<16xf32>,
        %mul3A_684 = vector.broadcast %squeeze3A_638 : f32 to vector<16xf32>
        %mul3A_685 = arith.mulf %get3A_683, %mul3A_684 : vector<16xf32>
        %swap3A_686 = arith.index_cast %add3A_640 : i32 to index
        %swap3A_687 = arith.constant 80 : index
        %swap3A_688 = tpu.vector_load %arg9[%swap3A_686, %swap3A_687] {strides = array<i32>} : memref<128x128xf32, #tpu.memory_space<vmem>>, vector<16xf32>,
        tpu.vector_store %arg9[%swap3A_686, %swap3A_687], %mul3A_685 {strides = array<i32>} : memref<128x128xf32, #tpu.memory_space<vmem>>, vector<16xf32>,
        %get3A_689 = arith.index_cast %add3A_640 : i32 to index
        %get3A_690 = arith.constant 96 : index
        %get3A_691 = tpu.vector_load %arg9[%get3A_689, %get3A_690] {strides = array<i32>} : memref<128x128xf32, #tpu.memory_space<vmem>>, vector<16xf32>,
        %mul3A_692 = vector.broadcast %squeeze3A_638 : f32 to vector<16xf32>
        %mul3A_693 = arith.mulf %get3A_691, %mul3A_692 : vector<16xf32>
        %swap3A_694 = arith.index_cast %add3A_640 : i32 to index
        %swap3A_695 = arith.constant 96 : index
        %swap3A_696 = tpu.vector_load %arg9[%swap3A_694, %swap3A_695] {strides = array<i32>} : memref<128x128xf32, #tpu.memory_space<vmem>>, vector<16xf32>,
        tpu.vector_store %arg9[%swap3A_694, %swap3A_695], %mul3A_693 {strides = array<i32>} : memref<128x128xf32, #tpu.memory_space<vmem>>, vector<16xf32>,
        %get3A_697 = arith.index_cast %add3A_640 : i32 to index
        %get3A_698 = arith.constant 112 : index
        %get3A_699 = tpu.vector_load %arg9[%get3A_697, %get3A_698] {strides = array<i32>} : memref<128x128xf32, #tpu.memory_space<vmem>>, vector<16xf32>,
        %mul3A_700 = vector.broadcast %squeeze3A_638 : f32 to vector<16xf32>
        %mul3A_701 = arith.mulf %get3A_699, %mul3A_700 : vector<16xf32>
        %swap3A_702 = arith.index_cast %add3A_640 : i32 to index
        %swap3A_703 = arith.constant 112 : index
        %swap3A_704 = tpu.vector_load %arg9[%swap3A_702, %swap3A_703] {strides = array<i32>} : memref<128x128xf32, #tpu.memory_space<vmem>>, vector<16xf32>,
        tpu.vector_store %arg9[%swap3A_702, %swap3A_703], %mul3A_701 {strides = array<i32>} : memref<128x128xf32, #tpu.memory_space<vmem>>, vector<16xf32>,
        %slice3A_705 = vector.extract_strided_slice %get3A_434 {offsets = [4], sizes = [1], strides = [1]} : vector<16xf32> to vector<1xf32>
        %squeeze3A_706 = vector.extract %slice3A_705[0] : f32 from vector<1xf32>
        %add3A_707 = arith.constant 4 : i32
        %add3A_708 = arith.addi %mul3A_432, %add3A_707 : i32
        %get3A_709 = arith.index_cast %add3A_708 : i32 to index
        %get3A_710 = arith.constant 0 : index
        %get3A_711 = tpu.vector_load %arg9[%get3A_709, %get3A_710] {strides = array<i32>} : memref<128x128xf32, #tpu.memory_space<vmem>>, vector<16xf32>,
        %mul3A_712 = vector.broadcast %squeeze3A_706 : f32 to vector<16xf32>
        %mul3A_713 = arith.mulf %get3A_711, %mul3A_712 : vector<16xf32>
        %swap3A_714 = arith.index_cast %add3A_708 : i32 to index
        %swap3A_715 = arith.constant 0 : index
        %swap3A_716 = tpu.vector_load %arg9[%swap3A_714, %swap3A_715] {strides = array<i32>} : memref<128x128xf32, #tpu.memory_space<vmem>>, vector<16xf32>,
        tpu.vector_store %arg9[%swap3A_714, %swap3A_715], %mul3A_713 {strides = array<i32>} : memref<128x128xf32, #tpu.memory_space<vmem>>, vector<16xf32>,
        %get3A_717 = arith.index_cast %add3A_708 : i32 to index
        %get3A_718 = arith.constant 16 : index
        %get3A_719 = tpu.vector_load %arg9[%get3A_717, %get3A_718] {strides = array<i32>} : memref<128x128xf32, #tpu.memory_space<vmem>>, vector<16xf32>,
        %mul3A_720 = vector.broadcast %squeeze3A_706 : f32 to vector<16xf32>
        %mul3A_721 = arith.mulf %get3A_719, %mul3A_720 : vector<16xf32>
        %swap3A_722 = arith.index_cast %add3A_708 : i32 to index
        %swap3A_723 = arith.constant 16 : index
        %swap3A_724 = tpu.vector_load %arg9[%swap3A_722, %swap3A_723] {strides = array<i32>} : memref<128x128xf32, #tpu.memory_space<vmem>>, vector<16xf32>,
        tpu.vector_store %arg9[%swap3A_722, %swap3A_723], %mul3A_721 {strides = array<i32>} : memref<128x128xf32, #tpu.memory_space<vmem>>, vector<16xf32>,
        %get3A_725 = arith.index_cast %add3A_708 : i32 to index
        %get3A_726 = arith.constant 32 : index
        %get3A_727 = tpu.vector_load %arg9[%get3A_725, %get3A_726] {strides = array<i32>} : memref<128x128xf32, #tpu.memory_space<vmem>>, vector<16xf32>,
        %mul3A_728 = vector.broadcast %squeeze3A_706 : f32 to vector<16xf32>
        %mul3A_729 = arith.mulf %get3A_727, %mul3A_728 : vector<16xf32>
        %swap3A_730 = arith.index_cast %add3A_708 : i32 to index
        %swap3A_731 = arith.constant 32 : index
        %swap3A_732 = tpu.vector_load %arg9[%swap3A_730, %swap3A_731] {strides = array<i32>} : memref<128x128xf32, #tpu.memory_space<vmem>>, vector<16xf32>,
        tpu.vector_store %arg9[%swap3A_730, %swap3A_731], %mul3A_729 {strides = array<i32>} : memref<128x128xf32, #tpu.memory_space<vmem>>, vector<16xf32>,
        %get3A_733 = arith.index_cast %add3A_708 : i32 to index
        %get3A_734 = arith.constant 48 : index
        %get3A_735 = tpu.vector_load %arg9[%get3A_733, %get3A_734] {strides = array<i32>} : memref<128x128xf32, #tpu.memory_space<vmem>>, vector<16xf32>,
        %mul3A_736 = vector.broadcast %squeeze3A_706 : f32 to vector<16xf32>
        %mul3A_737 = arith.mulf %get3A_735, %mul3A_736 : vector<16xf32>
        %swap3A_738 = arith.index_cast %add3A_708 : i32 to index
        %swap3A_739 = arith.constant 48 : index
        %swap3A_740 = tpu.vector_load %arg9[%swap3A_738, %swap3A_739] {strides = array<i32>} : memref<128x128xf32, #tpu.memory_space<vmem>>, vector<16xf32>,
        tpu.vector_store %arg9[%swap3A_738, %swap3A_739], %mul3A_737 {strides = array<i32>} : memref<128x128xf32, #tpu.memory_space<vmem>>, vector<16xf32>,
        %get3A_741 = arith.index_cast %add3A_708 : i32 to index
        %get3A_742 = arith.constant 64 : index
        %get3A_743 = tpu.vector_load %arg9[%get3A_741, %get3A_742] {strides = array<i32>} : memref<128x128xf32, #tpu.memory_space<vmem>>, vector<16xf32>,
        %mul3A_744 = vector.broadcast %squeeze3A_706 : f32 to vector<16xf32>
        %mul3A_745 = arith.mulf %get3A_743, %mul3A_744 : vector<16xf32>
        %swap3A_746 = arith.index_cast %add3A_708 : i32 to index
        %swap3A_747 = arith.constant 64 : index
        %swap3A_748 = tpu.vector_load %arg9[%swap3A_746, %swap3A_747] {strides = array<i32>} : memref<128x128xf32, #tpu.memory_space<vmem>>, vector<16xf32>,
        tpu.vector_store %arg9[%swap3A_746, %swap3A_747], %mul3A_745 {strides = array<i32>} : memref<128x128xf32, #tpu.memory_space<vmem>>, vector<16xf32>,
        %get3A_749 = arith.index_cast %add3A_708 : i32 to index
        %get3A_750 = arith.constant 80 : index
        %get3A_751 = tpu.vector_load %arg9[%get3A_749, %get3A_750] {strides = array<i32>} : memref<128x128xf32, #tpu.memory_space<vmem>>, vector<16xf32>,
        %mul3A_752 = vector.broadcast %squeeze3A_706 : f32 to vector<16xf32>
        %mul3A_753 = arith.mulf %get3A_751, %mul3A_752 : vector<16xf32>
        %swap3A_754 = arith.index_cast %add3A_708 : i32 to index
        %swap3A_755 = arith.constant 80 : index
        %swap3A_756 = tpu.vector_load %arg9[%swap3A_754, %swap3A_755] {strides = array<i32>} : memref<128x128xf32, #tpu.memory_space<vmem>>, vector<16xf32>,
        tpu.vector_store %arg9[%swap3A_754, %swap3A_755], %mul3A_753 {strides = array<i32>} : memref<128x128xf32, #tpu.memory_space<vmem>>, vector<16xf32>,
        %get3A_757 = arith.index_cast %add3A_708 : i32 to index
        %get3A_758 = arith.constant 96 : index
        %get3A_759 = tpu.vector_load %arg9[%get3A_757, %get3A_758] {strides = array<i32>} : memref<128x128xf32, #tpu.memory_space<vmem>>, vector<16xf32>,
        %mul3A_760 = vector.broadcast %squeeze3A_706 : f32 to vector<16xf32>
        %mul3A_761 = arith.mulf %get3A_759, %mul3A_760 : vector<16xf32>
        %swap3A_762 = arith.index_cast %add3A_708 : i32 to index
        %swap3A_763 = arith.constant 96 : index
        %swap3A_764 = tpu.vector_load %arg9[%swap3A_762, %swap3A_763] {strides = array<i32>} : memref<128x128xf32, #tpu.memory_space<vmem>>, vector<16xf32>,
        tpu.vector_store %arg9[%swap3A_762, %swap3A_763], %mul3A_761 {strides = array<i32>} : memref<128x128xf32, #tpu.memory_space<vmem>>, vector<16xf32>,
        %get3A_765 = arith.index_cast %add3A_708 : i32 to index
        %get3A_766 = arith.constant 112 : index
        %get3A_767 = tpu.vector_load %arg9[%get3A_765, %get3A_766] {strides = array<i32>} : memref<128x128xf32, #tpu.memory_space<vmem>>, vector<16xf32>,
        %mul3A_768 = vector.broadcast %squeeze3A_706 : f32 to vector<16xf32>
        %mul3A_769 = arith.mulf %get3A_767, %mul3A_768 : vector<16xf32>
        %swap3A_770 = arith.index_cast %add3A_708 : i32 to index
        %swap3A_771 = arith.constant 112 : index
        %swap3A_772 = tpu.vector_load %arg9[%swap3A_770, %swap3A_771] {strides = array<i32>} : memref<128x128xf32, #tpu.memory_space<vmem>>, vector<16xf32>,
        tpu.vector_store %arg9[%swap3A_770, %swap3A_771], %mul3A_769 {strides = array<i32>} : memref<128x128xf32, #tpu.memory_space<vmem>>, vector<16xf32>,
        %slice3A_773 = vector.extract_strided_slice %get3A_434 {offsets = [5], sizes = [1], strides = [1]} : vector<16xf32> to vector<1xf32>
        %squeeze3A_774 = vector.extract %slice3A_773[0] : f32 from vector<1xf32>
        %add3A_775 = arith.constant 5 : i32
        %add3A_776 = arith.addi %mul3A_432, %add3A_775 : i32
        %get3A_777 = arith.index_cast %add3A_776 : i32 to index
        %get3A_778 = arith.constant 0 : index
        %get3A_779 = tpu.vector_load %arg9[%get3A_777, %get3A_778] {strides = array<i32>} : memref<128x128xf32, #tpu.memory_space<vmem>>, vector<16xf32>,
        %mul3A_780 = vector.broadcast %squeeze3A_774 : f32 to vector<16xf32>
        %mul3A_781 = arith.mulf %get3A_779, %mul3A_780 : vector<16xf32>
        %swap3A_782 = arith.index_cast %add3A_776 : i32 to index
        %swap3A_783 = arith.constant 0 : index
        %swap3A_784 = tpu.vector_load %arg9[%swap3A_782, %swap3A_783] {strides = array<i32>} : memref<128x128xf32, #tpu.memory_space<vmem>>, vector<16xf32>,
        tpu.vector_store %arg9[%swap3A_782, %swap3A_783], %mul3A_781 {strides = array<i32>} : memref<128x128xf32, #tpu.memory_space<vmem>>, vector<16xf32>,
        %get3A_785 = arith.index_cast %add3A_776 : i32 to index
        %get3A_786 = arith.constant 16 : index
        %get3A_787 = tpu.vector_load %arg9[%get3A_785, %get3A_786] {strides = array<i32>} : memref<128x128xf32, #tpu.memory_space<vmem>>, vector<16xf32>,
        %mul3A_788 = vector.broadcast %squeeze3A_774 : f32 to vector<16xf32>
        %mul3A_789 = arith.mulf %get3A_787, %mul3A_788 : vector<16xf32>
        %swap3A_790 = arith.index_cast %add3A_776 : i32 to index
        %swap3A_791 = arith.constant 16 : index
        %swap3A_792 = tpu.vector_load %arg9[%swap3A_790, %swap3A_791] {strides = array<i32>} : memref<128x128xf32, #tpu.memory_space<vmem>>, vector<16xf32>,
        tpu.vector_store %arg9[%swap3A_790, %swap3A_791], %mul3A_789 {strides = array<i32>} : memref<128x128xf32, #tpu.memory_space<vmem>>, vector<16xf32>,
        %get3A_793 = arith.index_cast %add3A_776 : i32 to index
        %get3A_794 = arith.constant 32 : index
        %get3A_795 = tpu.vector_load %arg9[%get3A_793, %get3A_794] {strides = array<i32>} : memref<128x128xf32, #tpu.memory_space<vmem>>, vector<16xf32>,
        %mul3A_796 = vector.broadcast %squeeze3A_774 : f32 to vector<16xf32>
        %mul3A_797 = arith.mulf %get3A_795, %mul3A_796 : vector<16xf32>
        %swap3A_798 = arith.index_cast %add3A_776 : i32 to index
        %swap3A_799 = arith.constant 32 : index
        %swap3A_800 = tpu.vector_load %arg9[%swap3A_798, %swap3A_799] {strides = array<i32>} : memref<128x128xf32, #tpu.memory_space<vmem>>, vector<16xf32>,
        tpu.vector_store %arg9[%swap3A_798, %swap3A_799], %mul3A_797 {strides = array<i32>} : memref<128x128xf32, #tpu.memory_space<vmem>>, vector<16xf32>,
        %get3A_801 = arith.index_cast %add3A_776 : i32 to index
        %get3A_802 = arith.constant 48 : index
        %get3A_803 = tpu.vector_load %arg9[%get3A_801, %get3A_802] {strides = array<i32>} : memref<128x128xf32, #tpu.memory_space<vmem>>, vector<16xf32>,
        %mul3A_804 = vector.broadcast %squeeze3A_774 : f32 to vector<16xf32>
        %mul3A_805 = arith.mulf %get3A_803, %mul3A_804 : vector<16xf32>
        %swap3A_806 = arith.index_cast %add3A_776 : i32 to index
        %swap3A_807 = arith.constant 48 : index
        %swap3A_808 = tpu.vector_load %arg9[%swap3A_806, %swap3A_807] {strides = array<i32>} : memref<128x128xf32, #tpu.memory_space<vmem>>, vector<16xf32>,
        tpu.vector_store %arg9[%swap3A_806, %swap3A_807], %mul3A_805 {strides = array<i32>} : memref<128x128xf32, #tpu.memory_space<vmem>>, vector<16xf32>,
        %get3A_809 = arith.index_cast %add3A_776 : i32 to index
        %get3A_810 = arith.constant 64 : index
        %get3A_811 = tpu.vector_load %arg9[%get3A_809, %get3A_810] {strides = array<i32>} : memref<128x128xf32, #tpu.memory_space<vmem>>, vector<16xf32>,
        %mul3A_812 = vector.broadcast %squeeze3A_774 : f32 to vector<16xf32>
        %mul3A_813 = arith.mulf %get3A_811, %mul3A_812 : vector<16xf32>
        %swap3A_814 = arith.index_cast %add3A_776 : i32 to index
        %swap3A_815 = arith.constant 64 : index
        %swap3A_816 = tpu.vector_load %arg9[%swap3A_814, %swap3A_815] {strides = array<i32>} : memref<128x128xf32, #tpu.memory_space<vmem>>, vector<16xf32>,
        tpu.vector_store %arg9[%swap3A_814, %swap3A_815], %mul3A_813 {strides = array<i32>} : memref<128x128xf32, #tpu.memory_space<vmem>>, vector<16xf32>,
        %get3A_817 = arith.index_cast %add3A_776 : i32 to index
        %get3A_818 = arith.constant 80 : index
        %get3A_819 = tpu.vector_load %arg9[%get3A_817, %get3A_818] {strides = array<i32>} : memref<128x128xf32, #tpu.memory_space<vmem>>, vector<16xf32>,
        %mul3A_820 = vector.broadcast %squeeze3A_774 : f32 to vector<16xf32>
        %mul3A_821 = arith.mulf %get3A_819, %mul3A_820 : vector<16xf32>
        %swap3A_822 = arith.index_cast %add3A_776 : i32 to index
        %swap3A_823 = arith.constant 80 : index
        %swap3A_824 = tpu.vector_load %arg9[%swap3A_822, %swap3A_823] {strides = array<i32>} : memref<128x128xf32, #tpu.memory_space<vmem>>, vector<16xf32>,
        tpu.vector_store %arg9[%swap3A_822, %swap3A_823], %mul3A_821 {strides = array<i32>} : memref<128x128xf32, #tpu.memory_space<vmem>>, vector<16xf32>,
        %get3A_825 = arith.index_cast %add3A_776 : i32 to index
        %get3A_826 = arith.constant 96 : index
        %get3A_827 = tpu.vector_load %arg9[%get3A_825, %get3A_826] {strides = array<i32>} : memref<128x128xf32, #tpu.memory_space<vmem>>, vector<16xf32>,
        %mul3A_828 = vector.broadcast %squeeze3A_774 : f32 to vector<16xf32>
        %mul3A_829 = arith.mulf %get3A_827, %mul3A_828 : vector<16xf32>
        %swap3A_830 = arith.index_cast %add3A_776 : i32 to index
        %swap3A_831 = arith.constant 96 : index
        %swap3A_832 = tpu.vector_load %arg9[%swap3A_830, %swap3A_831] {strides = array<i32>} : memref<128x128xf32, #tpu.memory_space<vmem>>, vector<16xf32>,
        tpu.vector_store %arg9[%swap3A_830, %swap3A_831], %mul3A_829 {strides = array<i32>} : memref<128x128xf32, #tpu.memory_space<vmem>>, vector<16xf32>,
        %get3A_833 = arith.index_cast %add3A_776 : i32 to index
        %get3A_834 = arith.constant 112 : index
        %get3A_835 = tpu.vector_load %arg9[%get3A_833, %get3A_834] {strides = array<i32>} : memref<128x128xf32, #tpu.memory_space<vmem>>, vector<16xf32>,
        %mul3A_836 = vector.broadcast %squeeze3A_774 : f32 to vector<16xf32>
        %mul3A_837 = arith.mulf %get3A_835, %mul3A_836 : vector<16xf32>
        %swap3A_838 = arith.index_cast %add3A_776 : i32 to index
        %swap3A_839 = arith.constant 112 : index
        %swap3A_840 = tpu.vector_load %arg9[%swap3A_838, %swap3A_839] {strides = array<i32>} : memref<128x128xf32, #tpu.memory_space<vmem>>, vector<16xf32>,
        tpu.vector_store %arg9[%swap3A_838, %swap3A_839], %mul3A_837 {strides = array<i32>} : memref<128x128xf32, #tpu.memory_space<vmem>>, vector<16xf32>,
        %slice3A_841 = vector.extract_strided_slice %get3A_434 {offsets = [6], sizes = [1], strides = [1]} : vector<16xf32> to vector<1xf32>
        %squeeze3A_842 = vector.extract %slice3A_841[0] : f32 from vector<1xf32>
        %add3A_843 = arith.constant 6 : i32
        %add3A_844 = arith.addi %mul3A_432, %add3A_843 : i32
        %get3A_845 = arith.index_cast %add3A_844 : i32 to index
        %get3A_846 = arith.constant 0 : index
        %get3A_847 = tpu.vector_load %arg9[%get3A_845, %get3A_846] {strides = array<i32>} : memref<128x128xf32, #tpu.memory_space<vmem>>, vector<16xf32>,
        %mul3A_848 = vector.broadcast %squeeze3A_842 : f32 to vector<16xf32>
        %mul3A_849 = arith.mulf %get3A_847, %mul3A_848 : vector<16xf32>
        %swap3A_850 = arith.index_cast %add3A_844 : i32 to index
        %swap3A_851 = arith.constant 0 : index
        %swap3A_852 = tpu.vector_load %arg9[%swap3A_850, %swap3A_851] {strides = array<i32>} : memref<128x128xf32, #tpu.memory_space<vmem>>, vector<16xf32>,
        tpu.vector_store %arg9[%swap3A_850, %swap3A_851], %mul3A_849 {strides = array<i32>} : memref<128x128xf32, #tpu.memory_space<vmem>>, vector<16xf32>,
        %get3A_853 = arith.index_cast %add3A_844 : i32 to index
        %get3A_854 = arith.constant 16 : index
        %get3A_855 = tpu.vector_load %arg9[%get3A_853, %get3A_854] {strides = array<i32>} : memref<128x128xf32, #tpu.memory_space<vmem>>, vector<16xf32>,
        %mul3A_856 = vector.broadcast %squeeze3A_842 : f32 to vector<16xf32>
        %mul3A_857 = arith.mulf %get3A_855, %mul3A_856 : vector<16xf32>
        %swap3A_858 = arith.index_cast %add3A_844 : i32 to index
        %swap3A_859 = arith.constant 16 : index
        %swap3A_860 = tpu.vector_load %arg9[%swap3A_858, %swap3A_859] {strides = array<i32>} : memref<128x128xf32, #tpu.memory_space<vmem>>, vector<16xf32>,
        tpu.vector_store %arg9[%swap3A_858, %swap3A_859], %mul3A_857 {strides = array<i32>} : memref<128x128xf32, #tpu.memory_space<vmem>>, vector<16xf32>,
        %get3A_861 = arith.index_cast %add3A_844 : i32 to index
        %get3A_862 = arith.constant 32 : index
        %get3A_863 = tpu.vector_load %arg9[%get3A_861, %get3A_862] {strides = array<i32>} : memref<128x128xf32, #tpu.memory_space<vmem>>, vector<16xf32>,
        %mul3A_864 = vector.broadcast %squeeze3A_842 : f32 to vector<16xf32>
        %mul3A_865 = arith.mulf %get3A_863, %mul3A_864 : vector<16xf32>
        %swap3A_866 = arith.index_cast %add3A_844 : i32 to index
        %swap3A_867 = arith.constant 32 : index
        %swap3A_868 = tpu.vector_load %arg9[%swap3A_866, %swap3A_867] {strides = array<i32>} : memref<128x128xf32, #tpu.memory_space<vmem>>, vector<16xf32>,
        tpu.vector_store %arg9[%swap3A_866, %swap3A_867], %mul3A_865 {strides = array<i32>} : memref<128x128xf32, #tpu.memory_space<vmem>>, vector<16xf32>,
        %get3A_869 = arith.index_cast %add3A_844 : i32 to index
        %get3A_870 = arith.constant 48 : index
        %get3A_871 = tpu.vector_load %arg9[%get3A_869, %get3A_870] {strides = array<i32>} : memref<128x128xf32, #tpu.memory_space<vmem>>, vector<16xf32>,
        %mul3A_872 = vector.broadcast %squeeze3A_842 : f32 to vector<16xf32>
        %mul3A_873 = arith.mulf %get3A_871, %mul3A_872 : vector<16xf32>
        %swap3A_874 = arith.index_cast %add3A_844 : i32 to index
        %swap3A_875 = arith.constant 48 : index
        %swap3A_876 = tpu.vector_load %arg9[%swap3A_874, %swap3A_875] {strides = array<i32>} : memref<128x128xf32, #tpu.memory_space<vmem>>, vector<16xf32>,
        tpu.vector_store %arg9[%swap3A_874, %swap3A_875], %mul3A_873 {strides = array<i32>} : memref<128x128xf32, #tpu.memory_space<vmem>>, vector<16xf32>,
        %get3A_877 = arith.index_cast %add3A_844 : i32 to index
        %get3A_878 = arith.constant 64 : index
        %get3A_879 = tpu.vector_load %arg9[%get3A_877, %get3A_878] {strides = array<i32>} : memref<128x128xf32, #tpu.memory_space<vmem>>, vector<16xf32>,
        %mul3A_880 = vector.broadcast %squeeze3A_842 : f32 to vector<16xf32>
        %mul3A_881 = arith.mulf %get3A_879, %mul3A_880 : vector<16xf32>
        %swap3A_882 = arith.index_cast %add3A_844 : i32 to index
        %swap3A_883 = arith.constant 64 : index
        %swap3A_884 = tpu.vector_load %arg9[%swap3A_882, %swap3A_883] {strides = array<i32>} : memref<128x128xf32, #tpu.memory_space<vmem>>, vector<16xf32>,
        tpu.vector_store %arg9[%swap3A_882, %swap3A_883], %mul3A_881 {strides = array<i32>} : memref<128x128xf32, #tpu.memory_space<vmem>>, vector<16xf32>,
        %get3A_885 = arith.index_cast %add3A_844 : i32 to index
        %get3A_886 = arith.constant 80 : index
        %get3A_887 = tpu.vector_load %arg9[%get3A_885, %get3A_886] {strides = array<i32>} : memref<128x128xf32, #tpu.memory_space<vmem>>, vector<16xf32>,
        %mul3A_888 = vector.broadcast %squeeze3A_842 : f32 to vector<16xf32>
        %mul3A_889 = arith.mulf %get3A_887, %mul3A_888 : vector<16xf32>
        %swap3A_890 = arith.index_cast %add3A_844 : i32 to index
        %swap3A_891 = arith.constant 80 : index
        %swap3A_892 = tpu.vector_load %arg9[%swap3A_890, %swap3A_891] {strides = array<i32>} : memref<128x128xf32, #tpu.memory_space<vmem>>, vector<16xf32>,
        tpu.vector_store %arg9[%swap3A_890, %swap3A_891], %mul3A_889 {strides = array<i32>} : memref<128x128xf32, #tpu.memory_space<vmem>>, vector<16xf32>,
        %get3A_893 = arith.index_cast %add3A_844 : i32 to index
        %get3A_894 = arith.constant 96 : index
        %get3A_895 = tpu.vector_load %arg9[%get3A_893, %get3A_894] {strides = array<i32>} : memref<128x128xf32, #tpu.memory_space<vmem>>, vector<16xf32>,
        %mul3A_896 = vector.broadcast %squeeze3A_842 : f32 to vector<16xf32>
        %mul3A_897 = arith.mulf %get3A_895, %mul3A_896 : vector<16xf32>
        %swap3A_898 = arith.index_cast %add3A_844 : i32 to index
        %swap3A_899 = arith.constant 96 : index
        %swap3A_900 = tpu.vector_load %arg9[%swap3A_898, %swap3A_899] {strides = array<i32>} : memref<128x128xf32, #tpu.memory_space<vmem>>, vector<16xf32>,
        tpu.vector_store %arg9[%swap3A_898, %swap3A_899], %mul3A_897 {strides = array<i32>} : memref<128x128xf32, #tpu.memory_space<vmem>>, vector<16xf32>,
        %get3A_901 = arith.index_cast %add3A_844 : i32 to index
        %get3A_902 = arith.constant 112 : index
        %get3A_903 = tpu.vector_load %arg9[%get3A_901, %get3A_902] {strides = array<i32>} : memref<128x128xf32, #tpu.memory_space<vmem>>, vector<16xf32>,
        %mul3A_904 = vector.broadcast %squeeze3A_842 : f32 to vector<16xf32>
        %mul3A_905 = arith.mulf %get3A_903, %mul3A_904 : vector<16xf32>
        %swap3A_906 = arith.index_cast %add3A_844 : i32 to index
        %swap3A_907 = arith.constant 112 : index
        %swap3A_908 = tpu.vector_load %arg9[%swap3A_906, %swap3A_907] {strides = array<i32>} : memref<128x128xf32, #tpu.memory_space<vmem>>, vector<16xf32>,
        tpu.vector_store %arg9[%swap3A_906, %swap3A_907], %mul3A_905 {strides = array<i32>} : memref<128x128xf32, #tpu.memory_space<vmem>>, vector<16xf32>,
        %slice3A_909 = vector.extract_strided_slice %get3A_434 {offsets = [7], sizes = [1], strides = [1]} : vector<16xf32> to vector<1xf32>
        %squeeze3A_910 = vector.extract %slice3A_909[0] : f32 from vector<1xf32>
        %add3A_911 = arith.constant 7 : i32
        %add3A_912 = arith.addi %mul3A_432, %add3A_911 : i32
        %get3A_913 = arith.index_cast %add3A_912 : i32 to index
        %get3A_914 = arith.constant 0 : index
        %get3A_915 = tpu.vector_load %arg9[%get3A_913, %get3A_914] {strides = array<i32>} : memref<128x128xf32, #tpu.memory_space<vmem>>, vector<16xf32>,
        %mul3A_916 = vector.broadcast %squeeze3A_910 : f32 to vector<16xf32>
        %mul3A_917 = arith.mulf %get3A_915, %mul3A_916 : vector<16xf32>
        %swap3A_918 = arith.index_cast %add3A_912 : i32 to index
        %swap3A_919 = arith.constant 0 : index
        %swap3A_920 = tpu.vector_load %arg9[%swap3A_918, %swap3A_919] {strides = array<i32>} : memref<128x128xf32, #tpu.memory_space<vmem>>, vector<16xf32>,
        tpu.vector_store %arg9[%swap3A_918, %swap3A_919], %mul3A_917 {strides = array<i32>} : memref<128x128xf32, #tpu.memory_space<vmem>>, vector<16xf32>,
        %get3A_921 = arith.index_cast %add3A_912 : i32 to index
        %get3A_922 = arith.constant 16 : index
        %get3A_923 = tpu.vector_load %arg9[%get3A_921, %get3A_922] {strides = array<i32>} : memref<128x128xf32, #tpu.memory_space<vmem>>, vector<16xf32>,
        %mul3A_924 = vector.broadcast %squeeze3A_910 : f32 to vector<16xf32>
        %mul3A_925 = arith.mulf %get3A_923, %mul3A_924 : vector<16xf32>
        %swap3A_926 = arith.index_cast %add3A_912 : i32 to index
        %swap3A_927 = arith.constant 16 : index
        %swap3A_928 = tpu.vector_load %arg9[%swap3A_926, %swap3A_927] {strides = array<i32>} : memref<128x128xf32, #tpu.memory_space<vmem>>, vector<16xf32>,
        tpu.vector_store %arg9[%swap3A_926, %swap3A_927], %mul3A_925 {strides = array<i32>} : memref<128x128xf32, #tpu.memory_space<vmem>>, vector<16xf32>,
        %get3A_929 = arith.index_cast %add3A_912 : i32 to index
        %get3A_930 = arith.constant 32 : index
        %get3A_931 = tpu.vector_load %arg9[%get3A_929, %get3A_930] {strides = array<i32>} : memref<128x128xf32, #tpu.memory_space<vmem>>, vector<16xf32>,
        %mul3A_932 = vector.broadcast %squeeze3A_910 : f32 to vector<16xf32>
        %mul3A_933 = arith.mulf %get3A_931, %mul3A_932 : vector<16xf32>
        %swap3A_934 = arith.index_cast %add3A_912 : i32 to index
        %swap3A_935 = arith.constant 32 : index
        %swap3A_936 = tpu.vector_load %arg9[%swap3A_934, %swap3A_935] {strides = array<i32>} : memref<128x128xf32, #tpu.memory_space<vmem>>, vector<16xf32>,
        tpu.vector_store %arg9[%swap3A_934, %swap3A_935], %mul3A_933 {strides = array<i32>} : memref<128x128xf32, #tpu.memory_space<vmem>>, vector<16xf32>,
        %get3A_937 = arith.index_cast %add3A_912 : i32 to index
        %get3A_938 = arith.constant 48 : index
        %get3A_939 = tpu.vector_load %arg9[%get3A_937, %get3A_938] {strides = array<i32>} : memref<128x128xf32, #tpu.memory_space<vmem>>, vector<16xf32>,
        %mul3A_940 = vector.broadcast %squeeze3A_910 : f32 to vector<16xf32>
        %mul3A_941 = arith.mulf %get3A_939, %mul3A_940 : vector<16xf32>
        %swap3A_942 = arith.index_cast %add3A_912 : i32 to index
        %swap3A_943 = arith.constant 48 : index
        %swap3A_944 = tpu.vector_load %arg9[%swap3A_942, %swap3A_943] {strides = array<i32>} : memref<128x128xf32, #tpu.memory_space<vmem>>, vector<16xf32>,
        tpu.vector_store %arg9[%swap3A_942, %swap3A_943], %mul3A_941 {strides = array<i32>} : memref<128x128xf32, #tpu.memory_space<vmem>>, vector<16xf32>,
        %get3A_945 = arith.index_cast %add3A_912 : i32 to index
        %get3A_946 = arith.constant 64 : index
        %get3A_947 = tpu.vector_load %arg9[%get3A_945, %get3A_946] {strides = array<i32>} : memref<128x128xf32, #tpu.memory_space<vmem>>, vector<16xf32>,
        %mul3A_948 = vector.broadcast %squeeze3A_910 : f32 to vector<16xf32>
        %mul3A_949 = arith.mulf %get3A_947, %mul3A_948 : vector<16xf32>
        %swap3A_950 = arith.index_cast %add3A_912 : i32 to index
        %swap3A_951 = arith.constant 64 : index
        %swap3A_952 = tpu.vector_load %arg9[%swap3A_950, %swap3A_951] {strides = array<i32>} : memref<128x128xf32, #tpu.memory_space<vmem>>, vector<16xf32>,
        tpu.vector_store %arg9[%swap3A_950, %swap3A_951], %mul3A_949 {strides = array<i32>} : memref<128x128xf32, #tpu.memory_space<vmem>>, vector<16xf32>,
        %get3A_953 = arith.index_cast %add3A_912 : i32 to index
        %get3A_954 = arith.constant 80 : index
        %get3A_955 = tpu.vector_load %arg9[%get3A_953, %get3A_954] {strides = array<i32>} : memref<128x128xf32, #tpu.memory_space<vmem>>, vector<16xf32>,
        %mul3A_956 = vector.broadcast %squeeze3A_910 : f32 to vector<16xf32>
        %mul3A_957 = arith.mulf %get3A_955, %mul3A_956 : vector<16xf32>
        %swap3A_958 = arith.index_cast %add3A_912 : i32 to index
        %swap3A_959 = arith.constant 80 : index
        %swap3A_960 = tpu.vector_load %arg9[%swap3A_958, %swap3A_959] {strides = array<i32>} : memref<128x128xf32, #tpu.memory_space<vmem>>, vector<16xf32>,
        tpu.vector_store %arg9[%swap3A_958, %swap3A_959], %mul3A_957 {strides = array<i32>} : memref<128x128xf32, #tpu.memory_space<vmem>>, vector<16xf32>,
        %get3A_961 = arith.index_cast %add3A_912 : i32 to index
        %get3A_962 = arith.constant 96 : index
        %get3A_963 = tpu.vector_load %arg9[%get3A_961, %get3A_962] {strides = array<i32>} : memref<128x128xf32, #tpu.memory_space<vmem>>, vector<16xf32>,
        %mul3A_964 = vector.broadcast %squeeze3A_910 : f32 to vector<16xf32>
        %mul3A_965 = arith.mulf %get3A_963, %mul3A_964 : vector<16xf32>
        %swap3A_966 = arith.index_cast %add3A_912 : i32 to index
        %swap3A_967 = arith.constant 96 : index
        %swap3A_968 = tpu.vector_load %arg9[%swap3A_966, %swap3A_967] {strides = array<i32>} : memref<128x128xf32, #tpu.memory_space<vmem>>, vector<16xf32>,
        tpu.vector_store %arg9[%swap3A_966, %swap3A_967], %mul3A_965 {strides = array<i32>} : memref<128x128xf32, #tpu.memory_space<vmem>>, vector<16xf32>,
        %get3A_969 = arith.index_cast %add3A_912 : i32 to index
        %get3A_970 = arith.constant 112 : index
        %get3A_971 = tpu.vector_load %arg9[%get3A_969, %get3A_970] {strides = array<i32>} : memref<128x128xf32, #tpu.memory_space<vmem>>, vector<16xf32>,
        %mul3A_972 = vector.broadcast %squeeze3A_910 : f32 to vector<16xf32>
        %mul3A_973 = arith.mulf %get3A_971, %mul3A_972 : vector<16xf32>
        %swap3A_974 = arith.index_cast %add3A_912 : i32 to index
        %swap3A_975 = arith.constant 112 : index
        %swap3A_976 = tpu.vector_load %arg9[%swap3A_974, %swap3A_975] {strides = array<i32>} : memref<128x128xf32, #tpu.memory_space<vmem>>, vector<16xf32>,
        tpu.vector_store %arg9[%swap3A_974, %swap3A_975], %mul3A_973 {strides = array<i32>} : memref<128x128xf32, #tpu.memory_space<vmem>>, vector<16xf32>,
        %slice3A_977 = vector.extract_strided_slice %get3A_434 {offsets = [8], sizes = [1], strides = [1]} : vector<16xf32> to vector<1xf32>
        %squeeze3A_978 = vector.extract %slice3A_977[0] : f32 from vector<1xf32>
        %add3A_979 = arith.constant 8 : i32
        %add3A_980 = arith.addi %mul3A_432, %add3A_979 : i32
        %get3A_981 = arith.index_cast %add3A_980 : i32 to index
        %get3A_982 = arith.constant 0 : index
        %get3A_983 = tpu.vector_load %arg9[%get3A_981, %get3A_982] {strides = array<i32>} : memref<128x128xf32, #tpu.memory_space<vmem>>, vector<16xf32>,
        %mul3A_984 = vector.broadcast %squeeze3A_978 : f32 to vector<16xf32>
        %mul3A_985 = arith.mulf %get3A_983, %mul3A_984 : vector<16xf32>
        %swap3A_986 = arith.index_cast %add3A_980 : i32 to index
        %swap3A_987 = arith.constant 0 : index
        %swap3A_988 = tpu.vector_load %arg9[%swap3A_986, %swap3A_987] {strides = array<i32>} : memref<128x128xf32, #tpu.memory_space<vmem>>, vector<16xf32>,
        tpu.vector_store %arg9[%swap3A_986, %swap3A_987], %mul3A_985 {strides = array<i32>} : memref<128x128xf32, #tpu.memory_space<vmem>>, vector<16xf32>,
        %get3A_989 = arith.index_cast %add3A_980 : i32 to index
        %get3A_990 = arith.constant 16 : index
        %get3A_991 = tpu.vector_load %arg9[%get3A_989, %get3A_990] {strides = array<i32>} : memref<128x128xf32, #tpu.memory_space<vmem>>, vector<16xf32>,
        %mul3A_992 = vector.broadcast %squeeze3A_978 : f32 to vector<16xf32>
        %mul3A_993 = arith.mulf %get3A_991, %mul3A_992 : vector<16xf32>
        %swap3A_994 = arith.index_cast %add3A_980 : i32 to index
        %swap3A_995 = arith.constant 16 : index
        %swap3A_996 = tpu.vector_load %arg9[%swap3A_994, %swap3A_995] {strides = array<i32>} : memref<128x128xf32, #tpu.memory_space<vmem>>, vector<16xf32>,
        tpu.vector_store %arg9[%swap3A_994, %swap3A_995], %mul3A_993 {strides = array<i32>} : memref<128x128xf32, #tpu.memory_space<vmem>>, vector<16xf32>,
        %get3A_997 = arith.index_cast %add3A_980 : i32 to index
        %get3A_998 = arith.constant 32 : index
        %get3A_999 = tpu.vector_load %arg9[%get3A_997, %get3A_998] {strides = array<i32>} : memref<128x128xf32, #tpu.memory_space<vmem>>, vector<16xf32>,
        %mul3A_1000 = vector.broadcast %squeeze3A_978 : f32 to vector<16xf32>
        %mul3A_1001 = arith.mulf %get3A_999, %mul3A_1000 : vector<16xf32>
        %swap3A_1002 = arith.index_cast %add3A_980 : i32 to index
        %swap3A_1003 = arith.constant 32 : index
        %swap3A_1004 = tpu.vector_load %arg9[%swap3A_1002, %swap3A_1003] {strides = array<i32>} : memref<128x128xf32, #tpu.memory_space<vmem>>, vector<16xf32>,
        tpu.vector_store %arg9[%swap3A_1002, %swap3A_1003], %mul3A_1001 {strides = array<i32>} : memref<128x128xf32, #tpu.memory_space<vmem>>, vector<16xf32>,
        %get3A_1005 = arith.index_cast %add3A_980 : i32 to index
        %get3A_1006 = arith.constant 48 : index
        %get3A_1007 = tpu.vector_load %arg9[%get3A_1005, %get3A_1006] {strides = array<i32>} : memref<128x128xf32, #tpu.memory_space<vmem>>, vector<16xf32>,
        %mul3A_1008 = vector.broadcast %squeeze3A_978 : f32 to vector<16xf32>
        %mul3A_1009 = arith.mulf %get3A_1007, %mul3A_1008 : vector<16xf32>
        %swap3A_1010 = arith.index_cast %add3A_980 : i32 to index
        %swap3A_1011 = arith.constant 48 : index
        %swap3A_1012 = tpu.vector_load %arg9[%swap3A_1010, %swap3A_1011] {strides = array<i32>} : memref<128x128xf32, #tpu.memory_space<vmem>>, vector<16xf32>,
        tpu.vector_store %arg9[%swap3A_1010, %swap3A_1011], %mul3A_1009 {strides = array<i32>} : memref<128x128xf32, #tpu.memory_space<vmem>>, vector<16xf32>,
        %get3A_1013 = arith.index_cast %add3A_980 : i32 to index
        %get3A_1014 = arith.constant 64 : index
        %get3A_1015 = tpu.vector_load %arg9[%get3A_1013, %get3A_1014] {strides = array<i32>} : memref<128x128xf32, #tpu.memory_space<vmem>>, vector<16xf32>,
        %mul3A_1016 = vector.broadcast %squeeze3A_978 : f32 to vector<16xf32>
        %mul3A_1017 = arith.mulf %get3A_1015, %mul3A_1016 : vector<16xf32>
        %swap3A_1018 = arith.index_cast %add3A_980 : i32 to index
        %swap3A_1019 = arith.constant 64 : index
        %swap3A_1020 = tpu.vector_load %arg9[%swap3A_1018, %swap3A_1019] {strides = array<i32>} : memref<128x128xf32, #tpu.memory_space<vmem>>, vector<16xf32>,
        tpu.vector_store %arg9[%swap3A_1018, %swap3A_1019], %mul3A_1017 {strides = array<i32>} : memref<128x128xf32, #tpu.memory_space<vmem>>, vector<16xf32>,
        %get3A_1021 = arith.index_cast %add3A_980 : i32 to index
        %get3A_1022 = arith.constant 80 : index
        %get3A_1023 = tpu.vector_load %arg9[%get3A_1021, %get3A_1022] {strides = array<i32>} : memref<128x128xf32, #tpu.memory_space<vmem>>, vector<16xf32>,
        %mul3A_1024 = vector.broadcast %squeeze3A_978 : f32 to vector<16xf32>
        %mul3A_1025 = arith.mulf %get3A_1023, %mul3A_1024 : vector<16xf32>
        %swap3A_1026 = arith.index_cast %add3A_980 : i32 to index
        %swap3A_1027 = arith.constant 80 : index
        %swap3A_1028 = tpu.vector_load %arg9[%swap3A_1026, %swap3A_1027] {strides = array<i32>} : memref<128x128xf32, #tpu.memory_space<vmem>>, vector<16xf32>,
        tpu.vector_store %arg9[%swap3A_1026, %swap3A_1027], %mul3A_1025 {strides = array<i32>} : memref<128x128xf32, #tpu.memory_space<vmem>>, vector<16xf32>,
        %get3A_1029 = arith.index_cast %add3A_980 : i32 to index
        %get3A_1030 = arith.constant 96 : index
        %get3A_1031 = tpu.vector_load %arg9[%get3A_1029, %get3A_1030] {strides = array<i32>} : memref<128x128xf32, #tpu.memory_space<vmem>>, vector<16xf32>,
        %mul3A_1032 = vector.broadcast %squeeze3A_978 : f32 to vector<16xf32>
        %mul3A_1033 = arith.mulf %get3A_1031, %mul3A_1032 : vector<16xf32>
        %swap3A_1034 = arith.index_cast %add3A_980 : i32 to index
        %swap3A_1035 = arith.constant 96 : index
        %swap3A_1036 = tpu.vector_load %arg9[%swap3A_1034, %swap3A_1035] {strides = array<i32>} : memref<128x128xf32, #tpu.memory_space<vmem>>, vector<16xf32>,
        tpu.vector_store %arg9[%swap3A_1034, %swap3A_1035], %mul3A_1033 {strides = array<i32>} : memref<128x128xf32, #tpu.memory_space<vmem>>, vector<16xf32>,
        %get3A_1037 = arith.index_cast %add3A_980 : i32 to index
        %get3A_1038 = arith.constant 112 : index
        %get3A_1039 = tpu.vector_load %arg9[%get3A_1037, %get3A_1038] {strides = array<i32>} : memref<128x128xf32, #tpu.memory_space<vmem>>, vector<16xf32>,
        %mul3A_1040 = vector.broadcast %squeeze3A_978 : f32 to vector<16xf32>
        %mul3A_1041 = arith.mulf %get3A_1039, %mul3A_1040 : vector<16xf32>
        %swap3A_1042 = arith.index_cast %add3A_980 : i32 to index
        %swap3A_1043 = arith.constant 112 : index
        %swap3A_1044 = tpu.vector_load %arg9[%swap3A_1042, %swap3A_1043] {strides = array<i32>} : memref<128x128xf32, #tpu.memory_space<vmem>>, vector<16xf32>,
        tpu.vector_store %arg9[%swap3A_1042, %swap3A_1043], %mul3A_1041 {strides = array<i32>} : memref<128x128xf32, #tpu.memory_space<vmem>>, vector<16xf32>,
        %slice3A_1045 = vector.extract_strided_slice %get3A_434 {offsets = [9], sizes = [1], strides = [1]} : vector<16xf32> to vector<1xf32>
        %squeeze3A_1046 = vector.extract %slice3A_1045[0] : f32 from vector<1xf32>
        %add3A_1047 = arith.constant 9 : i32
        %add3A_1048 = arith.addi %mul3A_432, %add3A_1047 : i32
        %get3A_1049 = arith.index_cast %add3A_1048 : i32 to index
        %get3A_1050 = arith.constant 0 : index
        %get3A_1051 = tpu.vector_load %arg9[%get3A_1049, %get3A_1050] {strides = array<i32>} : memref<128x128xf32, #tpu.memory_space<vmem>>, vector<16xf32>,
        %mul3A_1052 = vector.broadcast %squeeze3A_1046 : f32 to vector<16xf32>
        %mul3A_1053 = arith.mulf %get3A_1051, %mul3A_1052 : vector<16xf32>
        %swap3A_1054 = arith.index_cast %add3A_1048 : i32 to index
        %swap3A_1055 = arith.constant 0 : index
        %swap3A_1056 = tpu.vector_load %arg9[%swap3A_1054, %swap3A_1055] {strides = array<i32>} : memref<128x128xf32, #tpu.memory_space<vmem>>, vector<16xf32>,
        tpu.vector_store %arg9[%swap3A_1054, %swap3A_1055], %mul3A_1053 {strides = array<i32>} : memref<128x128xf32, #tpu.memory_space<vmem>>, vector<16xf32>,
        %get3A_1057 = arith.index_cast %add3A_1048 : i32 to index
        %get3A_1058 = arith.constant 16 : index
        %get3A_1059 = tpu.vector_load %arg9[%get3A_1057, %get3A_1058] {strides = array<i32>} : memref<128x128xf32, #tpu.memory_space<vmem>>, vector<16xf32>,
        %mul3A_1060 = vector.broadcast %squeeze3A_1046 : f32 to vector<16xf32>
        %mul3A_1061 = arith.mulf %get3A_1059, %mul3A_1060 : vector<16xf32>
        %swap3A_1062 = arith.index_cast %add3A_1048 : i32 to index
        %swap3A_1063 = arith.constant 16 : index
        %swap3A_1064 = tpu.vector_load %arg9[%swap3A_1062, %swap3A_1063] {strides = array<i32>} : memref<128x128xf32, #tpu.memory_space<vmem>>, vector<16xf32>,
        tpu.vector_store %arg9[%swap3A_1062, %swap3A_1063], %mul3A_1061 {strides = array<i32>} : memref<128x128xf32, #tpu.memory_space<vmem>>, vector<16xf32>,
        %get3A_1065 = arith.index_cast %add3A_1048 : i32 to index
        %get3A_1066 = arith.constant 32 : index
        %get3A_1067 = tpu.vector_load %arg9[%get3A_1065, %get3A_1066] {strides = array<i32>} : memref<128x128xf32, #tpu.memory_space<vmem>>, vector<16xf32>,
        %mul3A_1068 = vector.broadcast %squeeze3A_1046 : f32 to vector<16xf32>
        %mul3A_1069 = arith.mulf %get3A_1067, %mul3A_1068 : vector<16xf32>
        %swap3A_1070 = arith.index_cast %add3A_1048 : i32 to index
        %swap3A_1071 = arith.constant 32 : index
        %swap3A_1072 = tpu.vector_load %arg9[%swap3A_1070, %swap3A_1071] {strides = array<i32>} : memref<128x128xf32, #tpu.memory_space<vmem>>, vector<16xf32>,
        tpu.vector_store %arg9[%swap3A_1070, %swap3A_1071], %mul3A_1069 {strides = array<i32>} : memref<128x128xf32, #tpu.memory_space<vmem>>, vector<16xf32>,
        %get3A_1073 = arith.index_cast %add3A_1048 : i32 to index
        %get3A_1074 = arith.constant 48 : index
        %get3A_1075 = tpu.vector_load %arg9[%get3A_1073, %get3A_1074] {strides = array<i32>} : memref<128x128xf32, #tpu.memory_space<vmem>>, vector<16xf32>,
        %mul3A_1076 = vector.broadcast %squeeze3A_1046 : f32 to vector<16xf32>
        %mul3A_1077 = arith.mulf %get3A_1075, %mul3A_1076 : vector<16xf32>
        %swap3A_1078 = arith.index_cast %add3A_1048 : i32 to index
        %swap3A_1079 = arith.constant 48 : index
        %swap3A_1080 = tpu.vector_load %arg9[%swap3A_1078, %swap3A_1079] {strides = array<i32>} : memref<128x128xf32, #tpu.memory_space<vmem>>, vector<16xf32>,
        tpu.vector_store %arg9[%swap3A_1078, %swap3A_1079], %mul3A_1077 {strides = array<i32>} : memref<128x128xf32, #tpu.memory_space<vmem>>, vector<16xf32>,
        %get3A_1081 = arith.index_cast %add3A_1048 : i32 to index
        %get3A_1082 = arith.constant 64 : index
        %get3A_1083 = tpu.vector_load %arg9[%get3A_1081, %get3A_1082] {strides = array<i32>} : memref<128x128xf32, #tpu.memory_space<vmem>>, vector<16xf32>,
        %mul3A_1084 = vector.broadcast %squeeze3A_1046 : f32 to vector<16xf32>
        %mul3A_1085 = arith.mulf %get3A_1083, %mul3A_1084 : vector<16xf32>
        %swap3A_1086 = arith.index_cast %add3A_1048 : i32 to index
        %swap3A_1087 = arith.constant 64 : index
        %swap3A_1088 = tpu.vector_load %arg9[%swap3A_1086, %swap3A_1087] {strides = array<i32>} : memref<128x128xf32, #tpu.memory_space<vmem>>, vector<16xf32>,
        tpu.vector_store %arg9[%swap3A_1086, %swap3A_1087], %mul3A_1085 {strides = array<i32>} : memref<128x128xf32, #tpu.memory_space<vmem>>, vector<16xf32>,
        %get3A_1089 = arith.index_cast %add3A_1048 : i32 to index
        %get3A_1090 = arith.constant 80 : index
        %get3A_1091 = tpu.vector_load %arg9[%get3A_1089, %get3A_1090] {strides = array<i32>} : memref<128x128xf32, #tpu.memory_space<vmem>>, vector<16xf32>,
        %mul3A_1092 = vector.broadcast %squeeze3A_1046 : f32 to vector<16xf32>
        %mul3A_1093 = arith.mulf %get3A_1091, %mul3A_1092 : vector<16xf32>
        %swap3A_1094 = arith.index_cast %add3A_1048 : i32 to index
        %swap3A_1095 = arith.constant 80 : index
        %swap3A_1096 = tpu.vector_load %arg9[%swap3A_1094, %swap3A_1095] {strides = array<i32>} : memref<128x128xf32, #tpu.memory_space<vmem>>, vector<16xf32>,
        tpu.vector_store %arg9[%swap3A_1094, %swap3A_1095], %mul3A_1093 {strides = array<i32>} : memref<128x128xf32, #tpu.memory_space<vmem>>, vector<16xf32>,
        %get3A_1097 = arith.index_cast %add3A_1048 : i32 to index
        %get3A_1098 = arith.constant 96 : index
        %get3A_1099 = tpu.vector_load %arg9[%get3A_1097, %get3A_1098] {strides = array<i32>} : memref<128x128xf32, #tpu.memory_space<vmem>>, vector<16xf32>,
        %mul3A_1100 = vector.broadcast %squeeze3A_1046 : f32 to vector<16xf32>
        %mul3A_1101 = arith.mulf %get3A_1099, %mul3A_1100 : vector<16xf32>
        %swap3A_1102 = arith.index_cast %add3A_1048 : i32 to index
        %swap3A_1103 = arith.constant 96 : index
        %swap3A_1104 = tpu.vector_load %arg9[%swap3A_1102, %swap3A_1103] {strides = array<i32>} : memref<128x128xf32, #tpu.memory_space<vmem>>, vector<16xf32>,
        tpu.vector_store %arg9[%swap3A_1102, %swap3A_1103], %mul3A_1101 {strides = array<i32>} : memref<128x128xf32, #tpu.memory_space<vmem>>, vector<16xf32>,
        %get3A_1105 = arith.index_cast %add3A_1048 : i32 to index
        %get3A_1106 = arith.constant 112 : index
        %get3A_1107 = tpu.vector_load %arg9[%get3A_1105, %get3A_1106] {strides = array<i32>} : memref<128x128xf32, #tpu.memory_space<vmem>>, vector<16xf32>,
        %mul3A_1108 = vector.broadcast %squeeze3A_1046 : f32 to vector<16xf32>
        %mul3A_1109 = arith.mulf %get3A_1107, %mul3A_1108 : vector<16xf32>
        %swap3A_1110 = arith.index_cast %add3A_1048 : i32 to index
        %swap3A_1111 = arith.constant 112 : index
        %swap3A_1112 = tpu.vector_load %arg9[%swap3A_1110, %swap3A_1111] {strides = array<i32>} : memref<128x128xf32, #tpu.memory_space<vmem>>, vector<16xf32>,
        tpu.vector_store %arg9[%swap3A_1110, %swap3A_1111], %mul3A_1109 {strides = array<i32>} : memref<128x128xf32, #tpu.memory_space<vmem>>, vector<16xf32>,
        %slice3A_1113 = vector.extract_strided_slice %get3A_434 {offsets = [10], sizes = [1], strides = [1]} : vector<16xf32> to vector<1xf32>
        %squeeze3A_1114 = vector.extract %slice3A_1113[0] : f32 from vector<1xf32>
        %add3A_1115 = arith.constant 10 : i32
        %add3A_1116 = arith.addi %mul3A_432, %add3A_1115 : i32
        %get3A_1117 = arith.index_cast %add3A_1116 : i32 to index
        %get3A_1118 = arith.constant 0 : index
        %get3A_1119 = tpu.vector_load %arg9[%get3A_1117, %get3A_1118] {strides = array<i32>} : memref<128x128xf32, #tpu.memory_space<vmem>>, vector<16xf32>,
        %mul3A_1120 = vector.broadcast %squeeze3A_1114 : f32 to vector<16xf32>
        %mul3A_1121 = arith.mulf %get3A_1119, %mul3A_1120 : vector<16xf32>
        %swap3A_1122 = arith.index_cast %add3A_1116 : i32 to index
        %swap3A_1123 = arith.constant 0 : index
        %swap3A_1124 = tpu.vector_load %arg9[%swap3A_1122, %swap3A_1123] {strides = array<i32>} : memref<128x128xf32, #tpu.memory_space<vmem>>, vector<16xf32>,
        tpu.vector_store %arg9[%swap3A_1122, %swap3A_1123], %mul3A_1121 {strides = array<i32>} : memref<128x128xf32, #tpu.memory_space<vmem>>, vector<16xf32>,
        %get3A_1125 = arith.index_cast %add3A_1116 : i32 to index
        %get3A_1126 = arith.constant 16 : index
        %get3A_1127 = tpu.vector_load %arg9[%get3A_1125, %get3A_1126] {strides = array<i32>} : memref<128x128xf32, #tpu.memory_space<vmem>>, vector<16xf32>,
        %mul3A_1128 = vector.broadcast %squeeze3A_1114 : f32 to vector<16xf32>
        %mul3A_1129 = arith.mulf %get3A_1127, %mul3A_1128 : vector<16xf32>
        %swap3A_1130 = arith.index_cast %add3A_1116 : i32 to index
        %swap3A_1131 = arith.constant 16 : index
        %swap3A_1132 = tpu.vector_load %arg9[%swap3A_1130, %swap3A_1131] {strides = array<i32>} : memref<128x128xf32, #tpu.memory_space<vmem>>, vector<16xf32>,
        tpu.vector_store %arg9[%swap3A_1130, %swap3A_1131], %mul3A_1129 {strides = array<i32>} : memref<128x128xf32, #tpu.memory_space<vmem>>, vector<16xf32>,
        %get3A_1133 = arith.index_cast %add3A_1116 : i32 to index
        %get3A_1134 = arith.constant 32 : index
        %get3A_1135 = tpu.vector_load %arg9[%get3A_1133, %get3A_1134] {strides = array<i32>} : memref<128x128xf32, #tpu.memory_space<vmem>>, vector<16xf32>,
        %mul3A_1136 = vector.broadcast %squeeze3A_1114 : f32 to vector<16xf32>
        %mul3A_1137 = arith.mulf %get3A_1135, %mul3A_1136 : vector<16xf32>
        %swap3A_1138 = arith.index_cast %add3A_1116 : i32 to index
        %swap3A_1139 = arith.constant 32 : index
        %swap3A_1140 = tpu.vector_load %arg9[%swap3A_1138, %swap3A_1139] {strides = array<i32>} : memref<128x128xf32, #tpu.memory_space<vmem>>, vector<16xf32>,
        tpu.vector_store %arg9[%swap3A_1138, %swap3A_1139], %mul3A_1137 {strides = array<i32>} : memref<128x128xf32, #tpu.memory_space<vmem>>, vector<16xf32>,
        %get3A_1141 = arith.index_cast %add3A_1116 : i32 to index
        %get3A_1142 = arith.constant 48 : index
        %get3A_1143 = tpu.vector_load %arg9[%get3A_1141, %get3A_1142] {strides = array<i32>} : memref<128x128xf32, #tpu.memory_space<vmem>>, vector<16xf32>,
        %mul3A_1144 = vector.broadcast %squeeze3A_1114 : f32 to vector<16xf32>
        %mul3A_1145 = arith.mulf %get3A_1143, %mul3A_1144 : vector<16xf32>
        %swap3A_1146 = arith.index_cast %add3A_1116 : i32 to index
        %swap3A_1147 = arith.constant 48 : index
        %swap3A_1148 = tpu.vector_load %arg9[%swap3A_1146, %swap3A_1147] {strides = array<i32>} : memref<128x128xf32, #tpu.memory_space<vmem>>, vector<16xf32>,
        tpu.vector_store %arg9[%swap3A_1146, %swap3A_1147], %mul3A_1145 {strides = array<i32>} : memref<128x128xf32, #tpu.memory_space<vmem>>, vector<16xf32>,
        %get3A_1149 = arith.index_cast %add3A_1116 : i32 to index
        %get3A_1150 = arith.constant 64 : index
        %get3A_1151 = tpu.vector_load %arg9[%get3A_1149, %get3A_1150] {strides = array<i32>} : memref<128x128xf32, #tpu.memory_space<vmem>>, vector<16xf32>,
        %mul3A_1152 = vector.broadcast %squeeze3A_1114 : f32 to vector<16xf32>
        %mul3A_1153 = arith.mulf %get3A_1151, %mul3A_1152 : vector<16xf32>
        %swap3A_1154 = arith.index_cast %add3A_1116 : i32 to index
        %swap3A_1155 = arith.constant 64 : index
        %swap3A_1156 = tpu.vector_load %arg9[%swap3A_1154, %swap3A_1155] {strides = array<i32>} : memref<128x128xf32, #tpu.memory_space<vmem>>, vector<16xf32>,
        tpu.vector_store %arg9[%swap3A_1154, %swap3A_1155], %mul3A_1153 {strides = array<i32>} : memref<128x128xf32, #tpu.memory_space<vmem>>, vector<16xf32>,
        %get3A_1157 = arith.index_cast %add3A_1116 : i32 to index
        %get3A_1158 = arith.constant 80 : index
        %get3A_1159 = tpu.vector_load %arg9[%get3A_1157, %get3A_1158] {strides = array<i32>} : memref<128x128xf32, #tpu.memory_space<vmem>>, vector<16xf32>,
        %mul3A_1160 = vector.broadcast %squeeze3A_1114 : f32 to vector<16xf32>
        %mul3A_1161 = arith.mulf %get3A_1159, %mul3A_1160 : vector<16xf32>
        %swap3A_1162 = arith.index_cast %add3A_1116 : i32 to index
        %swap3A_1163 = arith.constant 80 : index
        %swap3A_1164 = tpu.vector_load %arg9[%swap3A_1162, %swap3A_1163] {strides = array<i32>} : memref<128x128xf32, #tpu.memory_space<vmem>>, vector<16xf32>,
        tpu.vector_store %arg9[%swap3A_1162, %swap3A_1163], %mul3A_1161 {strides = array<i32>} : memref<128x128xf32, #tpu.memory_space<vmem>>, vector<16xf32>,
        %get3A_1165 = arith.index_cast %add3A_1116 : i32 to index
        %get3A_1166 = arith.constant 96 : index
        %get3A_1167 = tpu.vector_load %arg9[%get3A_1165, %get3A_1166] {strides = array<i32>} : memref<128x128xf32, #tpu.memory_space<vmem>>, vector<16xf32>,
        %mul3A_1168 = vector.broadcast %squeeze3A_1114 : f32 to vector<16xf32>
        %mul3A_1169 = arith.mulf %get3A_1167, %mul3A_1168 : vector<16xf32>
        %swap3A_1170 = arith.index_cast %add3A_1116 : i32 to index
        %swap3A_1171 = arith.constant 96 : index
        %swap3A_1172 = tpu.vector_load %arg9[%swap3A_1170, %swap3A_1171] {strides = array<i32>} : memref<128x128xf32, #tpu.memory_space<vmem>>, vector<16xf32>,
        tpu.vector_store %arg9[%swap3A_1170, %swap3A_1171], %mul3A_1169 {strides = array<i32>} : memref<128x128xf32, #tpu.memory_space<vmem>>, vector<16xf32>,
        %get3A_1173 = arith.index_cast %add3A_1116 : i32 to index
        %get3A_1174 = arith.constant 112 : index
        %get3A_1175 = tpu.vector_load %arg9[%get3A_1173, %get3A_1174] {strides = array<i32>} : memref<128x128xf32, #tpu.memory_space<vmem>>, vector<16xf32>,
        %mul3A_1176 = vector.broadcast %squeeze3A_1114 : f32 to vector<16xf32>
        %mul3A_1177 = arith.mulf %get3A_1175, %mul3A_1176 : vector<16xf32>
        %swap3A_1178 = arith.index_cast %add3A_1116 : i32 to index
        %swap3A_1179 = arith.constant 112 : index
        %swap3A_1180 = tpu.vector_load %arg9[%swap3A_1178, %swap3A_1179] {strides = array<i32>} : memref<128x128xf32, #tpu.memory_space<vmem>>, vector<16xf32>,
        tpu.vector_store %arg9[%swap3A_1178, %swap3A_1179], %mul3A_1177 {strides = array<i32>} : memref<128x128xf32, #tpu.memory_space<vmem>>, vector<16xf32>,
        %slice3A_1181 = vector.extract_strided_slice %get3A_434 {offsets = [11], sizes = [1], strides = [1]} : vector<16xf32> to vector<1xf32>
        %squeeze3A_1182 = vector.extract %slice3A_1181[0] : f32 from vector<1xf32>
        %add3A_1183 = arith.constant 11 : i32
        %add3A_1184 = arith.addi %mul3A_432, %add3A_1183 : i32
        %get3A_1185 = arith.index_cast %add3A_1184 : i32 to index
        %get3A_1186 = arith.constant 0 : index
        %get3A_1187 = tpu.vector_load %arg9[%get3A_1185, %get3A_1186] {strides = array<i32>} : memref<128x128xf32, #tpu.memory_space<vmem>>, vector<16xf32>,
        %mul3A_1188 = vector.broadcast %squeeze3A_1182 : f32 to vector<16xf32>
        %mul3A_1189 = arith.mulf %get3A_1187, %mul3A_1188 : vector<16xf32>
        %swap3A_1190 = arith.index_cast %add3A_1184 : i32 to index
        %swap3A_1191 = arith.constant 0 : index
        %swap3A_1192 = tpu.vector_load %arg9[%swap3A_1190, %swap3A_1191] {strides = array<i32>} : memref<128x128xf32, #tpu.memory_space<vmem>>, vector<16xf32>,
        tpu.vector_store %arg9[%swap3A_1190, %swap3A_1191], %mul3A_1189 {strides = array<i32>} : memref<128x128xf32, #tpu.memory_space<vmem>>, vector<16xf32>,
        %get3A_1193 = arith.index_cast %add3A_1184 : i32 to index
        %get3A_1194 = arith.constant 16 : index
        %get3A_1195 = tpu.vector_load %arg9[%get3A_1193, %get3A_1194] {strides = array<i32>} : memref<128x128xf32, #tpu.memory_space<vmem>>, vector<16xf32>,
        %mul3A_1196 = vector.broadcast %squeeze3A_1182 : f32 to vector<16xf32>
        %mul3A_1197 = arith.mulf %get3A_1195, %mul3A_1196 : vector<16xf32>
        %swap3A_1198 = arith.index_cast %add3A_1184 : i32 to index
        %swap3A_1199 = arith.constant 16 : index
        %swap3A_1200 = tpu.vector_load %arg9[%swap3A_1198, %swap3A_1199] {strides = array<i32>} : memref<128x128xf32, #tpu.memory_space<vmem>>, vector<16xf32>,
        tpu.vector_store %arg9[%swap3A_1198, %swap3A_1199], %mul3A_1197 {strides = array<i32>} : memref<128x128xf32, #tpu.memory_space<vmem>>, vector<16xf32>,
        %get3A_1201 = arith.index_cast %add3A_1184 : i32 to index
        %get3A_1202 = arith.constant 32 : index
        %get3A_1203 = tpu.vector_load %arg9[%get3A_1201, %get3A_1202] {strides = array<i32>} : memref<128x128xf32, #tpu.memory_space<vmem>>, vector<16xf32>,
        %mul3A_1204 = vector.broadcast %squeeze3A_1182 : f32 to vector<16xf32>
        %mul3A_1205 = arith.mulf %get3A_1203, %mul3A_1204 : vector<16xf32>
        %swap3A_1206 = arith.index_cast %add3A_1184 : i32 to index
        %swap3A_1207 = arith.constant 32 : index
        %swap3A_1208 = tpu.vector_load %arg9[%swap3A_1206, %swap3A_1207] {strides = array<i32>} : memref<128x128xf32, #tpu.memory_space<vmem>>, vector<16xf32>,
        tpu.vector_store %arg9[%swap3A_1206, %swap3A_1207], %mul3A_1205 {strides = array<i32>} : memref<128x128xf32, #tpu.memory_space<vmem>>, vector<16xf32>,
        %get3A_1209 = arith.index_cast %add3A_1184 : i32 to index
        %get3A_1210 = arith.constant 48 : index
        %get3A_1211 = tpu.vector_load %arg9[%get3A_1209, %get3A_1210] {strides = array<i32>} : memref<128x128xf32, #tpu.memory_space<vmem>>, vector<16xf32>,
        %mul3A_1212 = vector.broadcast %squeeze3A_1182 : f32 to vector<16xf32>
        %mul3A_1213 = arith.mulf %get3A_1211, %mul3A_1212 : vector<16xf32>
        %swap3A_1214 = arith.index_cast %add3A_1184 : i32 to index
        %swap3A_1215 = arith.constant 48 : index
        %swap3A_1216 = tpu.vector_load %arg9[%swap3A_1214, %swap3A_1215] {strides = array<i32>} : memref<128x128xf32, #tpu.memory_space<vmem>>, vector<16xf32>,
        tpu.vector_store %arg9[%swap3A_1214, %swap3A_1215], %mul3A_1213 {strides = array<i32>} : memref<128x128xf32, #tpu.memory_space<vmem>>, vector<16xf32>,
        %get3A_1217 = arith.index_cast %add3A_1184 : i32 to index
        %get3A_1218 = arith.constant 64 : index
        %get3A_1219 = tpu.vector_load %arg9[%get3A_1217, %get3A_1218] {strides = array<i32>} : memref<128x128xf32, #tpu.memory_space<vmem>>, vector<16xf32>,
        %mul3A_1220 = vector.broadcast %squeeze3A_1182 : f32 to vector<16xf32>
        %mul3A_1221 = arith.mulf %get3A_1219, %mul3A_1220 : vector<16xf32>
        %swap3A_1222 = arith.index_cast %add3A_1184 : i32 to index
        %swap3A_1223 = arith.constant 64 : index
        %swap3A_1224 = tpu.vector_load %arg9[%swap3A_1222, %swap3A_1223] {strides = array<i32>} : memref<128x128xf32, #tpu.memory_space<vmem>>, vector<16xf32>,
        tpu.vector_store %arg9[%swap3A_1222, %swap3A_1223], %mul3A_1221 {strides = array<i32>} : memref<128x128xf32, #tpu.memory_space<vmem>>, vector<16xf32>,
        %get3A_1225 = arith.index_cast %add3A_1184 : i32 to index
        %get3A_1226 = arith.constant 80 : index
        %get3A_1227 = tpu.vector_load %arg9[%get3A_1225, %get3A_1226] {strides = array<i32>} : memref<128x128xf32, #tpu.memory_space<vmem>>, vector<16xf32>,
        %mul3A_1228 = vector.broadcast %squeeze3A_1182 : f32 to vector<16xf32>
        %mul3A_1229 = arith.mulf %get3A_1227, %mul3A_1228 : vector<16xf32>
        %swap3A_1230 = arith.index_cast %add3A_1184 : i32 to index
        %swap3A_1231 = arith.constant 80 : index
        %swap3A_1232 = tpu.vector_load %arg9[%swap3A_1230, %swap3A_1231] {strides = array<i32>} : memref<128x128xf32, #tpu.memory_space<vmem>>, vector<16xf32>,
        tpu.vector_store %arg9[%swap3A_1230, %swap3A_1231], %mul3A_1229 {strides = array<i32>} : memref<128x128xf32, #tpu.memory_space<vmem>>, vector<16xf32>,
        %get3A_1233 = arith.index_cast %add3A_1184 : i32 to index
        %get3A_1234 = arith.constant 96 : index
        %get3A_1235 = tpu.vector_load %arg9[%get3A_1233, %get3A_1234] {strides = array<i32>} : memref<128x128xf32, #tpu.memory_space<vmem>>, vector<16xf32>,
        %mul3A_1236 = vector.broadcast %squeeze3A_1182 : f32 to vector<16xf32>
        %mul3A_1237 = arith.mulf %get3A_1235, %mul3A_1236 : vector<16xf32>
        %swap3A_1238 = arith.index_cast %add3A_1184 : i32 to index
        %swap3A_1239 = arith.constant 96 : index
        %swap3A_1240 = tpu.vector_load %arg9[%swap3A_1238, %swap3A_1239] {strides = array<i32>} : memref<128x128xf32, #tpu.memory_space<vmem>>, vector<16xf32>,
        tpu.vector_store %arg9[%swap3A_1238, %swap3A_1239], %mul3A_1237 {strides = array<i32>} : memref<128x128xf32, #tpu.memory_space<vmem>>, vector<16xf32>,
        %get3A_1241 = arith.index_cast %add3A_1184 : i32 to index
        %get3A_1242 = arith.constant 112 : index
        %get3A_1243 = tpu.vector_load %arg9[%get3A_1241, %get3A_1242] {strides = array<i32>} : memref<128x128xf32, #tpu.memory_space<vmem>>, vector<16xf32>,
        %mul3A_1244 = vector.broadcast %squeeze3A_1182 : f32 to vector<16xf32>
        %mul3A_1245 = arith.mulf %get3A_1243, %mul3A_1244 : vector<16xf32>
        %swap3A_1246 = arith.index_cast %add3A_1184 : i32 to index
        %swap3A_1247 = arith.constant 112 : index
        %swap3A_1248 = tpu.vector_load %arg9[%swap3A_1246, %swap3A_1247] {strides = array<i32>} : memref<128x128xf32, #tpu.memory_space<vmem>>, vector<16xf32>,
        tpu.vector_store %arg9[%swap3A_1246, %swap3A_1247], %mul3A_1245 {strides = array<i32>} : memref<128x128xf32, #tpu.memory_space<vmem>>, vector<16xf32>,
        %slice3A_1249 = vector.extract_strided_slice %get3A_434 {offsets = [12], sizes = [1], strides = [1]} : vector<16xf32> to vector<1xf32>
        %squeeze3A_1250 = vector.extract %slice3A_1249[0] : f32 from vector<1xf32>
        %add3A_1251 = arith.constant 12 : i32
        %add3A_1252 = arith.addi %mul3A_432, %add3A_1251 : i32
        %get3A_1253 = arith.index_cast %add3A_1252 : i32 to index
        %get3A_1254 = arith.constant 0 : index
        %get3A_1255 = tpu.vector_load %arg9[%get3A_1253, %get3A_1254] {strides = array<i32>} : memref<128x128xf32, #tpu.memory_space<vmem>>, vector<16xf32>,
        %mul3A_1256 = vector.broadcast %squeeze3A_1250 : f32 to vector<16xf32>
        %mul3A_1257 = arith.mulf %get3A_1255, %mul3A_1256 : vector<16xf32>
        %swap3A_1258 = arith.index_cast %add3A_1252 : i32 to index
        %swap3A_1259 = arith.constant 0 : index
        %swap3A_1260 = tpu.vector_load %arg9[%swap3A_1258, %swap3A_1259] {strides = array<i32>} : memref<128x128xf32, #tpu.memory_space<vmem>>, vector<16xf32>,
        tpu.vector_store %arg9[%swap3A_1258, %swap3A_1259], %mul3A_1257 {strides = array<i32>} : memref<128x128xf32, #tpu.memory_space<vmem>>, vector<16xf32>,
        %get3A_1261 = arith.index_cast %add3A_1252 : i32 to index
        %get3A_1262 = arith.constant 16 : index
        %get3A_1263 = tpu.vector_load %arg9[%get3A_1261, %get3A_1262] {strides = array<i32>} : memref<128x128xf32, #tpu.memory_space<vmem>>, vector<16xf32>,
        %mul3A_1264 = vector.broadcast %squeeze3A_1250 : f32 to vector<16xf32>
        %mul3A_1265 = arith.mulf %get3A_1263, %mul3A_1264 : vector<16xf32>
        %swap3A_1266 = arith.index_cast %add3A_1252 : i32 to index
        %swap3A_1267 = arith.constant 16 : index
        %swap3A_1268 = tpu.vector_load %arg9[%swap3A_1266, %swap3A_1267] {strides = array<i32>} : memref<128x128xf32, #tpu.memory_space<vmem>>, vector<16xf32>,
        tpu.vector_store %arg9[%swap3A_1266, %swap3A_1267], %mul3A_1265 {strides = array<i32>} : memref<128x128xf32, #tpu.memory_space<vmem>>, vector<16xf32>,
        %get3A_1269 = arith.index_cast %add3A_1252 : i32 to index
        %get3A_1270 = arith.constant 32 : index
        %get3A_1271 = tpu.vector_load %arg9[%get3A_1269, %get3A_1270] {strides = array<i32>} : memref<128x128xf32, #tpu.memory_space<vmem>>, vector<16xf32>,
        %mul3A_1272 = vector.broadcast %squeeze3A_1250 : f32 to vector<16xf32>
        %mul3A_1273 = arith.mulf %get3A_1271, %mul3A_1272 : vector<16xf32>
        %swap3A_1274 = arith.index_cast %add3A_1252 : i32 to index
        %swap3A_1275 = arith.constant 32 : index
        %swap3A_1276 = tpu.vector_load %arg9[%swap3A_1274, %swap3A_1275] {strides = array<i32>} : memref<128x128xf32, #tpu.memory_space<vmem>>, vector<16xf32>,
        tpu.vector_store %arg9[%swap3A_1274, %swap3A_1275], %mul3A_1273 {strides = array<i32>} : memref<128x128xf32, #tpu.memory_space<vmem>>, vector<16xf32>,
        %get3A_1277 = arith.index_cast %add3A_1252 : i32 to index
        %get3A_1278 = arith.constant 48 : index
        %get3A_1279 = tpu.vector_load %arg9[%get3A_1277, %get3A_1278] {strides = array<i32>} : memref<128x128xf32, #tpu.memory_space<vmem>>, vector<16xf32>,
        %mul3A_1280 = vector.broadcast %squeeze3A_1250 : f32 to vector<16xf32>
        %mul3A_1281 = arith.mulf %get3A_1279, %mul3A_1280 : vector<16xf32>
        %swap3A_1282 = arith.index_cast %add3A_1252 : i32 to index
        %swap3A_1283 = arith.constant 48 : index
        %swap3A_1284 = tpu.vector_load %arg9[%swap3A_1282, %swap3A_1283] {strides = array<i32>} : memref<128x128xf32, #tpu.memory_space<vmem>>, vector<16xf32>,
        tpu.vector_store %arg9[%swap3A_1282, %swap3A_1283], %mul3A_1281 {strides = array<i32>} : memref<128x128xf32, #tpu.memory_space<vmem>>, vector<16xf32>,
        %get3A_1285 = arith.index_cast %add3A_1252 : i32 to index
        %get3A_1286 = arith.constant 64 : index
        %get3A_1287 = tpu.vector_load %arg9[%get3A_1285, %get3A_1286] {strides = array<i32>} : memref<128x128xf32, #tpu.memory_space<vmem>>, vector<16xf32>,
        %mul3A_1288 = vector.broadcast %squeeze3A_1250 : f32 to vector<16xf32>
        %mul3A_1289 = arith.mulf %get3A_1287, %mul3A_1288 : vector<16xf32>
        %swap3A_1290 = arith.index_cast %add3A_1252 : i32 to index
        %swap3A_1291 = arith.constant 64 : index
        %swap3A_1292 = tpu.vector_load %arg9[%swap3A_1290, %swap3A_1291] {strides = array<i32>} : memref<128x128xf32, #tpu.memory_space<vmem>>, vector<16xf32>,
        tpu.vector_store %arg9[%swap3A_1290, %swap3A_1291], %mul3A_1289 {strides = array<i32>} : memref<128x128xf32, #tpu.memory_space<vmem>>, vector<16xf32>,
        %get3A_1293 = arith.index_cast %add3A_1252 : i32 to index
        %get3A_1294 = arith.constant 80 : index
        %get3A_1295 = tpu.vector_load %arg9[%get3A_1293, %get3A_1294] {strides = array<i32>} : memref<128x128xf32, #tpu.memory_space<vmem>>, vector<16xf32>,
        %mul3A_1296 = vector.broadcast %squeeze3A_1250 : f32 to vector<16xf32>
        %mul3A_1297 = arith.mulf %get3A_1295, %mul3A_1296 : vector<16xf32>
        %swap3A_1298 = arith.index_cast %add3A_1252 : i32 to index
        %swap3A_1299 = arith.constant 80 : index
        %swap3A_1300 = tpu.vector_load %arg9[%swap3A_1298, %swap3A_1299] {strides = array<i32>} : memref<128x128xf32, #tpu.memory_space<vmem>>, vector<16xf32>,
        tpu.vector_store %arg9[%swap3A_1298, %swap3A_1299], %mul3A_1297 {strides = array<i32>} : memref<128x128xf32, #tpu.memory_space<vmem>>, vector<16xf32>,
        %get3A_1301 = arith.index_cast %add3A_1252 : i32 to index
        %get3A_1302 = arith.constant 96 : index
        %get3A_1303 = tpu.vector_load %arg9[%get3A_1301, %get3A_1302] {strides = array<i32>} : memref<128x128xf32, #tpu.memory_space<vmem>>, vector<16xf32>,
        %mul3A_1304 = vector.broadcast %squeeze3A_1250 : f32 to vector<16xf32>
        %mul3A_1305 = arith.mulf %get3A_1303, %mul3A_1304 : vector<16xf32>
        %swap3A_1306 = arith.index_cast %add3A_1252 : i32 to index
        %swap3A_1307 = arith.constant 96 : index
        %swap3A_1308 = tpu.vector_load %arg9[%swap3A_1306, %swap3A_1307] {strides = array<i32>} : memref<128x128xf32, #tpu.memory_space<vmem>>, vector<16xf32>,
        tpu.vector_store %arg9[%swap3A_1306, %swap3A_1307], %mul3A_1305 {strides = array<i32>} : memref<128x128xf32, #tpu.memory_space<vmem>>, vector<16xf32>,
        %get3A_1309 = arith.index_cast %add3A_1252 : i32 to index
        %get3A_1310 = arith.constant 112 : index
        %get3A_1311 = tpu.vector_load %arg9[%get3A_1309, %get3A_1310] {strides = array<i32>} : memref<128x128xf32, #tpu.memory_space<vmem>>, vector<16xf32>,
        %mul3A_1312 = vector.broadcast %squeeze3A_1250 : f32 to vector<16xf32>
        %mul3A_1313 = arith.mulf %get3A_1311, %mul3A_1312 : vector<16xf32>
        %swap3A_1314 = arith.index_cast %add3A_1252 : i32 to index
        %swap3A_1315 = arith.constant 112 : index
        %swap3A_1316 = tpu.vector_load %arg9[%swap3A_1314, %swap3A_1315] {strides = array<i32>} : memref<128x128xf32, #tpu.memory_space<vmem>>, vector<16xf32>,
        tpu.vector_store %arg9[%swap3A_1314, %swap3A_1315], %mul3A_1313 {strides = array<i32>} : memref<128x128xf32, #tpu.memory_space<vmem>>, vector<16xf32>,
        %slice3A_1317 = vector.extract_strided_slice %get3A_434 {offsets = [13], sizes = [1], strides = [1]} : vector<16xf32> to vector<1xf32>
        %squeeze3A_1318 = vector.extract %slice3A_1317[0] : f32 from vector<1xf32>
        %add3A_1319 = arith.constant 13 : i32
        %add3A_1320 = arith.addi %mul3A_432, %add3A_1319 : i32
        %get3A_1321 = arith.index_cast %add3A_1320 : i32 to index
        %get3A_1322 = arith.constant 0 : index
        %get3A_1323 = tpu.vector_load %arg9[%get3A_1321, %get3A_1322] {strides = array<i32>} : memref<128x128xf32, #tpu.memory_space<vmem>>, vector<16xf32>,
        %mul3A_1324 = vector.broadcast %squeeze3A_1318 : f32 to vector<16xf32>
        %mul3A_1325 = arith.mulf %get3A_1323, %mul3A_1324 : vector<16xf32>
        %swap3A_1326 = arith.index_cast %add3A_1320 : i32 to index
        %swap3A_1327 = arith.constant 0 : index
        %swap3A_1328 = tpu.vector_load %arg9[%swap3A_1326, %swap3A_1327] {strides = array<i32>} : memref<128x128xf32, #tpu.memory_space<vmem>>, vector<16xf32>,
        tpu.vector_store %arg9[%swap3A_1326, %swap3A_1327], %mul3A_1325 {strides = array<i32>} : memref<128x128xf32, #tpu.memory_space<vmem>>, vector<16xf32>,
        %get3A_1329 = arith.index_cast %add3A_1320 : i32 to index
        %get3A_1330 = arith.constant 16 : index
        %get3A_1331 = tpu.vector_load %arg9[%get3A_1329, %get3A_1330] {strides = array<i32>} : memref<128x128xf32, #tpu.memory_space<vmem>>, vector<16xf32>,
        %mul3A_1332 = vector.broadcast %squeeze3A_1318 : f32 to vector<16xf32>
        %mul3A_1333 = arith.mulf %get3A_1331, %mul3A_1332 : vector<16xf32>
        %swap3A_1334 = arith.index_cast %add3A_1320 : i32 to index
        %swap3A_1335 = arith.constant 16 : index
        %swap3A_1336 = tpu.vector_load %arg9[%swap3A_1334, %swap3A_1335] {strides = array<i32>} : memref<128x128xf32, #tpu.memory_space<vmem>>, vector<16xf32>,
        tpu.vector_store %arg9[%swap3A_1334, %swap3A_1335], %mul3A_1333 {strides = array<i32>} : memref<128x128xf32, #tpu.memory_space<vmem>>, vector<16xf32>,
        %get3A_1337 = arith.index_cast %add3A_1320 : i32 to index
        %get3A_1338 = arith.constant 32 : index
        %get3A_1339 = tpu.vector_load %arg9[%get3A_1337, %get3A_1338] {strides = array<i32>} : memref<128x128xf32, #tpu.memory_space<vmem>>, vector<16xf32>,
        %mul3A_1340 = vector.broadcast %squeeze3A_1318 : f32 to vector<16xf32>
        %mul3A_1341 = arith.mulf %get3A_1339, %mul3A_1340 : vector<16xf32>
        %swap3A_1342 = arith.index_cast %add3A_1320 : i32 to index
        %swap3A_1343 = arith.constant 32 : index
        %swap3A_1344 = tpu.vector_load %arg9[%swap3A_1342, %swap3A_1343] {strides = array<i32>} : memref<128x128xf32, #tpu.memory_space<vmem>>, vector<16xf32>,
        tpu.vector_store %arg9[%swap3A_1342, %swap3A_1343], %mul3A_1341 {strides = array<i32>} : memref<128x128xf32, #tpu.memory_space<vmem>>, vector<16xf32>,
        %get3A_1345 = arith.index_cast %add3A_1320 : i32 to index
        %get3A_1346 = arith.constant 48 : index
        %get3A_1347 = tpu.vector_load %arg9[%get3A_1345, %get3A_1346] {strides = array<i32>} : memref<128x128xf32, #tpu.memory_space<vmem>>, vector<16xf32>,
        %mul3A_1348 = vector.broadcast %squeeze3A_1318 : f32 to vector<16xf32>
        %mul3A_1349 = arith.mulf %get3A_1347, %mul3A_1348 : vector<16xf32>
        %swap3A_1350 = arith.index_cast %add3A_1320 : i32 to index
        %swap3A_1351 = arith.constant 48 : index
        %swap3A_1352 = tpu.vector_load %arg9[%swap3A_1350, %swap3A_1351] {strides = array<i32>} : memref<128x128xf32, #tpu.memory_space<vmem>>, vector<16xf32>,
        tpu.vector_store %arg9[%swap3A_1350, %swap3A_1351], %mul3A_1349 {strides = array<i32>} : memref<128x128xf32, #tpu.memory_space<vmem>>, vector<16xf32>,
        %get3A_1353 = arith.index_cast %add3A_1320 : i32 to index
        %get3A_1354 = arith.constant 64 : index
        %get3A_1355 = tpu.vector_load %arg9[%get3A_1353, %get3A_1354] {strides = array<i32>} : memref<128x128xf32, #tpu.memory_space<vmem>>, vector<16xf32>,
        %mul3A_1356 = vector.broadcast %squeeze3A_1318 : f32 to vector<16xf32>
        %mul3A_1357 = arith.mulf %get3A_1355, %mul3A_1356 : vector<16xf32>
        %swap3A_1358 = arith.index_cast %add3A_1320 : i32 to index
        %swap3A_1359 = arith.constant 64 : index
        %swap3A_1360 = tpu.vector_load %arg9[%swap3A_1358, %swap3A_1359] {strides = array<i32>} : memref<128x128xf32, #tpu.memory_space<vmem>>, vector<16xf32>,
        tpu.vector_store %arg9[%swap3A_1358, %swap3A_1359], %mul3A_1357 {strides = array<i32>} : memref<128x128xf32, #tpu.memory_space<vmem>>, vector<16xf32>,
        %get3A_1361 = arith.index_cast %add3A_1320 : i32 to index
        %get3A_1362 = arith.constant 80 : index
        %get3A_1363 = tpu.vector_load %arg9[%get3A_1361, %get3A_1362] {strides = array<i32>} : memref<128x128xf32, #tpu.memory_space<vmem>>, vector<16xf32>,
        %mul3A_1364 = vector.broadcast %squeeze3A_1318 : f32 to vector<16xf32>
        %mul3A_1365 = arith.mulf %get3A_1363, %mul3A_1364 : vector<16xf32>
        %swap3A_1366 = arith.index_cast %add3A_1320 : i32 to index
        %swap3A_1367 = arith.constant 80 : index
        %swap3A_1368 = tpu.vector_load %arg9[%swap3A_1366, %swap3A_1367] {strides = array<i32>} : memref<128x128xf32, #tpu.memory_space<vmem>>, vector<16xf32>,
        tpu.vector_store %arg9[%swap3A_1366, %swap3A_1367], %mul3A_1365 {strides = array<i32>} : memref<128x128xf32, #tpu.memory_space<vmem>>, vector<16xf32>,
        %get3A_1369 = arith.index_cast %add3A_1320 : i32 to index
        %get3A_1370 = arith.constant 96 : index
        %get3A_1371 = tpu.vector_load %arg9[%get3A_1369, %get3A_1370] {strides = array<i32>} : memref<128x128xf32, #tpu.memory_space<vmem>>, vector<16xf32>,
        %mul3A_1372 = vector.broadcast %squeeze3A_1318 : f32 to vector<16xf32>
        %mul3A_1373 = arith.mulf %get3A_1371, %mul3A_1372 : vector<16xf32>
        %swap3A_1374 = arith.index_cast %add3A_1320 : i32 to index
        %swap3A_1375 = arith.constant 96 : index
        %swap3A_1376 = tpu.vector_load %arg9[%swap3A_1374, %swap3A_1375] {strides = array<i32>} : memref<128x128xf32, #tpu.memory_space<vmem>>, vector<16xf32>,
        tpu.vector_store %arg9[%swap3A_1374, %swap3A_1375], %mul3A_1373 {strides = array<i32>} : memref<128x128xf32, #tpu.memory_space<vmem>>, vector<16xf32>,
        %get3A_1377 = arith.index_cast %add3A_1320 : i32 to index
        %get3A_1378 = arith.constant 112 : index
        %get3A_1379 = tpu.vector_load %arg9[%get3A_1377, %get3A_1378] {strides = array<i32>} : memref<128x128xf32, #tpu.memory_space<vmem>>, vector<16xf32>,
        %mul3A_1380 = vector.broadcast %squeeze3A_1318 : f32 to vector<16xf32>
        %mul3A_1381 = arith.mulf %get3A_1379, %mul3A_1380 : vector<16xf32>
        %swap3A_1382 = arith.index_cast %add3A_1320 : i32 to index
        %swap3A_1383 = arith.constant 112 : index
        %swap3A_1384 = tpu.vector_load %arg9[%swap3A_1382, %swap3A_1383] {strides = array<i32>} : memref<128x128xf32, #tpu.memory_space<vmem>>, vector<16xf32>,
        tpu.vector_store %arg9[%swap3A_1382, %swap3A_1383], %mul3A_1381 {strides = array<i32>} : memref<128x128xf32, #tpu.memory_space<vmem>>, vector<16xf32>,
        %slice3A_1385 = vector.extract_strided_slice %get3A_434 {offsets = [14], sizes = [1], strides = [1]} : vector<16xf32> to vector<1xf32>
        %squeeze3A_1386 = vector.extract %slice3A_1385[0] : f32 from vector<1xf32>
        %add3A_1387 = arith.constant 14 : i32
        %add3A_1388 = arith.addi %mul3A_432, %add3A_1387 : i32
        %get3A_1389 = arith.index_cast %add3A_1388 : i32 to index
        %get3A_1390 = arith.constant 0 : index
        %get3A_1391 = tpu.vector_load %arg9[%get3A_1389, %get3A_1390] {strides = array<i32>} : memref<128x128xf32, #tpu.memory_space<vmem>>, vector<16xf32>,
        %mul3A_1392 = vector.broadcast %squeeze3A_1386 : f32 to vector<16xf32>
        %mul3A_1393 = arith.mulf %get3A_1391, %mul3A_1392 : vector<16xf32>
        %swap3A_1394 = arith.index_cast %add3A_1388 : i32 to index
        %swap3A_1395 = arith.constant 0 : index
        %swap3A_1396 = tpu.vector_load %arg9[%swap3A_1394, %swap3A_1395] {strides = array<i32>} : memref<128x128xf32, #tpu.memory_space<vmem>>, vector<16xf32>,
        tpu.vector_store %arg9[%swap3A_1394, %swap3A_1395], %mul3A_1393 {strides = array<i32>} : memref<128x128xf32, #tpu.memory_space<vmem>>, vector<16xf32>,
        %get3A_1397 = arith.index_cast %add3A_1388 : i32 to index
        %get3A_1398 = arith.constant 16 : index
        %get3A_1399 = tpu.vector_load %arg9[%get3A_1397, %get3A_1398] {strides = array<i32>} : memref<128x128xf32, #tpu.memory_space<vmem>>, vector<16xf32>,
        %mul3A_1400 = vector.broadcast %squeeze3A_1386 : f32 to vector<16xf32>
        %mul3A_1401 = arith.mulf %get3A_1399, %mul3A_1400 : vector<16xf32>
        %swap3A_1402 = arith.index_cast %add3A_1388 : i32 to index
        %swap3A_1403 = arith.constant 16 : index
        %swap3A_1404 = tpu.vector_load %arg9[%swap3A_1402, %swap3A_1403] {strides = array<i32>} : memref<128x128xf32, #tpu.memory_space<vmem>>, vector<16xf32>,
        tpu.vector_store %arg9[%swap3A_1402, %swap3A_1403], %mul3A_1401 {strides = array<i32>} : memref<128x128xf32, #tpu.memory_space<vmem>>, vector<16xf32>,
        %get3A_1405 = arith.index_cast %add3A_1388 : i32 to index
        %get3A_1406 = arith.constant 32 : index
        %get3A_1407 = tpu.vector_load %arg9[%get3A_1405, %get3A_1406] {strides = array<i32>} : memref<128x128xf32, #tpu.memory_space<vmem>>, vector<16xf32>,
        %mul3A_1408 = vector.broadcast %squeeze3A_1386 : f32 to vector<16xf32>
        %mul3A_1409 = arith.mulf %get3A_1407, %mul3A_1408 : vector<16xf32>
        %swap3A_1410 = arith.index_cast %add3A_1388 : i32 to index
        %swap3A_1411 = arith.constant 32 : index
        %swap3A_1412 = tpu.vector_load %arg9[%swap3A_1410, %swap3A_1411] {strides = array<i32>} : memref<128x128xf32, #tpu.memory_space<vmem>>, vector<16xf32>,
        tpu.vector_store %arg9[%swap3A_1410, %swap3A_1411], %mul3A_1409 {strides = array<i32>} : memref<128x128xf32, #tpu.memory_space<vmem>>, vector<16xf32>,
        %get3A_1413 = arith.index_cast %add3A_1388 : i32 to index
        %get3A_1414 = arith.constant 48 : index
        %get3A_1415 = tpu.vector_load %arg9[%get3A_1413, %get3A_1414] {strides = array<i32>} : memref<128x128xf32, #tpu.memory_space<vmem>>, vector<16xf32>,
        %mul3A_1416 = vector.broadcast %squeeze3A_1386 : f32 to vector<16xf32>
        %mul3A_1417 = arith.mulf %get3A_1415, %mul3A_1416 : vector<16xf32>
        %swap3A_1418 = arith.index_cast %add3A_1388 : i32 to index
        %swap3A_1419 = arith.constant 48 : index
        %swap3A_1420 = tpu.vector_load %arg9[%swap3A_1418, %swap3A_1419] {strides = array<i32>} : memref<128x128xf32, #tpu.memory_space<vmem>>, vector<16xf32>,
        tpu.vector_store %arg9[%swap3A_1418, %swap3A_1419], %mul3A_1417 {strides = array<i32>} : memref<128x128xf32, #tpu.memory_space<vmem>>, vector<16xf32>,
        %get3A_1421 = arith.index_cast %add3A_1388 : i32 to index
        %get3A_1422 = arith.constant 64 : index
        %get3A_1423 = tpu.vector_load %arg9[%get3A_1421, %get3A_1422] {strides = array<i32>} : memref<128x128xf32, #tpu.memory_space<vmem>>, vector<16xf32>,
        %mul3A_1424 = vector.broadcast %squeeze3A_1386 : f32 to vector<16xf32>
        %mul3A_1425 = arith.mulf %get3A_1423, %mul3A_1424 : vector<16xf32>
        %swap3A_1426 = arith.index_cast %add3A_1388 : i32 to index
        %swap3A_1427 = arith.constant 64 : index
        %swap3A_1428 = tpu.vector_load %arg9[%swap3A_1426, %swap3A_1427] {strides = array<i32>} : memref<128x128xf32, #tpu.memory_space<vmem>>, vector<16xf32>,
        tpu.vector_store %arg9[%swap3A_1426, %swap3A_1427], %mul3A_1425 {strides = array<i32>} : memref<128x128xf32, #tpu.memory_space<vmem>>, vector<16xf32>,
        %get3A_1429 = arith.index_cast %add3A_1388 : i32 to index
        %get3A_1430 = arith.constant 80 : index
        %get3A_1431 = tpu.vector_load %arg9[%get3A_1429, %get3A_1430] {strides = array<i32>} : memref<128x128xf32, #tpu.memory_space<vmem>>, vector<16xf32>,
        %mul3A_1432 = vector.broadcast %squeeze3A_1386 : f32 to vector<16xf32>
        %mul3A_1433 = arith.mulf %get3A_1431, %mul3A_1432 : vector<16xf32>
        %swap3A_1434 = arith.index_cast %add3A_1388 : i32 to index
        %swap3A_1435 = arith.constant 80 : index
        %swap3A_1436 = tpu.vector_load %arg9[%swap3A_1434, %swap3A_1435] {strides = array<i32>} : memref<128x128xf32, #tpu.memory_space<vmem>>, vector<16xf32>,
        tpu.vector_store %arg9[%swap3A_1434, %swap3A_1435], %mul3A_1433 {strides = array<i32>} : memref<128x128xf32, #tpu.memory_space<vmem>>, vector<16xf32>,
        %get3A_1437 = arith.index_cast %add3A_1388 : i32 to index
        %get3A_1438 = arith.constant 96 : index
        %get3A_1439 = tpu.vector_load %arg9[%get3A_1437, %get3A_1438] {strides = array<i32>} : memref<128x128xf32, #tpu.memory_space<vmem>>, vector<16xf32>,
        %mul3A_1440 = vector.broadcast %squeeze3A_1386 : f32 to vector<16xf32>
        %mul3A_1441 = arith.mulf %get3A_1439, %mul3A_1440 : vector<16xf32>
        %swap3A_1442 = arith.index_cast %add3A_1388 : i32 to index
        %swap3A_1443 = arith.constant 96 : index
        %swap3A_1444 = tpu.vector_load %arg9[%swap3A_1442, %swap3A_1443] {strides = array<i32>} : memref<128x128xf32, #tpu.memory_space<vmem>>, vector<16xf32>,
        tpu.vector_store %arg9[%swap3A_1442, %swap3A_1443], %mul3A_1441 {strides = array<i32>} : memref<128x128xf32, #tpu.memory_space<vmem>>, vector<16xf32>,
        %get3A_1445 = arith.index_cast %add3A_1388 : i32 to index
        %get3A_1446 = arith.constant 112 : index
        %get3A_1447 = tpu.vector_load %arg9[%get3A_1445, %get3A_1446] {strides = array<i32>} : memref<128x128xf32, #tpu.memory_space<vmem>>, vector<16xf32>,
        %mul3A_1448 = vector.broadcast %squeeze3A_1386 : f32 to vector<16xf32>
        %mul3A_1449 = arith.mulf %get3A_1447, %mul3A_1448 : vector<16xf32>
        %swap3A_1450 = arith.index_cast %add3A_1388 : i32 to index
        %swap3A_1451 = arith.constant 112 : index
        %swap3A_1452 = tpu.vector_load %arg9[%swap3A_1450, %swap3A_1451] {strides = array<i32>} : memref<128x128xf32, #tpu.memory_space<vmem>>, vector<16xf32>,
        tpu.vector_store %arg9[%swap3A_1450, %swap3A_1451], %mul3A_1449 {strides = array<i32>} : memref<128x128xf32, #tpu.memory_space<vmem>>, vector<16xf32>,
        %slice3A_1453 = vector.extract_strided_slice %get3A_434 {offsets = [15], sizes = [1], strides = [1]} : vector<16xf32> to vector<1xf32>
        %squeeze3A_1454 = vector.extract %slice3A_1453[0] : f32 from vector<1xf32>
        %add3A_1455 = arith.constant 15 : i32
        %add3A_1456 = arith.addi %mul3A_432, %add3A_1455 : i32
        %get3A_1457 = arith.index_cast %add3A_1456 : i32 to index
        %get3A_1458 = arith.constant 0 : index
        %get3A_1459 = tpu.vector_load %arg9[%get3A_1457, %get3A_1458] {strides = array<i32>} : memref<128x128xf32, #tpu.memory_space<vmem>>, vector<16xf32>,
        %mul3A_1460 = vector.broadcast %squeeze3A_1454 : f32 to vector<16xf32>
        %mul3A_1461 = arith.mulf %get3A_1459, %mul3A_1460 : vector<16xf32>
        %swap3A_1462 = arith.index_cast %add3A_1456 : i32 to index
        %swap3A_1463 = arith.constant 0 : index
        %swap3A_1464 = tpu.vector_load %arg9[%swap3A_1462, %swap3A_1463] {strides = array<i32>} : memref<128x128xf32, #tpu.memory_space<vmem>>, vector<16xf32>,
        tpu.vector_store %arg9[%swap3A_1462, %swap3A_1463], %mul3A_1461 {strides = array<i32>} : memref<128x128xf32, #tpu.memory_space<vmem>>, vector<16xf32>,
        %get3A_1465 = arith.index_cast %add3A_1456 : i32 to index
        %get3A_1466 = arith.constant 16 : index
        %get3A_1467 = tpu.vector_load %arg9[%get3A_1465, %get3A_1466] {strides = array<i32>} : memref<128x128xf32, #tpu.memory_space<vmem>>, vector<16xf32>,
        %mul3A_1468 = vector.broadcast %squeeze3A_1454 : f32 to vector<16xf32>
        %mul3A_1469 = arith.mulf %get3A_1467, %mul3A_1468 : vector<16xf32>
        %swap3A_1470 = arith.index_cast %add3A_1456 : i32 to index
        %swap3A_1471 = arith.constant 16 : index
        %swap3A_1472 = tpu.vector_load %arg9[%swap3A_1470, %swap3A_1471] {strides = array<i32>} : memref<128x128xf32, #tpu.memory_space<vmem>>, vector<16xf32>,
        tpu.vector_store %arg9[%swap3A_1470, %swap3A_1471], %mul3A_1469 {strides = array<i32>} : memref<128x128xf32, #tpu.memory_space<vmem>>, vector<16xf32>,
        %get3A_1473 = arith.index_cast %add3A_1456 : i32 to index
        %get3A_1474 = arith.constant 32 : index
        %get3A_1475 = tpu.vector_load %arg9[%get3A_1473, %get3A_1474] {strides = array<i32>} : memref<128x128xf32, #tpu.memory_space<vmem>>, vector<16xf32>,
        %mul3A_1476 = vector.broadcast %squeeze3A_1454 : f32 to vector<16xf32>
        %mul3A_1477 = arith.mulf %get3A_1475, %mul3A_1476 : vector<16xf32>
        %swap3A_1478 = arith.index_cast %add3A_1456 : i32 to index
        %swap3A_1479 = arith.constant 32 : index
        %swap3A_1480 = tpu.vector_load %arg9[%swap3A_1478, %swap3A_1479] {strides = array<i32>} : memref<128x128xf32, #tpu.memory_space<vmem>>, vector<16xf32>,
        tpu.vector_store %arg9[%swap3A_1478, %swap3A_1479], %mul3A_1477 {strides = array<i32>} : memref<128x128xf32, #tpu.memory_space<vmem>>, vector<16xf32>,
        %get3A_1481 = arith.index_cast %add3A_1456 : i32 to index
        %get3A_1482 = arith.constant 48 : index
        %get3A_1483 = tpu.vector_load %arg9[%get3A_1481, %get3A_1482] {strides = array<i32>} : memref<128x128xf32, #tpu.memory_space<vmem>>, vector<16xf32>,
        %mul3A_1484 = vector.broadcast %squeeze3A_1454 : f32 to vector<16xf32>
        %mul3A_1485 = arith.mulf %get3A_1483, %mul3A_1484 : vector<16xf32>
        %swap3A_1486 = arith.index_cast %add3A_1456 : i32 to index
        %swap3A_1487 = arith.constant 48 : index
        %swap3A_1488 = tpu.vector_load %arg9[%swap3A_1486, %swap3A_1487] {strides = array<i32>} : memref<128x128xf32, #tpu.memory_space<vmem>>, vector<16xf32>,
        tpu.vector_store %arg9[%swap3A_1486, %swap3A_1487], %mul3A_1485 {strides = array<i32>} : memref<128x128xf32, #tpu.memory_space<vmem>>, vector<16xf32>,
        %get3A_1489 = arith.index_cast %add3A_1456 : i32 to index
        %get3A_1490 = arith.constant 64 : index
        %get3A_1491 = tpu.vector_load %arg9[%get3A_1489, %get3A_1490] {strides = array<i32>} : memref<128x128xf32, #tpu.memory_space<vmem>>, vector<16xf32>,
        %mul3A_1492 = vector.broadcast %squeeze3A_1454 : f32 to vector<16xf32>
        %mul3A_1493 = arith.mulf %get3A_1491, %mul3A_1492 : vector<16xf32>
        %swap3A_1494 = arith.index_cast %add3A_1456 : i32 to index
        %swap3A_1495 = arith.constant 64 : index
        %swap3A_1496 = tpu.vector_load %arg9[%swap3A_1494, %swap3A_1495] {strides = array<i32>} : memref<128x128xf32, #tpu.memory_space<vmem>>, vector<16xf32>,
        tpu.vector_store %arg9[%swap3A_1494, %swap3A_1495], %mul3A_1493 {strides = array<i32>} : memref<128x128xf32, #tpu.memory_space<vmem>>, vector<16xf32>,
        %get3A_1497 = arith.index_cast %add3A_1456 : i32 to index
        %get3A_1498 = arith.constant 80 : index
        %get3A_1499 = tpu.vector_load %arg9[%get3A_1497, %get3A_1498] {strides = array<i32>} : memref<128x128xf32, #tpu.memory_space<vmem>>, vector<16xf32>,
        %mul3A_1500 = vector.broadcast %squeeze3A_1454 : f32 to vector<16xf32>
        %mul3A_1501 = arith.mulf %get3A_1499, %mul3A_1500 : vector<16xf32>
        %swap3A_1502 = arith.index_cast %add3A_1456 : i32 to index
        %swap3A_1503 = arith.constant 80 : index
        %swap3A_1504 = tpu.vector_load %arg9[%swap3A_1502, %swap3A_1503] {strides = array<i32>} : memref<128x128xf32, #tpu.memory_space<vmem>>, vector<16xf32>,
        tpu.vector_store %arg9[%swap3A_1502, %swap3A_1503], %mul3A_1501 {strides = array<i32>} : memref<128x128xf32, #tpu.memory_space<vmem>>, vector<16xf32>,
        %get3A_1505 = arith.index_cast %add3A_1456 : i32 to index
        %get3A_1506 = arith.constant 96 : index
        %get3A_1507 = tpu.vector_load %arg9[%get3A_1505, %get3A_1506] {strides = array<i32>} : memref<128x128xf32, #tpu.memory_space<vmem>>, vector<16xf32>,
        %mul3A_1508 = vector.broadcast %squeeze3A_1454 : f32 to vector<16xf32>
        %mul3A_1509 = arith.mulf %get3A_1507, %mul3A_1508 : vector<16xf32>
        %swap3A_1510 = arith.index_cast %add3A_1456 : i32 to index
        %swap3A_1511 = arith.constant 96 : index
        %swap3A_1512 = tpu.vector_load %arg9[%swap3A_1510, %swap3A_1511] {strides = array<i32>} : memref<128x128xf32, #tpu.memory_space<vmem>>, vector<16xf32>,
        tpu.vector_store %arg9[%swap3A_1510, %swap3A_1511], %mul3A_1509 {strides = array<i32>} : memref<128x128xf32, #tpu.memory_space<vmem>>, vector<16xf32>,
        %get3A_1513 = arith.index_cast %add3A_1456 : i32 to index
        %get3A_1514 = arith.constant 112 : index
        %get3A_1515 = tpu.vector_load %arg9[%get3A_1513, %get3A_1514] {strides = array<i32>} : memref<128x128xf32, #tpu.memory_space<vmem>>, vector<16xf32>,
        %mul3A_1516 = vector.broadcast %squeeze3A_1454 : f32 to vector<16xf32>
        %mul3A_1517 = arith.mulf %get3A_1515, %mul3A_1516 : vector<16xf32>
        %swap3A_1518 = arith.index_cast %add3A_1456 : i32 to index
        %swap3A_1519 = arith.constant 112 : index
        %swap3A_1520 = tpu.vector_load %arg9[%swap3A_1518, %swap3A_1519] {strides = array<i32>} : memref<128x128xf32, #tpu.memory_space<vmem>>, vector<16xf32>,
        tpu.vector_store %arg9[%swap3A_1518, %swap3A_1519], %mul3A_1517 {strides = array<i32>} : memref<128x128xf32, #tpu.memory_space<vmem>>, vector<16xf32>,
      }
      %scan3A_257 = arith.constant 8 : i32
      %dma_start3A_258 = arith.constant 0 : i32
      %dma_start3A_259 = arith.constant 0 : i32
      %dma_start3A_260 = tpu.memref_slice %arg37[%dma_start3A_258, %dma_start3A_259] : memref<10240x128xf32, #tpu.memory_space<vmem_shared>> -> memref<10240x128xf32, #tpu.memory_space<vmem_shared>>
      tpu.enqueue_indirect_dma source(%arg9 : memref<128x128xf32, #tpu.memory_space<vmem>>) target(%dma_start3A_260 : memref<10240x128xf32, #tpu.memory_space<vmem_shared>>) offsets(%arg13 : memref<128xi32, #tpu.memory_space<vmem>>) semaphore(%arg31 : memref<!tpu.dma_semaphore, #tpu.memory_space<semaphore_mem>>) {add = true}
      %dma_start3A_261 = arith.constant 0 : i32
      %dma_start3A_262 = tpu.memref_slice %arg38[%dma_start3A_261] : memref<10240xf32, #tpu.memory_space<vmem_shared>> -> memref<10240xf32, #tpu.memory_space<vmem_shared>>
      tpu.enqueue_indirect_dma source(%arg15 : memref<128xf32, #tpu.memory_space<vmem>>) target(%dma_start3A_262 : memref<10240xf32, #tpu.memory_space<vmem_shared>>) offsets(%arg13 : memref<128xi32, #tpu.memory_space<vmem>>) semaphore(%arg33 : memref<!tpu.dma_semaphore, #tpu.memory_space<semaphore_mem>>) {add = true}
      %mul3A_263 = arith.constant 2 : i32
      %mul3A_264 = arith.muli %mul3A_263, %scan3A_104 : i32
      %add3A_265 = arith.constant 1 : i32
      %add3A_266 = arith.addi %mul3A_264, %add3A_265 : i32
      %ge3A_267 = arith.constant 1 : i32
      %ge3A_268 = arith.cmpi sge, %add3A_266, %ge3A_267 : i32
      %convert_element_type3A_269 = arith.extui %ge3A_268 : i1 to i32
      %cond3A_270 = arith.constant 0 : i32
      %cond3A_271 = arith.cmpi ne, %convert_element_type3A_269, %cond3A_270 : i32
      scf.if %cond3A_271 {
        %dma_wait3A_430 = arith.constant 0 : i32
        %dma_wait3A_431 = arith.constant 0 : i32
        %dma_wait3A_432 = tpu.memref_slice %arg37[%dma_wait3A_430, %dma_wait3A_431] : memref<10240x128xf32, #tpu.memory_space<vmem_shared>> -> memref<10240x128xf32, #tpu.memory_space<vmem_shared>>
        tpu.wait_indirect_dma semaphore(%arg31 : memref<!tpu.dma_semaphore, #tpu.memory_space<semaphore_mem>>) src(%arg9 : memref<128x128xf32, #tpu.memory_space<vmem>>) dst(%dma_wait3A_432 : memref<10240x128xf32, #tpu.memory_space<vmem_shared>>)
        %dma_wait3A_433 = arith.constant 0 : i32
        %dma_wait3A_434 = tpu.memref_slice %arg38[%dma_wait3A_433] : memref<10240xf32, #tpu.memory_space<vmem_shared>> -> memref<10240xf32, #tpu.memory_space<vmem_shared>>
        tpu.wait_indirect_dma semaphore(%arg33 : memref<!tpu.dma_semaphore, #tpu.memory_space<semaphore_mem>>) src(%arg15 : memref<128xf32, #tpu.memory_space<vmem>>) dst(%dma_wait3A_434 : memref<10240xf32, #tpu.memory_space<vmem_shared>>)
      } else {
      }
      %add3A_272 = arith.constant 1 : i32
      %add3A_273 = arith.addi %add3A_266, %add3A_272 : i32
      %lt3A_274 = arith.constant 80 : i32
      %lt3A_275 = arith.cmpi slt, %add3A_273, %lt3A_274 : i32
      %convert_element_type3A_276 = arith.extui %lt3A_275 : i1 to i32
      %cond3A_277 = arith.constant 0 : i32
      %cond3A_278 = arith.cmpi ne, %convert_element_type3A_276, %cond3A_277 : i32
      scf.if %cond3A_278 {
        %add3A_430 = arith.constant 1 : i32
        %add3A_431 = arith.addi %add3A_266, %add3A_430 : i32
        %mul3A_432 = arith.constant 128 : i32
        %mul3A_433 = arith.muli %add3A_431, %mul3A_432 : i32
        %add3A_434 = arith.addi %mul3A_2, %mul3A_433 : i32
        %dma_start3A_435 = tpu.memref_slice %arg2[%add3A_434] : memref<327680xi32, #tpu.memory_space<hbm>> -> memref<128xi32, #tpu.memory_space<hbm>>
        %dma_start3A_436 = tpu.memref_slice %arg2[%add3A_434] : memref<327680xi32, #tpu.memory_space<hbm>> -> memref<128xi32, #tpu.memory_space<hbm>>
        tpu.enqueue_dma source(%dma_start3A_436 : memref<128xi32, #tpu.memory_space<hbm>>) target(%arg11 : memref<128xi32, #tpu.memory_space<vmem>>) target_semaphore(%arg21 : memref<!tpu.dma_semaphore, #tpu.memory_space<semaphore_mem>>)
        %dma_start3A_437 = tpu.memref_slice %arg3[%add3A_434] : memref<327680xi32, #tpu.memory_space<hbm>> -> memref<128xi32, #tpu.memory_space<hbm>>
        %dma_start3A_438 = tpu.memref_slice %arg3[%add3A_434] : memref<327680xi32, #tpu.memory_space<hbm>> -> memref<128xi32, #tpu.memory_space<hbm>>
        tpu.enqueue_dma source(%dma_start3A_438 : memref<128xi32, #tpu.memory_space<hbm>>) target(%arg13 : memref<128xi32, #tpu.memory_space<vmem>>) target_semaphore(%arg23 : memref<!tpu.dma_semaphore, #tpu.memory_space<semaphore_mem>>)
        %dma_wait3A_439 = arith.constant 0 : i32
        %dma_wait3A_440 = tpu.memref_slice %arg2[%dma_wait3A_439] : memref<327680xi32, #tpu.memory_space<hbm>> -> memref<128xi32, #tpu.memory_space<hbm>>
        %dma_wait3A_441 = arith.constant 0 : i32
        %dma_wait3A_442 = tpu.memref_slice %arg2[%dma_wait3A_441] : memref<327680xi32, #tpu.memory_space<hbm>> -> memref<128xi32, #tpu.memory_space<hbm>>
        tpu.wait_dma2 semaphore(%arg21 : memref<!tpu.dma_semaphore, #tpu.memory_space<semaphore_mem>>) src(%dma_wait3A_442 : memref<128xi32, #tpu.memory_space<hbm>>) dst(%arg11 : memref<128xi32, #tpu.memory_space<vmem>>)
        %dma_wait3A_443 = arith.constant 0 : i32
        %dma_wait3A_444 = tpu.memref_slice %arg3[%dma_wait3A_443] : memref<327680xi32, #tpu.memory_space<hbm>> -> memref<128xi32, #tpu.memory_space<hbm>>
        %dma_wait3A_445 = arith.constant 0 : i32
        %dma_wait3A_446 = tpu.memref_slice %arg3[%dma_wait3A_445] : memref<327680xi32, #tpu.memory_space<hbm>> -> memref<128xi32, #tpu.memory_space<hbm>>
        tpu.wait_dma2 semaphore(%arg23 : memref<!tpu.dma_semaphore, #tpu.memory_space<semaphore_mem>>) src(%dma_wait3A_446 : memref<128xi32, #tpu.memory_space<hbm>>) dst(%arg13 : memref<128xi32, #tpu.memory_space<vmem>>)
        %dma_start3A_447 = arith.constant 0 : i32
        %dma_start3A_448 = tpu.memref_slice %arg4[%dma_start3A_447] : memref<10240xf32, #tpu.memory_space<hbm>> -> memref<10240xf32, #tpu.memory_space<hbm>>
        tpu.enqueue_indirect_dma source(%dma_start3A_448 : memref<10240xf32, #tpu.memory_space<hbm>>) target(%arg17 : memref<128xf32, #tpu.memory_space<vmem>>) offsets(%arg11 : memref<128xi32, #tpu.memory_space<vmem>>) semaphore(%arg27 : memref<!tpu.dma_semaphore, #tpu.memory_space<semaphore_mem>>)
        %dma_start3A_449 = arith.constant 0 : i32
        %dma_start3A_450 = tpu.memref_slice %arg5[%dma_start3A_449] : memref<10240xf32, #tpu.memory_space<hbm>> -> memref<10240xf32, #tpu.memory_space<hbm>>
        tpu.enqueue_indirect_dma source(%dma_start3A_450 : memref<10240xf32, #tpu.memory_space<hbm>>) target(%arg19 : memref<128xf32, #tpu.memory_space<vmem>>) offsets(%arg13 : memref<128xi32, #tpu.memory_space<vmem>>) semaphore(%arg29 : memref<!tpu.dma_semaphore, #tpu.memory_space<semaphore_mem>>)
        %dma_start3A_451 = arith.constant 0 : i32
        %dma_start3A_452 = arith.constant 0 : i32
        %dma_start3A_453 = tpu.memref_slice %arg9[%dma_start3A_451, %dma_start3A_452] : memref<128x128xf32, #tpu.memory_space<vmem>> -> memref<64x128xf32, #tpu.memory_space<vmem>>
        %dma_start3A_454 = arith.constant 0 : i32
        %dma_start3A_455 = tpu.memref_slice %arg11[%dma_start3A_454] : memref<128xi32, #tpu.memory_space<vmem>> -> memref<64xi32, #tpu.memory_space<vmem>>
        %dma_start3A_456 = arith.constant 0 : i32
        %dma_start3A_457 = arith.constant 0 : i32
        %dma_start3A_458 = tpu.memref_slice %arg6[%dma_start3A_456, %dma_start3A_457] : memref<10000x128xf32, #tpu.memory_space<hbm>> -> memref<10000x128xf32, #tpu.memory_space<hbm>>
        tpu.enqueue_indirect_dma source(%dma_start3A_458 : memref<10000x128xf32, #tpu.memory_space<hbm>>) target(%dma_start3A_453 : memref<64x128xf32, #tpu.memory_space<vmem>>) offsets(%dma_start3A_455 : memref<64xi32, #tpu.memory_space<vmem>>) semaphore(%arg25 : memref<!tpu.dma_semaphore, #tpu.memory_space<semaphore_mem>>)
        %dma_start3A_459 = arith.constant 64 : i32
        %dma_start3A_460 = arith.constant 0 : i32
        %dma_start3A_461 = tpu.memref_slice %arg9[%dma_start3A_459, %dma_start3A_460] : memref<128x128xf32, #tpu.memory_space<vmem>> -> memref<64x128xf32, #tpu.memory_space<vmem>>
        %dma_start3A_462 = arith.constant 64 : i32
        %dma_start3A_463 = tpu.memref_slice %arg11[%dma_start3A_462] : memref<128xi32, #tpu.memory_space<vmem>> -> memref<64xi32, #tpu.memory_space<vmem>>
        %dma_start3A_464 = arith.constant 0 : i32
        %dma_start3A_465 = arith.constant 0 : i32
        %dma_start3A_466 = tpu.memref_slice %arg6[%dma_start3A_464, %dma_start3A_465] : memref<10000x128xf32, #tpu.memory_space<hbm>> -> memref<10000x128xf32, #tpu.memory_space<hbm>>
        tpu.enqueue_indirect_dma source(%dma_start3A_466 : memref<10000x128xf32, #tpu.memory_space<hbm>>) target(%dma_start3A_461 : memref<64x128xf32, #tpu.memory_space<vmem>>) offsets(%dma_start3A_463 : memref<64xi32, #tpu.memory_space<vmem>>) semaphore(%arg35 : memref<!tpu.dma_semaphore, #tpu.memory_space<semaphore_mem>>)
      } else {
      }
      %dma_wait3A_279 = arith.constant 0 : i32
      %dma_wait3A_280 = tpu.memref_slice %arg4[%dma_wait3A_279] : memref<10240xf32, #tpu.memory_space<hbm>> -> memref<10240xf32, #tpu.memory_space<hbm>>
      tpu.wait_indirect_dma semaphore(%arg28 : memref<!tpu.dma_semaphore, #tpu.memory_space<semaphore_mem>>) src(%dma_wait3A_280 : memref<10240xf32, #tpu.memory_space<hbm>>) dst(%arg18 : memref<128xf32, #tpu.memory_space<vmem>>)
      %dma_wait3A_281 = arith.constant 0 : i32
      %dma_wait3A_282 = tpu.memref_slice %arg5[%dma_wait3A_281] : memref<10240xf32, #tpu.memory_space<hbm>> -> memref<10240xf32, #tpu.memory_space<hbm>>
      tpu.wait_indirect_dma semaphore(%arg30 : memref<!tpu.dma_semaphore, #tpu.memory_space<semaphore_mem>>) src(%dma_wait3A_282 : memref<10240xf32, #tpu.memory_space<hbm>>) dst(%arg20 : memref<128xf32, #tpu.memory_space<vmem>>)
      %dma_wait3A_283 = arith.constant 0 : i32
      %dma_wait3A_284 = arith.constant 0 : i32
      %dma_wait3A_285 = tpu.memref_slice %arg10[%dma_wait3A_283, %dma_wait3A_284] : memref<128x128xf32, #tpu.memory_space<vmem>> -> memref<64x128xf32, #tpu.memory_space<vmem>>
      %dma_wait3A_286 = arith.constant 0 : i32
      %dma_wait3A_287 = tpu.memref_slice %arg12[%dma_wait3A_286] : memref<128xi32, #tpu.memory_space<vmem>> -> memref<64xi32, #tpu.memory_space<vmem>>
      %dma_wait3A_288 = arith.constant 0 : i32
      %dma_wait3A_289 = arith.constant 0 : i32
      %dma_wait3A_290 = tpu.memref_slice %arg6[%dma_wait3A_288, %dma_wait3A_289] : memref<10000x128xf32, #tpu.memory_space<hbm>> -> memref<10000x128xf32, #tpu.memory_space<hbm>>
      tpu.wait_indirect_dma semaphore(%arg26 : memref<!tpu.dma_semaphore, #tpu.memory_space<semaphore_mem>>) src(%dma_wait3A_290 : memref<10000x128xf32, #tpu.memory_space<hbm>>) dst(%dma_wait3A_285 : memref<64x128xf32, #tpu.memory_space<vmem>>)
      %dma_wait3A_291 = arith.constant 64 : i32
      %dma_wait3A_292 = arith.constant 0 : i32
      %dma_wait3A_293 = tpu.memref_slice %arg10[%dma_wait3A_291, %dma_wait3A_292] : memref<128x128xf32, #tpu.memory_space<vmem>> -> memref<64x128xf32, #tpu.memory_space<vmem>>
      %dma_wait3A_294 = arith.constant 64 : i32
      %dma_wait3A_295 = tpu.memref_slice %arg12[%dma_wait3A_294] : memref<128xi32, #tpu.memory_space<vmem>> -> memref<64xi32, #tpu.memory_space<vmem>>
      %dma_wait3A_296 = arith.constant 0 : i32
      %dma_wait3A_297 = arith.constant 0 : i32
      %dma_wait3A_298 = tpu.memref_slice %arg6[%dma_wait3A_296, %dma_wait3A_297] : memref<10000x128xf32, #tpu.memory_space<hbm>> -> memref<10000x128xf32, #tpu.memory_space<hbm>>
      tpu.wait_indirect_dma semaphore(%arg36 : memref<!tpu.dma_semaphore, #tpu.memory_space<semaphore_mem>>) src(%dma_wait3A_298 : memref<10000x128xf32, #tpu.memory_space<hbm>>) dst(%dma_wait3A_293 : memref<64x128xf32, #tpu.memory_space<vmem>>)
      %get3A_299 = arith.constant 0 : index
      %get3A_300 = tpu.vector_load %arg18[%get3A_299] {strides = array<i32>} : memref<128xf32, #tpu.memory_space<vmem>>, vector<16xf32>,
      %get3A_301 = arith.constant 0 : index
      %get3A_302 = tpu.vector_load %arg20[%get3A_301] {strides = array<i32>} : memref<128xf32, #tpu.memory_space<vmem>>, vector<16xf32>,
      %add3A_303 = arith.addf %get3A_300, %get3A_302 : vector<16xf32>
      %ge3A_304 = arith.constant 0.000000e+00 : f32
      %ge3A_305 = vector.broadcast %ge3A_304 : f32 to vector<16xf32>
      %ge3A_306 = arith.cmpf oge, %add3A_303, %ge3A_305 : vector<16xf32>
      %mul3A_307 = arith.constant 2.000000e-01 : f32
      %mul3A_308 = vector.broadcast %mul3A_307 : f32 to vector<16xf32>
      %mul3A_309 = arith.mulf %mul3A_308, %add3A_303 : vector<16xf32>
      %select_n3A_310 = arith.select %ge3A_306, %add3A_303, %mul3A_309 : vector<16xi1>, vector<16xf32>
      %exp3A_311 = math.exp %select_n3A_310 : vector<16xf32>
      %swap3A_312 = arith.constant 0 : index
      %swap3A_313 = tpu.vector_load %arg16[%swap3A_312] {strides = array<i32>} : memref<128xf32, #tpu.memory_space<vmem>>, vector<16xf32>,
      tpu.vector_store %arg16[%swap3A_312], %exp3A_311 {strides = array<i32>} : memref<128xf32, #tpu.memory_space<vmem>>, vector<16xf32>,
      %get3A_314 = arith.constant 16 : index
      %get3A_315 = tpu.vector_load %arg18[%get3A_314] {strides = array<i32>} : memref<128xf32, #tpu.memory_space<vmem>>, vector<16xf32>,
      %get3A_316 = arith.constant 16 : index
      %get3A_317 = tpu.vector_load %arg20[%get3A_316] {strides = array<i32>} : memref<128xf32, #tpu.memory_space<vmem>>, vector<16xf32>,
      %add3A_318 = arith.addf %get3A_315, %get3A_317 : vector<16xf32>
      %ge3A_319 = arith.constant 0.000000e+00 : f32
      %ge3A_320 = vector.broadcast %ge3A_319 : f32 to vector<16xf32>
      %ge3A_321 = arith.cmpf oge, %add3A_318, %ge3A_320 : vector<16xf32>
      %mul3A_322 = arith.constant 2.000000e-01 : f32
      %mul3A_323 = vector.broadcast %mul3A_322 : f32 to vector<16xf32>
      %mul3A_324 = arith.mulf %mul3A_323, %add3A_318 : vector<16xf32>
      %select_n3A_325 = arith.select %ge3A_321, %add3A_318, %mul3A_324 : vector<16xi1>, vector<16xf32>
      %exp3A_326 = math.exp %select_n3A_325 : vector<16xf32>
      %swap3A_327 = arith.constant 16 : index
      %swap3A_328 = tpu.vector_load %arg16[%swap3A_327] {strides = array<i32>} : memref<128xf32, #tpu.memory_space<vmem>>, vector<16xf32>,
      tpu.vector_store %arg16[%swap3A_327], %exp3A_326 {strides = array<i32>} : memref<128xf32, #tpu.memory_space<vmem>>, vector<16xf32>,
      %get3A_329 = arith.constant 32 : index
      %get3A_330 = tpu.vector_load %arg18[%get3A_329] {strides = array<i32>} : memref<128xf32, #tpu.memory_space<vmem>>, vector<16xf32>,
      %get3A_331 = arith.constant 32 : index
      %get3A_332 = tpu.vector_load %arg20[%get3A_331] {strides = array<i32>} : memref<128xf32, #tpu.memory_space<vmem>>, vector<16xf32>,
      %add3A_333 = arith.addf %get3A_330, %get3A_332 : vector<16xf32>
      %ge3A_334 = arith.constant 0.000000e+00 : f32
      %ge3A_335 = vector.broadcast %ge3A_334 : f32 to vector<16xf32>
      %ge3A_336 = arith.cmpf oge, %add3A_333, %ge3A_335 : vector<16xf32>
      %mul3A_337 = arith.constant 2.000000e-01 : f32
      %mul3A_338 = vector.broadcast %mul3A_337 : f32 to vector<16xf32>
      %mul3A_339 = arith.mulf %mul3A_338, %add3A_333 : vector<16xf32>
      %select_n3A_340 = arith.select %ge3A_336, %add3A_333, %mul3A_339 : vector<16xi1>, vector<16xf32>
      %exp3A_341 = math.exp %select_n3A_340 : vector<16xf32>
      %swap3A_342 = arith.constant 32 : index
      %swap3A_343 = tpu.vector_load %arg16[%swap3A_342] {strides = array<i32>} : memref<128xf32, #tpu.memory_space<vmem>>, vector<16xf32>,
      tpu.vector_store %arg16[%swap3A_342], %exp3A_341 {strides = array<i32>} : memref<128xf32, #tpu.memory_space<vmem>>, vector<16xf32>,
      %get3A_344 = arith.constant 48 : index
      %get3A_345 = tpu.vector_load %arg18[%get3A_344] {strides = array<i32>} : memref<128xf32, #tpu.memory_space<vmem>>, vector<16xf32>,
      %get3A_346 = arith.constant 48 : index
      %get3A_347 = tpu.vector_load %arg20[%get3A_346] {strides = array<i32>} : memref<128xf32, #tpu.memory_space<vmem>>, vector<16xf32>,
      %add3A_348 = arith.addf %get3A_345, %get3A_347 : vector<16xf32>
      %ge3A_349 = arith.constant 0.000000e+00 : f32
      %ge3A_350 = vector.broadcast %ge3A_349 : f32 to vector<16xf32>
      %ge3A_351 = arith.cmpf oge, %add3A_348, %ge3A_350 : vector<16xf32>
      %mul3A_352 = arith.constant 2.000000e-01 : f32
      %mul3A_353 = vector.broadcast %mul3A_352 : f32 to vector<16xf32>
      %mul3A_354 = arith.mulf %mul3A_353, %add3A_348 : vector<16xf32>
      %select_n3A_355 = arith.select %ge3A_351, %add3A_348, %mul3A_354 : vector<16xi1>, vector<16xf32>
      %exp3A_356 = math.exp %select_n3A_355 : vector<16xf32>
      %swap3A_357 = arith.constant 48 : index
      %swap3A_358 = tpu.vector_load %arg16[%swap3A_357] {strides = array<i32>} : memref<128xf32, #tpu.memory_space<vmem>>, vector<16xf32>,
      tpu.vector_store %arg16[%swap3A_357], %exp3A_356 {strides = array<i32>} : memref<128xf32, #tpu.memory_space<vmem>>, vector<16xf32>,
      %get3A_359 = arith.constant 64 : index
      %get3A_360 = tpu.vector_load %arg18[%get3A_359] {strides = array<i32>} : memref<128xf32, #tpu.memory_space<vmem>>, vector<16xf32>,
      %get3A_361 = arith.constant 64 : index
      %get3A_362 = tpu.vector_load %arg20[%get3A_361] {strides = array<i32>} : memref<128xf32, #tpu.memory_space<vmem>>, vector<16xf32>,
      %add3A_363 = arith.addf %get3A_360, %get3A_362 : vector<16xf32>
      %ge3A_364 = arith.constant 0.000000e+00 : f32
      %ge3A_365 = vector.broadcast %ge3A_364 : f32 to vector<16xf32>
      %ge3A_366 = arith.cmpf oge, %add3A_363, %ge3A_365 : vector<16xf32>
      %mul3A_367 = arith.constant 2.000000e-01 : f32
      %mul3A_368 = vector.broadcast %mul3A_367 : f32 to vector<16xf32>
      %mul3A_369 = arith.mulf %mul3A_368, %add3A_363 : vector<16xf32>
      %select_n3A_370 = arith.select %ge3A_366, %add3A_363, %mul3A_369 : vector<16xi1>, vector<16xf32>
      %exp3A_371 = math.exp %select_n3A_370 : vector<16xf32>
      %swap3A_372 = arith.constant 64 : index
      %swap3A_373 = tpu.vector_load %arg16[%swap3A_372] {strides = array<i32>} : memref<128xf32, #tpu.memory_space<vmem>>, vector<16xf32>,
      tpu.vector_store %arg16[%swap3A_372], %exp3A_371 {strides = array<i32>} : memref<128xf32, #tpu.memory_space<vmem>>, vector<16xf32>,
      %get3A_374 = arith.constant 80 : index
      %get3A_375 = tpu.vector_load %arg18[%get3A_374] {strides = array<i32>} : memref<128xf32, #tpu.memory_space<vmem>>, vector<16xf32>,
      %get3A_376 = arith.constant 80 : index
      %get3A_377 = tpu.vector_load %arg20[%get3A_376] {strides = array<i32>} : memref<128xf32, #tpu.memory_space<vmem>>, vector<16xf32>,
      %add3A_378 = arith.addf %get3A_375, %get3A_377 : vector<16xf32>
      %ge3A_379 = arith.constant 0.000000e+00 : f32
      %ge3A_380 = vector.broadcast %ge3A_379 : f32 to vector<16xf32>
      %ge3A_381 = arith.cmpf oge, %add3A_378, %ge3A_380 : vector<16xf32>
      %mul3A_382 = arith.constant 2.000000e-01 : f32
      %mul3A_383 = vector.broadcast %mul3A_382 : f32 to vector<16xf32>
      %mul3A_384 = arith.mulf %mul3A_383, %add3A_378 : vector<16xf32>
      %select_n3A_385 = arith.select %ge3A_381, %add3A_378, %mul3A_384 : vector<16xi1>, vector<16xf32>
      %exp3A_386 = math.exp %select_n3A_385 : vector<16xf32>
      %swap3A_387 = arith.constant 80 : index
      %swap3A_388 = tpu.vector_load %arg16[%swap3A_387] {strides = array<i32>} : memref<128xf32, #tpu.memory_space<vmem>>, vector<16xf32>,
      tpu.vector_store %arg16[%swap3A_387], %exp3A_386 {strides = array<i32>} : memref<128xf32, #tpu.memory_space<vmem>>, vector<16xf32>,
      %get3A_389 = arith.constant 96 : index
      %get3A_390 = tpu.vector_load %arg18[%get3A_389] {strides = array<i32>} : memref<128xf32, #tpu.memory_space<vmem>>, vector<16xf32>,
      %get3A_391 = arith.constant 96 : index
      %get3A_392 = tpu.vector_load %arg20[%get3A_391] {strides = array<i32>} : memref<128xf32, #tpu.memory_space<vmem>>, vector<16xf32>,
      %add3A_393 = arith.addf %get3A_390, %get3A_392 : vector<16xf32>
      %ge3A_394 = arith.constant 0.000000e+00 : f32
      %ge3A_395 = vector.broadcast %ge3A_394 : f32 to vector<16xf32>
      %ge3A_396 = arith.cmpf oge, %add3A_393, %ge3A_395 : vector<16xf32>
      %mul3A_397 = arith.constant 2.000000e-01 : f32
      %mul3A_398 = vector.broadcast %mul3A_397 : f32 to vector<16xf32>
      %mul3A_399 = arith.mulf %mul3A_398, %add3A_393 : vector<16xf32>
      %select_n3A_400 = arith.select %ge3A_396, %add3A_393, %mul3A_399 : vector<16xi1>, vector<16xf32>
      %exp3A_401 = math.exp %select_n3A_400 : vector<16xf32>
      %swap3A_402 = arith.constant 96 : index
      %swap3A_403 = tpu.vector_load %arg16[%swap3A_402] {strides = array<i32>} : memref<128xf32, #tpu.memory_space<vmem>>, vector<16xf32>,
      tpu.vector_store %arg16[%swap3A_402], %exp3A_401 {strides = array<i32>} : memref<128xf32, #tpu.memory_space<vmem>>, vector<16xf32>,
      %get3A_404 = arith.constant 112 : index
      %get3A_405 = tpu.vector_load %arg18[%get3A_404] {strides = array<i32>} : memref<128xf32, #tpu.memory_space<vmem>>, vector<16xf32>,
      %get3A_406 = arith.constant 112 : index
      %get3A_407 = tpu.vector_load %arg20[%get3A_406] {strides = array<i32>} : memref<128xf32, #tpu.memory_space<vmem>>, vector<16xf32>,
      %add3A_408 = arith.addf %get3A_405, %get3A_407 : vector<16xf32>
      %ge3A_409 = arith.constant 0.000000e+00 : f32
      %ge3A_410 = vector.broadcast %ge3A_409 : f32 to vector<16xf32>
      %ge3A_411 = arith.cmpf oge, %add3A_408, %ge3A_410 : vector<16xf32>
      %mul3A_412 = arith.constant 2.000000e-01 : f32
      %mul3A_413 = vector.broadcast %mul3A_412 : f32 to vector<16xf32>
      %mul3A_414 = arith.mulf %mul3A_413, %add3A_408 : vector<16xf32>
      %select_n3A_415 = arith.select %ge3A_411, %add3A_408, %mul3A_414 : vector<16xi1>, vector<16xf32>
      %exp3A_416 = math.exp %select_n3A_415 : vector<16xf32>
      %swap3A_417 = arith.constant 112 : index
      %swap3A_418 = tpu.vector_load %arg16[%swap3A_417] {strides = array<i32>} : memref<128xf32, #tpu.memory_space<vmem>>, vector<16xf32>,
      tpu.vector_store %arg16[%swap3A_417], %exp3A_416 {strides = array<i32>} : memref<128xf32, #tpu.memory_space<vmem>>, vector<16xf32>,
      %scan3A_419 = arith.constant 0 : i32
      %scan3A_420 = arith.constant 0 : i32
      %scan3A_421 = arith.constant 8 : i32
      %scan3A_422 = arith.addi %scan3A_420, %scan3A_421 : i32
      %scan3A_423 = arith.constant 1 : i32
      scf.for %scan3A_430 = %scan3A_420 to %scan3A_422 step %scan3A_423  : i32 {
        %mul3A_431 = arith.constant 16 : i32
        %mul3A_432 = arith.muli %scan3A_430, %mul3A_431 : i32
        %get3A_433 = arith.index_cast %mul3A_432 : i32 to index
        %get3A_434 = tpu.vector_load %arg16[%get3A_433] {strides = array<i32>} : memref<128xf32, #tpu.memory_space<vmem>>, vector<16xf32>,
        %slice3A = vector.extract_strided_slice %get3A_434 {offsets = [0], sizes = [1], strides = [1]} : vector<16xf32> to vector<1xf32>
        %squeeze3A = vector.extract %slice3A[0] : f32 from vector<1xf32>
        %add3A_435 = arith.constant 0 : i32
        %add3A_436 = arith.addi %mul3A_432, %add3A_435 : i32
        %get3A_437 = arith.index_cast %add3A_436 : i32 to index
        %get3A_438 = arith.constant 0 : index
        %get3A_439 = tpu.vector_load %arg10[%get3A_437, %get3A_438] {strides = array<i32>} : memref<128x128xf32, #tpu.memory_space<vmem>>, vector<16xf32>,
        %mul3A_440 = vector.broadcast %squeeze3A : f32 to vector<16xf32>
        %mul3A_441 = arith.mulf %get3A_439, %mul3A_440 : vector<16xf32>
        %swap3A_442 = arith.index_cast %add3A_436 : i32 to index
        %swap3A_443 = arith.constant 0 : index
        %swap3A_444 = tpu.vector_load %arg10[%swap3A_442, %swap3A_443] {strides = array<i32>} : memref<128x128xf32, #tpu.memory_space<vmem>>, vector<16xf32>,
        tpu.vector_store %arg10[%swap3A_442, %swap3A_443], %mul3A_441 {strides = array<i32>} : memref<128x128xf32, #tpu.memory_space<vmem>>, vector<16xf32>,
        %get3A_445 = arith.index_cast %add3A_436 : i32 to index
        %get3A_446 = arith.constant 16 : index
        %get3A_447 = tpu.vector_load %arg10[%get3A_445, %get3A_446] {strides = array<i32>} : memref<128x128xf32, #tpu.memory_space<vmem>>, vector<16xf32>,
        %mul3A_448 = vector.broadcast %squeeze3A : f32 to vector<16xf32>
        %mul3A_449 = arith.mulf %get3A_447, %mul3A_448 : vector<16xf32>
        %swap3A_450 = arith.index_cast %add3A_436 : i32 to index
        %swap3A_451 = arith.constant 16 : index
        %swap3A_452 = tpu.vector_load %arg10[%swap3A_450, %swap3A_451] {strides = array<i32>} : memref<128x128xf32, #tpu.memory_space<vmem>>, vector<16xf32>,
        tpu.vector_store %arg10[%swap3A_450, %swap3A_451], %mul3A_449 {strides = array<i32>} : memref<128x128xf32, #tpu.memory_space<vmem>>, vector<16xf32>,
        %get3A_453 = arith.index_cast %add3A_436 : i32 to index
        %get3A_454 = arith.constant 32 : index
        %get3A_455 = tpu.vector_load %arg10[%get3A_453, %get3A_454] {strides = array<i32>} : memref<128x128xf32, #tpu.memory_space<vmem>>, vector<16xf32>,
        %mul3A_456 = vector.broadcast %squeeze3A : f32 to vector<16xf32>
        %mul3A_457 = arith.mulf %get3A_455, %mul3A_456 : vector<16xf32>
        %swap3A_458 = arith.index_cast %add3A_436 : i32 to index
        %swap3A_459 = arith.constant 32 : index
        %swap3A_460 = tpu.vector_load %arg10[%swap3A_458, %swap3A_459] {strides = array<i32>} : memref<128x128xf32, #tpu.memory_space<vmem>>, vector<16xf32>,
        tpu.vector_store %arg10[%swap3A_458, %swap3A_459], %mul3A_457 {strides = array<i32>} : memref<128x128xf32, #tpu.memory_space<vmem>>, vector<16xf32>,
        %get3A_461 = arith.index_cast %add3A_436 : i32 to index
        %get3A_462 = arith.constant 48 : index
        %get3A_463 = tpu.vector_load %arg10[%get3A_461, %get3A_462] {strides = array<i32>} : memref<128x128xf32, #tpu.memory_space<vmem>>, vector<16xf32>,
        %mul3A_464 = vector.broadcast %squeeze3A : f32 to vector<16xf32>
        %mul3A_465 = arith.mulf %get3A_463, %mul3A_464 : vector<16xf32>
        %swap3A_466 = arith.index_cast %add3A_436 : i32 to index
        %swap3A_467 = arith.constant 48 : index
        %swap3A_468 = tpu.vector_load %arg10[%swap3A_466, %swap3A_467] {strides = array<i32>} : memref<128x128xf32, #tpu.memory_space<vmem>>, vector<16xf32>,
        tpu.vector_store %arg10[%swap3A_466, %swap3A_467], %mul3A_465 {strides = array<i32>} : memref<128x128xf32, #tpu.memory_space<vmem>>, vector<16xf32>,
        %get3A_469 = arith.index_cast %add3A_436 : i32 to index
        %get3A_470 = arith.constant 64 : index
        %get3A_471 = tpu.vector_load %arg10[%get3A_469, %get3A_470] {strides = array<i32>} : memref<128x128xf32, #tpu.memory_space<vmem>>, vector<16xf32>,
        %mul3A_472 = vector.broadcast %squeeze3A : f32 to vector<16xf32>
        %mul3A_473 = arith.mulf %get3A_471, %mul3A_472 : vector<16xf32>
        %swap3A_474 = arith.index_cast %add3A_436 : i32 to index
        %swap3A_475 = arith.constant 64 : index
        %swap3A_476 = tpu.vector_load %arg10[%swap3A_474, %swap3A_475] {strides = array<i32>} : memref<128x128xf32, #tpu.memory_space<vmem>>, vector<16xf32>,
        tpu.vector_store %arg10[%swap3A_474, %swap3A_475], %mul3A_473 {strides = array<i32>} : memref<128x128xf32, #tpu.memory_space<vmem>>, vector<16xf32>,
        %get3A_477 = arith.index_cast %add3A_436 : i32 to index
        %get3A_478 = arith.constant 80 : index
        %get3A_479 = tpu.vector_load %arg10[%get3A_477, %get3A_478] {strides = array<i32>} : memref<128x128xf32, #tpu.memory_space<vmem>>, vector<16xf32>,
        %mul3A_480 = vector.broadcast %squeeze3A : f32 to vector<16xf32>
        %mul3A_481 = arith.mulf %get3A_479, %mul3A_480 : vector<16xf32>
        %swap3A_482 = arith.index_cast %add3A_436 : i32 to index
        %swap3A_483 = arith.constant 80 : index
        %swap3A_484 = tpu.vector_load %arg10[%swap3A_482, %swap3A_483] {strides = array<i32>} : memref<128x128xf32, #tpu.memory_space<vmem>>, vector<16xf32>,
        tpu.vector_store %arg10[%swap3A_482, %swap3A_483], %mul3A_481 {strides = array<i32>} : memref<128x128xf32, #tpu.memory_space<vmem>>, vector<16xf32>,
        %get3A_485 = arith.index_cast %add3A_436 : i32 to index
        %get3A_486 = arith.constant 96 : index
        %get3A_487 = tpu.vector_load %arg10[%get3A_485, %get3A_486] {strides = array<i32>} : memref<128x128xf32, #tpu.memory_space<vmem>>, vector<16xf32>,
        %mul3A_488 = vector.broadcast %squeeze3A : f32 to vector<16xf32>
        %mul3A_489 = arith.mulf %get3A_487, %mul3A_488 : vector<16xf32>
        %swap3A_490 = arith.index_cast %add3A_436 : i32 to index
        %swap3A_491 = arith.constant 96 : index
        %swap3A_492 = tpu.vector_load %arg10[%swap3A_490, %swap3A_491] {strides = array<i32>} : memref<128x128xf32, #tpu.memory_space<vmem>>, vector<16xf32>,
        tpu.vector_store %arg10[%swap3A_490, %swap3A_491], %mul3A_489 {strides = array<i32>} : memref<128x128xf32, #tpu.memory_space<vmem>>, vector<16xf32>,
        %get3A_493 = arith.index_cast %add3A_436 : i32 to index
        %get3A_494 = arith.constant 112 : index
        %get3A_495 = tpu.vector_load %arg10[%get3A_493, %get3A_494] {strides = array<i32>} : memref<128x128xf32, #tpu.memory_space<vmem>>, vector<16xf32>,
        %mul3A_496 = vector.broadcast %squeeze3A : f32 to vector<16xf32>
        %mul3A_497 = arith.mulf %get3A_495, %mul3A_496 : vector<16xf32>
        %swap3A_498 = arith.index_cast %add3A_436 : i32 to index
        %swap3A_499 = arith.constant 112 : index
        %swap3A_500 = tpu.vector_load %arg10[%swap3A_498, %swap3A_499] {strides = array<i32>} : memref<128x128xf32, #tpu.memory_space<vmem>>, vector<16xf32>,
        tpu.vector_store %arg10[%swap3A_498, %swap3A_499], %mul3A_497 {strides = array<i32>} : memref<128x128xf32, #tpu.memory_space<vmem>>, vector<16xf32>,
        %slice3A_501 = vector.extract_strided_slice %get3A_434 {offsets = [1], sizes = [1], strides = [1]} : vector<16xf32> to vector<1xf32>
        %squeeze3A_502 = vector.extract %slice3A_501[0] : f32 from vector<1xf32>
        %add3A_503 = arith.constant 1 : i32
        %add3A_504 = arith.addi %mul3A_432, %add3A_503 : i32
        %get3A_505 = arith.index_cast %add3A_504 : i32 to index
        %get3A_506 = arith.constant 0 : index
        %get3A_507 = tpu.vector_load %arg10[%get3A_505, %get3A_506] {strides = array<i32>} : memref<128x128xf32, #tpu.memory_space<vmem>>, vector<16xf32>,
        %mul3A_508 = vector.broadcast %squeeze3A_502 : f32 to vector<16xf32>
        %mul3A_509 = arith.mulf %get3A_507, %mul3A_508 : vector<16xf32>
        %swap3A_510 = arith.index_cast %add3A_504 : i32 to index
        %swap3A_511 = arith.constant 0 : index
        %swap3A_512 = tpu.vector_load %arg10[%swap3A_510, %swap3A_511] {strides = array<i32>} : memref<128x128xf32, #tpu.memory_space<vmem>>, vector<16xf32>,
        tpu.vector_store %arg10[%swap3A_510, %swap3A_511], %mul3A_509 {strides = array<i32>} : memref<128x128xf32, #tpu.memory_space<vmem>>, vector<16xf32>,
        %get3A_513 = arith.index_cast %add3A_504 : i32 to index
        %get3A_514 = arith.constant 16 : index
        %get3A_515 = tpu.vector_load %arg10[%get3A_513, %get3A_514] {strides = array<i32>} : memref<128x128xf32, #tpu.memory_space<vmem>>, vector<16xf32>,
        %mul3A_516 = vector.broadcast %squeeze3A_502 : f32 to vector<16xf32>
        %mul3A_517 = arith.mulf %get3A_515, %mul3A_516 : vector<16xf32>
        %swap3A_518 = arith.index_cast %add3A_504 : i32 to index
        %swap3A_519 = arith.constant 16 : index
        %swap3A_520 = tpu.vector_load %arg10[%swap3A_518, %swap3A_519] {strides = array<i32>} : memref<128x128xf32, #tpu.memory_space<vmem>>, vector<16xf32>,
        tpu.vector_store %arg10[%swap3A_518, %swap3A_519], %mul3A_517 {strides = array<i32>} : memref<128x128xf32, #tpu.memory_space<vmem>>, vector<16xf32>,
        %get3A_521 = arith.index_cast %add3A_504 : i32 to index
        %get3A_522 = arith.constant 32 : index
        %get3A_523 = tpu.vector_load %arg10[%get3A_521, %get3A_522] {strides = array<i32>} : memref<128x128xf32, #tpu.memory_space<vmem>>, vector<16xf32>,
        %mul3A_524 = vector.broadcast %squeeze3A_502 : f32 to vector<16xf32>
        %mul3A_525 = arith.mulf %get3A_523, %mul3A_524 : vector<16xf32>
        %swap3A_526 = arith.index_cast %add3A_504 : i32 to index
        %swap3A_527 = arith.constant 32 : index
        %swap3A_528 = tpu.vector_load %arg10[%swap3A_526, %swap3A_527] {strides = array<i32>} : memref<128x128xf32, #tpu.memory_space<vmem>>, vector<16xf32>,
        tpu.vector_store %arg10[%swap3A_526, %swap3A_527], %mul3A_525 {strides = array<i32>} : memref<128x128xf32, #tpu.memory_space<vmem>>, vector<16xf32>,
        %get3A_529 = arith.index_cast %add3A_504 : i32 to index
        %get3A_530 = arith.constant 48 : index
        %get3A_531 = tpu.vector_load %arg10[%get3A_529, %get3A_530] {strides = array<i32>} : memref<128x128xf32, #tpu.memory_space<vmem>>, vector<16xf32>,
        %mul3A_532 = vector.broadcast %squeeze3A_502 : f32 to vector<16xf32>
        %mul3A_533 = arith.mulf %get3A_531, %mul3A_532 : vector<16xf32>
        %swap3A_534 = arith.index_cast %add3A_504 : i32 to index
        %swap3A_535 = arith.constant 48 : index
        %swap3A_536 = tpu.vector_load %arg10[%swap3A_534, %swap3A_535] {strides = array<i32>} : memref<128x128xf32, #tpu.memory_space<vmem>>, vector<16xf32>,
        tpu.vector_store %arg10[%swap3A_534, %swap3A_535], %mul3A_533 {strides = array<i32>} : memref<128x128xf32, #tpu.memory_space<vmem>>, vector<16xf32>,
        %get3A_537 = arith.index_cast %add3A_504 : i32 to index
        %get3A_538 = arith.constant 64 : index
        %get3A_539 = tpu.vector_load %arg10[%get3A_537, %get3A_538] {strides = array<i32>} : memref<128x128xf32, #tpu.memory_space<vmem>>, vector<16xf32>,
        %mul3A_540 = vector.broadcast %squeeze3A_502 : f32 to vector<16xf32>
        %mul3A_541 = arith.mulf %get3A_539, %mul3A_540 : vector<16xf32>
        %swap3A_542 = arith.index_cast %add3A_504 : i32 to index
        %swap3A_543 = arith.constant 64 : index
        %swap3A_544 = tpu.vector_load %arg10[%swap3A_542, %swap3A_543] {strides = array<i32>} : memref<128x128xf32, #tpu.memory_space<vmem>>, vector<16xf32>,
        tpu.vector_store %arg10[%swap3A_542, %swap3A_543], %mul3A_541 {strides = array<i32>} : memref<128x128xf32, #tpu.memory_space<vmem>>, vector<16xf32>,
        %get3A_545 = arith.index_cast %add3A_504 : i32 to index
        %get3A_546 = arith.constant 80 : index
        %get3A_547 = tpu.vector_load %arg10[%get3A_545, %get3A_546] {strides = array<i32>} : memref<128x128xf32, #tpu.memory_space<vmem>>, vector<16xf32>,
        %mul3A_548 = vector.broadcast %squeeze3A_502 : f32 to vector<16xf32>
        %mul3A_549 = arith.mulf %get3A_547, %mul3A_548 : vector<16xf32>
        %swap3A_550 = arith.index_cast %add3A_504 : i32 to index
        %swap3A_551 = arith.constant 80 : index
        %swap3A_552 = tpu.vector_load %arg10[%swap3A_550, %swap3A_551] {strides = array<i32>} : memref<128x128xf32, #tpu.memory_space<vmem>>, vector<16xf32>,
        tpu.vector_store %arg10[%swap3A_550, %swap3A_551], %mul3A_549 {strides = array<i32>} : memref<128x128xf32, #tpu.memory_space<vmem>>, vector<16xf32>,
        %get3A_553 = arith.index_cast %add3A_504 : i32 to index
        %get3A_554 = arith.constant 96 : index
        %get3A_555 = tpu.vector_load %arg10[%get3A_553, %get3A_554] {strides = array<i32>} : memref<128x128xf32, #tpu.memory_space<vmem>>, vector<16xf32>,
        %mul3A_556 = vector.broadcast %squeeze3A_502 : f32 to vector<16xf32>
        %mul3A_557 = arith.mulf %get3A_555, %mul3A_556 : vector<16xf32>
        %swap3A_558 = arith.index_cast %add3A_504 : i32 to index
        %swap3A_559 = arith.constant 96 : index
        %swap3A_560 = tpu.vector_load %arg10[%swap3A_558, %swap3A_559] {strides = array<i32>} : memref<128x128xf32, #tpu.memory_space<vmem>>, vector<16xf32>,
        tpu.vector_store %arg10[%swap3A_558, %swap3A_559], %mul3A_557 {strides = array<i32>} : memref<128x128xf32, #tpu.memory_space<vmem>>, vector<16xf32>,
        %get3A_561 = arith.index_cast %add3A_504 : i32 to index
        %get3A_562 = arith.constant 112 : index
        %get3A_563 = tpu.vector_load %arg10[%get3A_561, %get3A_562] {strides = array<i32>} : memref<128x128xf32, #tpu.memory_space<vmem>>, vector<16xf32>,
        %mul3A_564 = vector.broadcast %squeeze3A_502 : f32 to vector<16xf32>
        %mul3A_565 = arith.mulf %get3A_563, %mul3A_564 : vector<16xf32>
        %swap3A_566 = arith.index_cast %add3A_504 : i32 to index
        %swap3A_567 = arith.constant 112 : index
        %swap3A_568 = tpu.vector_load %arg10[%swap3A_566, %swap3A_567] {strides = array<i32>} : memref<128x128xf32, #tpu.memory_space<vmem>>, vector<16xf32>,
        tpu.vector_store %arg10[%swap3A_566, %swap3A_567], %mul3A_565 {strides = array<i32>} : memref<128x128xf32, #tpu.memory_space<vmem>>, vector<16xf32>,
        %slice3A_569 = vector.extract_strided_slice %get3A_434 {offsets = [2], sizes = [1], strides = [1]} : vector<16xf32> to vector<1xf32>
        %squeeze3A_570 = vector.extract %slice3A_569[0] : f32 from vector<1xf32>
        %add3A_571 = arith.constant 2 : i32
        %add3A_572 = arith.addi %mul3A_432, %add3A_571 : i32
        %get3A_573 = arith.index_cast %add3A_572 : i32 to index
        %get3A_574 = arith.constant 0 : index
        %get3A_575 = tpu.vector_load %arg10[%get3A_573, %get3A_574] {strides = array<i32>} : memref<128x128xf32, #tpu.memory_space<vmem>>, vector<16xf32>,
        %mul3A_576 = vector.broadcast %squeeze3A_570 : f32 to vector<16xf32>
        %mul3A_577 = arith.mulf %get3A_575, %mul3A_576 : vector<16xf32>
        %swap3A_578 = arith.index_cast %add3A_572 : i32 to index
        %swap3A_579 = arith.constant 0 : index
        %swap3A_580 = tpu.vector_load %arg10[%swap3A_578, %swap3A_579] {strides = array<i32>} : memref<128x128xf32, #tpu.memory_space<vmem>>, vector<16xf32>,
        tpu.vector_store %arg10[%swap3A_578, %swap3A_579], %mul3A_577 {strides = array<i32>} : memref<128x128xf32, #tpu.memory_space<vmem>>, vector<16xf32>,
        %get3A_581 = arith.index_cast %add3A_572 : i32 to index
        %get3A_582 = arith.constant 16 : index
        %get3A_583 = tpu.vector_load %arg10[%get3A_581, %get3A_582] {strides = array<i32>} : memref<128x128xf32, #tpu.memory_space<vmem>>, vector<16xf32>,
        %mul3A_584 = vector.broadcast %squeeze3A_570 : f32 to vector<16xf32>
        %mul3A_585 = arith.mulf %get3A_583, %mul3A_584 : vector<16xf32>
        %swap3A_586 = arith.index_cast %add3A_572 : i32 to index
        %swap3A_587 = arith.constant 16 : index
        %swap3A_588 = tpu.vector_load %arg10[%swap3A_586, %swap3A_587] {strides = array<i32>} : memref<128x128xf32, #tpu.memory_space<vmem>>, vector<16xf32>,
        tpu.vector_store %arg10[%swap3A_586, %swap3A_587], %mul3A_585 {strides = array<i32>} : memref<128x128xf32, #tpu.memory_space<vmem>>, vector<16xf32>,
        %get3A_589 = arith.index_cast %add3A_572 : i32 to index
        %get3A_590 = arith.constant 32 : index
        %get3A_591 = tpu.vector_load %arg10[%get3A_589, %get3A_590] {strides = array<i32>} : memref<128x128xf32, #tpu.memory_space<vmem>>, vector<16xf32>,
        %mul3A_592 = vector.broadcast %squeeze3A_570 : f32 to vector<16xf32>
        %mul3A_593 = arith.mulf %get3A_591, %mul3A_592 : vector<16xf32>
        %swap3A_594 = arith.index_cast %add3A_572 : i32 to index
        %swap3A_595 = arith.constant 32 : index
        %swap3A_596 = tpu.vector_load %arg10[%swap3A_594, %swap3A_595] {strides = array<i32>} : memref<128x128xf32, #tpu.memory_space<vmem>>, vector<16xf32>,
        tpu.vector_store %arg10[%swap3A_594, %swap3A_595], %mul3A_593 {strides = array<i32>} : memref<128x128xf32, #tpu.memory_space<vmem>>, vector<16xf32>,
        %get3A_597 = arith.index_cast %add3A_572 : i32 to index
        %get3A_598 = arith.constant 48 : index
        %get3A_599 = tpu.vector_load %arg10[%get3A_597, %get3A_598] {strides = array<i32>} : memref<128x128xf32, #tpu.memory_space<vmem>>, vector<16xf32>,
        %mul3A_600 = vector.broadcast %squeeze3A_570 : f32 to vector<16xf32>
        %mul3A_601 = arith.mulf %get3A_599, %mul3A_600 : vector<16xf32>
        %swap3A_602 = arith.index_cast %add3A_572 : i32 to index
        %swap3A_603 = arith.constant 48 : index
        %swap3A_604 = tpu.vector_load %arg10[%swap3A_602, %swap3A_603] {strides = array<i32>} : memref<128x128xf32, #tpu.memory_space<vmem>>, vector<16xf32>,
        tpu.vector_store %arg10[%swap3A_602, %swap3A_603], %mul3A_601 {strides = array<i32>} : memref<128x128xf32, #tpu.memory_space<vmem>>, vector<16xf32>,
        %get3A_605 = arith.index_cast %add3A_572 : i32 to index
        %get3A_606 = arith.constant 64 : index
        %get3A_607 = tpu.vector_load %arg10[%get3A_605, %get3A_606] {strides = array<i32>} : memref<128x128xf32, #tpu.memory_space<vmem>>, vector<16xf32>,
        %mul3A_608 = vector.broadcast %squeeze3A_570 : f32 to vector<16xf32>
        %mul3A_609 = arith.mulf %get3A_607, %mul3A_608 : vector<16xf32>
        %swap3A_610 = arith.index_cast %add3A_572 : i32 to index
        %swap3A_611 = arith.constant 64 : index
        %swap3A_612 = tpu.vector_load %arg10[%swap3A_610, %swap3A_611] {strides = array<i32>} : memref<128x128xf32, #tpu.memory_space<vmem>>, vector<16xf32>,
        tpu.vector_store %arg10[%swap3A_610, %swap3A_611], %mul3A_609 {strides = array<i32>} : memref<128x128xf32, #tpu.memory_space<vmem>>, vector<16xf32>,
        %get3A_613 = arith.index_cast %add3A_572 : i32 to index
        %get3A_614 = arith.constant 80 : index
        %get3A_615 = tpu.vector_load %arg10[%get3A_613, %get3A_614] {strides = array<i32>} : memref<128x128xf32, #tpu.memory_space<vmem>>, vector<16xf32>,
        %mul3A_616 = vector.broadcast %squeeze3A_570 : f32 to vector<16xf32>
        %mul3A_617 = arith.mulf %get3A_615, %mul3A_616 : vector<16xf32>
        %swap3A_618 = arith.index_cast %add3A_572 : i32 to index
        %swap3A_619 = arith.constant 80 : index
        %swap3A_620 = tpu.vector_load %arg10[%swap3A_618, %swap3A_619] {strides = array<i32>} : memref<128x128xf32, #tpu.memory_space<vmem>>, vector<16xf32>,
        tpu.vector_store %arg10[%swap3A_618, %swap3A_619], %mul3A_617 {strides = array<i32>} : memref<128x128xf32, #tpu.memory_space<vmem>>, vector<16xf32>,
        %get3A_621 = arith.index_cast %add3A_572 : i32 to index
        %get3A_622 = arith.constant 96 : index
        %get3A_623 = tpu.vector_load %arg10[%get3A_621, %get3A_622] {strides = array<i32>} : memref<128x128xf32, #tpu.memory_space<vmem>>, vector<16xf32>,
        %mul3A_624 = vector.broadcast %squeeze3A_570 : f32 to vector<16xf32>
        %mul3A_625 = arith.mulf %get3A_623, %mul3A_624 : vector<16xf32>
        %swap3A_626 = arith.index_cast %add3A_572 : i32 to index
        %swap3A_627 = arith.constant 96 : index
        %swap3A_628 = tpu.vector_load %arg10[%swap3A_626, %swap3A_627] {strides = array<i32>} : memref<128x128xf32, #tpu.memory_space<vmem>>, vector<16xf32>,
        tpu.vector_store %arg10[%swap3A_626, %swap3A_627], %mul3A_625 {strides = array<i32>} : memref<128x128xf32, #tpu.memory_space<vmem>>, vector<16xf32>,
        %get3A_629 = arith.index_cast %add3A_572 : i32 to index
        %get3A_630 = arith.constant 112 : index
        %get3A_631 = tpu.vector_load %arg10[%get3A_629, %get3A_630] {strides = array<i32>} : memref<128x128xf32, #tpu.memory_space<vmem>>, vector<16xf32>,
        %mul3A_632 = vector.broadcast %squeeze3A_570 : f32 to vector<16xf32>
        %mul3A_633 = arith.mulf %get3A_631, %mul3A_632 : vector<16xf32>
        %swap3A_634 = arith.index_cast %add3A_572 : i32 to index
        %swap3A_635 = arith.constant 112 : index
        %swap3A_636 = tpu.vector_load %arg10[%swap3A_634, %swap3A_635] {strides = array<i32>} : memref<128x128xf32, #tpu.memory_space<vmem>>, vector<16xf32>,
        tpu.vector_store %arg10[%swap3A_634, %swap3A_635], %mul3A_633 {strides = array<i32>} : memref<128x128xf32, #tpu.memory_space<vmem>>, vector<16xf32>,
        %slice3A_637 = vector.extract_strided_slice %get3A_434 {offsets = [3], sizes = [1], strides = [1]} : vector<16xf32> to vector<1xf32>
        %squeeze3A_638 = vector.extract %slice3A_637[0] : f32 from vector<1xf32>
        %add3A_639 = arith.constant 3 : i32
        %add3A_640 = arith.addi %mul3A_432, %add3A_639 : i32
        %get3A_641 = arith.index_cast %add3A_640 : i32 to index
        %get3A_642 = arith.constant 0 : index
        %get3A_643 = tpu.vector_load %arg10[%get3A_641, %get3A_642] {strides = array<i32>} : memref<128x128xf32, #tpu.memory_space<vmem>>, vector<16xf32>,
        %mul3A_644 = vector.broadcast %squeeze3A_638 : f32 to vector<16xf32>
        %mul3A_645 = arith.mulf %get3A_643, %mul3A_644 : vector<16xf32>
        %swap3A_646 = arith.index_cast %add3A_640 : i32 to index
        %swap3A_647 = arith.constant 0 : index
        %swap3A_648 = tpu.vector_load %arg10[%swap3A_646, %swap3A_647] {strides = array<i32>} : memref<128x128xf32, #tpu.memory_space<vmem>>, vector<16xf32>,
        tpu.vector_store %arg10[%swap3A_646, %swap3A_647], %mul3A_645 {strides = array<i32>} : memref<128x128xf32, #tpu.memory_space<vmem>>, vector<16xf32>,
        %get3A_649 = arith.index_cast %add3A_640 : i32 to index
        %get3A_650 = arith.constant 16 : index
        %get3A_651 = tpu.vector_load %arg10[%get3A_649, %get3A_650] {strides = array<i32>} : memref<128x128xf32, #tpu.memory_space<vmem>>, vector<16xf32>,
        %mul3A_652 = vector.broadcast %squeeze3A_638 : f32 to vector<16xf32>
        %mul3A_653 = arith.mulf %get3A_651, %mul3A_652 : vector<16xf32>
        %swap3A_654 = arith.index_cast %add3A_640 : i32 to index
        %swap3A_655 = arith.constant 16 : index
        %swap3A_656 = tpu.vector_load %arg10[%swap3A_654, %swap3A_655] {strides = array<i32>} : memref<128x128xf32, #tpu.memory_space<vmem>>, vector<16xf32>,
        tpu.vector_store %arg10[%swap3A_654, %swap3A_655], %mul3A_653 {strides = array<i32>} : memref<128x128xf32, #tpu.memory_space<vmem>>, vector<16xf32>,
        %get3A_657 = arith.index_cast %add3A_640 : i32 to index
        %get3A_658 = arith.constant 32 : index
        %get3A_659 = tpu.vector_load %arg10[%get3A_657, %get3A_658] {strides = array<i32>} : memref<128x128xf32, #tpu.memory_space<vmem>>, vector<16xf32>,
        %mul3A_660 = vector.broadcast %squeeze3A_638 : f32 to vector<16xf32>
        %mul3A_661 = arith.mulf %get3A_659, %mul3A_660 : vector<16xf32>
        %swap3A_662 = arith.index_cast %add3A_640 : i32 to index
        %swap3A_663 = arith.constant 32 : index
        %swap3A_664 = tpu.vector_load %arg10[%swap3A_662, %swap3A_663] {strides = array<i32>} : memref<128x128xf32, #tpu.memory_space<vmem>>, vector<16xf32>,
        tpu.vector_store %arg10[%swap3A_662, %swap3A_663], %mul3A_661 {strides = array<i32>} : memref<128x128xf32, #tpu.memory_space<vmem>>, vector<16xf32>,
        %get3A_665 = arith.index_cast %add3A_640 : i32 to index
        %get3A_666 = arith.constant 48 : index
        %get3A_667 = tpu.vector_load %arg10[%get3A_665, %get3A_666] {strides = array<i32>} : memref<128x128xf32, #tpu.memory_space<vmem>>, vector<16xf32>,
        %mul3A_668 = vector.broadcast %squeeze3A_638 : f32 to vector<16xf32>
        %mul3A_669 = arith.mulf %get3A_667, %mul3A_668 : vector<16xf32>
        %swap3A_670 = arith.index_cast %add3A_640 : i32 to index
        %swap3A_671 = arith.constant 48 : index
        %swap3A_672 = tpu.vector_load %arg10[%swap3A_670, %swap3A_671] {strides = array<i32>} : memref<128x128xf32, #tpu.memory_space<vmem>>, vector<16xf32>,
        tpu.vector_store %arg10[%swap3A_670, %swap3A_671], %mul3A_669 {strides = array<i32>} : memref<128x128xf32, #tpu.memory_space<vmem>>, vector<16xf32>,
        %get3A_673 = arith.index_cast %add3A_640 : i32 to index
        %get3A_674 = arith.constant 64 : index
        %get3A_675 = tpu.vector_load %arg10[%get3A_673, %get3A_674] {strides = array<i32>} : memref<128x128xf32, #tpu.memory_space<vmem>>, vector<16xf32>,
        %mul3A_676 = vector.broadcast %squeeze3A_638 : f32 to vector<16xf32>
        %mul3A_677 = arith.mulf %get3A_675, %mul3A_676 : vector<16xf32>
        %swap3A_678 = arith.index_cast %add3A_640 : i32 to index
        %swap3A_679 = arith.constant 64 : index
        %swap3A_680 = tpu.vector_load %arg10[%swap3A_678, %swap3A_679] {strides = array<i32>} : memref<128x128xf32, #tpu.memory_space<vmem>>, vector<16xf32>,
        tpu.vector_store %arg10[%swap3A_678, %swap3A_679], %mul3A_677 {strides = array<i32>} : memref<128x128xf32, #tpu.memory_space<vmem>>, vector<16xf32>,
        %get3A_681 = arith.index_cast %add3A_640 : i32 to index
        %get3A_682 = arith.constant 80 : index
        %get3A_683 = tpu.vector_load %arg10[%get3A_681, %get3A_682] {strides = array<i32>} : memref<128x128xf32, #tpu.memory_space<vmem>>, vector<16xf32>,
        %mul3A_684 = vector.broadcast %squeeze3A_638 : f32 to vector<16xf32>
        %mul3A_685 = arith.mulf %get3A_683, %mul3A_684 : vector<16xf32>
        %swap3A_686 = arith.index_cast %add3A_640 : i32 to index
        %swap3A_687 = arith.constant 80 : index
        %swap3A_688 = tpu.vector_load %arg10[%swap3A_686, %swap3A_687] {strides = array<i32>} : memref<128x128xf32, #tpu.memory_space<vmem>>, vector<16xf32>,
        tpu.vector_store %arg10[%swap3A_686, %swap3A_687], %mul3A_685 {strides = array<i32>} : memref<128x128xf32, #tpu.memory_space<vmem>>, vector<16xf32>,
        %get3A_689 = arith.index_cast %add3A_640 : i32 to index
        %get3A_690 = arith.constant 96 : index
        %get3A_691 = tpu.vector_load %arg10[%get3A_689, %get3A_690] {strides = array<i32>} : memref<128x128xf32, #tpu.memory_space<vmem>>, vector<16xf32>,
        %mul3A_692 = vector.broadcast %squeeze3A_638 : f32 to vector<16xf32>
        %mul3A_693 = arith.mulf %get3A_691, %mul3A_692 : vector<16xf32>
        %swap3A_694 = arith.index_cast %add3A_640 : i32 to index
        %swap3A_695 = arith.constant 96 : index
        %swap3A_696 = tpu.vector_load %arg10[%swap3A_694, %swap3A_695] {strides = array<i32>} : memref<128x128xf32, #tpu.memory_space<vmem>>, vector<16xf32>,
        tpu.vector_store %arg10[%swap3A_694, %swap3A_695], %mul3A_693 {strides = array<i32>} : memref<128x128xf32, #tpu.memory_space<vmem>>, vector<16xf32>,
        %get3A_697 = arith.index_cast %add3A_640 : i32 to index
        %get3A_698 = arith.constant 112 : index
        %get3A_699 = tpu.vector_load %arg10[%get3A_697, %get3A_698] {strides = array<i32>} : memref<128x128xf32, #tpu.memory_space<vmem>>, vector<16xf32>,
        %mul3A_700 = vector.broadcast %squeeze3A_638 : f32 to vector<16xf32>
        %mul3A_701 = arith.mulf %get3A_699, %mul3A_700 : vector<16xf32>
        %swap3A_702 = arith.index_cast %add3A_640 : i32 to index
        %swap3A_703 = arith.constant 112 : index
        %swap3A_704 = tpu.vector_load %arg10[%swap3A_702, %swap3A_703] {strides = array<i32>} : memref<128x128xf32, #tpu.memory_space<vmem>>, vector<16xf32>,
        tpu.vector_store %arg10[%swap3A_702, %swap3A_703], %mul3A_701 {strides = array<i32>} : memref<128x128xf32, #tpu.memory_space<vmem>>, vector<16xf32>,
        %slice3A_705 = vector.extract_strided_slice %get3A_434 {offsets = [4], sizes = [1], strides = [1]} : vector<16xf32> to vector<1xf32>
        %squeeze3A_706 = vector.extract %slice3A_705[0] : f32 from vector<1xf32>
        %add3A_707 = arith.constant 4 : i32
        %add3A_708 = arith.addi %mul3A_432, %add3A_707 : i32
        %get3A_709 = arith.index_cast %add3A_708 : i32 to index
        %get3A_710 = arith.constant 0 : index
        %get3A_711 = tpu.vector_load %arg10[%get3A_709, %get3A_710] {strides = array<i32>} : memref<128x128xf32, #tpu.memory_space<vmem>>, vector<16xf32>,
        %mul3A_712 = vector.broadcast %squeeze3A_706 : f32 to vector<16xf32>
        %mul3A_713 = arith.mulf %get3A_711, %mul3A_712 : vector<16xf32>
        %swap3A_714 = arith.index_cast %add3A_708 : i32 to index
        %swap3A_715 = arith.constant 0 : index
        %swap3A_716 = tpu.vector_load %arg10[%swap3A_714, %swap3A_715] {strides = array<i32>} : memref<128x128xf32, #tpu.memory_space<vmem>>, vector<16xf32>,
        tpu.vector_store %arg10[%swap3A_714, %swap3A_715], %mul3A_713 {strides = array<i32>} : memref<128x128xf32, #tpu.memory_space<vmem>>, vector<16xf32>,
        %get3A_717 = arith.index_cast %add3A_708 : i32 to index
        %get3A_718 = arith.constant 16 : index
        %get3A_719 = tpu.vector_load %arg10[%get3A_717, %get3A_718] {strides = array<i32>} : memref<128x128xf32, #tpu.memory_space<vmem>>, vector<16xf32>,
        %mul3A_720 = vector.broadcast %squeeze3A_706 : f32 to vector<16xf32>
        %mul3A_721 = arith.mulf %get3A_719, %mul3A_720 : vector<16xf32>
        %swap3A_722 = arith.index_cast %add3A_708 : i32 to index
        %swap3A_723 = arith.constant 16 : index
        %swap3A_724 = tpu.vector_load %arg10[%swap3A_722, %swap3A_723] {strides = array<i32>} : memref<128x128xf32, #tpu.memory_space<vmem>>, vector<16xf32>,
        tpu.vector_store %arg10[%swap3A_722, %swap3A_723], %mul3A_721 {strides = array<i32>} : memref<128x128xf32, #tpu.memory_space<vmem>>, vector<16xf32>,
        %get3A_725 = arith.index_cast %add3A_708 : i32 to index
        %get3A_726 = arith.constant 32 : index
        %get3A_727 = tpu.vector_load %arg10[%get3A_725, %get3A_726] {strides = array<i32>} : memref<128x128xf32, #tpu.memory_space<vmem>>, vector<16xf32>,
        %mul3A_728 = vector.broadcast %squeeze3A_706 : f32 to vector<16xf32>
        %mul3A_729 = arith.mulf %get3A_727, %mul3A_728 : vector<16xf32>
        %swap3A_730 = arith.index_cast %add3A_708 : i32 to index
        %swap3A_731 = arith.constant 32 : index
        %swap3A_732 = tpu.vector_load %arg10[%swap3A_730, %swap3A_731] {strides = array<i32>} : memref<128x128xf32, #tpu.memory_space<vmem>>, vector<16xf32>,
        tpu.vector_store %arg10[%swap3A_730, %swap3A_731], %mul3A_729 {strides = array<i32>} : memref<128x128xf32, #tpu.memory_space<vmem>>, vector<16xf32>,
        %get3A_733 = arith.index_cast %add3A_708 : i32 to index
        %get3A_734 = arith.constant 48 : index
        %get3A_735 = tpu.vector_load %arg10[%get3A_733, %get3A_734] {strides = array<i32>} : memref<128x128xf32, #tpu.memory_space<vmem>>, vector<16xf32>,
        %mul3A_736 = vector.broadcast %squeeze3A_706 : f32 to vector<16xf32>
        %mul3A_737 = arith.mulf %get3A_735, %mul3A_736 : vector<16xf32>
        %swap3A_738 = arith.index_cast %add3A_708 : i32 to index
        %swap3A_739 = arith.constant 48 : index
        %swap3A_740 = tpu.vector_load %arg10[%swap3A_738, %swap3A_739] {strides = array<i32>} : memref<128x128xf32, #tpu.memory_space<vmem>>, vector<16xf32>,
        tpu.vector_store %arg10[%swap3A_738, %swap3A_739], %mul3A_737 {strides = array<i32>} : memref<128x128xf32, #tpu.memory_space<vmem>>, vector<16xf32>,
        %get3A_741 = arith.index_cast %add3A_708 : i32 to index
        %get3A_742 = arith.constant 64 : index
        %get3A_743 = tpu.vector_load %arg10[%get3A_741, %get3A_742] {strides = array<i32>} : memref<128x128xf32, #tpu.memory_space<vmem>>, vector<16xf32>,
        %mul3A_744 = vector.broadcast %squeeze3A_706 : f32 to vector<16xf32>
        %mul3A_745 = arith.mulf %get3A_743, %mul3A_744 : vector<16xf32>
        %swap3A_746 = arith.index_cast %add3A_708 : i32 to index
        %swap3A_747 = arith.constant 64 : index
        %swap3A_748 = tpu.vector_load %arg10[%swap3A_746, %swap3A_747] {strides = array<i32>} : memref<128x128xf32, #tpu.memory_space<vmem>>, vector<16xf32>,
        tpu.vector_store %arg10[%swap3A_746, %swap3A_747], %mul3A_745 {strides = array<i32>} : memref<128x128xf32, #tpu.memory_space<vmem>>, vector<16xf32>,
        %get3A_749 = arith.index_cast %add3A_708 : i32 to index
        %get3A_750 = arith.constant 80 : index
        %get3A_751 = tpu.vector_load %arg10[%get3A_749, %get3A_750] {strides = array<i32>} : memref<128x128xf32, #tpu.memory_space<vmem>>, vector<16xf32>,
        %mul3A_752 = vector.broadcast %squeeze3A_706 : f32 to vector<16xf32>
        %mul3A_753 = arith.mulf %get3A_751, %mul3A_752 : vector<16xf32>
        %swap3A_754 = arith.index_cast %add3A_708 : i32 to index
        %swap3A_755 = arith.constant 80 : index
        %swap3A_756 = tpu.vector_load %arg10[%swap3A_754, %swap3A_755] {strides = array<i32>} : memref<128x128xf32, #tpu.memory_space<vmem>>, vector<16xf32>,
        tpu.vector_store %arg10[%swap3A_754, %swap3A_755], %mul3A_753 {strides = array<i32>} : memref<128x128xf32, #tpu.memory_space<vmem>>, vector<16xf32>,
        %get3A_757 = arith.index_cast %add3A_708 : i32 to index
        %get3A_758 = arith.constant 96 : index
        %get3A_759 = tpu.vector_load %arg10[%get3A_757, %get3A_758] {strides = array<i32>} : memref<128x128xf32, #tpu.memory_space<vmem>>, vector<16xf32>,
        %mul3A_760 = vector.broadcast %squeeze3A_706 : f32 to vector<16xf32>
        %mul3A_761 = arith.mulf %get3A_759, %mul3A_760 : vector<16xf32>
        %swap3A_762 = arith.index_cast %add3A_708 : i32 to index
        %swap3A_763 = arith.constant 96 : index
        %swap3A_764 = tpu.vector_load %arg10[%swap3A_762, %swap3A_763] {strides = array<i32>} : memref<128x128xf32, #tpu.memory_space<vmem>>, vector<16xf32>,
        tpu.vector_store %arg10[%swap3A_762, %swap3A_763], %mul3A_761 {strides = array<i32>} : memref<128x128xf32, #tpu.memory_space<vmem>>, vector<16xf32>,
        %get3A_765 = arith.index_cast %add3A_708 : i32 to index
        %get3A_766 = arith.constant 112 : index
        %get3A_767 = tpu.vector_load %arg10[%get3A_765, %get3A_766] {strides = array<i32>} : memref<128x128xf32, #tpu.memory_space<vmem>>, vector<16xf32>,
        %mul3A_768 = vector.broadcast %squeeze3A_706 : f32 to vector<16xf32>
        %mul3A_769 = arith.mulf %get3A_767, %mul3A_768 : vector<16xf32>
        %swap3A_770 = arith.index_cast %add3A_708 : i32 to index
        %swap3A_771 = arith.constant 112 : index
        %swap3A_772 = tpu.vector_load %arg10[%swap3A_770, %swap3A_771] {strides = array<i32>} : memref<128x128xf32, #tpu.memory_space<vmem>>, vector<16xf32>,
        tpu.vector_store %arg10[%swap3A_770, %swap3A_771], %mul3A_769 {strides = array<i32>} : memref<128x128xf32, #tpu.memory_space<vmem>>, vector<16xf32>,
        %slice3A_773 = vector.extract_strided_slice %get3A_434 {offsets = [5], sizes = [1], strides = [1]} : vector<16xf32> to vector<1xf32>
        %squeeze3A_774 = vector.extract %slice3A_773[0] : f32 from vector<1xf32>
        %add3A_775 = arith.constant 5 : i32
        %add3A_776 = arith.addi %mul3A_432, %add3A_775 : i32
        %get3A_777 = arith.index_cast %add3A_776 : i32 to index
        %get3A_778 = arith.constant 0 : index
        %get3A_779 = tpu.vector_load %arg10[%get3A_777, %get3A_778] {strides = array<i32>} : memref<128x128xf32, #tpu.memory_space<vmem>>, vector<16xf32>,
        %mul3A_780 = vector.broadcast %squeeze3A_774 : f32 to vector<16xf32>
        %mul3A_781 = arith.mulf %get3A_779, %mul3A_780 : vector<16xf32>
        %swap3A_782 = arith.index_cast %add3A_776 : i32 to index
        %swap3A_783 = arith.constant 0 : index
        %swap3A_784 = tpu.vector_load %arg10[%swap3A_782, %swap3A_783] {strides = array<i32>} : memref<128x128xf32, #tpu.memory_space<vmem>>, vector<16xf32>,
        tpu.vector_store %arg10[%swap3A_782, %swap3A_783], %mul3A_781 {strides = array<i32>} : memref<128x128xf32, #tpu.memory_space<vmem>>, vector<16xf32>,
        %get3A_785 = arith.index_cast %add3A_776 : i32 to index
        %get3A_786 = arith.constant 16 : index
        %get3A_787 = tpu.vector_load %arg10[%get3A_785, %get3A_786] {strides = array<i32>} : memref<128x128xf32, #tpu.memory_space<vmem>>, vector<16xf32>,
        %mul3A_788 = vector.broadcast %squeeze3A_774 : f32 to vector<16xf32>
        %mul3A_789 = arith.mulf %get3A_787, %mul3A_788 : vector<16xf32>
        %swap3A_790 = arith.index_cast %add3A_776 : i32 to index
        %swap3A_791 = arith.constant 16 : index
        %swap3A_792 = tpu.vector_load %arg10[%swap3A_790, %swap3A_791] {strides = array<i32>} : memref<128x128xf32, #tpu.memory_space<vmem>>, vector<16xf32>,
        tpu.vector_store %arg10[%swap3A_790, %swap3A_791], %mul3A_789 {strides = array<i32>} : memref<128x128xf32, #tpu.memory_space<vmem>>, vector<16xf32>,
        %get3A_793 = arith.index_cast %add3A_776 : i32 to index
        %get3A_794 = arith.constant 32 : index
        %get3A_795 = tpu.vector_load %arg10[%get3A_793, %get3A_794] {strides = array<i32>} : memref<128x128xf32, #tpu.memory_space<vmem>>, vector<16xf32>,
        %mul3A_796 = vector.broadcast %squeeze3A_774 : f32 to vector<16xf32>
        %mul3A_797 = arith.mulf %get3A_795, %mul3A_796 : vector<16xf32>
        %swap3A_798 = arith.index_cast %add3A_776 : i32 to index
        %swap3A_799 = arith.constant 32 : index
        %swap3A_800 = tpu.vector_load %arg10[%swap3A_798, %swap3A_799] {strides = array<i32>} : memref<128x128xf32, #tpu.memory_space<vmem>>, vector<16xf32>,
        tpu.vector_store %arg10[%swap3A_798, %swap3A_799], %mul3A_797 {strides = array<i32>} : memref<128x128xf32, #tpu.memory_space<vmem>>, vector<16xf32>,
        %get3A_801 = arith.index_cast %add3A_776 : i32 to index
        %get3A_802 = arith.constant 48 : index
        %get3A_803 = tpu.vector_load %arg10[%get3A_801, %get3A_802] {strides = array<i32>} : memref<128x128xf32, #tpu.memory_space<vmem>>, vector<16xf32>,
        %mul3A_804 = vector.broadcast %squeeze3A_774 : f32 to vector<16xf32>
        %mul3A_805 = arith.mulf %get3A_803, %mul3A_804 : vector<16xf32>
        %swap3A_806 = arith.index_cast %add3A_776 : i32 to index
        %swap3A_807 = arith.constant 48 : index
        %swap3A_808 = tpu.vector_load %arg10[%swap3A_806, %swap3A_807] {strides = array<i32>} : memref<128x128xf32, #tpu.memory_space<vmem>>, vector<16xf32>,
        tpu.vector_store %arg10[%swap3A_806, %swap3A_807], %mul3A_805 {strides = array<i32>} : memref<128x128xf32, #tpu.memory_space<vmem>>, vector<16xf32>,
        %get3A_809 = arith.index_cast %add3A_776 : i32 to index
        %get3A_810 = arith.constant 64 : index
        %get3A_811 = tpu.vector_load %arg10[%get3A_809, %get3A_810] {strides = array<i32>} : memref<128x128xf32, #tpu.memory_space<vmem>>, vector<16xf32>,
        %mul3A_812 = vector.broadcast %squeeze3A_774 : f32 to vector<16xf32>
        %mul3A_813 = arith.mulf %get3A_811, %mul3A_812 : vector<16xf32>
        %swap3A_814 = arith.index_cast %add3A_776 : i32 to index
        %swap3A_815 = arith.constant 64 : index
        %swap3A_816 = tpu.vector_load %arg10[%swap3A_814, %swap3A_815] {strides = array<i32>} : memref<128x128xf32, #tpu.memory_space<vmem>>, vector<16xf32>,
        tpu.vector_store %arg10[%swap3A_814, %swap3A_815], %mul3A_813 {strides = array<i32>} : memref<128x128xf32, #tpu.memory_space<vmem>>, vector<16xf32>,
        %get3A_817 = arith.index_cast %add3A_776 : i32 to index
        %get3A_818 = arith.constant 80 : index
        %get3A_819 = tpu.vector_load %arg10[%get3A_817, %get3A_818] {strides = array<i32>} : memref<128x128xf32, #tpu.memory_space<vmem>>, vector<16xf32>,
        %mul3A_820 = vector.broadcast %squeeze3A_774 : f32 to vector<16xf32>
        %mul3A_821 = arith.mulf %get3A_819, %mul3A_820 : vector<16xf32>
        %swap3A_822 = arith.index_cast %add3A_776 : i32 to index
        %swap3A_823 = arith.constant 80 : index
        %swap3A_824 = tpu.vector_load %arg10[%swap3A_822, %swap3A_823] {strides = array<i32>} : memref<128x128xf32, #tpu.memory_space<vmem>>, vector<16xf32>,
        tpu.vector_store %arg10[%swap3A_822, %swap3A_823], %mul3A_821 {strides = array<i32>} : memref<128x128xf32, #tpu.memory_space<vmem>>, vector<16xf32>,
        %get3A_825 = arith.index_cast %add3A_776 : i32 to index
        %get3A_826 = arith.constant 96 : index
        %get3A_827 = tpu.vector_load %arg10[%get3A_825, %get3A_826] {strides = array<i32>} : memref<128x128xf32, #tpu.memory_space<vmem>>, vector<16xf32>,
        %mul3A_828 = vector.broadcast %squeeze3A_774 : f32 to vector<16xf32>
        %mul3A_829 = arith.mulf %get3A_827, %mul3A_828 : vector<16xf32>
        %swap3A_830 = arith.index_cast %add3A_776 : i32 to index
        %swap3A_831 = arith.constant 96 : index
        %swap3A_832 = tpu.vector_load %arg10[%swap3A_830, %swap3A_831] {strides = array<i32>} : memref<128x128xf32, #tpu.memory_space<vmem>>, vector<16xf32>,
        tpu.vector_store %arg10[%swap3A_830, %swap3A_831], %mul3A_829 {strides = array<i32>} : memref<128x128xf32, #tpu.memory_space<vmem>>, vector<16xf32>,
        %get3A_833 = arith.index_cast %add3A_776 : i32 to index
        %get3A_834 = arith.constant 112 : index
        %get3A_835 = tpu.vector_load %arg10[%get3A_833, %get3A_834] {strides = array<i32>} : memref<128x128xf32, #tpu.memory_space<vmem>>, vector<16xf32>,
        %mul3A_836 = vector.broadcast %squeeze3A_774 : f32 to vector<16xf32>
        %mul3A_837 = arith.mulf %get3A_835, %mul3A_836 : vector<16xf32>
        %swap3A_838 = arith.index_cast %add3A_776 : i32 to index
        %swap3A_839 = arith.constant 112 : index
        %swap3A_840 = tpu.vector_load %arg10[%swap3A_838, %swap3A_839] {strides = array<i32>} : memref<128x128xf32, #tpu.memory_space<vmem>>, vector<16xf32>,
        tpu.vector_store %arg10[%swap3A_838, %swap3A_839], %mul3A_837 {strides = array<i32>} : memref<128x128xf32, #tpu.memory_space<vmem>>, vector<16xf32>,
        %slice3A_841 = vector.extract_strided_slice %get3A_434 {offsets = [6], sizes = [1], strides = [1]} : vector<16xf32> to vector<1xf32>
        %squeeze3A_842 = vector.extract %slice3A_841[0] : f32 from vector<1xf32>
        %add3A_843 = arith.constant 6 : i32
        %add3A_844 = arith.addi %mul3A_432, %add3A_843 : i32
        %get3A_845 = arith.index_cast %add3A_844 : i32 to index
        %get3A_846 = arith.constant 0 : index
        %get3A_847 = tpu.vector_load %arg10[%get3A_845, %get3A_846] {strides = array<i32>} : memref<128x128xf32, #tpu.memory_space<vmem>>, vector<16xf32>,
        %mul3A_848 = vector.broadcast %squeeze3A_842 : f32 to vector<16xf32>
        %mul3A_849 = arith.mulf %get3A_847, %mul3A_848 : vector<16xf32>
        %swap3A_850 = arith.index_cast %add3A_844 : i32 to index
        %swap3A_851 = arith.constant 0 : index
        %swap3A_852 = tpu.vector_load %arg10[%swap3A_850, %swap3A_851] {strides = array<i32>} : memref<128x128xf32, #tpu.memory_space<vmem>>, vector<16xf32>,
        tpu.vector_store %arg10[%swap3A_850, %swap3A_851], %mul3A_849 {strides = array<i32>} : memref<128x128xf32, #tpu.memory_space<vmem>>, vector<16xf32>,
        %get3A_853 = arith.index_cast %add3A_844 : i32 to index
        %get3A_854 = arith.constant 16 : index
        %get3A_855 = tpu.vector_load %arg10[%get3A_853, %get3A_854] {strides = array<i32>} : memref<128x128xf32, #tpu.memory_space<vmem>>, vector<16xf32>,
        %mul3A_856 = vector.broadcast %squeeze3A_842 : f32 to vector<16xf32>
        %mul3A_857 = arith.mulf %get3A_855, %mul3A_856 : vector<16xf32>
        %swap3A_858 = arith.index_cast %add3A_844 : i32 to index
        %swap3A_859 = arith.constant 16 : index
        %swap3A_860 = tpu.vector_load %arg10[%swap3A_858, %swap3A_859] {strides = array<i32>} : memref<128x128xf32, #tpu.memory_space<vmem>>, vector<16xf32>,
        tpu.vector_store %arg10[%swap3A_858, %swap3A_859], %mul3A_857 {strides = array<i32>} : memref<128x128xf32, #tpu.memory_space<vmem>>, vector<16xf32>,
        %get3A_861 = arith.index_cast %add3A_844 : i32 to index
        %get3A_862 = arith.constant 32 : index
        %get3A_863 = tpu.vector_load %arg10[%get3A_861, %get3A_862] {strides = array<i32>} : memref<128x128xf32, #tpu.memory_space<vmem>>, vector<16xf32>,
        %mul3A_864 = vector.broadcast %squeeze3A_842 : f32 to vector<16xf32>
        %mul3A_865 = arith.mulf %get3A_863, %mul3A_864 : vector<16xf32>
        %swap3A_866 = arith.index_cast %add3A_844 : i32 to index
        %swap3A_867 = arith.constant 32 : index
        %swap3A_868 = tpu.vector_load %arg10[%swap3A_866, %swap3A_867] {strides = array<i32>} : memref<128x128xf32, #tpu.memory_space<vmem>>, vector<16xf32>,
        tpu.vector_store %arg10[%swap3A_866, %swap3A_867], %mul3A_865 {strides = array<i32>} : memref<128x128xf32, #tpu.memory_space<vmem>>, vector<16xf32>,
        %get3A_869 = arith.index_cast %add3A_844 : i32 to index
        %get3A_870 = arith.constant 48 : index
        %get3A_871 = tpu.vector_load %arg10[%get3A_869, %get3A_870] {strides = array<i32>} : memref<128x128xf32, #tpu.memory_space<vmem>>, vector<16xf32>,
        %mul3A_872 = vector.broadcast %squeeze3A_842 : f32 to vector<16xf32>
        %mul3A_873 = arith.mulf %get3A_871, %mul3A_872 : vector<16xf32>
        %swap3A_874 = arith.index_cast %add3A_844 : i32 to index
        %swap3A_875 = arith.constant 48 : index
        %swap3A_876 = tpu.vector_load %arg10[%swap3A_874, %swap3A_875] {strides = array<i32>} : memref<128x128xf32, #tpu.memory_space<vmem>>, vector<16xf32>,
        tpu.vector_store %arg10[%swap3A_874, %swap3A_875], %mul3A_873 {strides = array<i32>} : memref<128x128xf32, #tpu.memory_space<vmem>>, vector<16xf32>,
        %get3A_877 = arith.index_cast %add3A_844 : i32 to index
        %get3A_878 = arith.constant 64 : index
        %get3A_879 = tpu.vector_load %arg10[%get3A_877, %get3A_878] {strides = array<i32>} : memref<128x128xf32, #tpu.memory_space<vmem>>, vector<16xf32>,
        %mul3A_880 = vector.broadcast %squeeze3A_842 : f32 to vector<16xf32>
        %mul3A_881 = arith.mulf %get3A_879, %mul3A_880 : vector<16xf32>
        %swap3A_882 = arith.index_cast %add3A_844 : i32 to index
        %swap3A_883 = arith.constant 64 : index
        %swap3A_884 = tpu.vector_load %arg10[%swap3A_882, %swap3A_883] {strides = array<i32>} : memref<128x128xf32, #tpu.memory_space<vmem>>, vector<16xf32>,
        tpu.vector_store %arg10[%swap3A_882, %swap3A_883], %mul3A_881 {strides = array<i32>} : memref<128x128xf32, #tpu.memory_space<vmem>>, vector<16xf32>,
        %get3A_885 = arith.index_cast %add3A_844 : i32 to index
        %get3A_886 = arith.constant 80 : index
        %get3A_887 = tpu.vector_load %arg10[%get3A_885, %get3A_886] {strides = array<i32>} : memref<128x128xf32, #tpu.memory_space<vmem>>, vector<16xf32>,
        %mul3A_888 = vector.broadcast %squeeze3A_842 : f32 to vector<16xf32>
        %mul3A_889 = arith.mulf %get3A_887, %mul3A_888 : vector<16xf32>
        %swap3A_890 = arith.index_cast %add3A_844 : i32 to index
        %swap3A_891 = arith.constant 80 : index
        %swap3A_892 = tpu.vector_load %arg10[%swap3A_890, %swap3A_891] {strides = array<i32>} : memref<128x128xf32, #tpu.memory_space<vmem>>, vector<16xf32>,
        tpu.vector_store %arg10[%swap3A_890, %swap3A_891], %mul3A_889 {strides = array<i32>} : memref<128x128xf32, #tpu.memory_space<vmem>>, vector<16xf32>,
        %get3A_893 = arith.index_cast %add3A_844 : i32 to index
        %get3A_894 = arith.constant 96 : index
        %get3A_895 = tpu.vector_load %arg10[%get3A_893, %get3A_894] {strides = array<i32>} : memref<128x128xf32, #tpu.memory_space<vmem>>, vector<16xf32>,
        %mul3A_896 = vector.broadcast %squeeze3A_842 : f32 to vector<16xf32>
        %mul3A_897 = arith.mulf %get3A_895, %mul3A_896 : vector<16xf32>
        %swap3A_898 = arith.index_cast %add3A_844 : i32 to index
        %swap3A_899 = arith.constant 96 : index
        %swap3A_900 = tpu.vector_load %arg10[%swap3A_898, %swap3A_899] {strides = array<i32>} : memref<128x128xf32, #tpu.memory_space<vmem>>, vector<16xf32>,
        tpu.vector_store %arg10[%swap3A_898, %swap3A_899], %mul3A_897 {strides = array<i32>} : memref<128x128xf32, #tpu.memory_space<vmem>>, vector<16xf32>,
        %get3A_901 = arith.index_cast %add3A_844 : i32 to index
        %get3A_902 = arith.constant 112 : index
        %get3A_903 = tpu.vector_load %arg10[%get3A_901, %get3A_902] {strides = array<i32>} : memref<128x128xf32, #tpu.memory_space<vmem>>, vector<16xf32>,
        %mul3A_904 = vector.broadcast %squeeze3A_842 : f32 to vector<16xf32>
        %mul3A_905 = arith.mulf %get3A_903, %mul3A_904 : vector<16xf32>
        %swap3A_906 = arith.index_cast %add3A_844 : i32 to index
        %swap3A_907 = arith.constant 112 : index
        %swap3A_908 = tpu.vector_load %arg10[%swap3A_906, %swap3A_907] {strides = array<i32>} : memref<128x128xf32, #tpu.memory_space<vmem>>, vector<16xf32>,
        tpu.vector_store %arg10[%swap3A_906, %swap3A_907], %mul3A_905 {strides = array<i32>} : memref<128x128xf32, #tpu.memory_space<vmem>>, vector<16xf32>,
        %slice3A_909 = vector.extract_strided_slice %get3A_434 {offsets = [7], sizes = [1], strides = [1]} : vector<16xf32> to vector<1xf32>
        %squeeze3A_910 = vector.extract %slice3A_909[0] : f32 from vector<1xf32>
        %add3A_911 = arith.constant 7 : i32
        %add3A_912 = arith.addi %mul3A_432, %add3A_911 : i32
        %get3A_913 = arith.index_cast %add3A_912 : i32 to index
        %get3A_914 = arith.constant 0 : index
        %get3A_915 = tpu.vector_load %arg10[%get3A_913, %get3A_914] {strides = array<i32>} : memref<128x128xf32, #tpu.memory_space<vmem>>, vector<16xf32>,
        %mul3A_916 = vector.broadcast %squeeze3A_910 : f32 to vector<16xf32>
        %mul3A_917 = arith.mulf %get3A_915, %mul3A_916 : vector<16xf32>
        %swap3A_918 = arith.index_cast %add3A_912 : i32 to index
        %swap3A_919 = arith.constant 0 : index
        %swap3A_920 = tpu.vector_load %arg10[%swap3A_918, %swap3A_919] {strides = array<i32>} : memref<128x128xf32, #tpu.memory_space<vmem>>, vector<16xf32>,
        tpu.vector_store %arg10[%swap3A_918, %swap3A_919], %mul3A_917 {strides = array<i32>} : memref<128x128xf32, #tpu.memory_space<vmem>>, vector<16xf32>,
        %get3A_921 = arith.index_cast %add3A_912 : i32 to index
        %get3A_922 = arith.constant 16 : index
        %get3A_923 = tpu.vector_load %arg10[%get3A_921, %get3A_922] {strides = array<i32>} : memref<128x128xf32, #tpu.memory_space<vmem>>, vector<16xf32>,
        %mul3A_924 = vector.broadcast %squeeze3A_910 : f32 to vector<16xf32>
        %mul3A_925 = arith.mulf %get3A_923, %mul3A_924 : vector<16xf32>
        %swap3A_926 = arith.index_cast %add3A_912 : i32 to index
        %swap3A_927 = arith.constant 16 : index
        %swap3A_928 = tpu.vector_load %arg10[%swap3A_926, %swap3A_927] {strides = array<i32>} : memref<128x128xf32, #tpu.memory_space<vmem>>, vector<16xf32>,
        tpu.vector_store %arg10[%swap3A_926, %swap3A_927], %mul3A_925 {strides = array<i32>} : memref<128x128xf32, #tpu.memory_space<vmem>>, vector<16xf32>,
        %get3A_929 = arith.index_cast %add3A_912 : i32 to index
        %get3A_930 = arith.constant 32 : index
        %get3A_931 = tpu.vector_load %arg10[%get3A_929, %get3A_930] {strides = array<i32>} : memref<128x128xf32, #tpu.memory_space<vmem>>, vector<16xf32>,
        %mul3A_932 = vector.broadcast %squeeze3A_910 : f32 to vector<16xf32>
        %mul3A_933 = arith.mulf %get3A_931, %mul3A_932 : vector<16xf32>
        %swap3A_934 = arith.index_cast %add3A_912 : i32 to index
        %swap3A_935 = arith.constant 32 : index
        %swap3A_936 = tpu.vector_load %arg10[%swap3A_934, %swap3A_935] {strides = array<i32>} : memref<128x128xf32, #tpu.memory_space<vmem>>, vector<16xf32>,
        tpu.vector_store %arg10[%swap3A_934, %swap3A_935], %mul3A_933 {strides = array<i32>} : memref<128x128xf32, #tpu.memory_space<vmem>>, vector<16xf32>,
        %get3A_937 = arith.index_cast %add3A_912 : i32 to index
        %get3A_938 = arith.constant 48 : index
        %get3A_939 = tpu.vector_load %arg10[%get3A_937, %get3A_938] {strides = array<i32>} : memref<128x128xf32, #tpu.memory_space<vmem>>, vector<16xf32>,
        %mul3A_940 = vector.broadcast %squeeze3A_910 : f32 to vector<16xf32>
        %mul3A_941 = arith.mulf %get3A_939, %mul3A_940 : vector<16xf32>
        %swap3A_942 = arith.index_cast %add3A_912 : i32 to index
        %swap3A_943 = arith.constant 48 : index
        %swap3A_944 = tpu.vector_load %arg10[%swap3A_942, %swap3A_943] {strides = array<i32>} : memref<128x128xf32, #tpu.memory_space<vmem>>, vector<16xf32>,
        tpu.vector_store %arg10[%swap3A_942, %swap3A_943], %mul3A_941 {strides = array<i32>} : memref<128x128xf32, #tpu.memory_space<vmem>>, vector<16xf32>,
        %get3A_945 = arith.index_cast %add3A_912 : i32 to index
        %get3A_946 = arith.constant 64 : index
        %get3A_947 = tpu.vector_load %arg10[%get3A_945, %get3A_946] {strides = array<i32>} : memref<128x128xf32, #tpu.memory_space<vmem>>, vector<16xf32>,
        %mul3A_948 = vector.broadcast %squeeze3A_910 : f32 to vector<16xf32>
        %mul3A_949 = arith.mulf %get3A_947, %mul3A_948 : vector<16xf32>
        %swap3A_950 = arith.index_cast %add3A_912 : i32 to index
        %swap3A_951 = arith.constant 64 : index
        %swap3A_952 = tpu.vector_load %arg10[%swap3A_950, %swap3A_951] {strides = array<i32>} : memref<128x128xf32, #tpu.memory_space<vmem>>, vector<16xf32>,
        tpu.vector_store %arg10[%swap3A_950, %swap3A_951], %mul3A_949 {strides = array<i32>} : memref<128x128xf32, #tpu.memory_space<vmem>>, vector<16xf32>,
        %get3A_953 = arith.index_cast %add3A_912 : i32 to index
        %get3A_954 = arith.constant 80 : index
        %get3A_955 = tpu.vector_load %arg10[%get3A_953, %get3A_954] {strides = array<i32>} : memref<128x128xf32, #tpu.memory_space<vmem>>, vector<16xf32>,
        %mul3A_956 = vector.broadcast %squeeze3A_910 : f32 to vector<16xf32>
        %mul3A_957 = arith.mulf %get3A_955, %mul3A_956 : vector<16xf32>
        %swap3A_958 = arith.index_cast %add3A_912 : i32 to index
        %swap3A_959 = arith.constant 80 : index
        %swap3A_960 = tpu.vector_load %arg10[%swap3A_958, %swap3A_959] {strides = array<i32>} : memref<128x128xf32, #tpu.memory_space<vmem>>, vector<16xf32>,
        tpu.vector_store %arg10[%swap3A_958, %swap3A_959], %mul3A_957 {strides = array<i32>} : memref<128x128xf32, #tpu.memory_space<vmem>>, vector<16xf32>,
        %get3A_961 = arith.index_cast %add3A_912 : i32 to index
        %get3A_962 = arith.constant 96 : index
        %get3A_963 = tpu.vector_load %arg10[%get3A_961, %get3A_962] {strides = array<i32>} : memref<128x128xf32, #tpu.memory_space<vmem>>, vector<16xf32>,
        %mul3A_964 = vector.broadcast %squeeze3A_910 : f32 to vector<16xf32>
        %mul3A_965 = arith.mulf %get3A_963, %mul3A_964 : vector<16xf32>
        %swap3A_966 = arith.index_cast %add3A_912 : i32 to index
        %swap3A_967 = arith.constant 96 : index
        %swap3A_968 = tpu.vector_load %arg10[%swap3A_966, %swap3A_967] {strides = array<i32>} : memref<128x128xf32, #tpu.memory_space<vmem>>, vector<16xf32>,
        tpu.vector_store %arg10[%swap3A_966, %swap3A_967], %mul3A_965 {strides = array<i32>} : memref<128x128xf32, #tpu.memory_space<vmem>>, vector<16xf32>,
        %get3A_969 = arith.index_cast %add3A_912 : i32 to index
        %get3A_970 = arith.constant 112 : index
        %get3A_971 = tpu.vector_load %arg10[%get3A_969, %get3A_970] {strides = array<i32>} : memref<128x128xf32, #tpu.memory_space<vmem>>, vector<16xf32>,
        %mul3A_972 = vector.broadcast %squeeze3A_910 : f32 to vector<16xf32>
        %mul3A_973 = arith.mulf %get3A_971, %mul3A_972 : vector<16xf32>
        %swap3A_974 = arith.index_cast %add3A_912 : i32 to index
        %swap3A_975 = arith.constant 112 : index
        %swap3A_976 = tpu.vector_load %arg10[%swap3A_974, %swap3A_975] {strides = array<i32>} : memref<128x128xf32, #tpu.memory_space<vmem>>, vector<16xf32>,
        tpu.vector_store %arg10[%swap3A_974, %swap3A_975], %mul3A_973 {strides = array<i32>} : memref<128x128xf32, #tpu.memory_space<vmem>>, vector<16xf32>,
        %slice3A_977 = vector.extract_strided_slice %get3A_434 {offsets = [8], sizes = [1], strides = [1]} : vector<16xf32> to vector<1xf32>
        %squeeze3A_978 = vector.extract %slice3A_977[0] : f32 from vector<1xf32>
        %add3A_979 = arith.constant 8 : i32
        %add3A_980 = arith.addi %mul3A_432, %add3A_979 : i32
        %get3A_981 = arith.index_cast %add3A_980 : i32 to index
        %get3A_982 = arith.constant 0 : index
        %get3A_983 = tpu.vector_load %arg10[%get3A_981, %get3A_982] {strides = array<i32>} : memref<128x128xf32, #tpu.memory_space<vmem>>, vector<16xf32>,
        %mul3A_984 = vector.broadcast %squeeze3A_978 : f32 to vector<16xf32>
        %mul3A_985 = arith.mulf %get3A_983, %mul3A_984 : vector<16xf32>
        %swap3A_986 = arith.index_cast %add3A_980 : i32 to index
        %swap3A_987 = arith.constant 0 : index
        %swap3A_988 = tpu.vector_load %arg10[%swap3A_986, %swap3A_987] {strides = array<i32>} : memref<128x128xf32, #tpu.memory_space<vmem>>, vector<16xf32>,
        tpu.vector_store %arg10[%swap3A_986, %swap3A_987], %mul3A_985 {strides = array<i32>} : memref<128x128xf32, #tpu.memory_space<vmem>>, vector<16xf32>,
        %get3A_989 = arith.index_cast %add3A_980 : i32 to index
        %get3A_990 = arith.constant 16 : index
        %get3A_991 = tpu.vector_load %arg10[%get3A_989, %get3A_990] {strides = array<i32>} : memref<128x128xf32, #tpu.memory_space<vmem>>, vector<16xf32>,
        %mul3A_992 = vector.broadcast %squeeze3A_978 : f32 to vector<16xf32>
        %mul3A_993 = arith.mulf %get3A_991, %mul3A_992 : vector<16xf32>
        %swap3A_994 = arith.index_cast %add3A_980 : i32 to index
        %swap3A_995 = arith.constant 16 : index
        %swap3A_996 = tpu.vector_load %arg10[%swap3A_994, %swap3A_995] {strides = array<i32>} : memref<128x128xf32, #tpu.memory_space<vmem>>, vector<16xf32>,
        tpu.vector_store %arg10[%swap3A_994, %swap3A_995], %mul3A_993 {strides = array<i32>} : memref<128x128xf32, #tpu.memory_space<vmem>>, vector<16xf32>,
        %get3A_997 = arith.index_cast %add3A_980 : i32 to index
        %get3A_998 = arith.constant 32 : index
        %get3A_999 = tpu.vector_load %arg10[%get3A_997, %get3A_998] {strides = array<i32>} : memref<128x128xf32, #tpu.memory_space<vmem>>, vector<16xf32>,
        %mul3A_1000 = vector.broadcast %squeeze3A_978 : f32 to vector<16xf32>
        %mul3A_1001 = arith.mulf %get3A_999, %mul3A_1000 : vector<16xf32>
        %swap3A_1002 = arith.index_cast %add3A_980 : i32 to index
        %swap3A_1003 = arith.constant 32 : index
        %swap3A_1004 = tpu.vector_load %arg10[%swap3A_1002, %swap3A_1003] {strides = array<i32>} : memref<128x128xf32, #tpu.memory_space<vmem>>, vector<16xf32>,
        tpu.vector_store %arg10[%swap3A_1002, %swap3A_1003], %mul3A_1001 {strides = array<i32>} : memref<128x128xf32, #tpu.memory_space<vmem>>, vector<16xf32>,
        %get3A_1005 = arith.index_cast %add3A_980 : i32 to index
        %get3A_1006 = arith.constant 48 : index
        %get3A_1007 = tpu.vector_load %arg10[%get3A_1005, %get3A_1006] {strides = array<i32>} : memref<128x128xf32, #tpu.memory_space<vmem>>, vector<16xf32>,
        %mul3A_1008 = vector.broadcast %squeeze3A_978 : f32 to vector<16xf32>
        %mul3A_1009 = arith.mulf %get3A_1007, %mul3A_1008 : vector<16xf32>
        %swap3A_1010 = arith.index_cast %add3A_980 : i32 to index
        %swap3A_1011 = arith.constant 48 : index
        %swap3A_1012 = tpu.vector_load %arg10[%swap3A_1010, %swap3A_1011] {strides = array<i32>} : memref<128x128xf32, #tpu.memory_space<vmem>>, vector<16xf32>,
        tpu.vector_store %arg10[%swap3A_1010, %swap3A_1011], %mul3A_1009 {strides = array<i32>} : memref<128x128xf32, #tpu.memory_space<vmem>>, vector<16xf32>,
        %get3A_1013 = arith.index_cast %add3A_980 : i32 to index
        %get3A_1014 = arith.constant 64 : index
        %get3A_1015 = tpu.vector_load %arg10[%get3A_1013, %get3A_1014] {strides = array<i32>} : memref<128x128xf32, #tpu.memory_space<vmem>>, vector<16xf32>,
        %mul3A_1016 = vector.broadcast %squeeze3A_978 : f32 to vector<16xf32>
        %mul3A_1017 = arith.mulf %get3A_1015, %mul3A_1016 : vector<16xf32>
        %swap3A_1018 = arith.index_cast %add3A_980 : i32 to index
        %swap3A_1019 = arith.constant 64 : index
        %swap3A_1020 = tpu.vector_load %arg10[%swap3A_1018, %swap3A_1019] {strides = array<i32>} : memref<128x128xf32, #tpu.memory_space<vmem>>, vector<16xf32>,
        tpu.vector_store %arg10[%swap3A_1018, %swap3A_1019], %mul3A_1017 {strides = array<i32>} : memref<128x128xf32, #tpu.memory_space<vmem>>, vector<16xf32>,
        %get3A_1021 = arith.index_cast %add3A_980 : i32 to index
        %get3A_1022 = arith.constant 80 : index
        %get3A_1023 = tpu.vector_load %arg10[%get3A_1021, %get3A_1022] {strides = array<i32>} : memref<128x128xf32, #tpu.memory_space<vmem>>, vector<16xf32>,
        %mul3A_1024 = vector.broadcast %squeeze3A_978 : f32 to vector<16xf32>
        %mul3A_1025 = arith.mulf %get3A_1023, %mul3A_1024 : vector<16xf32>
        %swap3A_1026 = arith.index_cast %add3A_980 : i32 to index
        %swap3A_1027 = arith.constant 80 : index
        %swap3A_1028 = tpu.vector_load %arg10[%swap3A_1026, %swap3A_1027] {strides = array<i32>} : memref<128x128xf32, #tpu.memory_space<vmem>>, vector<16xf32>,
        tpu.vector_store %arg10[%swap3A_1026, %swap3A_1027], %mul3A_1025 {strides = array<i32>} : memref<128x128xf32, #tpu.memory_space<vmem>>, vector<16xf32>,
        %get3A_1029 = arith.index_cast %add3A_980 : i32 to index
        %get3A_1030 = arith.constant 96 : index
        %get3A_1031 = tpu.vector_load %arg10[%get3A_1029, %get3A_1030] {strides = array<i32>} : memref<128x128xf32, #tpu.memory_space<vmem>>, vector<16xf32>,
        %mul3A_1032 = vector.broadcast %squeeze3A_978 : f32 to vector<16xf32>
        %mul3A_1033 = arith.mulf %get3A_1031, %mul3A_1032 : vector<16xf32>
        %swap3A_1034 = arith.index_cast %add3A_980 : i32 to index
        %swap3A_1035 = arith.constant 96 : index
        %swap3A_1036 = tpu.vector_load %arg10[%swap3A_1034, %swap3A_1035] {strides = array<i32>} : memref<128x128xf32, #tpu.memory_space<vmem>>, vector<16xf32>,
        tpu.vector_store %arg10[%swap3A_1034, %swap3A_1035], %mul3A_1033 {strides = array<i32>} : memref<128x128xf32, #tpu.memory_space<vmem>>, vector<16xf32>,
        %get3A_1037 = arith.index_cast %add3A_980 : i32 to index
        %get3A_1038 = arith.constant 112 : index
        %get3A_1039 = tpu.vector_load %arg10[%get3A_1037, %get3A_1038] {strides = array<i32>} : memref<128x128xf32, #tpu.memory_space<vmem>>, vector<16xf32>,
        %mul3A_1040 = vector.broadcast %squeeze3A_978 : f32 to vector<16xf32>
        %mul3A_1041 = arith.mulf %get3A_1039, %mul3A_1040 : vector<16xf32>
        %swap3A_1042 = arith.index_cast %add3A_980 : i32 to index
        %swap3A_1043 = arith.constant 112 : index
        %swap3A_1044 = tpu.vector_load %arg10[%swap3A_1042, %swap3A_1043] {strides = array<i32>} : memref<128x128xf32, #tpu.memory_space<vmem>>, vector<16xf32>,
        tpu.vector_store %arg10[%swap3A_1042, %swap3A_1043], %mul3A_1041 {strides = array<i32>} : memref<128x128xf32, #tpu.memory_space<vmem>>, vector<16xf32>,
        %slice3A_1045 = vector.extract_strided_slice %get3A_434 {offsets = [9], sizes = [1], strides = [1]} : vector<16xf32> to vector<1xf32>
        %squeeze3A_1046 = vector.extract %slice3A_1045[0] : f32 from vector<1xf32>
        %add3A_1047 = arith.constant 9 : i32
        %add3A_1048 = arith.addi %mul3A_432, %add3A_1047 : i32
        %get3A_1049 = arith.index_cast %add3A_1048 : i32 to index
        %get3A_1050 = arith.constant 0 : index
        %get3A_1051 = tpu.vector_load %arg10[%get3A_1049, %get3A_1050] {strides = array<i32>} : memref<128x128xf32, #tpu.memory_space<vmem>>, vector<16xf32>,
        %mul3A_1052 = vector.broadcast %squeeze3A_1046 : f32 to vector<16xf32>
        %mul3A_1053 = arith.mulf %get3A_1051, %mul3A_1052 : vector<16xf32>
        %swap3A_1054 = arith.index_cast %add3A_1048 : i32 to index
        %swap3A_1055 = arith.constant 0 : index
        %swap3A_1056 = tpu.vector_load %arg10[%swap3A_1054, %swap3A_1055] {strides = array<i32>} : memref<128x128xf32, #tpu.memory_space<vmem>>, vector<16xf32>,
        tpu.vector_store %arg10[%swap3A_1054, %swap3A_1055], %mul3A_1053 {strides = array<i32>} : memref<128x128xf32, #tpu.memory_space<vmem>>, vector<16xf32>,
        %get3A_1057 = arith.index_cast %add3A_1048 : i32 to index
        %get3A_1058 = arith.constant 16 : index
        %get3A_1059 = tpu.vector_load %arg10[%get3A_1057, %get3A_1058] {strides = array<i32>} : memref<128x128xf32, #tpu.memory_space<vmem>>, vector<16xf32>,
        %mul3A_1060 = vector.broadcast %squeeze3A_1046 : f32 to vector<16xf32>
        %mul3A_1061 = arith.mulf %get3A_1059, %mul3A_1060 : vector<16xf32>
        %swap3A_1062 = arith.index_cast %add3A_1048 : i32 to index
        %swap3A_1063 = arith.constant 16 : index
        %swap3A_1064 = tpu.vector_load %arg10[%swap3A_1062, %swap3A_1063] {strides = array<i32>} : memref<128x128xf32, #tpu.memory_space<vmem>>, vector<16xf32>,
        tpu.vector_store %arg10[%swap3A_1062, %swap3A_1063], %mul3A_1061 {strides = array<i32>} : memref<128x128xf32, #tpu.memory_space<vmem>>, vector<16xf32>,
        %get3A_1065 = arith.index_cast %add3A_1048 : i32 to index
        %get3A_1066 = arith.constant 32 : index
        %get3A_1067 = tpu.vector_load %arg10[%get3A_1065, %get3A_1066] {strides = array<i32>} : memref<128x128xf32, #tpu.memory_space<vmem>>, vector<16xf32>,
        %mul3A_1068 = vector.broadcast %squeeze3A_1046 : f32 to vector<16xf32>
        %mul3A_1069 = arith.mulf %get3A_1067, %mul3A_1068 : vector<16xf32>
        %swap3A_1070 = arith.index_cast %add3A_1048 : i32 to index
        %swap3A_1071 = arith.constant 32 : index
        %swap3A_1072 = tpu.vector_load %arg10[%swap3A_1070, %swap3A_1071] {strides = array<i32>} : memref<128x128xf32, #tpu.memory_space<vmem>>, vector<16xf32>,
        tpu.vector_store %arg10[%swap3A_1070, %swap3A_1071], %mul3A_1069 {strides = array<i32>} : memref<128x128xf32, #tpu.memory_space<vmem>>, vector<16xf32>,
        %get3A_1073 = arith.index_cast %add3A_1048 : i32 to index
        %get3A_1074 = arith.constant 48 : index
        %get3A_1075 = tpu.vector_load %arg10[%get3A_1073, %get3A_1074] {strides = array<i32>} : memref<128x128xf32, #tpu.memory_space<vmem>>, vector<16xf32>,
        %mul3A_1076 = vector.broadcast %squeeze3A_1046 : f32 to vector<16xf32>
        %mul3A_1077 = arith.mulf %get3A_1075, %mul3A_1076 : vector<16xf32>
        %swap3A_1078 = arith.index_cast %add3A_1048 : i32 to index
        %swap3A_1079 = arith.constant 48 : index
        %swap3A_1080 = tpu.vector_load %arg10[%swap3A_1078, %swap3A_1079] {strides = array<i32>} : memref<128x128xf32, #tpu.memory_space<vmem>>, vector<16xf32>,
        tpu.vector_store %arg10[%swap3A_1078, %swap3A_1079], %mul3A_1077 {strides = array<i32>} : memref<128x128xf32, #tpu.memory_space<vmem>>, vector<16xf32>,
        %get3A_1081 = arith.index_cast %add3A_1048 : i32 to index
        %get3A_1082 = arith.constant 64 : index
        %get3A_1083 = tpu.vector_load %arg10[%get3A_1081, %get3A_1082] {strides = array<i32>} : memref<128x128xf32, #tpu.memory_space<vmem>>, vector<16xf32>,
        %mul3A_1084 = vector.broadcast %squeeze3A_1046 : f32 to vector<16xf32>
        %mul3A_1085 = arith.mulf %get3A_1083, %mul3A_1084 : vector<16xf32>
        %swap3A_1086 = arith.index_cast %add3A_1048 : i32 to index
        %swap3A_1087 = arith.constant 64 : index
        %swap3A_1088 = tpu.vector_load %arg10[%swap3A_1086, %swap3A_1087] {strides = array<i32>} : memref<128x128xf32, #tpu.memory_space<vmem>>, vector<16xf32>,
        tpu.vector_store %arg10[%swap3A_1086, %swap3A_1087], %mul3A_1085 {strides = array<i32>} : memref<128x128xf32, #tpu.memory_space<vmem>>, vector<16xf32>,
        %get3A_1089 = arith.index_cast %add3A_1048 : i32 to index
        %get3A_1090 = arith.constant 80 : index
        %get3A_1091 = tpu.vector_load %arg10[%get3A_1089, %get3A_1090] {strides = array<i32>} : memref<128x128xf32, #tpu.memory_space<vmem>>, vector<16xf32>,
        %mul3A_1092 = vector.broadcast %squeeze3A_1046 : f32 to vector<16xf32>
        %mul3A_1093 = arith.mulf %get3A_1091, %mul3A_1092 : vector<16xf32>
        %swap3A_1094 = arith.index_cast %add3A_1048 : i32 to index
        %swap3A_1095 = arith.constant 80 : index
        %swap3A_1096 = tpu.vector_load %arg10[%swap3A_1094, %swap3A_1095] {strides = array<i32>} : memref<128x128xf32, #tpu.memory_space<vmem>>, vector<16xf32>,
        tpu.vector_store %arg10[%swap3A_1094, %swap3A_1095], %mul3A_1093 {strides = array<i32>} : memref<128x128xf32, #tpu.memory_space<vmem>>, vector<16xf32>,
        %get3A_1097 = arith.index_cast %add3A_1048 : i32 to index
        %get3A_1098 = arith.constant 96 : index
        %get3A_1099 = tpu.vector_load %arg10[%get3A_1097, %get3A_1098] {strides = array<i32>} : memref<128x128xf32, #tpu.memory_space<vmem>>, vector<16xf32>,
        %mul3A_1100 = vector.broadcast %squeeze3A_1046 : f32 to vector<16xf32>
        %mul3A_1101 = arith.mulf %get3A_1099, %mul3A_1100 : vector<16xf32>
        %swap3A_1102 = arith.index_cast %add3A_1048 : i32 to index
        %swap3A_1103 = arith.constant 96 : index
        %swap3A_1104 = tpu.vector_load %arg10[%swap3A_1102, %swap3A_1103] {strides = array<i32>} : memref<128x128xf32, #tpu.memory_space<vmem>>, vector<16xf32>,
        tpu.vector_store %arg10[%swap3A_1102, %swap3A_1103], %mul3A_1101 {strides = array<i32>} : memref<128x128xf32, #tpu.memory_space<vmem>>, vector<16xf32>,
        %get3A_1105 = arith.index_cast %add3A_1048 : i32 to index
        %get3A_1106 = arith.constant 112 : index
        %get3A_1107 = tpu.vector_load %arg10[%get3A_1105, %get3A_1106] {strides = array<i32>} : memref<128x128xf32, #tpu.memory_space<vmem>>, vector<16xf32>,
        %mul3A_1108 = vector.broadcast %squeeze3A_1046 : f32 to vector<16xf32>
        %mul3A_1109 = arith.mulf %get3A_1107, %mul3A_1108 : vector<16xf32>
        %swap3A_1110 = arith.index_cast %add3A_1048 : i32 to index
        %swap3A_1111 = arith.constant 112 : index
        %swap3A_1112 = tpu.vector_load %arg10[%swap3A_1110, %swap3A_1111] {strides = array<i32>} : memref<128x128xf32, #tpu.memory_space<vmem>>, vector<16xf32>,
        tpu.vector_store %arg10[%swap3A_1110, %swap3A_1111], %mul3A_1109 {strides = array<i32>} : memref<128x128xf32, #tpu.memory_space<vmem>>, vector<16xf32>,
        %slice3A_1113 = vector.extract_strided_slice %get3A_434 {offsets = [10], sizes = [1], strides = [1]} : vector<16xf32> to vector<1xf32>
        %squeeze3A_1114 = vector.extract %slice3A_1113[0] : f32 from vector<1xf32>
        %add3A_1115 = arith.constant 10 : i32
        %add3A_1116 = arith.addi %mul3A_432, %add3A_1115 : i32
        %get3A_1117 = arith.index_cast %add3A_1116 : i32 to index
        %get3A_1118 = arith.constant 0 : index
        %get3A_1119 = tpu.vector_load %arg10[%get3A_1117, %get3A_1118] {strides = array<i32>} : memref<128x128xf32, #tpu.memory_space<vmem>>, vector<16xf32>,
        %mul3A_1120 = vector.broadcast %squeeze3A_1114 : f32 to vector<16xf32>
        %mul3A_1121 = arith.mulf %get3A_1119, %mul3A_1120 : vector<16xf32>
        %swap3A_1122 = arith.index_cast %add3A_1116 : i32 to index
        %swap3A_1123 = arith.constant 0 : index
        %swap3A_1124 = tpu.vector_load %arg10[%swap3A_1122, %swap3A_1123] {strides = array<i32>} : memref<128x128xf32, #tpu.memory_space<vmem>>, vector<16xf32>,
        tpu.vector_store %arg10[%swap3A_1122, %swap3A_1123], %mul3A_1121 {strides = array<i32>} : memref<128x128xf32, #tpu.memory_space<vmem>>, vector<16xf32>,
        %get3A_1125 = arith.index_cast %add3A_1116 : i32 to index
        %get3A_1126 = arith.constant 16 : index
        %get3A_1127 = tpu.vector_load %arg10[%get3A_1125, %get3A_1126] {strides = array<i32>} : memref<128x128xf32, #tpu.memory_space<vmem>>, vector<16xf32>,
        %mul3A_1128 = vector.broadcast %squeeze3A_1114 : f32 to vector<16xf32>
        %mul3A_1129 = arith.mulf %get3A_1127, %mul3A_1128 : vector<16xf32>
        %swap3A_1130 = arith.index_cast %add3A_1116 : i32 to index
        %swap3A_1131 = arith.constant 16 : index
        %swap3A_1132 = tpu.vector_load %arg10[%swap3A_1130, %swap3A_1131] {strides = array<i32>} : memref<128x128xf32, #tpu.memory_space<vmem>>, vector<16xf32>,
        tpu.vector_store %arg10[%swap3A_1130, %swap3A_1131], %mul3A_1129 {strides = array<i32>} : memref<128x128xf32, #tpu.memory_space<vmem>>, vector<16xf32>,
        %get3A_1133 = arith.index_cast %add3A_1116 : i32 to index
        %get3A_1134 = arith.constant 32 : index
        %get3A_1135 = tpu.vector_load %arg10[%get3A_1133, %get3A_1134] {strides = array<i32>} : memref<128x128xf32, #tpu.memory_space<vmem>>, vector<16xf32>,
        %mul3A_1136 = vector.broadcast %squeeze3A_1114 : f32 to vector<16xf32>
        %mul3A_1137 = arith.mulf %get3A_1135, %mul3A_1136 : vector<16xf32>
        %swap3A_1138 = arith.index_cast %add3A_1116 : i32 to index
        %swap3A_1139 = arith.constant 32 : index
        %swap3A_1140 = tpu.vector_load %arg10[%swap3A_1138, %swap3A_1139] {strides = array<i32>} : memref<128x128xf32, #tpu.memory_space<vmem>>, vector<16xf32>,
        tpu.vector_store %arg10[%swap3A_1138, %swap3A_1139], %mul3A_1137 {strides = array<i32>} : memref<128x128xf32, #tpu.memory_space<vmem>>, vector<16xf32>,
        %get3A_1141 = arith.index_cast %add3A_1116 : i32 to index
        %get3A_1142 = arith.constant 48 : index
        %get3A_1143 = tpu.vector_load %arg10[%get3A_1141, %get3A_1142] {strides = array<i32>} : memref<128x128xf32, #tpu.memory_space<vmem>>, vector<16xf32>,
        %mul3A_1144 = vector.broadcast %squeeze3A_1114 : f32 to vector<16xf32>
        %mul3A_1145 = arith.mulf %get3A_1143, %mul3A_1144 : vector<16xf32>
        %swap3A_1146 = arith.index_cast %add3A_1116 : i32 to index
        %swap3A_1147 = arith.constant 48 : index
        %swap3A_1148 = tpu.vector_load %arg10[%swap3A_1146, %swap3A_1147] {strides = array<i32>} : memref<128x128xf32, #tpu.memory_space<vmem>>, vector<16xf32>,
        tpu.vector_store %arg10[%swap3A_1146, %swap3A_1147], %mul3A_1145 {strides = array<i32>} : memref<128x128xf32, #tpu.memory_space<vmem>>, vector<16xf32>,
        %get3A_1149 = arith.index_cast %add3A_1116 : i32 to index
        %get3A_1150 = arith.constant 64 : index
        %get3A_1151 = tpu.vector_load %arg10[%get3A_1149, %get3A_1150] {strides = array<i32>} : memref<128x128xf32, #tpu.memory_space<vmem>>, vector<16xf32>,
        %mul3A_1152 = vector.broadcast %squeeze3A_1114 : f32 to vector<16xf32>
        %mul3A_1153 = arith.mulf %get3A_1151, %mul3A_1152 : vector<16xf32>
        %swap3A_1154 = arith.index_cast %add3A_1116 : i32 to index
        %swap3A_1155 = arith.constant 64 : index
        %swap3A_1156 = tpu.vector_load %arg10[%swap3A_1154, %swap3A_1155] {strides = array<i32>} : memref<128x128xf32, #tpu.memory_space<vmem>>, vector<16xf32>,
        tpu.vector_store %arg10[%swap3A_1154, %swap3A_1155], %mul3A_1153 {strides = array<i32>} : memref<128x128xf32, #tpu.memory_space<vmem>>, vector<16xf32>,
        %get3A_1157 = arith.index_cast %add3A_1116 : i32 to index
        %get3A_1158 = arith.constant 80 : index
        %get3A_1159 = tpu.vector_load %arg10[%get3A_1157, %get3A_1158] {strides = array<i32>} : memref<128x128xf32, #tpu.memory_space<vmem>>, vector<16xf32>,
        %mul3A_1160 = vector.broadcast %squeeze3A_1114 : f32 to vector<16xf32>
        %mul3A_1161 = arith.mulf %get3A_1159, %mul3A_1160 : vector<16xf32>
        %swap3A_1162 = arith.index_cast %add3A_1116 : i32 to index
        %swap3A_1163 = arith.constant 80 : index
        %swap3A_1164 = tpu.vector_load %arg10[%swap3A_1162, %swap3A_1163] {strides = array<i32>} : memref<128x128xf32, #tpu.memory_space<vmem>>, vector<16xf32>,
        tpu.vector_store %arg10[%swap3A_1162, %swap3A_1163], %mul3A_1161 {strides = array<i32>} : memref<128x128xf32, #tpu.memory_space<vmem>>, vector<16xf32>,
        %get3A_1165 = arith.index_cast %add3A_1116 : i32 to index
        %get3A_1166 = arith.constant 96 : index
        %get3A_1167 = tpu.vector_load %arg10[%get3A_1165, %get3A_1166] {strides = array<i32>} : memref<128x128xf32, #tpu.memory_space<vmem>>, vector<16xf32>,
        %mul3A_1168 = vector.broadcast %squeeze3A_1114 : f32 to vector<16xf32>
        %mul3A_1169 = arith.mulf %get3A_1167, %mul3A_1168 : vector<16xf32>
        %swap3A_1170 = arith.index_cast %add3A_1116 : i32 to index
        %swap3A_1171 = arith.constant 96 : index
        %swap3A_1172 = tpu.vector_load %arg10[%swap3A_1170, %swap3A_1171] {strides = array<i32>} : memref<128x128xf32, #tpu.memory_space<vmem>>, vector<16xf32>,
        tpu.vector_store %arg10[%swap3A_1170, %swap3A_1171], %mul3A_1169 {strides = array<i32>} : memref<128x128xf32, #tpu.memory_space<vmem>>, vector<16xf32>,
        %get3A_1173 = arith.index_cast %add3A_1116 : i32 to index
        %get3A_1174 = arith.constant 112 : index
        %get3A_1175 = tpu.vector_load %arg10[%get3A_1173, %get3A_1174] {strides = array<i32>} : memref<128x128xf32, #tpu.memory_space<vmem>>, vector<16xf32>,
        %mul3A_1176 = vector.broadcast %squeeze3A_1114 : f32 to vector<16xf32>
        %mul3A_1177 = arith.mulf %get3A_1175, %mul3A_1176 : vector<16xf32>
        %swap3A_1178 = arith.index_cast %add3A_1116 : i32 to index
        %swap3A_1179 = arith.constant 112 : index
        %swap3A_1180 = tpu.vector_load %arg10[%swap3A_1178, %swap3A_1179] {strides = array<i32>} : memref<128x128xf32, #tpu.memory_space<vmem>>, vector<16xf32>,
        tpu.vector_store %arg10[%swap3A_1178, %swap3A_1179], %mul3A_1177 {strides = array<i32>} : memref<128x128xf32, #tpu.memory_space<vmem>>, vector<16xf32>,
        %slice3A_1181 = vector.extract_strided_slice %get3A_434 {offsets = [11], sizes = [1], strides = [1]} : vector<16xf32> to vector<1xf32>
        %squeeze3A_1182 = vector.extract %slice3A_1181[0] : f32 from vector<1xf32>
        %add3A_1183 = arith.constant 11 : i32
        %add3A_1184 = arith.addi %mul3A_432, %add3A_1183 : i32
        %get3A_1185 = arith.index_cast %add3A_1184 : i32 to index
        %get3A_1186 = arith.constant 0 : index
        %get3A_1187 = tpu.vector_load %arg10[%get3A_1185, %get3A_1186] {strides = array<i32>} : memref<128x128xf32, #tpu.memory_space<vmem>>, vector<16xf32>,
        %mul3A_1188 = vector.broadcast %squeeze3A_1182 : f32 to vector<16xf32>
        %mul3A_1189 = arith.mulf %get3A_1187, %mul3A_1188 : vector<16xf32>
        %swap3A_1190 = arith.index_cast %add3A_1184 : i32 to index
        %swap3A_1191 = arith.constant 0 : index
        %swap3A_1192 = tpu.vector_load %arg10[%swap3A_1190, %swap3A_1191] {strides = array<i32>} : memref<128x128xf32, #tpu.memory_space<vmem>>, vector<16xf32>,
        tpu.vector_store %arg10[%swap3A_1190, %swap3A_1191], %mul3A_1189 {strides = array<i32>} : memref<128x128xf32, #tpu.memory_space<vmem>>, vector<16xf32>,
        %get3A_1193 = arith.index_cast %add3A_1184 : i32 to index
        %get3A_1194 = arith.constant 16 : index
        %get3A_1195 = tpu.vector_load %arg10[%get3A_1193, %get3A_1194] {strides = array<i32>} : memref<128x128xf32, #tpu.memory_space<vmem>>, vector<16xf32>,
        %mul3A_1196 = vector.broadcast %squeeze3A_1182 : f32 to vector<16xf32>
        %mul3A_1197 = arith.mulf %get3A_1195, %mul3A_1196 : vector<16xf32>
        %swap3A_1198 = arith.index_cast %add3A_1184 : i32 to index
        %swap3A_1199 = arith.constant 16 : index
        %swap3A_1200 = tpu.vector_load %arg10[%swap3A_1198, %swap3A_1199] {strides = array<i32>} : memref<128x128xf32, #tpu.memory_space<vmem>>, vector<16xf32>,
        tpu.vector_store %arg10[%swap3A_1198, %swap3A_1199], %mul3A_1197 {strides = array<i32>} : memref<128x128xf32, #tpu.memory_space<vmem>>, vector<16xf32>,
        %get3A_1201 = arith.index_cast %add3A_1184 : i32 to index
        %get3A_1202 = arith.constant 32 : index
        %get3A_1203 = tpu.vector_load %arg10[%get3A_1201, %get3A_1202] {strides = array<i32>} : memref<128x128xf32, #tpu.memory_space<vmem>>, vector<16xf32>,
        %mul3A_1204 = vector.broadcast %squeeze3A_1182 : f32 to vector<16xf32>
        %mul3A_1205 = arith.mulf %get3A_1203, %mul3A_1204 : vector<16xf32>
        %swap3A_1206 = arith.index_cast %add3A_1184 : i32 to index
        %swap3A_1207 = arith.constant 32 : index
        %swap3A_1208 = tpu.vector_load %arg10[%swap3A_1206, %swap3A_1207] {strides = array<i32>} : memref<128x128xf32, #tpu.memory_space<vmem>>, vector<16xf32>,
        tpu.vector_store %arg10[%swap3A_1206, %swap3A_1207], %mul3A_1205 {strides = array<i32>} : memref<128x128xf32, #tpu.memory_space<vmem>>, vector<16xf32>,
        %get3A_1209 = arith.index_cast %add3A_1184 : i32 to index
        %get3A_1210 = arith.constant 48 : index
        %get3A_1211 = tpu.vector_load %arg10[%get3A_1209, %get3A_1210] {strides = array<i32>} : memref<128x128xf32, #tpu.memory_space<vmem>>, vector<16xf32>,
        %mul3A_1212 = vector.broadcast %squeeze3A_1182 : f32 to vector<16xf32>
        %mul3A_1213 = arith.mulf %get3A_1211, %mul3A_1212 : vector<16xf32>
        %swap3A_1214 = arith.index_cast %add3A_1184 : i32 to index
        %swap3A_1215 = arith.constant 48 : index
        %swap3A_1216 = tpu.vector_load %arg10[%swap3A_1214, %swap3A_1215] {strides = array<i32>} : memref<128x128xf32, #tpu.memory_space<vmem>>, vector<16xf32>,
        tpu.vector_store %arg10[%swap3A_1214, %swap3A_1215], %mul3A_1213 {strides = array<i32>} : memref<128x128xf32, #tpu.memory_space<vmem>>, vector<16xf32>,
        %get3A_1217 = arith.index_cast %add3A_1184 : i32 to index
        %get3A_1218 = arith.constant 64 : index
        %get3A_1219 = tpu.vector_load %arg10[%get3A_1217, %get3A_1218] {strides = array<i32>} : memref<128x128xf32, #tpu.memory_space<vmem>>, vector<16xf32>,
        %mul3A_1220 = vector.broadcast %squeeze3A_1182 : f32 to vector<16xf32>
        %mul3A_1221 = arith.mulf %get3A_1219, %mul3A_1220 : vector<16xf32>
        %swap3A_1222 = arith.index_cast %add3A_1184 : i32 to index
        %swap3A_1223 = arith.constant 64 : index
        %swap3A_1224 = tpu.vector_load %arg10[%swap3A_1222, %swap3A_1223] {strides = array<i32>} : memref<128x128xf32, #tpu.memory_space<vmem>>, vector<16xf32>,
        tpu.vector_store %arg10[%swap3A_1222, %swap3A_1223], %mul3A_1221 {strides = array<i32>} : memref<128x128xf32, #tpu.memory_space<vmem>>, vector<16xf32>,
        %get3A_1225 = arith.index_cast %add3A_1184 : i32 to index
        %get3A_1226 = arith.constant 80 : index
        %get3A_1227 = tpu.vector_load %arg10[%get3A_1225, %get3A_1226] {strides = array<i32>} : memref<128x128xf32, #tpu.memory_space<vmem>>, vector<16xf32>,
        %mul3A_1228 = vector.broadcast %squeeze3A_1182 : f32 to vector<16xf32>
        %mul3A_1229 = arith.mulf %get3A_1227, %mul3A_1228 : vector<16xf32>
        %swap3A_1230 = arith.index_cast %add3A_1184 : i32 to index
        %swap3A_1231 = arith.constant 80 : index
        %swap3A_1232 = tpu.vector_load %arg10[%swap3A_1230, %swap3A_1231] {strides = array<i32>} : memref<128x128xf32, #tpu.memory_space<vmem>>, vector<16xf32>,
        tpu.vector_store %arg10[%swap3A_1230, %swap3A_1231], %mul3A_1229 {strides = array<i32>} : memref<128x128xf32, #tpu.memory_space<vmem>>, vector<16xf32>,
        %get3A_1233 = arith.index_cast %add3A_1184 : i32 to index
        %get3A_1234 = arith.constant 96 : index
        %get3A_1235 = tpu.vector_load %arg10[%get3A_1233, %get3A_1234] {strides = array<i32>} : memref<128x128xf32, #tpu.memory_space<vmem>>, vector<16xf32>,
        %mul3A_1236 = vector.broadcast %squeeze3A_1182 : f32 to vector<16xf32>
        %mul3A_1237 = arith.mulf %get3A_1235, %mul3A_1236 : vector<16xf32>
        %swap3A_1238 = arith.index_cast %add3A_1184 : i32 to index
        %swap3A_1239 = arith.constant 96 : index
        %swap3A_1240 = tpu.vector_load %arg10[%swap3A_1238, %swap3A_1239] {strides = array<i32>} : memref<128x128xf32, #tpu.memory_space<vmem>>, vector<16xf32>,
        tpu.vector_store %arg10[%swap3A_1238, %swap3A_1239], %mul3A_1237 {strides = array<i32>} : memref<128x128xf32, #tpu.memory_space<vmem>>, vector<16xf32>,
        %get3A_1241 = arith.index_cast %add3A_1184 : i32 to index
        %get3A_1242 = arith.constant 112 : index
        %get3A_1243 = tpu.vector_load %arg10[%get3A_1241, %get3A_1242] {strides = array<i32>} : memref<128x128xf32, #tpu.memory_space<vmem>>, vector<16xf32>,
        %mul3A_1244 = vector.broadcast %squeeze3A_1182 : f32 to vector<16xf32>
        %mul3A_1245 = arith.mulf %get3A_1243, %mul3A_1244 : vector<16xf32>
        %swap3A_1246 = arith.index_cast %add3A_1184 : i32 to index
        %swap3A_1247 = arith.constant 112 : index
        %swap3A_1248 = tpu.vector_load %arg10[%swap3A_1246, %swap3A_1247] {strides = array<i32>} : memref<128x128xf32, #tpu.memory_space<vmem>>, vector<16xf32>,
        tpu.vector_store %arg10[%swap3A_1246, %swap3A_1247], %mul3A_1245 {strides = array<i32>} : memref<128x128xf32, #tpu.memory_space<vmem>>, vector<16xf32>,
        %slice3A_1249 = vector.extract_strided_slice %get3A_434 {offsets = [12], sizes = [1], strides = [1]} : vector<16xf32> to vector<1xf32>
        %squeeze3A_1250 = vector.extract %slice3A_1249[0] : f32 from vector<1xf32>
        %add3A_1251 = arith.constant 12 : i32
        %add3A_1252 = arith.addi %mul3A_432, %add3A_1251 : i32
        %get3A_1253 = arith.index_cast %add3A_1252 : i32 to index
        %get3A_1254 = arith.constant 0 : index
        %get3A_1255 = tpu.vector_load %arg10[%get3A_1253, %get3A_1254] {strides = array<i32>} : memref<128x128xf32, #tpu.memory_space<vmem>>, vector<16xf32>,
        %mul3A_1256 = vector.broadcast %squeeze3A_1250 : f32 to vector<16xf32>
        %mul3A_1257 = arith.mulf %get3A_1255, %mul3A_1256 : vector<16xf32>
        %swap3A_1258 = arith.index_cast %add3A_1252 : i32 to index
        %swap3A_1259 = arith.constant 0 : index
        %swap3A_1260 = tpu.vector_load %arg10[%swap3A_1258, %swap3A_1259] {strides = array<i32>} : memref<128x128xf32, #tpu.memory_space<vmem>>, vector<16xf32>,
        tpu.vector_store %arg10[%swap3A_1258, %swap3A_1259], %mul3A_1257 {strides = array<i32>} : memref<128x128xf32, #tpu.memory_space<vmem>>, vector<16xf32>,
        %get3A_1261 = arith.index_cast %add3A_1252 : i32 to index
        %get3A_1262 = arith.constant 16 : index
        %get3A_1263 = tpu.vector_load %arg10[%get3A_1261, %get3A_1262] {strides = array<i32>} : memref<128x128xf32, #tpu.memory_space<vmem>>, vector<16xf32>,
        %mul3A_1264 = vector.broadcast %squeeze3A_1250 : f32 to vector<16xf32>
        %mul3A_1265 = arith.mulf %get3A_1263, %mul3A_1264 : vector<16xf32>
        %swap3A_1266 = arith.index_cast %add3A_1252 : i32 to index
        %swap3A_1267 = arith.constant 16 : index
        %swap3A_1268 = tpu.vector_load %arg10[%swap3A_1266, %swap3A_1267] {strides = array<i32>} : memref<128x128xf32, #tpu.memory_space<vmem>>, vector<16xf32>,
        tpu.vector_store %arg10[%swap3A_1266, %swap3A_1267], %mul3A_1265 {strides = array<i32>} : memref<128x128xf32, #tpu.memory_space<vmem>>, vector<16xf32>,
        %get3A_1269 = arith.index_cast %add3A_1252 : i32 to index
        %get3A_1270 = arith.constant 32 : index
        %get3A_1271 = tpu.vector_load %arg10[%get3A_1269, %get3A_1270] {strides = array<i32>} : memref<128x128xf32, #tpu.memory_space<vmem>>, vector<16xf32>,
        %mul3A_1272 = vector.broadcast %squeeze3A_1250 : f32 to vector<16xf32>
        %mul3A_1273 = arith.mulf %get3A_1271, %mul3A_1272 : vector<16xf32>
        %swap3A_1274 = arith.index_cast %add3A_1252 : i32 to index
        %swap3A_1275 = arith.constant 32 : index
        %swap3A_1276 = tpu.vector_load %arg10[%swap3A_1274, %swap3A_1275] {strides = array<i32>} : memref<128x128xf32, #tpu.memory_space<vmem>>, vector<16xf32>,
        tpu.vector_store %arg10[%swap3A_1274, %swap3A_1275], %mul3A_1273 {strides = array<i32>} : memref<128x128xf32, #tpu.memory_space<vmem>>, vector<16xf32>,
        %get3A_1277 = arith.index_cast %add3A_1252 : i32 to index
        %get3A_1278 = arith.constant 48 : index
        %get3A_1279 = tpu.vector_load %arg10[%get3A_1277, %get3A_1278] {strides = array<i32>} : memref<128x128xf32, #tpu.memory_space<vmem>>, vector<16xf32>,
        %mul3A_1280 = vector.broadcast %squeeze3A_1250 : f32 to vector<16xf32>
        %mul3A_1281 = arith.mulf %get3A_1279, %mul3A_1280 : vector<16xf32>
        %swap3A_1282 = arith.index_cast %add3A_1252 : i32 to index
        %swap3A_1283 = arith.constant 48 : index
        %swap3A_1284 = tpu.vector_load %arg10[%swap3A_1282, %swap3A_1283] {strides = array<i32>} : memref<128x128xf32, #tpu.memory_space<vmem>>, vector<16xf32>,
        tpu.vector_store %arg10[%swap3A_1282, %swap3A_1283], %mul3A_1281 {strides = array<i32>} : memref<128x128xf32, #tpu.memory_space<vmem>>, vector<16xf32>,
        %get3A_1285 = arith.index_cast %add3A_1252 : i32 to index
        %get3A_1286 = arith.constant 64 : index
        %get3A_1287 = tpu.vector_load %arg10[%get3A_1285, %get3A_1286] {strides = array<i32>} : memref<128x128xf32, #tpu.memory_space<vmem>>, vector<16xf32>,
        %mul3A_1288 = vector.broadcast %squeeze3A_1250 : f32 to vector<16xf32>
        %mul3A_1289 = arith.mulf %get3A_1287, %mul3A_1288 : vector<16xf32>
        %swap3A_1290 = arith.index_cast %add3A_1252 : i32 to index
        %swap3A_1291 = arith.constant 64 : index
        %swap3A_1292 = tpu.vector_load %arg10[%swap3A_1290, %swap3A_1291] {strides = array<i32>} : memref<128x128xf32, #tpu.memory_space<vmem>>, vector<16xf32>,
        tpu.vector_store %arg10[%swap3A_1290, %swap3A_1291], %mul3A_1289 {strides = array<i32>} : memref<128x128xf32, #tpu.memory_space<vmem>>, vector<16xf32>,
        %get3A_1293 = arith.index_cast %add3A_1252 : i32 to index
        %get3A_1294 = arith.constant 80 : index
        %get3A_1295 = tpu.vector_load %arg10[%get3A_1293, %get3A_1294] {strides = array<i32>} : memref<128x128xf32, #tpu.memory_space<vmem>>, vector<16xf32>,
        %mul3A_1296 = vector.broadcast %squeeze3A_1250 : f32 to vector<16xf32>
        %mul3A_1297 = arith.mulf %get3A_1295, %mul3A_1296 : vector<16xf32>
        %swap3A_1298 = arith.index_cast %add3A_1252 : i32 to index
        %swap3A_1299 = arith.constant 80 : index
        %swap3A_1300 = tpu.vector_load %arg10[%swap3A_1298, %swap3A_1299] {strides = array<i32>} : memref<128x128xf32, #tpu.memory_space<vmem>>, vector<16xf32>,
        tpu.vector_store %arg10[%swap3A_1298, %swap3A_1299], %mul3A_1297 {strides = array<i32>} : memref<128x128xf32, #tpu.memory_space<vmem>>, vector<16xf32>,
        %get3A_1301 = arith.index_cast %add3A_1252 : i32 to index
        %get3A_1302 = arith.constant 96 : index
        %get3A_1303 = tpu.vector_load %arg10[%get3A_1301, %get3A_1302] {strides = array<i32>} : memref<128x128xf32, #tpu.memory_space<vmem>>, vector<16xf32>,
        %mul3A_1304 = vector.broadcast %squeeze3A_1250 : f32 to vector<16xf32>
        %mul3A_1305 = arith.mulf %get3A_1303, %mul3A_1304 : vector<16xf32>
        %swap3A_1306 = arith.index_cast %add3A_1252 : i32 to index
        %swap3A_1307 = arith.constant 96 : index
        %swap3A_1308 = tpu.vector_load %arg10[%swap3A_1306, %swap3A_1307] {strides = array<i32>} : memref<128x128xf32, #tpu.memory_space<vmem>>, vector<16xf32>,
        tpu.vector_store %arg10[%swap3A_1306, %swap3A_1307], %mul3A_1305 {strides = array<i32>} : memref<128x128xf32, #tpu.memory_space<vmem>>, vector<16xf32>,
        %get3A_1309 = arith.index_cast %add3A_1252 : i32 to index
        %get3A_1310 = arith.constant 112 : index
        %get3A_1311 = tpu.vector_load %arg10[%get3A_1309, %get3A_1310] {strides = array<i32>} : memref<128x128xf32, #tpu.memory_space<vmem>>, vector<16xf32>,
        %mul3A_1312 = vector.broadcast %squeeze3A_1250 : f32 to vector<16xf32>
        %mul3A_1313 = arith.mulf %get3A_1311, %mul3A_1312 : vector<16xf32>
        %swap3A_1314 = arith.index_cast %add3A_1252 : i32 to index
        %swap3A_1315 = arith.constant 112 : index
        %swap3A_1316 = tpu.vector_load %arg10[%swap3A_1314, %swap3A_1315] {strides = array<i32>} : memref<128x128xf32, #tpu.memory_space<vmem>>, vector<16xf32>,
        tpu.vector_store %arg10[%swap3A_1314, %swap3A_1315], %mul3A_1313 {strides = array<i32>} : memref<128x128xf32, #tpu.memory_space<vmem>>, vector<16xf32>,
        %slice3A_1317 = vector.extract_strided_slice %get3A_434 {offsets = [13], sizes = [1], strides = [1]} : vector<16xf32> to vector<1xf32>
        %squeeze3A_1318 = vector.extract %slice3A_1317[0] : f32 from vector<1xf32>
        %add3A_1319 = arith.constant 13 : i32
        %add3A_1320 = arith.addi %mul3A_432, %add3A_1319 : i32
        %get3A_1321 = arith.index_cast %add3A_1320 : i32 to index
        %get3A_1322 = arith.constant 0 : index
        %get3A_1323 = tpu.vector_load %arg10[%get3A_1321, %get3A_1322] {strides = array<i32>} : memref<128x128xf32, #tpu.memory_space<vmem>>, vector<16xf32>,
        %mul3A_1324 = vector.broadcast %squeeze3A_1318 : f32 to vector<16xf32>
        %mul3A_1325 = arith.mulf %get3A_1323, %mul3A_1324 : vector<16xf32>
        %swap3A_1326 = arith.index_cast %add3A_1320 : i32 to index
        %swap3A_1327 = arith.constant 0 : index
        %swap3A_1328 = tpu.vector_load %arg10[%swap3A_1326, %swap3A_1327] {strides = array<i32>} : memref<128x128xf32, #tpu.memory_space<vmem>>, vector<16xf32>,
        tpu.vector_store %arg10[%swap3A_1326, %swap3A_1327], %mul3A_1325 {strides = array<i32>} : memref<128x128xf32, #tpu.memory_space<vmem>>, vector<16xf32>,
        %get3A_1329 = arith.index_cast %add3A_1320 : i32 to index
        %get3A_1330 = arith.constant 16 : index
        %get3A_1331 = tpu.vector_load %arg10[%get3A_1329, %get3A_1330] {strides = array<i32>} : memref<128x128xf32, #tpu.memory_space<vmem>>, vector<16xf32>,
        %mul3A_1332 = vector.broadcast %squeeze3A_1318 : f32 to vector<16xf32>
        %mul3A_1333 = arith.mulf %get3A_1331, %mul3A_1332 : vector<16xf32>
        %swap3A_1334 = arith.index_cast %add3A_1320 : i32 to index
        %swap3A_1335 = arith.constant 16 : index
        %swap3A_1336 = tpu.vector_load %arg10[%swap3A_1334, %swap3A_1335] {strides = array<i32>} : memref<128x128xf32, #tpu.memory_space<vmem>>, vector<16xf32>,
        tpu.vector_store %arg10[%swap3A_1334, %swap3A_1335], %mul3A_1333 {strides = array<i32>} : memref<128x128xf32, #tpu.memory_space<vmem>>, vector<16xf32>,
        %get3A_1337 = arith.index_cast %add3A_1320 : i32 to index
        %get3A_1338 = arith.constant 32 : index
        %get3A_1339 = tpu.vector_load %arg10[%get3A_1337, %get3A_1338] {strides = array<i32>} : memref<128x128xf32, #tpu.memory_space<vmem>>, vector<16xf32>,
        %mul3A_1340 = vector.broadcast %squeeze3A_1318 : f32 to vector<16xf32>
        %mul3A_1341 = arith.mulf %get3A_1339, %mul3A_1340 : vector<16xf32>
        %swap3A_1342 = arith.index_cast %add3A_1320 : i32 to index
        %swap3A_1343 = arith.constant 32 : index
        %swap3A_1344 = tpu.vector_load %arg10[%swap3A_1342, %swap3A_1343] {strides = array<i32>} : memref<128x128xf32, #tpu.memory_space<vmem>>, vector<16xf32>,
        tpu.vector_store %arg10[%swap3A_1342, %swap3A_1343], %mul3A_1341 {strides = array<i32>} : memref<128x128xf32, #tpu.memory_space<vmem>>, vector<16xf32>,
        %get3A_1345 = arith.index_cast %add3A_1320 : i32 to index
        %get3A_1346 = arith.constant 48 : index
        %get3A_1347 = tpu.vector_load %arg10[%get3A_1345, %get3A_1346] {strides = array<i32>} : memref<128x128xf32, #tpu.memory_space<vmem>>, vector<16xf32>,
        %mul3A_1348 = vector.broadcast %squeeze3A_1318 : f32 to vector<16xf32>
        %mul3A_1349 = arith.mulf %get3A_1347, %mul3A_1348 : vector<16xf32>
        %swap3A_1350 = arith.index_cast %add3A_1320 : i32 to index
        %swap3A_1351 = arith.constant 48 : index
        %swap3A_1352 = tpu.vector_load %arg10[%swap3A_1350, %swap3A_1351] {strides = array<i32>} : memref<128x128xf32, #tpu.memory_space<vmem>>, vector<16xf32>,
        tpu.vector_store %arg10[%swap3A_1350, %swap3A_1351], %mul3A_1349 {strides = array<i32>} : memref<128x128xf32, #tpu.memory_space<vmem>>, vector<16xf32>,
        %get3A_1353 = arith.index_cast %add3A_1320 : i32 to index
        %get3A_1354 = arith.constant 64 : index
        %get3A_1355 = tpu.vector_load %arg10[%get3A_1353, %get3A_1354] {strides = array<i32>} : memref<128x128xf32, #tpu.memory_space<vmem>>, vector<16xf32>,
        %mul3A_1356 = vector.broadcast %squeeze3A_1318 : f32 to vector<16xf32>
        %mul3A_1357 = arith.mulf %get3A_1355, %mul3A_1356 : vector<16xf32>
        %swap3A_1358 = arith.index_cast %add3A_1320 : i32 to index
        %swap3A_1359 = arith.constant 64 : index
        %swap3A_1360 = tpu.vector_load %arg10[%swap3A_1358, %swap3A_1359] {strides = array<i32>} : memref<128x128xf32, #tpu.memory_space<vmem>>, vector<16xf32>,
        tpu.vector_store %arg10[%swap3A_1358, %swap3A_1359], %mul3A_1357 {strides = array<i32>} : memref<128x128xf32, #tpu.memory_space<vmem>>, vector<16xf32>,
        %get3A_1361 = arith.index_cast %add3A_1320 : i32 to index
        %get3A_1362 = arith.constant 80 : index
        %get3A_1363 = tpu.vector_load %arg10[%get3A_1361, %get3A_1362] {strides = array<i32>} : memref<128x128xf32, #tpu.memory_space<vmem>>, vector<16xf32>,
        %mul3A_1364 = vector.broadcast %squeeze3A_1318 : f32 to vector<16xf32>
        %mul3A_1365 = arith.mulf %get3A_1363, %mul3A_1364 : vector<16xf32>
        %swap3A_1366 = arith.index_cast %add3A_1320 : i32 to index
        %swap3A_1367 = arith.constant 80 : index
        %swap3A_1368 = tpu.vector_load %arg10[%swap3A_1366, %swap3A_1367] {strides = array<i32>} : memref<128x128xf32, #tpu.memory_space<vmem>>, vector<16xf32>,
        tpu.vector_store %arg10[%swap3A_1366, %swap3A_1367], %mul3A_1365 {strides = array<i32>} : memref<128x128xf32, #tpu.memory_space<vmem>>, vector<16xf32>,
        %get3A_1369 = arith.index_cast %add3A_1320 : i32 to index
        %get3A_1370 = arith.constant 96 : index
        %get3A_1371 = tpu.vector_load %arg10[%get3A_1369, %get3A_1370] {strides = array<i32>} : memref<128x128xf32, #tpu.memory_space<vmem>>, vector<16xf32>,
        %mul3A_1372 = vector.broadcast %squeeze3A_1318 : f32 to vector<16xf32>
        %mul3A_1373 = arith.mulf %get3A_1371, %mul3A_1372 : vector<16xf32>
        %swap3A_1374 = arith.index_cast %add3A_1320 : i32 to index
        %swap3A_1375 = arith.constant 96 : index
        %swap3A_1376 = tpu.vector_load %arg10[%swap3A_1374, %swap3A_1375] {strides = array<i32>} : memref<128x128xf32, #tpu.memory_space<vmem>>, vector<16xf32>,
        tpu.vector_store %arg10[%swap3A_1374, %swap3A_1375], %mul3A_1373 {strides = array<i32>} : memref<128x128xf32, #tpu.memory_space<vmem>>, vector<16xf32>,
        %get3A_1377 = arith.index_cast %add3A_1320 : i32 to index
        %get3A_1378 = arith.constant 112 : index
        %get3A_1379 = tpu.vector_load %arg10[%get3A_1377, %get3A_1378] {strides = array<i32>} : memref<128x128xf32, #tpu.memory_space<vmem>>, vector<16xf32>,
        %mul3A_1380 = vector.broadcast %squeeze3A_1318 : f32 to vector<16xf32>
        %mul3A_1381 = arith.mulf %get3A_1379, %mul3A_1380 : vector<16xf32>
        %swap3A_1382 = arith.index_cast %add3A_1320 : i32 to index
        %swap3A_1383 = arith.constant 112 : index
        %swap3A_1384 = tpu.vector_load %arg10[%swap3A_1382, %swap3A_1383] {strides = array<i32>} : memref<128x128xf32, #tpu.memory_space<vmem>>, vector<16xf32>,
        tpu.vector_store %arg10[%swap3A_1382, %swap3A_1383], %mul3A_1381 {strides = array<i32>} : memref<128x128xf32, #tpu.memory_space<vmem>>, vector<16xf32>,
        %slice3A_1385 = vector.extract_strided_slice %get3A_434 {offsets = [14], sizes = [1], strides = [1]} : vector<16xf32> to vector<1xf32>
        %squeeze3A_1386 = vector.extract %slice3A_1385[0] : f32 from vector<1xf32>
        %add3A_1387 = arith.constant 14 : i32
        %add3A_1388 = arith.addi %mul3A_432, %add3A_1387 : i32
        %get3A_1389 = arith.index_cast %add3A_1388 : i32 to index
        %get3A_1390 = arith.constant 0 : index
        %get3A_1391 = tpu.vector_load %arg10[%get3A_1389, %get3A_1390] {strides = array<i32>} : memref<128x128xf32, #tpu.memory_space<vmem>>, vector<16xf32>,
        %mul3A_1392 = vector.broadcast %squeeze3A_1386 : f32 to vector<16xf32>
        %mul3A_1393 = arith.mulf %get3A_1391, %mul3A_1392 : vector<16xf32>
        %swap3A_1394 = arith.index_cast %add3A_1388 : i32 to index
        %swap3A_1395 = arith.constant 0 : index
        %swap3A_1396 = tpu.vector_load %arg10[%swap3A_1394, %swap3A_1395] {strides = array<i32>} : memref<128x128xf32, #tpu.memory_space<vmem>>, vector<16xf32>,
        tpu.vector_store %arg10[%swap3A_1394, %swap3A_1395], %mul3A_1393 {strides = array<i32>} : memref<128x128xf32, #tpu.memory_space<vmem>>, vector<16xf32>,
        %get3A_1397 = arith.index_cast %add3A_1388 : i32 to index
        %get3A_1398 = arith.constant 16 : index
        %get3A_1399 = tpu.vector_load %arg10[%get3A_1397, %get3A_1398] {strides = array<i32>} : memref<128x128xf32, #tpu.memory_space<vmem>>, vector<16xf32>,
        %mul3A_1400 = vector.broadcast %squeeze3A_1386 : f32 to vector<16xf32>
        %mul3A_1401 = arith.mulf %get3A_1399, %mul3A_1400 : vector<16xf32>
        %swap3A_1402 = arith.index_cast %add3A_1388 : i32 to index
        %swap3A_1403 = arith.constant 16 : index
        %swap3A_1404 = tpu.vector_load %arg10[%swap3A_1402, %swap3A_1403] {strides = array<i32>} : memref<128x128xf32, #tpu.memory_space<vmem>>, vector<16xf32>,
        tpu.vector_store %arg10[%swap3A_1402, %swap3A_1403], %mul3A_1401 {strides = array<i32>} : memref<128x128xf32, #tpu.memory_space<vmem>>, vector<16xf32>,
        %get3A_1405 = arith.index_cast %add3A_1388 : i32 to index
        %get3A_1406 = arith.constant 32 : index
        %get3A_1407 = tpu.vector_load %arg10[%get3A_1405, %get3A_1406] {strides = array<i32>} : memref<128x128xf32, #tpu.memory_space<vmem>>, vector<16xf32>,
        %mul3A_1408 = vector.broadcast %squeeze3A_1386 : f32 to vector<16xf32>
        %mul3A_1409 = arith.mulf %get3A_1407, %mul3A_1408 : vector<16xf32>
        %swap3A_1410 = arith.index_cast %add3A_1388 : i32 to index
        %swap3A_1411 = arith.constant 32 : index
        %swap3A_1412 = tpu.vector_load %arg10[%swap3A_1410, %swap3A_1411] {strides = array<i32>} : memref<128x128xf32, #tpu.memory_space<vmem>>, vector<16xf32>,
        tpu.vector_store %arg10[%swap3A_1410, %swap3A_1411], %mul3A_1409 {strides = array<i32>} : memref<128x128xf32, #tpu.memory_space<vmem>>, vector<16xf32>,
        %get3A_1413 = arith.index_cast %add3A_1388 : i32 to index
        %get3A_1414 = arith.constant 48 : index
        %get3A_1415 = tpu.vector_load %arg10[%get3A_1413, %get3A_1414] {strides = array<i32>} : memref<128x128xf32, #tpu.memory_space<vmem>>, vector<16xf32>,
        %mul3A_1416 = vector.broadcast %squeeze3A_1386 : f32 to vector<16xf32>
        %mul3A_1417 = arith.mulf %get3A_1415, %mul3A_1416 : vector<16xf32>
        %swap3A_1418 = arith.index_cast %add3A_1388 : i32 to index
        %swap3A_1419 = arith.constant 48 : index
        %swap3A_1420 = tpu.vector_load %arg10[%swap3A_1418, %swap3A_1419] {strides = array<i32>} : memref<128x128xf32, #tpu.memory_space<vmem>>, vector<16xf32>,
        tpu.vector_store %arg10[%swap3A_1418, %swap3A_1419], %mul3A_1417 {strides = array<i32>} : memref<128x128xf32, #tpu.memory_space<vmem>>, vector<16xf32>,
        %get3A_1421 = arith.index_cast %add3A_1388 : i32 to index
        %get3A_1422 = arith.constant 64 : index
        %get3A_1423 = tpu.vector_load %arg10[%get3A_1421, %get3A_1422] {strides = array<i32>} : memref<128x128xf32, #tpu.memory_space<vmem>>, vector<16xf32>,
        %mul3A_1424 = vector.broadcast %squeeze3A_1386 : f32 to vector<16xf32>
        %mul3A_1425 = arith.mulf %get3A_1423, %mul3A_1424 : vector<16xf32>
        %swap3A_1426 = arith.index_cast %add3A_1388 : i32 to index
        %swap3A_1427 = arith.constant 64 : index
        %swap3A_1428 = tpu.vector_load %arg10[%swap3A_1426, %swap3A_1427] {strides = array<i32>} : memref<128x128xf32, #tpu.memory_space<vmem>>, vector<16xf32>,
        tpu.vector_store %arg10[%swap3A_1426, %swap3A_1427], %mul3A_1425 {strides = array<i32>} : memref<128x128xf32, #tpu.memory_space<vmem>>, vector<16xf32>,
        %get3A_1429 = arith.index_cast %add3A_1388 : i32 to index
        %get3A_1430 = arith.constant 80 : index
        %get3A_1431 = tpu.vector_load %arg10[%get3A_1429, %get3A_1430] {strides = array<i32>} : memref<128x128xf32, #tpu.memory_space<vmem>>, vector<16xf32>,
        %mul3A_1432 = vector.broadcast %squeeze3A_1386 : f32 to vector<16xf32>
        %mul3A_1433 = arith.mulf %get3A_1431, %mul3A_1432 : vector<16xf32>
        %swap3A_1434 = arith.index_cast %add3A_1388 : i32 to index
        %swap3A_1435 = arith.constant 80 : index
        %swap3A_1436 = tpu.vector_load %arg10[%swap3A_1434, %swap3A_1435] {strides = array<i32>} : memref<128x128xf32, #tpu.memory_space<vmem>>, vector<16xf32>,
        tpu.vector_store %arg10[%swap3A_1434, %swap3A_1435], %mul3A_1433 {strides = array<i32>} : memref<128x128xf32, #tpu.memory_space<vmem>>, vector<16xf32>,
        %get3A_1437 = arith.index_cast %add3A_1388 : i32 to index
        %get3A_1438 = arith.constant 96 : index
        %get3A_1439 = tpu.vector_load %arg10[%get3A_1437, %get3A_1438] {strides = array<i32>} : memref<128x128xf32, #tpu.memory_space<vmem>>, vector<16xf32>,
        %mul3A_1440 = vector.broadcast %squeeze3A_1386 : f32 to vector<16xf32>
        %mul3A_1441 = arith.mulf %get3A_1439, %mul3A_1440 : vector<16xf32>
        %swap3A_1442 = arith.index_cast %add3A_1388 : i32 to index
        %swap3A_1443 = arith.constant 96 : index
        %swap3A_1444 = tpu.vector_load %arg10[%swap3A_1442, %swap3A_1443] {strides = array<i32>} : memref<128x128xf32, #tpu.memory_space<vmem>>, vector<16xf32>,
        tpu.vector_store %arg10[%swap3A_1442, %swap3A_1443], %mul3A_1441 {strides = array<i32>} : memref<128x128xf32, #tpu.memory_space<vmem>>, vector<16xf32>,
        %get3A_1445 = arith.index_cast %add3A_1388 : i32 to index
        %get3A_1446 = arith.constant 112 : index
        %get3A_1447 = tpu.vector_load %arg10[%get3A_1445, %get3A_1446] {strides = array<i32>} : memref<128x128xf32, #tpu.memory_space<vmem>>, vector<16xf32>,
        %mul3A_1448 = vector.broadcast %squeeze3A_1386 : f32 to vector<16xf32>
        %mul3A_1449 = arith.mulf %get3A_1447, %mul3A_1448 : vector<16xf32>
        %swap3A_1450 = arith.index_cast %add3A_1388 : i32 to index
        %swap3A_1451 = arith.constant 112 : index
        %swap3A_1452 = tpu.vector_load %arg10[%swap3A_1450, %swap3A_1451] {strides = array<i32>} : memref<128x128xf32, #tpu.memory_space<vmem>>, vector<16xf32>,
        tpu.vector_store %arg10[%swap3A_1450, %swap3A_1451], %mul3A_1449 {strides = array<i32>} : memref<128x128xf32, #tpu.memory_space<vmem>>, vector<16xf32>,
        %slice3A_1453 = vector.extract_strided_slice %get3A_434 {offsets = [15], sizes = [1], strides = [1]} : vector<16xf32> to vector<1xf32>
        %squeeze3A_1454 = vector.extract %slice3A_1453[0] : f32 from vector<1xf32>
        %add3A_1455 = arith.constant 15 : i32
        %add3A_1456 = arith.addi %mul3A_432, %add3A_1455 : i32
        %get3A_1457 = arith.index_cast %add3A_1456 : i32 to index
        %get3A_1458 = arith.constant 0 : index
        %get3A_1459 = tpu.vector_load %arg10[%get3A_1457, %get3A_1458] {strides = array<i32>} : memref<128x128xf32, #tpu.memory_space<vmem>>, vector<16xf32>,
        %mul3A_1460 = vector.broadcast %squeeze3A_1454 : f32 to vector<16xf32>
        %mul3A_1461 = arith.mulf %get3A_1459, %mul3A_1460 : vector<16xf32>
        %swap3A_1462 = arith.index_cast %add3A_1456 : i32 to index
        %swap3A_1463 = arith.constant 0 : index
        %swap3A_1464 = tpu.vector_load %arg10[%swap3A_1462, %swap3A_1463] {strides = array<i32>} : memref<128x128xf32, #tpu.memory_space<vmem>>, vector<16xf32>,
        tpu.vector_store %arg10[%swap3A_1462, %swap3A_1463], %mul3A_1461 {strides = array<i32>} : memref<128x128xf32, #tpu.memory_space<vmem>>, vector<16xf32>,
        %get3A_1465 = arith.index_cast %add3A_1456 : i32 to index
        %get3A_1466 = arith.constant 16 : index
        %get3A_1467 = tpu.vector_load %arg10[%get3A_1465, %get3A_1466] {strides = array<i32>} : memref<128x128xf32, #tpu.memory_space<vmem>>, vector<16xf32>,
        %mul3A_1468 = vector.broadcast %squeeze3A_1454 : f32 to vector<16xf32>
        %mul3A_1469 = arith.mulf %get3A_1467, %mul3A_1468 : vector<16xf32>
        %swap3A_1470 = arith.index_cast %add3A_1456 : i32 to index
        %swap3A_1471 = arith.constant 16 : index
        %swap3A_1472 = tpu.vector_load %arg10[%swap3A_1470, %swap3A_1471] {strides = array<i32>} : memref<128x128xf32, #tpu.memory_space<vmem>>, vector<16xf32>,
        tpu.vector_store %arg10[%swap3A_1470, %swap3A_1471], %mul3A_1469 {strides = array<i32>} : memref<128x128xf32, #tpu.memory_space<vmem>>, vector<16xf32>,
        %get3A_1473 = arith.index_cast %add3A_1456 : i32 to index
        %get3A_1474 = arith.constant 32 : index
        %get3A_1475 = tpu.vector_load %arg10[%get3A_1473, %get3A_1474] {strides = array<i32>} : memref<128x128xf32, #tpu.memory_space<vmem>>, vector<16xf32>,
        %mul3A_1476 = vector.broadcast %squeeze3A_1454 : f32 to vector<16xf32>
        %mul3A_1477 = arith.mulf %get3A_1475, %mul3A_1476 : vector<16xf32>
        %swap3A_1478 = arith.index_cast %add3A_1456 : i32 to index
        %swap3A_1479 = arith.constant 32 : index
        %swap3A_1480 = tpu.vector_load %arg10[%swap3A_1478, %swap3A_1479] {strides = array<i32>} : memref<128x128xf32, #tpu.memory_space<vmem>>, vector<16xf32>,
        tpu.vector_store %arg10[%swap3A_1478, %swap3A_1479], %mul3A_1477 {strides = array<i32>} : memref<128x128xf32, #tpu.memory_space<vmem>>, vector<16xf32>,
        %get3A_1481 = arith.index_cast %add3A_1456 : i32 to index
        %get3A_1482 = arith.constant 48 : index
        %get3A_1483 = tpu.vector_load %arg10[%get3A_1481, %get3A_1482] {strides = array<i32>} : memref<128x128xf32, #tpu.memory_space<vmem>>, vector<16xf32>,
        %mul3A_1484 = vector.broadcast %squeeze3A_1454 : f32 to vector<16xf32>
        %mul3A_1485 = arith.mulf %get3A_1483, %mul3A_1484 : vector<16xf32>
        %swap3A_1486 = arith.index_cast %add3A_1456 : i32 to index
        %swap3A_1487 = arith.constant 48 : index
        %swap3A_1488 = tpu.vector_load %arg10[%swap3A_1486, %swap3A_1487] {strides = array<i32>} : memref<128x128xf32, #tpu.memory_space<vmem>>, vector<16xf32>,
        tpu.vector_store %arg10[%swap3A_1486, %swap3A_1487], %mul3A_1485 {strides = array<i32>} : memref<128x128xf32, #tpu.memory_space<vmem>>, vector<16xf32>,
        %get3A_1489 = arith.index_cast %add3A_1456 : i32 to index
        %get3A_1490 = arith.constant 64 : index
        %get3A_1491 = tpu.vector_load %arg10[%get3A_1489, %get3A_1490] {strides = array<i32>} : memref<128x128xf32, #tpu.memory_space<vmem>>, vector<16xf32>,
        %mul3A_1492 = vector.broadcast %squeeze3A_1454 : f32 to vector<16xf32>
        %mul3A_1493 = arith.mulf %get3A_1491, %mul3A_1492 : vector<16xf32>
        %swap3A_1494 = arith.index_cast %add3A_1456 : i32 to index
        %swap3A_1495 = arith.constant 64 : index
        %swap3A_1496 = tpu.vector_load %arg10[%swap3A_1494, %swap3A_1495] {strides = array<i32>} : memref<128x128xf32, #tpu.memory_space<vmem>>, vector<16xf32>,
        tpu.vector_store %arg10[%swap3A_1494, %swap3A_1495], %mul3A_1493 {strides = array<i32>} : memref<128x128xf32, #tpu.memory_space<vmem>>, vector<16xf32>,
        %get3A_1497 = arith.index_cast %add3A_1456 : i32 to index
        %get3A_1498 = arith.constant 80 : index
        %get3A_1499 = tpu.vector_load %arg10[%get3A_1497, %get3A_1498] {strides = array<i32>} : memref<128x128xf32, #tpu.memory_space<vmem>>, vector<16xf32>,
        %mul3A_1500 = vector.broadcast %squeeze3A_1454 : f32 to vector<16xf32>
        %mul3A_1501 = arith.mulf %get3A_1499, %mul3A_1500 : vector<16xf32>
        %swap3A_1502 = arith.index_cast %add3A_1456 : i32 to index
        %swap3A_1503 = arith.constant 80 : index
        %swap3A_1504 = tpu.vector_load %arg10[%swap3A_1502, %swap3A_1503] {strides = array<i32>} : memref<128x128xf32, #tpu.memory_space<vmem>>, vector<16xf32>,
        tpu.vector_store %arg10[%swap3A_1502, %swap3A_1503], %mul3A_1501 {strides = array<i32>} : memref<128x128xf32, #tpu.memory_space<vmem>>, vector<16xf32>,
        %get3A_1505 = arith.index_cast %add3A_1456 : i32 to index
        %get3A_1506 = arith.constant 96 : index
        %get3A_1507 = tpu.vector_load %arg10[%get3A_1505, %get3A_1506] {strides = array<i32>} : memref<128x128xf32, #tpu.memory_space<vmem>>, vector<16xf32>,
        %mul3A_1508 = vector.broadcast %squeeze3A_1454 : f32 to vector<16xf32>
        %mul3A_1509 = arith.mulf %get3A_1507, %mul3A_1508 : vector<16xf32>
        %swap3A_1510 = arith.index_cast %add3A_1456 : i32 to index
        %swap3A_1511 = arith.constant 96 : index
        %swap3A_1512 = tpu.vector_load %arg10[%swap3A_1510, %swap3A_1511] {strides = array<i32>} : memref<128x128xf32, #tpu.memory_space<vmem>>, vector<16xf32>,
        tpu.vector_store %arg10[%swap3A_1510, %swap3A_1511], %mul3A_1509 {strides = array<i32>} : memref<128x128xf32, #tpu.memory_space<vmem>>, vector<16xf32>,
        %get3A_1513 = arith.index_cast %add3A_1456 : i32 to index
        %get3A_1514 = arith.constant 112 : index
        %get3A_1515 = tpu.vector_load %arg10[%get3A_1513, %get3A_1514] {strides = array<i32>} : memref<128x128xf32, #tpu.memory_space<vmem>>, vector<16xf32>,
        %mul3A_1516 = vector.broadcast %squeeze3A_1454 : f32 to vector<16xf32>
        %mul3A_1517 = arith.mulf %get3A_1515, %mul3A_1516 : vector<16xf32>
        %swap3A_1518 = arith.index_cast %add3A_1456 : i32 to index
        %swap3A_1519 = arith.constant 112 : index
        %swap3A_1520 = tpu.vector_load %arg10[%swap3A_1518, %swap3A_1519] {strides = array<i32>} : memref<128x128xf32, #tpu.memory_space<vmem>>, vector<16xf32>,
        tpu.vector_store %arg10[%swap3A_1518, %swap3A_1519], %mul3A_1517 {strides = array<i32>} : memref<128x128xf32, #tpu.memory_space<vmem>>, vector<16xf32>,
      }
      %scan3A_424 = arith.constant 8 : i32
      %dma_start3A_425 = arith.constant 0 : i32
      %dma_start3A_426 = arith.constant 0 : i32
      %dma_start3A_427 = tpu.memref_slice %arg37[%dma_start3A_425, %dma_start3A_426] : memref<10240x128xf32, #tpu.memory_space<vmem_shared>> -> memref<10240x128xf32, #tpu.memory_space<vmem_shared>>
      tpu.enqueue_indirect_dma source(%arg10 : memref<128x128xf32, #tpu.memory_space<vmem>>) target(%dma_start3A_427 : memref<10240x128xf32, #tpu.memory_space<vmem_shared>>) offsets(%arg14 : memref<128xi32, #tpu.memory_space<vmem>>) semaphore(%arg32 : memref<!tpu.dma_semaphore, #tpu.memory_space<semaphore_mem>>) {add = true}
      %dma_start3A_428 = arith.constant 0 : i32
      %dma_start3A_429 = tpu.memref_slice %arg38[%dma_start3A_428] : memref<10240xf32, #tpu.memory_space<vmem_shared>> -> memref<10240xf32, #tpu.memory_space<vmem_shared>>
      tpu.enqueue_indirect_dma source(%arg16 : memref<128xf32, #tpu.memory_space<vmem>>) target(%dma_start3A_429 : memref<10240xf32, #tpu.memory_space<vmem_shared>>) offsets(%arg14 : memref<128xi32, #tpu.memory_space<vmem>>) semaphore(%arg34 : memref<!tpu.dma_semaphore, #tpu.memory_space<semaphore_mem>>) {add = true}
    }
    %scan3A_97 = arith.constant 40 : i32
    %dma_wait3A_98 = arith.constant 0 : i32
    %dma_wait3A_99 = arith.constant 0 : i32
    %dma_wait3A_100 = tpu.memref_slice %arg37[%dma_wait3A_98, %dma_wait3A_99] : memref<10240x128xf32, #tpu.memory_space<vmem_shared>> -> memref<10240x128xf32, #tpu.memory_space<vmem_shared>>
    tpu.wait_indirect_dma semaphore(%arg32 : memref<!tpu.dma_semaphore, #tpu.memory_space<semaphore_mem>>) src(%arg10 : memref<128x128xf32, #tpu.memory_space<vmem>>) dst(%dma_wait3A_100 : memref<10240x128xf32, #tpu.memory_space<vmem_shared>>)
    %dma_wait3A_101 = arith.constant 0 : i32
    %dma_wait3A_102 = tpu.memref_slice %arg38[%dma_wait3A_101] : memref<10240xf32, #tpu.memory_space<vmem_shared>> -> memref<10240xf32, #tpu.memory_space<vmem_shared>>
    tpu.wait_indirect_dma semaphore(%arg34 : memref<!tpu.dma_semaphore, #tpu.memory_space<semaphore_mem>>) src(%arg16 : memref<128xf32, #tpu.memory_space<vmem>>) dst(%dma_wait3A_102 : memref<10240xf32, #tpu.memory_space<vmem_shared>>)
    %barrier3A_103 = arith.constant 0 : index
    tpu.barrier barrier_id(%barrier3A_103)
    "tpu.region"() ({
      %run_scoped3A_104 = tpu.sem_alloc : memref<!tpu.dma_semaphore, #tpu.memory_space<semaphore_mem>>
      %dma_start3A_105 = arith.constant 0 : i32
      %dma_start3A_106 = tpu.memref_slice %arg7[%arg0, %mul3A_39, %dma_start3A_105] : memref<2x10240x128xf32, #tpu.memory_space<hbm>> -> memref<1x640x128xf32, #tpu.memory_space<hbm>>
      %dma_start3A_107 = tpu.memref_squeeze %dma_start3A_106 : memref<1x640x128xf32, #tpu.memory_space<hbm>> -> memref<640x128xf32, #tpu.memory_space<hbm>>
      %dma_start3A_108 = arith.constant 0 : i32
      %dma_start3A_109 = tpu.memref_slice %arg37[%mul3A_39, %dma_start3A_108] : memref<10240x128xf32, #tpu.memory_space<vmem_shared>> -> memref<640x128xf32, #tpu.memory_space<vmem_shared>>
      tpu.enqueue_dma source(%dma_start3A_109 : memref<640x128xf32, #tpu.memory_space<vmem_shared>>) target(%dma_start3A_107 : memref<640x128xf32, #tpu.memory_space<hbm>>) target_semaphore(%run_scoped3A_104 : memref<!tpu.dma_semaphore, #tpu.memory_space<semaphore_mem>>)
      %dma_wait3A_110 = arith.constant 0 : i32
      %dma_wait3A_111 = tpu.memref_slice %arg7[%arg0, %mul3A_39, %dma_wait3A_110] : memref<2x10240x128xf32, #tpu.memory_space<hbm>> -> memref<1x640x128xf32, #tpu.memory_space<hbm>>
      %dma_wait3A_112 = tpu.memref_squeeze %dma_wait3A_111 : memref<1x640x128xf32, #tpu.memory_space<hbm>> -> memref<640x128xf32, #tpu.memory_space<hbm>>
      %dma_wait3A_113 = arith.constant 0 : i32
      %dma_wait3A_114 = tpu.memref_slice %arg37[%mul3A_39, %dma_wait3A_113] : memref<10240x128xf32, #tpu.memory_space<vmem_shared>> -> memref<640x128xf32, #tpu.memory_space<vmem_shared>>
      tpu.wait_dma2 semaphore(%run_scoped3A_104 : memref<!tpu.dma_semaphore, #tpu.memory_space<semaphore_mem>>) src(%dma_wait3A_114 : memref<640x128xf32, #tpu.memory_space<vmem_shared>>) dst(%dma_wait3A_112 : memref<640x128xf32, #tpu.memory_space<hbm>>)
      tpu.yield
    }) : () -> ()
    %run_scoped3A = arith.constant 0 : i32
    "tpu.region"() ({
      %run_scoped3A_104 = tpu.sem_alloc : memref<!tpu.dma_semaphore, #tpu.memory_space<semaphore_mem>>
      %dma_start3A_105 = tpu.memref_slice %arg8[%arg0, %run_scoped3A, %mul3A_39] : memref<2x1x10240xf32, #tpu.memory_space<hbm>> -> memref<1x1x640xf32, #tpu.memory_space<hbm>>
      %dma_start3A_106 = tpu.memref_squeeze %dma_start3A_105 : memref<1x1x640xf32, #tpu.memory_space<hbm>> -> memref<640xf32, #tpu.memory_space<hbm>>
      %dma_start3A_107 = tpu.memref_slice %arg38[%mul3A_39] : memref<10240xf32, #tpu.memory_space<vmem_shared>> -> memref<640xf32, #tpu.memory_space<vmem_shared>>
      tpu.enqueue_dma source(%dma_start3A_107 : memref<640xf32, #tpu.memory_space<vmem_shared>>) target(%dma_start3A_106 : memref<640xf32, #tpu.memory_space<hbm>>) target_semaphore(%run_scoped3A_104 : memref<!tpu.dma_semaphore, #tpu.memory_space<semaphore_mem>>)
      %dma_wait3A_108 = tpu.memref_slice %arg8[%arg0, %run_scoped3A, %mul3A_39] : memref<2x1x10240xf32, #tpu.memory_space<hbm>> -> memref<1x1x640xf32, #tpu.memory_space<hbm>>
      %dma_wait3A_109 = tpu.memref_squeeze %dma_wait3A_108 : memref<1x1x640xf32, #tpu.memory_space<hbm>> -> memref<640xf32, #tpu.memory_space<hbm>>
      %dma_wait3A_110 = tpu.memref_slice %arg38[%mul3A_39] : memref<10240xf32, #tpu.memory_space<vmem_shared>> -> memref<640xf32, #tpu.memory_space<vmem_shared>>
      tpu.wait_dma2 semaphore(%run_scoped3A_104 : memref<!tpu.dma_semaphore, #tpu.memory_space<semaphore_mem>>) src(%dma_wait3A_110 : memref<640xf32, #tpu.memory_space<vmem_shared>>) dst(%dma_wait3A_109 : memref<640xf32, #tpu.memory_space<hbm>>)
      tpu.yield
    }) : () -> ()
    return
  }
}

module attributes {stable_mosaic.version = 14 : i64} {
  func.func @_tc1_body(%arg0: i32, %arg1: memref<1024x128xf32, #tpu.memory_space<vmem>>, %arg2: memref<128x128xf32, #tpu.memory_space<vmem>>, %arg3: memref<128x128xf32, #tpu.memory_space<vmem>>, %arg4: memref<1x128xf32, #tpu.memory_space<vmem>>, %arg5: memref<1x128xf32, #tpu.memory_space<vmem>>, %arg6: memref<1024x128xf32, #tpu.memory_space<vmem>>, %arg7: memref<1024x128xf32, #tpu.memory_space<vmem>>, %arg8: memref<1024xf32, #tpu.memory_space<vmem>>, %arg9: memref<1024xf32, #tpu.memory_space<vmem>>, %arg10: memref<1024xf32, #tpu.memory_space<vmem>>) attributes {dimension_semantics = [#tpu.dimension_semantics<arbitrary>], iteration_bounds = array<i64: 10>, scalar_prefetch = 0 : i64, scratch_operands = 0 : i64, tpu.core_type = #tpu.core_type<tc>, window_params = [{transform_indices = @transform_0, window_bounds = array<i64: 1024, 128>}, {pipeline_mode = #tpu.pipeline_mode<synchronous>, transform_indices = @transform_1, window_bounds = array<i64: 128, 128>}, {pipeline_mode = #tpu.pipeline_mode<synchronous>, transform_indices = @transform_2, window_bounds = array<i64: 128, 128>}, {pipeline_mode = #tpu.pipeline_mode<synchronous>, transform_indices = @transform_3, window_bounds = array<i64: 1, 128>}, {pipeline_mode = #tpu.pipeline_mode<synchronous>, transform_indices = @transform_4, window_bounds = array<i64: 1, 128>}, {transform_indices = @transform_5, window_bounds = array<i64: 1024, 128>}, {transform_indices = @transform_6, window_bounds = array<i64: 1024, 128>}, {transform_indices = @transform_7, window_bounds = array<i64: 1024>}, {transform_indices = @transform_8, window_bounds = array<i64: 1024>}, {transform_indices = @transform_9, window_bounds = array<i64: 1024>}]} {
    %get3A = arith.constant 0 : index
    %get3A_0 = arith.constant 0 : index
    %get3A_1 = vector.load %arg1[%get3A, %get3A_0] : memref<1024x128xf32, #tpu.memory_space<vmem>>, vector<1024x128xf32>
    %get3A_2 = arith.constant 0 : index
    %get3A_3 = arith.constant 0 : index
    %get3A_4 = vector.load %arg2[%get3A_2, %get3A_3] : memref<128x128xf32, #tpu.memory_space<vmem>>, vector<128x128xf32>
    %dot_general3A = arith.constant dense<0.000000e+00> : vector<1024x128xf32>
    %dot_general3A_5 = tpu.matmul %get3A_1, %get3A_4, %dot_general3A {dimension_numbers = #tpu.dot_dimension_numbers<[1], [0], [0], [1], [0, 0, 1, 1], [], []>, transpose_lhs_hint = false} : vector<1024x128xf32>, vector<128x128xf32>, vector<1024x128xf32> -> vector<1024x128xf32>
    %swap3A = arith.constant 0 : index
    %swap3A_6 = arith.constant 0 : index
    %swap3A_7 = vector.load %arg6[%swap3A, %swap3A_6] : memref<1024x128xf32, #tpu.memory_space<vmem>>, vector<1024x128xf32>
    tpu.vector_store %arg6[%swap3A, %swap3A_6], %dot_general3A_5 {strides = array<i32>} : memref<1024x128xf32, #tpu.memory_space<vmem>>, vector<1024x128xf32>,
    %get3A_8 = arith.constant 0 : index
    %get3A_9 = arith.constant 0 : index
    %get3A_10 = vector.load %arg3[%get3A_8, %get3A_9] : memref<128x128xf32, #tpu.memory_space<vmem>>, vector<128x128xf32>
    %dot_general3A_11 = arith.constant dense<0.000000e+00> : vector<1024x128xf32>
    %dot_general3A_12 = tpu.matmul %get3A_1, %get3A_10, %dot_general3A_11 {dimension_numbers = #tpu.dot_dimension_numbers<[1], [0], [0], [1], [0, 0, 1, 1], [], []>, transpose_lhs_hint = false} : vector<1024x128xf32>, vector<128x128xf32>, vector<1024x128xf32> -> vector<1024x128xf32>
    %swap3A_13 = arith.constant 0 : index
    %swap3A_14 = arith.constant 0 : index
    %swap3A_15 = vector.load %arg7[%swap3A_13, %swap3A_14] : memref<1024x128xf32, #tpu.memory_space<vmem>>, vector<1024x128xf32>
    tpu.vector_store %arg7[%swap3A_13, %swap3A_14], %dot_general3A_12 {strides = array<i32>} : memref<1024x128xf32, #tpu.memory_space<vmem>>, vector<1024x128xf32>,
    %get3A_16 = arith.constant 0 : index
    %get3A_17 = arith.constant 0 : index
    %get3A_18 = vector.load %arg4[%get3A_16, %get3A_17] : memref<1x128xf32, #tpu.memory_space<vmem>>, vector<1x128xf32>
    %mul3A = vector.broadcast %get3A_18 : vector<1x128xf32> to vector<1024x128xf32>
    %mul3A_19 = arith.mulf %dot_general3A_5, %mul3A : vector<1024x128xf32>
    %reduce_sum3A = arith.constant dense<0.000000e+00> : vector<1024xf32>
    %reduce_sum3A_20 = vector.multi_reduction <add>, %mul3A_19, %reduce_sum3A [1] : vector<1024x128xf32> to vector<1024xf32>
    %get3A_21 = arith.constant 0 : index
    %get3A_22 = arith.constant 0 : index
    %get3A_23 = vector.load %arg5[%get3A_21, %get3A_22] : memref<1x128xf32, #tpu.memory_space<vmem>>, vector<1x128xf32>
    %mul3A_24 = vector.broadcast %get3A_23 : vector<1x128xf32> to vector<1024x128xf32>
    %mul3A_25 = arith.mulf %dot_general3A_5, %mul3A_24 : vector<1024x128xf32>
    %reduce_sum3A_26 = arith.constant dense<0.000000e+00> : vector<1024xf32>
    %reduce_sum3A_27 = vector.multi_reduction <add>, %mul3A_25, %reduce_sum3A_26 [1] : vector<1024x128xf32> to vector<1024xf32>
    %swap3A_28 = arith.constant 0 : index
    %swap3A_29 = vector.load %arg8[%swap3A_28] : memref<1024xf32, #tpu.memory_space<vmem>>, vector<1024xf32>
    tpu.vector_store %arg8[%swap3A_28], %reduce_sum3A_20 {strides = array<i32>} : memref<1024xf32, #tpu.memory_space<vmem>>, vector<1024xf32>,
    %swap3A_30 = arith.constant 0 : index
    %swap3A_31 = vector.load %arg9[%swap3A_30] : memref<1024xf32, #tpu.memory_space<vmem>>, vector<1024xf32>
    tpu.vector_store %arg9[%swap3A_30], %reduce_sum3A_27 {strides = array<i32>} : memref<1024xf32, #tpu.memory_space<vmem>>, vector<1024xf32>,
    %add3A = arith.addf %reduce_sum3A_20, %reduce_sum3A_27 : vector<1024xf32>
    %ge3A = arith.constant 0.000000e+00 : f32
    %ge3A_32 = vector.broadcast %ge3A : f32 to vector<1024xf32>
    %ge3A_33 = arith.cmpf oge, %add3A, %ge3A_32 : vector<1024xf32>
    %mul3A_34 = arith.constant 2.000000e-01 : f32
    %mul3A_35 = vector.broadcast %mul3A_34 : f32 to vector<1024xf32>
    %mul3A_36 = arith.mulf %mul3A_35, %add3A : vector<1024xf32>
    %select_n3A = arith.select %ge3A_33, %add3A, %mul3A_36 : vector<1024xi1>, vector<1024xf32>
    %exp3A = math.exp %select_n3A : vector<1024xf32>
    %swap3A_37 = arith.constant 0 : index
    %swap3A_38 = vector.load %arg10[%swap3A_37] : memref<1024xf32, #tpu.memory_space<vmem>>, vector<1024xf32>
    tpu.vector_store %arg10[%swap3A_37], %exp3A {strides = array<i32>} : memref<1024xf32, #tpu.memory_space<vmem>>, vector<1024xf32>,
    return
  }
  func.func @transform_0(%arg0: i32) -> (i32, i32) {
    %c0_i32 = arith.constant 0 : i32
    %c0_i32_0 = arith.constant 0 : i32
    return %arg0, %c0_i32 : i32, i32
  }
  func.func @transform_1(%arg0: i32) -> (i32, i32) {
    %c0_i32 = arith.constant 0 : i32
    %c0_i32_0 = arith.constant 0 : i32
    %c0_i32_1 = arith.constant 0 : i32
    return %c0_i32, %c0_i32_0 : i32, i32
  }
  func.func @transform_2(%arg0: i32) -> (i32, i32) {
    %c0_i32 = arith.constant 0 : i32
    %c0_i32_0 = arith.constant 0 : i32
    %c0_i32_1 = arith.constant 0 : i32
    return %c0_i32, %c0_i32_0 : i32, i32
  }
  func.func @transform_3(%arg0: i32) -> (i32, i32) {
    %c0_i32 = arith.constant 0 : i32
    %c0_i32_0 = arith.constant 0 : i32
    %c0_i32_1 = arith.constant 0 : i32
    return %c0_i32, %c0_i32_0 : i32, i32
  }
  func.func @transform_4(%arg0: i32) -> (i32, i32) {
    %c0_i32 = arith.constant 0 : i32
    %c0_i32_0 = arith.constant 0 : i32
    %c0_i32_1 = arith.constant 0 : i32
    return %c0_i32, %c0_i32_0 : i32, i32
  }
  func.func @transform_5(%arg0: i32) -> (i32, i32) {
    %c0_i32 = arith.constant 0 : i32
    %c0_i32_0 = arith.constant 0 : i32
    return %arg0, %c0_i32 : i32, i32
  }
  func.func @transform_6(%arg0: i32) -> (i32, i32) {
    %c0_i32 = arith.constant 0 : i32
    %c0_i32_0 = arith.constant 0 : i32
    return %arg0, %c0_i32 : i32, i32
  }
  func.func @transform_7(%arg0: i32) -> i32 {
    %c0_i32 = arith.constant 0 : i32
    return %arg0 : i32
  }
  func.func @transform_8(%arg0: i32) -> i32 {
    %c0_i32 = arith.constant 0 : i32
    return %arg0 : i32
  }
  func.func @transform_9(%arg0: i32) -> i32 {
    %c0_i32 = arith.constant 0 : i32
    return %arg0 : i32
  }
}

module attributes {stable_mosaic.version = 14 : i64} {
  func.func @_tc2_body(%arg0: i32, %arg1: memref<2x1024x128xf32, #tpu.memory_space<vmem>>, %arg2: memref<2x1024xf32, #tpu.memory_space<vmem>>, %arg3: memref<1024xf32, #tpu.memory_space<vmem>>, %arg4: memref<1024x128xf32, #tpu.memory_space<vmem>>, %arg5: memref<1024x128xf32, #tpu.memory_space<vmem>>, %arg6: memref<1x128xf32, #tpu.memory_space<vmem>>, %arg7: memref<1x128xf32, #tpu.memory_space<vmem>>, %arg8: memref<1024x128xf32, #tpu.memory_space<vmem>>) attributes {dimension_semantics = [#tpu.dimension_semantics<arbitrary>], iteration_bounds = array<i64: 10>, scalar_prefetch = 0 : i64, scratch_operands = 0 : i64, tpu.core_type = #tpu.core_type<tc>, window_params = [{transform_indices = @transform_0, window_bounds = array<i64: 2, 1024, 128>}, {transform_indices = @transform_1, window_bounds = array<i64: 2, 1024>}, {transform_indices = @transform_2, window_bounds = array<i64: 1024>}, {transform_indices = @transform_3, window_bounds = array<i64: 1024, 128>}, {transform_indices = @transform_4, window_bounds = array<i64: 1024, 128>}, {pipeline_mode = #tpu.pipeline_mode<synchronous>, transform_indices = @transform_5, window_bounds = array<i64: 1, 128>}, {pipeline_mode = #tpu.pipeline_mode<synchronous>, transform_indices = @transform_6, window_bounds = array<i64: 1, 128>}, {transform_indices = @transform_7, window_bounds = array<i64: 1024, 128>}]} {
    %get3A = arith.constant 0 : index
    %get3A_0 = vector.load %arg3[%get3A] : memref<1024xf32, #tpu.memory_space<vmem>>, vector<1024xf32>
    %get3A_1 = arith.constant 0 : index
    %get3A_2 = arith.constant 0 : index
    %get3A_3 = vector.load %arg2[%get3A_1, %get3A_2] : memref<2x1024xf32, #tpu.memory_space<vmem>>, vector<1x1024xf32>
    %get3A_4 = vector.shape_cast %get3A_3 : vector<1x1024xf32> to vector<1024xf32>
    %get3A_5 = arith.constant 1 : index
    %get3A_6 = arith.constant 0 : index
    %get3A_7 = vector.load %arg2[%get3A_5, %get3A_6] : memref<2x1024xf32, #tpu.memory_space<vmem>>, vector<1x1024xf32>
    %get3A_8 = vector.shape_cast %get3A_7 : vector<1x1024xf32> to vector<1024xf32>
    %add3A = arith.addf %get3A_4, %get3A_8 : vector<1024xf32>
    %add3A_9 = arith.addf %add3A, %get3A_0 : vector<1024xf32>
    %get3A_10 = arith.constant 0 : index
    %get3A_11 = arith.constant 0 : index
    %get3A_12 = arith.constant 0 : index
    %get3A_13 = vector.load %arg1[%get3A_10, %get3A_11, %get3A_12] : memref<2x1024x128xf32, #tpu.memory_space<vmem>>, vector<1x1024x128xf32>
    %get3A_14 = vector.shape_cast %get3A_13 : vector<1x1024x128xf32> to vector<1024x128xf32>
    %get3A_15 = arith.constant 1 : index
    %get3A_16 = arith.constant 0 : index
    %get3A_17 = arith.constant 0 : index
    %get3A_18 = vector.load %arg1[%get3A_15, %get3A_16, %get3A_17] : memref<2x1024x128xf32, #tpu.memory_space<vmem>>, vector<1x1024x128xf32>
    %get3A_19 = vector.shape_cast %get3A_18 : vector<1x1024x128xf32> to vector<1024x128xf32>
    %add3A_20 = arith.addf %get3A_14, %get3A_19 : vector<1024x128xf32>
    %broadcast_in_dim3A = vector.shape_cast %get3A_0 : vector<1024xf32> to vector<1024x1xf32>
    %get3A_21 = arith.constant 0 : index
    %get3A_22 = arith.constant 0 : index
    %get3A_23 = vector.load %arg4[%get3A_21, %get3A_22] : memref<1024x128xf32, #tpu.memory_space<vmem>>, vector<1024x128xf32>
    %mul3A = vector.broadcast %broadcast_in_dim3A : vector<1024x1xf32> to vector<1024x128xf32>
    %mul3A_24 = arith.mulf %mul3A, %get3A_23 : vector<1024x128xf32>
    %add3A_25 = arith.addf %add3A_20, %mul3A_24 : vector<1024x128xf32>
    %broadcast_in_dim3A_26 = vector.shape_cast %add3A_9 : vector<1024xf32> to vector<1024x1xf32>
    %div3A = vector.broadcast %broadcast_in_dim3A_26 : vector<1024x1xf32> to vector<1024x128xf32>
    %div3A_27 = arith.divf %add3A_25, %div3A : vector<1024x128xf32>
    %get3A_28 = arith.constant 0 : index
    %get3A_29 = arith.constant 0 : index
    %get3A_30 = vector.load %arg6[%get3A_28, %get3A_29] : memref<1x128xf32, #tpu.memory_space<vmem>>, vector<1x128xf32>
    %add3A_31 = vector.broadcast %get3A_30 : vector<1x128xf32> to vector<1024x128xf32>
    %add3A_32 = arith.addf %div3A_27, %add3A_31 : vector<1024x128xf32>
    %get3A_33 = arith.constant 0 : index
    %get3A_34 = arith.constant 0 : index
    %get3A_35 = vector.load %arg5[%get3A_33, %get3A_34] : memref<1024x128xf32, #tpu.memory_space<vmem>>, vector<1024x128xf32>
    %add3A_36 = arith.addf %add3A_32, %get3A_35 : vector<1024x128xf32>
    %get3A_37 = arith.constant 0 : index
    %get3A_38 = arith.constant 0 : index
    %get3A_39 = vector.load %arg7[%get3A_37, %get3A_38] : memref<1x128xf32, #tpu.memory_space<vmem>>, vector<1x128xf32>
    %add3A_40 = vector.broadcast %get3A_39 : vector<1x128xf32> to vector<1024x128xf32>
    %add3A_41 = arith.addf %add3A_36, %add3A_40 : vector<1024x128xf32>
    %swap3A = arith.constant 0 : index
    %swap3A_42 = arith.constant 0 : index
    %swap3A_43 = vector.load %arg8[%swap3A, %swap3A_42] : memref<1024x128xf32, #tpu.memory_space<vmem>>, vector<1024x128xf32>
    tpu.vector_store %arg8[%swap3A, %swap3A_42], %add3A_41 {strides = array<i32>} : memref<1024x128xf32, #tpu.memory_space<vmem>>, vector<1024x128xf32>,
    return
  }
  func.func @transform_0(%arg0: i32) -> (i32, i32, i32) {
    %c0_i32 = arith.constant 0 : i32
    %c0_i32_0 = arith.constant 0 : i32
    %c0_i32_1 = arith.constant 0 : i32
    return %c0_i32, %arg0, %c0_i32_0 : i32, i32, i32
  }
  func.func @transform_1(%arg0: i32) -> (i32, i32) {
    %c0_i32 = arith.constant 0 : i32
    %c0_i32_0 = arith.constant 0 : i32
    return %c0_i32, %arg0 : i32, i32
  }
  func.func @transform_2(%arg0: i32) -> i32 {
    %c0_i32 = arith.constant 0 : i32
    return %arg0 : i32
  }
  func.func @transform_3(%arg0: i32) -> (i32, i32) {
    %c0_i32 = arith.constant 0 : i32
    %c0_i32_0 = arith.constant 0 : i32
    return %arg0, %c0_i32 : i32, i32
  }
  func.func @transform_4(%arg0: i32) -> (i32, i32) {
    %c0_i32 = arith.constant 0 : i32
    %c0_i32_0 = arith.constant 0 : i32
    return %arg0, %c0_i32 : i32, i32
  }
  func.func @transform_5(%arg0: i32) -> (i32, i32) {
    %c0_i32 = arith.constant 0 : i32
    %c0_i32_0 = arith.constant 0 : i32
    %c0_i32_1 = arith.constant 0 : i32
    return %c0_i32, %c0_i32_0 : i32, i32
  }
  func.func @transform_6(%arg0: i32) -> (i32, i32) {
    %c0_i32 = arith.constant 0 : i32
    %c0_i32_0 = arith.constant 0 : i32
    %c0_i32_1 = arith.constant 0 : i32
    return %c0_i32, %c0_i32_0 : i32, i32
  }
  func.func @transform_7(%arg0: i32) -> (i32, i32) {
    %c0_i32 = arith.constant 0 : i32
    %c0_i32_0 = arith.constant 0 : i32
    return %arg0, %c0_i32 : i32, i32
  }
}

</mosaic_0001>

<sc_bundles>
// kernel: kernel.5.cloned.1.call-start
scs
__scs_entry_jumppad:
0x0: {  	(pc) =	sbr.rel $0x88, $3  }
0x1: {  	(tag) =	ssettag $0x0;
	lr =	simm.s32 $0x1  }
0x2: {  	[smem:$0x3F99] =	sst lr;
	_ =	strace $0xD0000000  }
0x3: {  	_ = 	snop  }
0x4: {  	_ = 	snop  }
0x5: {  	_ = 	snop  }
0x6: {  	_ = 	snop  }
0x7: {  	_ = 	snop  }
__scs_overlays_trampoline_lowered:
0x8: {  	[smem:$0x3FA8] =	sst s0  }
0x9: {  	[smem:$0x3FA9] =	sst s1  }
0xa: {  	[smem:$0x3FAA] =	sst s2  }
0xb: {  	[smem:$0x3FAB] =	sst s3  }
0xc: {  	[smem:$0x3FAC] =	sst s4  }
0xd: {  	[smem:$0x3FAD] =	sst s5  }
0xe: {  	[smem:$0x3FAE] =	sst s6  }
0xf: {  	[smem:$0x3FAF] =	sst s7  }
0x10: {  	[smem:$0x3FB0] =	sst s8  }
0x11: {  	[smem:$0x3FB1] =	sst s9;
	s0 =	simm.s32 @!p0 $0x0  }
0x12: {  	s1 =	sld [smem:$0x3F97];
	s0 =	simm.s32 @p0 $0x1  }
0x13: {  	[smem:$0x3FB2] =	sst s0;
	s0 =	simm.s32 @!p1 $0x0  }
0x14: {  	s2 =	sld [smem:$0x3F96];
	s0 =	simm.s32 @p1 $0x1  }
0x15: {  	[smem:$0x3FB3] =	sst s0;
	s0 =	simm.s32 @!p2 $0x0  }
0x16: {  	s3 =	sld [smem:$0x3FDB];
	s0 =	simm.s32 @p2 $0x1  }
0x17: {  	s4 =	simm.s32 $0x1BF5;
	[smem:$0x3FB5] =	sst s0  }
0x18: {  	s0 =	sld [smem:$0x3F98];
	_ =	swait.ge [sflag:s4], $0x0  }
0x19: {  	s7 =	sld [smem:$0x3F99]  }
0x1a: {  	s8 =	sadd.s32 $0xFFFFE003, lr  }
0x1b: {  	s9 =	sadd.s32 $0xFFFFFEF7, lr;
	s5 =	simm.s32 $0xFFFFFFFF;
	p2 =	slt.u32 s8, $0xFFFFF086  }
0x1c: {  	p1 =	slt.u32 s9, $0xF7A;
	s5 =	simm.s32 @!p2 $0x0  }
0x1d: {  	s5 =	simm.s32 @p1 $0x1;
	p0 =	seq.s32 s7, s2  }
0x1e: {  	s7 =	smul.u32 @!p0 $0xF7A, s2;
	p2 =	seq.s32 @!p0 s5, $0x0  }
0x1f: {  	s9 =	smul.u32 $0xF7A, s1;
	s8 =	simm.s32 @!p0 $0x1BF5;
	p2 =	por !p2, p0  }
0x20: {  	[sflag:s8] =	ssyncset.s32 @!p0 $0xFFFFF086;
	s6 =	sadd.s32 @!p0 s3, s7;
	s7 =	simm.s32 @!p0 $0x108  }
0x21: {  	s3 =	sadd.s32 s3, s9;
	s6 =	sadd.s32 @!p0 $0x88, s6;
	s7 =	simm.s32 @p2 $0x1082  }
0x22: {  	[simem:s7], [sflag:s8] =	dma.local @!p0 [hbm:s6], $0xF7A  }
0x23: {  	s9 =	sor.u32 $0xD0000000, s2;
	s6 =	simm.s32 $0x108;
	_ =	swait.ge @!p0 [sflag:s8], $0x0  }
0x24: {  	s3 =	sadd.s32 $0x88, s3;
	s6 =	simm.s32 @!p1 $0x1082;
	[sflag:s4] =	ssyncset.s32 $0xFFFFF086  }
0x25: {  	[simem:s6], [sflag:s4] =	dma.local [hbm:s3], $0xF7A  }
0x26: {  	[smem:$0x3F99] =	sst s1;
	(tag) =	ssettag s2;
	_ =	strace s9  }
0x27: {  	s1 =	sld [smem:$0x3FA9]  }
0x28: {  	s2 =	sld [smem:$0x3FAA]  }
0x29: {  	s4 =	sld [smem:$0x3FAC]  }
0x2a: {  	p0 =	seq.s32 s5, $0x0;
	s5 =	sld [smem:$0x3FAD]  }
0x2b: {  	s6 =	sld [smem:$0x3FAE]  }
0x2c: {  	s7 =	sld [smem:$0x3FAF]  }
0x2d: {  	s3 =	simm.s32 $0x108;
	s8 =	sld [smem:$0x3FB0]  }
0x2e: {  	s3 =	simm.s32 @!p0 $0x1082;
	s9 =	sld [smem:$0x3FB1]  }
0x2f: {  	lr =	sadd.s32 s0, s3;
	s0 =	sld [smem:$0x3FA8]  }
0x30: {  	s3 =	sld [smem:$0x3FAB]  }
0x31: {  	[smem:$0x3FB4] =	sst s10  }
0x32: {  	s10 =	sld [smem:$0x3FB2];
	_ =	sdelay $0x3  }
0x33: {  	p0 =	seq.s32 s10, $0x1;
	s10 =	sld [smem:$0x3FB4];
	_ =	sdelay $0x3  }
0x34: {  	[smem:$0x3FB4] =	sst s10  }
0x35: {  	s10 =	sld [smem:$0x3FB3];
	_ =	sdelay $0x3  }
0x36: {  	p1 =	seq.s32 s10, $0x1;
	s10 =	sld [smem:$0x3FB4];
	_ =	sdelay $0x3  }
0x37: {  	[smem:$0x3FB4] =	sst s10  }
0x38: {  	s10 =	sld [smem:$0x3FB5]  }
0x39: {  	_ = 	snop;
	(pc) =	sbr.ind lr, $3  }
0x3a: {  	_ = 	snop  }
0x3b: {  	_ = 	snop  }
0x3c: {  	p2 =	seq.s32 s10, $0x1;
	s10 =	sld [smem:$0x3FB4]  }
0x3d: {  	_ =	shalt  }
0x3e: {  	_ =	shalt  }
0x3f: {  	_ =	shalt  }
0x40: {  	_ =	shalt  }
0x41: {  	_ =	shalt  }
0x42: {  	_ =	shalt  }
0x43: {  	_ =	shalt  }
0x44: {  	_ =	shalt  }
0x45: {  	_ =	shalt  }
0x46: {  	_ =	shalt  }
0x47: {  	_ =	shalt  }
0x48: {  	_ =	shalt  }
0x49: {  	_ =	shalt  }
0x4a: {  	_ =	shalt  }
0x4b: {  	_ =	shalt  }
0x4c: {  	_ =	shalt  }
0x4d: {  	_ =	shalt  }
0x4e: {  	_ =	shalt  }
0x4f: {  	_ =	shalt  }
0x50: {  	_ =	shalt  }
0x51: {  	_ =	shalt  }
0x52: {  	_ =	shalt  }
0x53: {  	_ =	shalt  }
0x54: {  	_ =	shalt  }
0x55: {  	_ =	shalt  }
0x56: {  	_ =	shalt  }
0x57: {  	_ =	shalt  }
0x58: {  	_ =	shalt  }
0x59: {  	_ =	shalt  }
0x5a: {  	_ =	shalt  }
0x5b: {  	_ =	shalt  }
0x5c: {  	_ =	shalt  }
0x5d: {  	_ =	shalt  }
0x5e: {  	_ =	shalt  }
0x5f: {  	_ =	shalt  }
0x60: {  	_ =	shalt  }
0x61: {  	_ =	shalt  }
0x62: {  	_ =	shalt  }
0x63: {  	_ =	shalt  }
0x64: {  	_ =	shalt  }
0x65: {  	_ =	shalt  }
0x66: {  	_ =	shalt  }
0x67: {  	_ =	shalt  }
0x68: {  	_ =	shalt  }
0x69: {  	_ =	shalt  }
0x6a: {  	_ =	shalt  }
0x6b: {  	_ =	shalt  }
0x6c: {  	_ =	shalt  }
0x6d: {  	_ =	shalt  }
0x6e: {  	_ =	shalt  }
0x6f: {  	_ =	shalt  }
0x70: {  	_ =	shalt  }
0x71: {  	_ =	shalt  }
0x72: {  	_ =	shalt  }
0x73: {  	_ =	shalt  }
0x74: {  	_ =	shalt  }
0x75: {  	_ =	shalt  }
0x76: {  	_ =	shalt  }
0x77: {  	_ =	shalt  }
0x78: {  	_ =	shalt  }
0x79: {  	_ =	shalt  }
0x7a: {  	_ =	shalt  }
0x7b: {  	_ =	shalt  }
0x7c: {  	_ =	shalt  }
0x7d: {  	_ =	shalt  }
0x7e: {  	_ =	shalt  }
0x7f: {  	_ =	shalt  }
0x80: {  	_ =	shalt  }
0x81: {  	_ =	shalt  }
0x82: {  	_ =	shalt  }
0x83: {  	_ =	shalt  }
0x84: {  	_ =	shalt  }
0x85: {  	_ =	shalt  }
0x86: {  	_ =	shalt  }
0x87: {  	_ =	shalt  }
.Lfunc_end0:
.L_simem_size_0:
called_computation_lowered:
.L_overlay_start_0:
0x88: {  	s2 =	sld [smem:$0x3FD9]  }
0x89: {  	s3 =	sld [smem:$0x3FFE];
	_ =	sdelay $0x1  }
0x8a: {  	s1 =	srdreg.scid  }
0x8b: {  	s0 =	sand.u32 $0x1, s1  }
0x8c: {  	s14 =	sshll.u32 s0, $0xA;
	s2 =	sadd.s32 s3, s2  }
0x8d: {  	s2 =	sadd.s32 s2, s14  }
0x8e: {  	[smem:$0x3FC0] =	sst s2  }
0x8f: {  	_ = 	snop  }
0x90: {  	s2 =	sld [smem:$0x3FD0];
	_ =	sdelay $0x2  }
0x91: {  	s15 =	simm.s32 $0xA;
	s4 =	simm.s32 $0x10  }
0x92: {  	[smem:s4], [sflag:s15] =	dma.local [hbm:s2], $0x1  }
0x93: {  	_ =	swait.eq [sflag:s15], $0x1  }
0x94: {  	[sflag:s15] =	ssyncset.done $0x0  }
0x95: {  	s16 =	sld [smem:$0x10];
	[sflag:s15] =	ssyncadd.s32 $0xFFFFFFFF  }
0x96: {  	s17 =	sld [smem:$0x11];
	(tm) =	ssettm $0x1  }
0x97: {  	s18 =	sld [smem:$0x3FFB];
	_ =	sdelay $0x3  }
0x98: {  	_ =	strace s18  }
0x99: {  	s4 =	sld [smem:$0x3FFC];
	_ =	sdelay $0x3  }
0x9a: {  	_ =	strace s4  }
0x9b: {  	s4 =	sld [smem:$0x3FFD];
	_ =	sdelay $0x3  }
0x9c: {  	_ =	strace s4  }
0x9d: {  	_ =	strace $0x8FFFFFFF  }
0x9e: {  	s19 =	sld [smem:$0x3FDB];
	_ =	sdelay $0x1  }
0x9f: {  	s5 =	simm.s32 $_scs_section_size  }
0xa0: {  	s6 =	simm.s32 $_size__tile_overlayer_lowered;
	s7 =	simm.s32 $_tile_overlayer_lowered  }
0xa1: {  	s22 =	simm.s32 $0x1BFF;
	s21 =	sshll.u32 s7, $0x1;
	s4 =	sadd.s32 s5, s19  }
0xa2: {  	s8 =	simm.s32 $0x0;
	s20 =	sshll.u32 s6, $0x1;
	s6 =	sadd.s32 s21, s4  }
0xa3: {  	[timem:s8], [sflag:s22] =	dma.local [hbm:s6], s20  }
0xa4: {  	_ =	swait.ge [sflag:s22], s20  }
0xa5: {  	s5 =	ssub.s32 $0x0, s20;
	[sflag:s22] =	ssyncset.done $0x0  }
0xa6: {  	[sflag:s22] =	ssyncadd.s32 s5;
	_ =	sdelay $0x1  }
0xa7: {  	s23 =	simm.s32 $0x1B8B  }
0xa8: {  	_ =	swait.ge [sflag:s23], $0x1  }
0xa9: {  	[sflag:s23] =	ssyncset.done $0x0  }
0xaa: {  	s25 =	simm.s32 $0x1B8E;
	s24 =	sld [smem:$0x3FFE];
	[sflag:s23] =	ssyncadd.s32 $0xFFFFFFFF  }
0xab: {  	s26 =	simm.s32 $execute0_lowered;
	[smem:$0x3FD2] =	sst s25  }
0xac: {  	s6 =	sshll.u32 s26, $0x1;
	_ =	strace $0x80000046;
	[dreg:$0x1] =	wrdreg $0xFFFFFFFF  }
0xad: {  	s28 =	simm.s32 $_size_execute0_lowered;
	s4 =	sadd.s32 s4, s6;
	[dreg:$0x0] =	wrdreg $0x0  }
0xae: {  	s6 =	sshll.u32 s28, $0x1;
	[dreg:$0x2] =	wrdreg s4  }
0xaf: {  	[dreg:$0x3] =	wrdreg s6  }
0xb0: {  	[dreg:$0x4] =	wrdreg $0xC0  }
0xb1: {  	_ =	task [dreg:s8], $0x5FFFF  }
0xb2: {  	[dreg:$0x1] =	wrdreg $0xFFFFFFFF  }
0xb3: {  	[dreg:$0x0] =	wrdreg $0x60  }
0xb4: {  	[dreg:$0x2] =	wrdreg s17  }
0xb5: {  	[dreg:$0x3] =	wrdreg s24  }
0xb6: {  	[dreg:$0x4] =	wrdreg s16  }
0xb7: {  	[dreg:$0x5] =	wrdreg $0x85000  }
0xb8: {  	[dreg:$0x6] =	wrdreg $0x1C5000  }
0xb9: {  	[dreg:$0x7] =	wrdreg $0x9  }
0xba: {  	_ =	task.clear_ibuf [dreg:s8], $0x8FFFF;
	_ =	strace $0x90000046  }
0xbb: {  	s29 =	simm.s32 $0x9;
	_ =	strace $0x80000048  }
0xbc: {  	_ =	swait.ge [sflag:s29], $0x1  }
0xbd: {  	[sflag:s29] =	ssyncadd.s32 $0xFFFFFFFF  }
0xbe: {  	_ =	strace $0x90000048  }
0xbf: {  	_ =	sfence  }
0xc0: {  	s30 =	sld [smem:$0x0];
	_ =	sdelay $0x2  }
0xc1: {  	s31 =	sshll.u32 s1, $0xD;
	s1 =	sshrl.u32 s1, $0x2  }
0xc2: {  	s3 =	sand.u32 $0x4000, s31;
	s1 =	sadd.s32 s1, s30  }
0xc3: {  	s0 =	sor.u32 s3, s0;
	s1 =	sshll.u32 s1, $0x11  }
0xc4: {  	s0 =	sor.u32 s1, s0  }
0xc5: {  	s0 =	sadd.s32 $0x8F2B, s0  }
0xc6: {  	[sflag:s0] =	ssyncadd.remote.s32 $0x1  }
0xc7: {  	_ =	sfence.sel $0xFFFF  }
0xc8: {  	[dreg:$0x0] =	wrdreg $0xFFFFFFFF;
	(pc) =	sbr.abs _section_cstart, $3  }
0xc9: {  	[dreg:$0x1] =	wrdreg $0xFFFFFFFF  }
0xca: {  	_ =	task.clear_ibuf [dreg:s8], $0x2FFFF;
	_ =	strace $0x9FFFFFFF  }
0xcb: {  	(tm) =	ssettm $0x7FFFFFFF  }
tec
execute0_lowered:
.L_overlay_start_1:
0x0: {  	(tag) =	ssettag $0x1  }
0x1: {  	s5 =	rddreg [dreg:$0x0]  }
0x2: {  	s0 =	rddreg [dreg:$0x1]  }
0x3: {  	s1 =	rddreg [dreg:$0x2]  }
0x4: {  	s15 =	rddreg [dreg:$0x3];
	s2 =	srdreg.scid  }
0x5: {  	s16 =	rddreg [dreg:$0x4];
	s4 =	stileid.u32  }
0x6: {  	s7 =	simm.s32 $0x0;
	s29 =	simm.s32 $0x11;
	s31 =	simm.s32 $0x8100  }
0x7: {  	s30 =	simm.s32 $0x5;
	s2 =	sand.u32 $0x1, s2;
	s6 =	smul.u32 $0x14000, s4  }
0x8: {  	[smem:$0x7FF] =	sst s7;
	s10 =	smul.u32 $0x280, s4;
	s7 =	sadd.s32 $0x2A00, s0  }
0x9: {  	s8 =	sadd.s32 $0x1E00, s0;
	s9 =	sadd.s32 $0x2400, s0;
	s14 =	smul.u32 $0x50000, s4  }
0xa: {  	s13 =	sshll.u32 s4, $0x1;
	s3 =	smul.u32 $0x140000, s2;
	_ =	strace $0x80000047  }
0xb: {  	s11 =	smul.u32 $0x2800, s2;
	s26 =	ssub.s32 $0x2, s2;
	s2 =	sor.u32 s2, s13  }
0xc: {  	s12 =	sshrl.u32 s26, $0x1;
	s2 =	smul.u32 $0x2800, s2;
	s14 =	sshrl.u32 s14, $0x2  }
0xd: {  	s17 =	sadd.s32 $0x80, s10;
	s19 =	sadd.s32 $0x100, s10;
	s28 =	sadd.s32 s10, s16  }
0xe: {  	s3 =	sadd.s32 s6, s3;
	s25 =	sadd.s32 s10, s11;
	s22 =	sadd.s32 s14, s15  }
0xf: {  	s18 =	sshll.u32 s17, $0x7;
	s21 =	sshll.u32 s19, $0x7;
	s23 =	sadd.s32 s17, s16  }
0x10: {  	s11 =	simm.s32 $0x8;
	[dreg:$0x7] =	wrdreg s28;
	s3 =	sshrl.u32 s3, $0x3  }
0x11: {  	s6 =	sshrl.u32 s25, $0x3;
	s20 =	sadd.s32 s18, s15;
	[dreg:$0x9] =	wrdreg s23  }
0x12: {  	s24 =	sadd.s32 s21, s15;
	s25 =	sadd.s32 $0x180, s10;
	s10 =	sadd.s32 $0x200, s10  }
0x13: {  	s23 =	smov.u32 s16;
	[dreg:$0x6] =	wrdreg s22;
	s3 =	sadd.s32 s3, s0  }
0x14: {  	s0 =	sadd.s32 s6, s0;
	s6 =	ssub.s32 s26, s12;
	[dreg:$0x8] =	wrdreg s20  }
0x15: {  	[dreg:$0xa] =	wrdreg s24;
	s26 =	sadd.s32 s19, s16;
	s4 =	sshll.u32 s25, $0x7  }
0x16: {  	s13 =	sadd.s32 s25, s16;
	s14 =	sshll.u32 s10, $0x7;
	s18 =	sadd.s32 s10, s16  }
0x17: {  	s19 =	sshrl.u32 s2, $0x3;
	s24 =	sor.u32 $0x80, s2;
	[dreg:$0xb] =	wrdreg s26  }
0x18: {  	s2 =	sor.u32 $0x100, s2;
	s16 =	simm.s32 $0x2;
	[dreg:$0xd] =	wrdreg s13  }
0x19: {  	s10 =	simm.s32 $0xD;
	s12 =	sadd.s32 s4, s15;
	[dreg:$0xf] =	wrdreg s18  }
0x1a: {  	s17 =	sadd.s32 s14, s15;
	s20 =	sadd.s32 s5, s19;
	[dreg:$0x12] =	wrdreg s24  }
0x1b: {  	s21 =	sadd.s32 s7, s19;
	[dreg:$0x13] =	wrdreg s2;
	s25 =	sadd.s32 $0xD400, s3  }
0x1c: {  	s0 =	sadd.s32 $0xCA00, s0;
	s26 =	smax.u32 s6, $0x1;
	[dreg:$0xc] =	wrdreg s12  }
0x1d: {  	s13 =	simm.s32 $0x40;
	s14 =	simm.s32 $0x8080;
	[dreg:$0xe] =	wrdreg s17  }
0x1e: {  	s15 =	simm.s32 $0x8180;
	s2 =	simm.s32 $0xF;
	[dreg:$0x10] =	wrdreg s20  }
0x1f: {  	s3 =	simm.s32 $0xB;
	s6 =	simm.s32 $0xA;
	[dreg:$0x11] =	wrdreg s21  }
0x20: {  	s18 =	simm.s32 $0x6;
	s19 =	simm.s32 $0x10;
	[dreg:$0x14] =	wrdreg s25  }
0x21: {  	s4 =	simm.s32 $0x0;
	s24 =	simm.s32 $0x0;
	[dreg:$0x15] =	wrdreg s0  }
0x22: {  	[dreg:$0x16] =	wrdreg s26;
	s12 =	simm.s32 $0x80;
	s17 =	simm.s32 $0x4  }
0x23: {  	v0 =	vimm.f32 $0.0e+00;
	s20 =	simm.s32 $0x4000;
	s25 =	simm.s32 $0x7;
	s26 =	simm.s32 $0x9  }
.LBB2_1:
0x24: {  	[dreg:$0x17] =	wrdreg s4;
	s0 =	simm.s32 $0x0;
	s21 =	simm.s32 $0x200  }
.LBB2_2:
0x25: {  	p0 =	sne.s32 s21, $0xFE00;
	[tilespmem:s0+$0x70] =	vst v0  }
0x26: {  	[tilespmem:s0+$0x0] =	vst v0  }
0x27: {  	[tilespmem:s0+$0x10] =	vst v0  }
.Ltmp0:
0x28: {  	[tilespmem:s0+$0x20] =	vst v0;
	(pc) =	sbr.rel @p0 .LBB2_2-.Ltmp0, $4  }
0x29: {  	[tilespmem:s0+$0x30] =	vst v0  }
0x2a: {  	[tilespmem:s0+$0x40] =	vst v0  }
0x2b: {  	[tilespmem:s0+$0x50] =	vst v0  }
0x2c: {  	[tilespmem:s0+$0x60] =	vst v0;
	s0 =	sshra.s32 s21, $0x2;
	s21 =	sadd.s32 $0x200, s21  }
0x2d: {  	[tilespmem:s0+$0x70] =	vst v0  }
0x2e: {  	[tilespmem:s0+$0x0] =	vst v0  }
0x2f: {  	[tilespmem:s0+$0x10] =	vst v0  }
0x30: {  	[tilespmem:s0+$0x20] =	vst v0  }
0x31: {  	[tilespmem:s0+$0x30] =	vst v0  }
0x32: {  	[tilespmem:s0+$0x40] =	vst v0  }
0x33: {  	[tilespmem:s0+$0x50] =	vst v0  }
0x34: {  	[tilespmem:s0+$0x60] =	vst v0  }
0x35: {  	[tilespmem:$0x8200] =	vst v0  }
0x36: {  	[tilespmem:$0x8210] =	vst v0  }
0x37: {  	[tilespmem:$0x8220] =	vst v0  }
0x38: {  	[tilespmem:$0x8230] =	vst v0  }
0x39: {  	[tilespmem:$0x8240] =	vst v0  }
0x3a: {  	[tilespmem:$0x8250] =	vst v0  }
0x3b: {  	[tilespmem:$0x8260] =	vst v0  }
0x3c: {  	[tilespmem:$0x8270] =	vst v0  }
0x3d: {  	[spmem:s22] =	stream.linear.scatter [tilespmem:s24], [sflag:$0x11], $0x4000, $0x38;
	[tilespmem:$0x1C780] =	vst v63  }
0x3e: {  	_ =	swait.ge [sflag:s29], $0x4000  }
0x3f: {  	[sflag:s29] =	ssyncset.done $0x0  }
0x40: {  	s4 =	simm.s32 $0x8200;
	[sflag:s29] =	ssyncadd.s32 $0xFFFFC000  }
0x41: {  	[spmem:s28] =	stream.linear.scatter [tilespmem:s4], [sflag:$0x11], $0x80, $0x38;
	[tilespmem:$0x1C780] =	vst v63  }
0x42: {  	_ =	swait.ge [sflag:s29], $0x80  }
0x43: {  	[sflag:s29] =	ssyncset.done $0x0  }
0x44: {  	s22 =	rddreg [dreg:$0x8];
	[sflag:s29] =	ssyncadd.s32 $0xFFFFFF80  }
0x45: {  	[spmem:s22] =	stream.linear.scatter [tilespmem:s24], [sflag:$0x11], $0x4000, $0x38;
	[tilespmem:$0x1C780] =	vst v63  }
0x46: {  	_ =	swait.ge [sflag:s29], $0x4000  }
0x47: {  	[sflag:s29] =	ssyncset.done $0x0  }
0x48: {  	s28 =	rddreg [dreg:$0x9];
	[sflag:s29] =	ssyncadd.s32 $0xFFFFC000  }
0x49: {  	[spmem:s28] =	stream.linear.scatter [tilespmem:s4], [sflag:$0x11], $0x80, $0x38;
	[tilespmem:$0x1C780] =	vst v63  }
0x4a: {  	_ =	swait.ge [sflag:s29], $0x80  }
0x4b: {  	[sflag:s29] =	ssyncset.done $0x0  }
0x4c: {  	s21 =	rddreg [dreg:$0xa];
	[sflag:s29] =	ssyncadd.s32 $0xFFFFFF80  }
0x4d: {  	[spmem:s21] =	stream.linear.scatter [tilespmem:s24], [sflag:$0x11], $0x4000, $0x38;
	[tilespmem:$0x1C780] =	vst v63  }
0x4e: {  	_ =	swait.ge [sflag:s29], $0x4000  }
0x4f: {  	[sflag:s29] =	ssyncset.done $0x0  }
0x50: {  	s22 =	rddreg [dreg:$0xb];
	[sflag:s29] =	ssyncadd.s32 $0xFFFFC000  }
0x51: {  	[spmem:s22] =	stream.linear.scatter [tilespmem:s4], [sflag:$0x11], $0x80, $0x38;
	[tilespmem:$0x1C780] =	vst v63  }
0x52: {  	_ =	swait.ge [sflag:s29], $0x80  }
0x53: {  	[sflag:s29] =	ssyncset.done $0x0  }
0x54: {  	s28 =	rddreg [dreg:$0xc];
	[sflag:s29] =	ssyncadd.s32 $0xFFFFFF80  }
0x55: {  	[spmem:s28] =	stream.linear.scatter [tilespmem:s24], [sflag:$0x11], $0x4000, $0x38;
	[tilespmem:$0x1C780] =	vst v63  }
0x56: {  	_ =	swait.ge [sflag:s29], $0x4000  }
0x57: {  	[sflag:s29] =	ssyncset.done $0x0  }
0x58: {  	s21 =	rddreg [dreg:$0xd];
	[sflag:s29] =	ssyncadd.s32 $0xFFFFC000  }
0x59: {  	[spmem:s21] =	stream.linear.scatter [tilespmem:s4], [sflag:$0x11], $0x80, $0x38;
	[tilespmem:$0x1C780] =	vst v63  }
0x5a: {  	_ =	swait.ge [sflag:s29], $0x80  }
0x5b: {  	[sflag:s29] =	ssyncset.done $0x0  }
0x5c: {  	s22 =	rddreg [dreg:$0xe];
	[sflag:s29] =	ssyncadd.s32 $0xFFFFFF80  }
0x5d: {  	[spmem:s22] =	stream.linear.scatter [tilespmem:s24], [sflag:$0x11], $0x4000, $0x38;
	[tilespmem:$0x1C780] =	vst v63  }
0x5e: {  	_ =	swait.ge [sflag:s29], $0x4000  }
0x5f: {  	[sflag:s29] =	ssyncset.done $0x0  }
0x60: {  	s28 =	rddreg [dreg:$0xf];
	[sflag:s29] =	ssyncadd.s32 $0xFFFFC000  }
0x61: {  	[spmem:s28] =	stream.linear.scatter [tilespmem:s4], [sflag:$0x11], $0x80, $0x38;
	[tilespmem:$0x1C780] =	vst v63  }
0x62: {  	_ =	swait.ge [sflag:s29], $0x80  }
0x63: {  	[sflag:s29] =	ssyncset.done $0x0  }
0x64: {  	[sflag:s29] =	ssyncadd.s32 $0xFFFFFF80  }
0x65: {  	[bflag:$0x0] =	sbarrier.arrive $0xFFFF  }
0x66: {  	s4 =	simm.s32 $0x8000;
	s21 =	rddreg [dreg:$0x10]  }
0x67: {  	[tilespmem:s4], [sflag:$0x1] =	stream.linear.gather [hbm4b:s21+s24], $0x80, $0x38;
	[tilespmem:$0x1C780] =	vst v63  }
0x68: {  	s28 =	simm.s32 $0x1;
	s22 =	rddreg [dreg:$0x11]  }
0x69: {  	[tilespmem:s31], [sflag:$0x3] =	stream.linear.gather [hbm4b:s22+s24], $0x80, $0x38;
	[tilespmem:$0x1C780] =	vst v63  }
0x6a: {  	_ =	swait.ge [sflag:s28], $0x80  }
0x6b: {  	[sflag:s28] =	ssyncset.done $0x0  }
0x6c: {  	s29 =	simm.s32 $0x3;
	[sflag:s28] =	ssyncadd.s32 $0xFFFFFF80  }
0x6d: {  	_ =	swait.ge [sflag:s29], $0x80  }
0x6e: {  	[sflag:s29] =	ssyncset.done $0x0  }
0x6f: {  	s21 =	simm.s32 $0x8300;
	[sflag:s29] =	ssyncadd.s32 $0xFFFFFF80  }
0x70: {  	[tilespmem:s21], [sflag:$0x7] =	stream.indirect.gather [hbm4b:s8+s12], $0x1, s4, s12, $0xb8;
	[tilespmem:$0x1C780] =	vst v63  }
0x71: {  	s22 =	simm.s32 $0x8400  }
0x72: {  	[tilespmem:s22], [sflag:$0x9] =	stream.indirect.gather [hbm4b:s9+s12], $0x1, s31, s12, $0xb8;
	[tilespmem:$0x1C780] =	vst v63  }
0x73: {  	_ = 	snop  }
0x74: {  	[tilespmem:s24], [sflag:$0x5] =	stream.indirect.gather [hbm4b:s1+s13], $0x80, s4, s13, $0xb8;
	[tilespmem:$0x1C780] =	vst v63  }
0x75: {  	s28 =	simm.s32 $0x8040;
	s29 =	simm.s32 $0x2000;
	s21 =	simm.s32 $0x0  }
0x76: {  	[tilespmem:s29], [sflag:$0xF] =	stream.indirect.gather [hbm4b:s1+s13], $0x80, s28, s13, $0xb8;
	[tilespmem:$0x1C780] =	vst v63  }
.LBB2_4:
0x77: {  	p0 =	seq.s32 s21, $0x0  }
0x78: {  	s0 =	simm.s32 @!p0 $0xC  }
0x79: {  	_ =	swait.ge @!p0 [sflag:s0], $0x4000  }
0x7a: {  	[sflag:s0] =	ssyncset.done @!p0 $0x0  }
0x7b: {  	[sflag:s0] =	ssyncadd.s32 @!p0 $0xFFFFC000;
	s0 =	simm.s32 @!p0 $0xE  }
0x7c: {  	_ =	swait.ge @!p0 [sflag:s0], $0x80  }
0x7d: {  	s28 =	sshll.u32 s21, $0x8;
	s4 =	rddreg [dreg:$0x12]  }
0x7e: {  	s29 =	sadd.s32 s28, s4  }
0x7f: {  	[sflag:s0] =	ssyncset.done @!p0 $0x0;
	s29 =	sshrl.u32 s29, $0x3  }
0x80: {  	[sflag:s0] =	ssyncadd.s32 @!p0 $0xFFFFFF80;
	s4 =	sadd.s32 s5, s29  }
0x81: {  	[tilespmem:s14], [sflag:$0x2] =	stream.linear.gather [hbm4b:s4+s24], $0x80, $0x38;
	[tilespmem:$0x1C780] =	vst v63  }
0x82: {  	s22 =	sadd.s32 s7, s29  }
0x83: {  	[tilespmem:s15], [sflag:$0x4] =	stream.linear.gather [hbm4b:s22+s24], $0x80, $0x38;
	[tilespmem:$0x1C780] =	vst v63  }
0x84: {  	_ =	swait.ge [sflag:s16], $0x80  }
0x85: {  	[sflag:s16] =	ssyncset.done $0x0  }
0x86: {  	[sflag:s16] =	ssyncadd.s32 $0xFFFFFF80  }
0x87: {  	_ =	swait.ge [sflag:s17], $0x80  }
0x88: {  	[sflag:s17] =	ssyncset.done $0x0  }
0x89: {  	s4 =	simm.s32 $0x8380;
	[sflag:s17] =	ssyncadd.s32 $0xFFFFFF80  }
0x8a: {  	[tilespmem:s4], [sflag:$0x8] =	stream.indirect.gather [hbm4b:s8+s12], $0x1, s14, s12, $0xb8;
	[tilespmem:$0x1C780] =	vst v63  }
0x8b: {  	s22 =	simm.s32 $0x8480  }
0x8c: {  	[tilespmem:s22], [sflag:$0xA] =	stream.indirect.gather [hbm4b:s9+s12], $0x1, s15, s12, $0xb8;
	[tilespmem:$0x1C780] =	vst v63  }
0x8d: {  	_ = 	snop  }
0x8e: {  	[tilespmem:s20], [sflag:$0x6] =	stream.indirect.gather [hbm4b:s1+s13], $0x80, s14, s13, $0xb8;
	[tilespmem:$0x1C780] =	vst v63  }
0x8f: {  	s4 =	simm.s32 $0x80C0;
	s22 =	simm.s32 $0x6000  }
0x90: {  	[tilespmem:s22], [sflag:$0x10] =	stream.indirect.gather [hbm4b:s1+s13], $0x80, s4, s13, $0xb8;
	[tilespmem:$0x1C780] =	vst v63  }
0x91: {  	_ =	swait.ge [sflag:s25], $0x80  }
0x92: {  	[sflag:s25] =	ssyncset.done $0x0  }
0x93: {  	[sflag:s25] =	ssyncadd.s32 $0xFFFFFF80  }
0x94: {  	_ =	swait.ge [sflag:s26], $0x80  }
0x95: {  	[sflag:s26] =	ssyncset.done $0x0  }
0x96: {  	[sflag:s26] =	ssyncadd.s32 $0xFFFFFF80  }
0x97: {  	_ =	swait.ge [sflag:s30], $0x2000  }
0x98: {  	[sflag:s30] =	ssyncset.done $0x0  }
0x99: {  	[sflag:s30] =	ssyncadd.s32 $0xFFFFE000  }
0x9a: {  	_ =	swait.ge [sflag:s2], $0x2000  }
0x9b: {  	[sflag:s2] =	ssyncset.done $0x0  }
0x9c: {  	[sflag:s2] =	ssyncadd.s32 $0xFFFFE000  }
0x9d: {  	v1 =	vld [tilespmem:$0x8300]  }
0x9e: {  	v2 =	vld [tilespmem:$0x8400]  }
0x9f: {  	v3 =	vld [tilespmem:$0x8310]  }
0xa0: {  	v4 =	vld [tilespmem:$0x8410]  }
0xa1: {  	v5 =	vld [tilespmem:$0x8320]  }
0xa2: {  	v6 =	vld [tilespmem:$0x8420]  }
0xa3: {  	v7 =	vld [tilespmem:$0x8430]  }
0xa4: {  	v9 =	vld [tilespmem:$0x8340];
	v1 =	vadd.f32 v2, v1  }
0xa5: {  	v2 =	vld [tilespmem:$0x8330]  }
0xa6: {  	v10 =	vld [tilespmem:$0x8440];
	v8 =	vmul.f32 $2.000000030e-01, v1  }
0xa7: {  	v53 =	vld [tilespmem:$0x8350];
	vm0 =	vge.f32 v1, $0.0e+00  }
0xa8: {  	v54 =	vld [tilespmem:$0x8450];
	v3 =	vadd.f32 v4, v3;
	v1 =	vsel vm0, v1, v8  }
0xa9: {  	v56 =	vld [tilespmem:$0x8360];
	v5 =	vadd.f32 v6, v5;
	v1 =	vmul.f32 $1.442695020e+00, v1  }
0xaa: {  	v12 =	vld [tilespmem:$0x8370];
	v55 =	vmul.f32 $2.000000030e-01, v3;
	v2 =	vadd.f32 v7, v2  }
0xab: {  	v58 =	vld [tilespmem:$0x8470];
	vm9 =	vge.f32 v3, $0.0e+00;
	(erf) = vpow2.f32 v1;
	v1 =	vmul.f32 $2.000000030e-01, v5  }
0xac: {  	v11 =	vld [tilespmem:$0x8460];
	vm10 =	vge.f32 v5, $0.0e+00;
	v3 =	vsel vm9, v3, v55;
	v57 =	vmul.f32 $2.000000030e-01, v2  }
0xad: {  	v3 =	vmul.f32 $1.442695020e+00, v3;
	vm11 =	vge.f32 v2, $0.0e+00;
	v1 =	vsel vm10, v5, v1  }
0xae: {  	v2 =	vsel vm11, v2, v57;
	v1 =	vmul.f32 $1.442695020e+00, v1  }
0xaf: {  	v59 =	vadd.f32 v10, v9;
	(erf) = vpow2.f32 v3;
	v2 =	vmul.f32 $1.442695020e+00, v2  }
0xb0: {  	v3 =	vadd.f32 v54, v53;
	v5 =	vadd.f32 v58, v12;
	(erf) = vpow2.f32 v1  }
0xb1: {  	v1 =	vmul.f32 $2.000000030e-01, v59;
	(erf) = vpow2.f32 v2;
	v2 =	vadd.f32 v11, v56  }
0xb2: {  	vm12 =	vge.f32 v59, $0.0e+00;
	v4 =	vmul.f32 $2.000000030e-01, v3;
	vm13 =	vge.f32 v3, $0.0e+00  }
0xb3: {  	v61 =	vmul.f32 $2.000000030e-01, v5;
	v1 =	vsel vm12, v59, v1;
	v60 =	vmul.f32 $2.000000030e-01, v2  }
0xb4: {  	v3 =	vsel vm13, v3, v4;
	v1 =	vmul.f32 $1.442695020e+00, v1;
	vm14 =	vge.f32 v2, $0.0e+00  }
0xb5: {  	vm15 =	vge.f32 v5, $0.0e+00;
	v3 =	vmul.f32 $1.442695020e+00, v3;
	v2 =	vsel vm14, v2, v60  }
0xb6: {  	(erf) = vpow2.f32 v1;
	v1 =	vmul.f32 $1.442695020e+00, v2;
	v2 =	vsel vm15, v5, v61  }
0xb7: {  	(erf) = vpow2.f32 v3;
	v2 =	vmul.f32 $1.442695020e+00, v2  }
0xb8: {  	(erf) = vpow2.f32 v1  }
0xb9: {  	(erf) = vpow2.f32 v2;
	_ =	sdelay $0x1  }
0xba: {  	v1 =	vpop (erf)  }
0xbb: {  	v2 =	vpop (erf);
	[tilespmem:$0x8200] =	vst v1  }
0xbc: {  	v1 =	vpop (erf);
	[tilespmem:$0x8210] =	vst v2  }
0xbd: {  	v2 =	vpop (erf);
	[tilespmem:$0x8220] =	vst v1  }
0xbe: {  	v1 =	vpop (erf);
	[tilespmem:$0x8230] =	vst v2  }
0xbf: {  	v2 =	vpop (erf);
	[tilespmem:$0x8240] =	vst v1  }
0xc0: {  	[tilespmem:$0x8250] =	vst v2;
	v1 =	vpop (erf)  }
0xc1: {  	s22 =	simm.s32 $0x0;
	[tilespmem:$0x8260] =	vst v1;
	v1 =	vpop (erf)  }
0xc2: {  	s0 =	sand.u32 $0x3FFFFFF0, s22;
	[tilespmem:$0x8270] =	vst v1  }
0xc3: {  	s29 =	simm.s32 $0x0;
	v1 =	vld [tilespmem:s0+$0x8200]  }
0xc4: {  	s29 =	sand.u32 $0x3FFFF800, s29  }
0xc5: {  	v3 =	vld [tilespmem:s29+$0x20]  }
0xc6: {  	v17 =	vld [tilespmem:s29+$0x30]  }
0xc7: {  	v19 =	vld [tilespmem:s29+$0x60]  }
0xc8: {  	v20 =	vld [tilespmem:s29+$0x70];
	v2 =	vbroadcast v1, $0x0  }
0xc9: {  	v21 =	vld [tilespmem:s29+$0x80]  }
0xca: {  	v13 =	vld [tilespmem:s29+$0x90];
	v3 =	vmul.f32 v3, v2  }
0xcb: {  	v14 =	vld [tilespmem:s29+$0xA0];
	v4 =	vmul.f32 v17, v2  }
0xcc: {  	v16 =	vld [tilespmem:s29+$0xB0];
	v23 =	vbroadcast v1, $0x1;
	v22 =	vmul.f32 v19, v2;
	[tilespmem:s29+$0x20] =	vst v3  }
0xcd: {  	v62 =	vld [tilespmem:s29+$0xC0];
	v11 =	vmul.f32 v20, v2;
	[tilespmem:s29+$0x30] =	vst v4  }
0xce: {  	v63 =	vld [tilespmem:s29+$0xD0];
	v12 =	vmul.f32 v21, v23;
	[tilespmem:s29+$0x60] =	vst v22  }
0xcf: {  	v25 =	vld [tilespmem:s29+$0xF0];
	v13 =	vmul.f32 v13, v23;
	[tilespmem:s29+$0x70] =	vst v11  }
0xd0: {  	v26 =	vld [tilespmem:s29+$0x100];
	v14 =	vmul.f32 v14, v23;
	[tilespmem:s29+$0x80] =	vst v12  }
0xd1: {  	v27 =	vld [tilespmem:s29+$0x110];
	v9 =	vmul.f32 v16, v23;
	[tilespmem:s29+$0x90] =	vst v13  }
0xd2: {  	v18 =	vld [tilespmem:s29+$0x570];
	v7 =	vmul.f32 v62, v23;
	[tilespmem:s29+$0xA0] =	vst v14  }
0xd3: {  	v24 =	vld [tilespmem:s29+$0xE0];
	v15 =	vbroadcast v1, $0x2;
	v8 =	vmul.f32 v63, v23;
	[tilespmem:s29+$0xB0] =	vst v9  }
0xd4: {  	v28 =	vld [tilespmem:s29+$0x120];
	v10 =	vmul.f32 v25, v23;
	[tilespmem:s29+$0xC0] =	vst v7  }
0xd5: {  	v29 =	vld [tilespmem:s29+$0x130];
	v5 =	vbroadcast v1, $0xA;
	v32 =	vmul.f32 v26, v15;
	[tilespmem:s29+$0xD0] =	vst v8  }
0xd6: {  	v30 =	vld [tilespmem:s29+$0x140];
	v34 =	vmul.f32 v27, v15;
	[tilespmem:s29+$0xF0] =	vst v10  }
0xd7: {  	v33 =	vld [tilespmem:s29+$0x160];
	v3 =	vmul.f32 v18, v5;
	[tilespmem:s29+$0x100] =	vst v32  }
0xd8: {  	v35 =	vld [tilespmem:s29+$0x170];
	v11 =	vmul.f32 v24, v23;
	[tilespmem:s29+$0x110] =	vst v34  }
0xd9: {  	v36 =	vld [tilespmem:s29+$0x180];
	v9 =	vmul.f32 v28, v15;
	[tilespmem:s29+$0x570] =	vst v3  }
0xda: {  	v31 =	vld [tilespmem:s29+$0x150];
	v7 =	vmul.f32 v29, v15;
	[tilespmem:s29+$0xE0] =	vst v11  }
0xdb: {  	v37 =	vld [tilespmem:s29+$0x190];
	v8 =	vmul.f32 v30, v15;
	[tilespmem:s29+$0x120] =	vst v9  }
0xdc: {  	v38 =	vld [tilespmem:s29+$0x1A0];
	v41 =	vbroadcast v1, $0x3;
	v10 =	vmul.f32 v33, v15;
	[tilespmem:s29+$0x130] =	vst v7  }
0xdd: {  	v39 =	vld [tilespmem:s29+$0x1B0];
	v12 =	vmul.f32 v35, v15;
	[tilespmem:s29+$0x140] =	vst v8  }
0xde: {  	v42 =	vld [tilespmem:s29+$0x1D0];
	v13 =	vmul.f32 v36, v41;
	[tilespmem:s29+$0x160] =	vst v10  }
0xdf: {  	v43 =	vld [tilespmem:s29+$0x1E0];
	v11 =	vmul.f32 v31, v15;
	[tilespmem:s29+$0x170] =	vst v12  }
0xe0: {  	v44 =	vld [tilespmem:s29+$0x1F0];
	v9 =	vmul.f32 v37, v41;
	[tilespmem:s29+$0x180] =	vst v13  }
0xe1: {  	v40 =	vld [tilespmem:s29+$0x1C0];
	v7 =	vmul.f32 v38, v41;
	[tilespmem:s29+$0x150] =	vst v11  }
0xe2: {  	v45 =	vld [tilespmem:s29+$0x200];
	v8 =	vmul.f32 v39, v41;
	[tilespmem:s29+$0x190] =	vst v9  }
0xe3: {  	v46 =	vld [tilespmem:s29+$0x210];
	v10 =	vmul.f32 v42, v41;
	[tilespmem:s29+$0x1A0] =	vst v7  }
0xe4: {  	v47 =	vld [tilespmem:s29+$0x220];
	v12 =	vmul.f32 v43, v41;
	[tilespmem:s29+$0x1B0] =	vst v8  }
0xe5: {  	v49 =	vld [tilespmem:s29+$0x240];
	v50 =	vbroadcast v1, $0x4;
	v13 =	vmul.f32 v44, v41;
	[tilespmem:s29+$0x1D0] =	vst v10  }
0xe6: {  	v51 =	vld [tilespmem:s29+$0x250];
	v11 =	vmul.f32 v40, v41;
	[tilespmem:s29+$0x1E0] =	vst v12  }
0xe7: {  	v52 =	vld [tilespmem:s29+$0x260];
	v9 =	vmul.f32 v45, v50;
	[tilespmem:s29+$0x1F0] =	vst v13  }
0xe8: {  	v48 =	vld [tilespmem:s29+$0x230];
	v7 =	vmul.f32 v46, v50;
	[tilespmem:s29+$0x1C0] =	vst v11  }
0xe9: {  	v53 =	vld [tilespmem:s29+$0x270];
	v8 =	vmul.f32 v47, v50;
	[tilespmem:s29+$0x200] =	vst v9  }
0xea: {  	v54 =	vld [tilespmem:s29+$0x280];
	v10 =	vmul.f32 v49, v50;
	[tilespmem:s29+$0x210] =	vst v7  }
0xeb: {  	v55 =	vld [tilespmem:s29+$0x290];
	v12 =	vmul.f32 v51, v50;
	[tilespmem:s29+$0x220] =	vst v8  }
0xec: {  	v57 =	vld [tilespmem:s29+$0x2B0];
	v13 =	vmul.f32 v52, v50;
	[tilespmem:s29+$0x240] =	vst v10  }
0xed: {  	v58 =	vld [tilespmem:s29+$0x2C0];
	v59 =	vbroadcast v1, $0x5;
	v11 =	vmul.f32 v48, v50;
	[tilespmem:s29+$0x250] =	vst v12  }
0xee: {  	v60 =	vld [tilespmem:s29+$0x2D0];
	v9 =	vmul.f32 v53, v50;
	[tilespmem:s29+$0x260] =	vst v13  }
0xef: {  	v56 =	vld [tilespmem:s29+$0x2A0];
	v7 =	vmul.f32 v54, v59;
	[tilespmem:s29+$0x230] =	vst v11  }
0xf0: {  	v61 =	vld [tilespmem:s29+$0x2E0];
	v8 =	vmul.f32 v55, v59;
	[tilespmem:s29+$0x270] =	vst v9  }
0xf1: {  	v62 =	vld [tilespmem:s29+$0x2F0];
	v10 =	vmul.f32 v57, v59;
	[tilespmem:s29+$0x280] =	vst v7  }
0xf2: {  	v63 =	vld [tilespmem:s29+$0x300];
	v12 =	vmul.f32 v58, v59;
	[tilespmem:s29+$0x290] =	vst v8  }
0xf3: {  	v19 =	vld [tilespmem:s29+$0x320];
	v13 =	vmul.f32 v60, v59;
	[tilespmem:s29+$0x2B0] =	vst v10  }
0xf4: {  	v20 =	vld [tilespmem:s29+$0x330];
	v11 =	vmul.f32 v56, v59;
	[tilespmem:s29+$0x2C0] =	vst v12  }
0xf5: {  	v21 =	vld [tilespmem:s29+$0x340];
	v22 =	vbroadcast v1, $0x6;
	v9 =	vmul.f32 v61, v59;
	[tilespmem:s29+$0x2D0] =	vst v13  }
0xf6: {  	v18 =	vld [tilespmem:s29+$0x310];
	v7 =	vmul.f32 v62, v59;
	[tilespmem:s29+$0x2A0] =	vst v11  }
0xf7: {  	v23 =	vld [tilespmem:s29+$0x350];
	v8 =	vmul.f32 v63, v22;
	[tilespmem:s29+$0x2E0] =	vst v9  }
0xf8: {  	v24 =	vld [tilespmem:s29+$0x360];
	v10 =	vmul.f32 v19, v22;
	[tilespmem:s29+$0x2F0] =	vst v7  }
0xf9: {  	v25 =	vld [tilespmem:s29+$0x370];
	v12 =	vmul.f32 v20, v22;
	[tilespmem:s29+$0x300] =	vst v8  }
0xfa: {  	v27 =	vld [tilespmem:s29+$0x390];
	v13 =	vmul.f32 v21, v22;
	[tilespmem:s29+$0x320] =	vst v10  }
0xfb: {  	v28 =	vld [tilespmem:s29+$0x3A0];
	v11 =	vmul.f32 v18, v22;
	[tilespmem:s29+$0x330] =	vst v12  }
0xfc: {  	v29 =	vld [tilespmem:s29+$0x3B0];
	v9 =	vmul.f32 v23, v22;
	[tilespmem:s29+$0x340] =	vst v13  }
0xfd: {  	v31 =	vbroadcast v1, $0x7;
	v53 =	vld [tilespmem:s29+$0x500];
	v7 =	vmul.f32 v24, v22;
	[tilespmem:s29+$0x310] =	vst v11  }
0xfe: {  	v57 =	vld [tilespmem:s29+$0x540];
	v8 =	vmul.f32 v25, v22;
	[tilespmem:s29+$0x350] =	vst v9  }
0xff: {  	v58 =	vld [tilespmem:s29+$0x550];
	v10 =	vmul.f32 v27, v31;
	[tilespmem:s29+$0x360] =	vst v7  }
0x100: {  	v26 =	vld [tilespmem:s29+$0x380];
	v12 =	vmul.f32 v28, v31;
	[tilespmem:s29+$0x370] =	vst v8  }
0x101: {  	v30 =	vld [tilespmem:s29+$0x3C0];
	v13 =	vmul.f32 v29, v31;
	[tilespmem:s29+$0x390] =	vst v10  }
0x102: {  	v32 =	vld [tilespmem:s29+$0x3D0];
	v59 =	vmul.f32 v53, v5;
	[tilespmem:s29+$0x3A0] =	vst v12  }
0x103: {  	v33 =	vld [tilespmem:s29+$0x3E0];
	v18 =	vmul.f32 v57, v5;
	[tilespmem:s29+$0x3B0] =	vst v13  }
0x104: {  	v35 =	vld [tilespmem:s29+$0x400];
	v20 =	vmul.f32 v58, v5;
	[tilespmem:s29+$0x500] =	vst v59  }
0x105: {  	v36 =	vld [tilespmem:s29+$0x410];
	v11 =	vmul.f32 v26, v31;
	[tilespmem:s29+$0x540] =	vst v18  }
0x106: {  	v37 =	vld [tilespmem:s29+$0x420];
	v9 =	vmul.f32 v30, v31;
	[tilespmem:s29+$0x550] =	vst v20  }
0x107: {  	v4 =	vld [tilespmem:s29+$0x580];
	v40 =	vbroadcast v1, $0x8;
	v7 =	vmul.f32 v32, v31;
	[tilespmem:s29+$0x380] =	vst v11  }
0x108: {  	v6 =	vld [tilespmem:s29+$0x590];
	v8 =	vmul.f32 v33, v31;
	[tilespmem:s29+$0x3C0] =	vst v9  }
0x109: {  	v3 =	vld [tilespmem:s29+$0x7D0];
	v10 =	vmul.f32 v35, v40;
	[tilespmem:s29+$0x3D0] =	vst v7  }
0x10a: {  	v61 =	vld [tilespmem:s29+$0x0];
	v23 =	vbroadcast v1, $0xB;
	v12 =	vmul.f32 v36, v40;
	[tilespmem:s29+$0x3E0] =	vst v8  }
0x10b: {  	v34 =	vld [tilespmem:s29+$0x3F0];
	v13 =	vmul.f32 v37, v40;
	[tilespmem:s29+$0x400] =	vst v10  }
0x10c: {  	v38 =	vld [tilespmem:s29+$0x430];
	v27 =	vbroadcast v1, $0xF;
	v4 =	vmul.f32 v4, v23;
	[tilespmem:s29+$0x410] =	vst v12  }
0x10d: {  	v39 =	vld [tilespmem:s29+$0x440];
	v6 =	vmul.f32 v6, v23;
	[tilespmem:s29+$0x420] =	vst v13  }
0x10e: {  	v41 =	vld [tilespmem:s29+$0x450];
	v3 =	vmul.f32 v3, v27;
	[tilespmem:s29+$0x580] =	vst v4  }
0x10f: {  	v43 =	vld [tilespmem:s29+$0x470];
	v24 =	vmul.f32 v2, v61;
	[tilespmem:s29+$0x590] =	vst v6  }
0x110: {  	v44 =	vld [tilespmem:s29+$0x480];
	v11 =	vmul.f32 v34, v31;
	[tilespmem:s29+$0x7D0] =	vst v3  }
0x111: {  	v45 =	vld [tilespmem:s29+$0x490];
	v9 =	vmul.f32 v38, v40;
	[tilespmem:s29+$0x0] =	vst v24  }
0x112: {  	v63 =	vld [tilespmem:s29+$0x40];
	v7 =	vmul.f32 v39, v40;
	[tilespmem:s29+$0x3F0] =	vst v11  }
0x113: {  	v49 =	vbroadcast v1, $0x9;
	v29 =	vld [tilespmem:s29+$0x5F0];
	v8 =	vmul.f32 v41, v40;
	[tilespmem:s29+$0x430] =	vst v9  }
0x114: {  	v42 =	vld [tilespmem:s29+$0x460];
	v10 =	vmul.f32 v43, v40;
	[tilespmem:s29+$0x440] =	vst v7  }
0x115: {  	v46 =	vld [tilespmem:s29+$0x4A0];
	v12 =	vmul.f32 v44, v49;
	[tilespmem:s29+$0x450] =	vst v8  }
0x116: {  	v47 =	vld [tilespmem:s29+$0x4B0];
	v13 =	vmul.f32 v45, v49;
	[tilespmem:s29+$0x470] =	vst v10  }
0x117: {  	v48 =	vld [tilespmem:s29+$0x4C0];
	v3 =	vmul.f32 v63, v2;
	[tilespmem:s29+$0x480] =	vst v12  }
0x118: {  	v51 =	vld [tilespmem:s29+$0x4E0];
	v6 =	vmul.f32 v29, v23;
	[tilespmem:s29+$0x490] =	vst v13  }
0x119: {  	v52 =	vld [tilespmem:s29+$0x4F0];
	v11 =	vmul.f32 v42, v40;
	[tilespmem:s29+$0x40] =	vst v3  }
0x11a: {  	v28 =	vld [tilespmem:s29+$0x5E0];
	v9 =	vmul.f32 v46, v49;
	[tilespmem:s29+$0x5F0] =	vst v6  }
0x11b: {  	v26 =	vld [tilespmem:s29+$0x5D0];
	v7 =	vmul.f32 v47, v49;
	[tilespmem:s29+$0x460] =	vst v11  }
0x11c: {  	v30 =	vld [tilespmem:s29+$0x600];
	v8 =	vmul.f32 v48, v49;
	[tilespmem:s29+$0x4A0] =	vst v9  }
0x11d: {  	v50 =	vld [tilespmem:s29+$0x4D0];
	v10 =	vmul.f32 v51, v49;
	[tilespmem:s29+$0x4B0] =	vst v7  }
0x11e: {  	v54 =	vld [tilespmem:s29+$0x510];
	v12 =	vmul.f32 v52, v49;
	[tilespmem:s29+$0x4C0] =	vst v8  }
0x11f: {  	v55 =	vld [tilespmem:s29+$0x520];
	v35 =	vbroadcast v1, $0xC;
	v40 =	vmul.f32 v28, v23;
	[tilespmem:s29+$0x4E0] =	vst v10  }
0x120: {  	v56 =	vld [tilespmem:s29+$0x530];
	v32 =	vmul.f32 v26, v23;
	[tilespmem:s29+$0x4F0] =	vst v12  }
0x121: {  	v60 =	vld [tilespmem:s29+$0x560];
	v15 =	vmul.f32 v30, v35;
	[tilespmem:s29+$0x5E0] =	vst v40  }
0x122: {  	v62 =	vld [tilespmem:s29+$0x10];
	v11 =	vmul.f32 v50, v49;
	[tilespmem:s29+$0x5D0] =	vst v32  }
0x123: {  	v19 =	vld [tilespmem:s29+$0x50];
	v9 =	vmul.f32 v54, v5;
	[tilespmem:s29+$0x600] =	vst v15  }
0x124: {  	v33 =	vld [tilespmem:s29+$0x630];
	v7 =	vmul.f32 v55, v5;
	[tilespmem:s29+$0x4D0] =	vst v11  }
0x125: {  	v61 =	vld [tilespmem:s29+$0x7F0];
	v8 =	vmul.f32 v56, v5;
	[tilespmem:s29+$0x510] =	vst v9  }
0x126: {  	v38 =	vld [tilespmem:s29+$0x670];
	v5 =	vmul.f32 v60, v5;
	[tilespmem:s29+$0x520] =	vst v7  }
0x127: {  	v21 =	vld [tilespmem:s29+$0x5A0];
	v12 =	vmul.f32 v62, v2;
	[tilespmem:s29+$0x530] =	vst v8  }
0x128: {  	v22 =	vld [tilespmem:s29+$0x5B0];
	v2 =	vmul.f32 v19, v2;
	[tilespmem:s29+$0x560] =	vst v5  }
0x129: {  	v25 =	vld [tilespmem:s29+$0x5C0];
	v62 =	vmul.f32 v33, v35;
	[tilespmem:s29+$0x10] =	vst v12  }
0x12a: {  	v31 =	vld [tilespmem:s29+$0x610];
	v63 =	vmul.f32 v61, v27;
	[tilespmem:s29+$0x50] =	vst v2  }
0x12b: {  	v34 =	vld [tilespmem:s29+$0x640];
	v15 =	vmul.f32 v38, v35;
	[tilespmem:s29+$0x630] =	vst v62  }
0x12c: {  	v41 =	vld [tilespmem:s29+$0x6A0];
	v7 =	vmul.f32 v21, v23;
	[tilespmem:s29+$0x7F0] =	vst v63  }
0x12d: {  	v46 =	vld [tilespmem:s29+$0x6E0];
	v8 =	vmul.f32 v22, v23;
	[tilespmem:s29+$0x670] =	vst v15  }
0x12e: {  	v36 =	vld [tilespmem:s29+$0x650];
	v5 =	vmul.f32 v25, v23;
	[tilespmem:s29+$0x5A0] =	vst v7  }
0x12f: {  	v44 =	vbroadcast v1, $0xD;
	v9 =	vmul.f32 v31, v35;
	v2 =	vld [tilespmem:s29+$0x690];
	[tilespmem:s29+$0x5B0] =	vst v8  }
0x130: {  	v37 =	vld [tilespmem:s29+$0x660];
	v12 =	vmul.f32 v34, v35;
	[tilespmem:s29+$0x5C0] =	vst v5  }
0x131: {  	v39 =	vld [tilespmem:s29+$0x680];
	v11 =	vmul.f32 v41, v44;
	[tilespmem:s29+$0x610] =	vst v9  }
0x132: {  	v42 =	vld [tilespmem:s29+$0x6B0];
	v51 =	vmul.f32 v46, v44;
	[tilespmem:s29+$0x640] =	vst v12  }
0x133: {  	v48 =	vld [tilespmem:s29+$0x710];
	v8 =	vmul.f32 v36, v35;
	[tilespmem:s29+$0x6A0] =	vst v11  }
0x134: {  	v49 =	vld [tilespmem:s29+$0x720];
	[tilespmem:s29+$0x6E0] =	vst v51;
	v2 =	vmul.f32 v2, v44  }
0x135: {  	v50 =	vld [tilespmem:s29+$0x730];
	v5 =	vmul.f32 v37, v35;
	[tilespmem:s29+$0x650] =	vst v8  }
0x136: {  	v1 =	vbroadcast v1, $0xE;
	v9 =	vmul.f32 v39, v44;
	[tilespmem:s29+$0x690] =	vst v2;
	v2 =	vld [tilespmem:s29+$0x700]  }
0x137: {  	v60 =	vld [tilespmem:s29+$0x7E0];
	v12 =	vmul.f32 v42, v44;
	[tilespmem:s29+$0x660] =	vst v5  }
0x138: {  	v45 =	vld [tilespmem:s29+$0x6D0];
	v11 =	vmul.f32 v48, v1;
	[tilespmem:s29+$0x680] =	vst v9  }
0x139: {  	v47 =	vld [tilespmem:s29+$0x6F0];
	v10 =	vmul.f32 v49, v1;
	[tilespmem:s29+$0x6B0] =	vst v12  }
0x13a: {  	v43 =	vld [tilespmem:s29+$0x6C0];
	v6 =	vmul.f32 v50, v1;
	[tilespmem:s29+$0x710] =	vst v11  }
0x13b: {  	v55 =	vld [tilespmem:s29+$0x780];
	[tilespmem:s29+$0x720] =	vst v10;
	v2 =	vmul.f32 v2, v1  }
0x13c: {  	v57 =	vld [tilespmem:s29+$0x7A0];
	v4 =	vmul.f32 v60, v27;
	[tilespmem:s29+$0x730] =	vst v6  }
0x13d: {  	v5 =	vmul.f32 v45, v44;
	[tilespmem:s29+$0x700] =	vst v2;
	v2 =	vld [tilespmem:s29+$0x770]  }
0x13e: {  	v52 =	vld [tilespmem:s29+$0x740];
	v9 =	vmul.f32 v47, v44;
	[tilespmem:s29+$0x7E0] =	vst v4  }
0x13f: {  	v56 =	vld [tilespmem:s29+$0x790];
	v8 =	vmul.f32 v43, v44;
	[tilespmem:s29+$0x6D0] =	vst v5  }
0x140: {  	v54 =	vld [tilespmem:s29+$0x760];
	v11 =	vmul.f32 v55, v27;
	[tilespmem:s29+$0x6F0] =	vst v9  }
0x141: {  	v58 =	vld [tilespmem:s29+$0x7B0];
	v6 =	vmul.f32 v57, v27;
	[tilespmem:s29+$0x6C0] =	vst v8  }
0x142: {  	v53 =	vld [tilespmem:s29+$0x750];
	[tilespmem:s29+$0x780] =	vst v11;
	v2 =	vmul.f32 v2, v1  }
0x143: {  	v59 =	vld [tilespmem:s29+$0x7C0];
	v5 =	vmul.f32 v52, v1;
	[tilespmem:s29+$0x7A0] =	vst v6  }
0x144: {  	[tilespmem:s29+$0x770] =	vst v2;
	v2 =	vmul.f32 v56, v27  }
0x145: {  	v3 =	vld [tilespmem:s29+$0x620];
	v9 =	vmul.f32 v54, v1;
	[tilespmem:s29+$0x740] =	vst v5  }
0x146: {  	[tilespmem:s29+$0x790] =	vst v2;
	v2 =	vmul.f32 v58, v27  }
0x147: {  	[tilespmem:s29+$0x760] =	vst v9;
	v1 =	vmul.f32 v53, v1  }
0x148: {  	[tilespmem:s29+$0x7B0] =	vst v2;
	v2 =	vmul.f32 v59, v27  }
0x149: {  	[tilespmem:s29+$0x750] =	vst v1  }
0x14a: {  	s0 =	simm.s32 $0x1;
	[tilespmem:s29+$0x7C0] =	vst v2;
	v2 =	vmul.f32 v3, v35  }
.LBB2_5:
0x14b: {  	s4 =	sshll.u32 s0, $0x4  }
0x14c: {  	p0 =	sne.s32 s0, $0x7;
	[tilespmem:s29+$0x620] =	vst v2;
	s29 =	smov.u32 s0;
	s0 =	sadd.s32 $0x1, s0  }
0x14d: {  	s4 =	sand.u32 $0x3FFFFFF0, s4  }
0x14e: {  	v1 =	vld [tilespmem:s4+$0x8200];
	s4 =	sshll.u32 s29, $0xB  }
0x14f: {  	s29 =	sand.u32 $0x3FFFF800, s4  }
0x150: {  	v8 =	vld [tilespmem:s29+$0xC0]  }
0x151: {  	v9 =	vld [tilespmem:s29+$0xD0]  }
0x152: {  	v10 =	vld [tilespmem:s29+$0xB0]  }
0x153: {  	v2 =	vbroadcast v1, $0x0;
	v3 =	vld [tilespmem:s29+$0x20];
	v7 =	vbroadcast v1, $0x4  }
0x154: {  	v5 =	vld [tilespmem:s29+$0x30]  }
0x155: {  	v6 =	vld [tilespmem:s29+$0x570]  }
0x156: {  	v11 =	vld [tilespmem:s29+$0x60]  }
0x157: {  	v12 =	vld [tilespmem:s29+$0x70]  }
0x158: {  	v4 =	vbroadcast v1, $0xA;
	v3 =	vmul.f32 v3, v2;
	v13 =	vld [tilespmem:s29+$0x80]  }
0x159: {  	v5 =	vmul.f32 v5, v2;
	v14 =	vld [tilespmem:s29+$0x90]  }
0x15a: {  	[tilespmem:s29+$0x20] =	vst v3;
	v15 =	vld [tilespmem:s29+$0xA0];
	v3 =	vmul.f32 v6, v4  }
0x15b: {  	[tilespmem:s29+$0x30] =	vst v5;
	v6 =	vmul.f32 v11, v2;
	v11 =	vbroadcast v1, $0x1;
	v5 =	vld [tilespmem:s29+$0x580]  }
0x15c: {  	v12 =	vmul.f32 v12, v2;
	[tilespmem:s29+$0x570] =	vst v3;
	v3 =	vld [tilespmem:s29+$0x7D0]  }
0x15d: {  	[tilespmem:s29+$0x60] =	vst v6;
	v13 =	vmul.f32 v13, v11;
	v6 =	vld [tilespmem:s29+$0x590]  }
0x15e: {  	[tilespmem:s29+$0x70] =	vst v12;
	v12 =	vmul.f32 v14, v11;
	v14 =	vld [tilespmem:s29+$0xE0]  }
0x15f: {  	[tilespmem:s29+$0x80] =	vst v13;
	v13 =	vmul.f32 v15, v11;
	v15 =	vld [tilespmem:s29+$0xF0]  }
0x160: {  	v10 =	vmul.f32 v10, v11;
	[tilespmem:s29+$0x90] =	vst v12;
	v12 =	vld [tilespmem:s29+$0x100]  }
0x161: {  	v8 =	vmul.f32 v8, v11;
	[tilespmem:s29+$0xA0] =	vst v13;
	v13 =	vld [tilespmem:s29+$0x110]  }
0x162: {  	v9 =	vmul.f32 v9, v11;
	[tilespmem:s29+$0xB0] =	vst v10;
	v10 =	vld [tilespmem:s29+$0x120]  }
0x163: {  	[tilespmem:s29+$0xC0] =	vst v8;
	v8 =	vmul.f32 v14, v11;
	v14 =	vbroadcast v1, $0x2;
	v16 =	vld [tilespmem:s29+$0x130]  }
0x164: {  	[tilespmem:s29+$0xD0] =	vst v9;
	v9 =	vmul.f32 v15, v11;
	v11 =	vld [tilespmem:s29+$0x140]  }
0x165: {  	[tilespmem:s29+$0xE0] =	vst v8;
	v8 =	vmul.f32 v12, v14;
	v12 =	vld [tilespmem:s29+$0x150]  }
0x166: {  	[tilespmem:s29+$0xF0] =	vst v9;
	v9 =	vmul.f32 v13, v14;
	v13 =	vld [tilespmem:s29+$0x160]  }
0x167: {  	[tilespmem:s29+$0x100] =	vst v8;
	v8 =	vmul.f32 v10, v14;
	v10 =	vld [tilespmem:s29+$0x170]  }
0x168: {  	[tilespmem:s29+$0x110] =	vst v9;
	v9 =	vmul.f32 v16, v14;
	v15 =	vld [tilespmem:s29+$0x180]  }
0x169: {  	[tilespmem:s29+$0x120] =	vst v8;
	v8 =	vmul.f32 v11, v14;
	v11 =	vld [tilespmem:s29+$0x190]  }
0x16a: {  	[tilespmem:s29+$0x130] =	vst v9;
	v9 =	vmul.f32 v12, v14;
	v12 =	vld [tilespmem:s29+$0x1A0]  }
0x16b: {  	[tilespmem:s29+$0x140] =	vst v8;
	v8 =	vmul.f32 v13, v14;
	v13 =	vbroadcast v1, $0x3;
	v16 =	vld [tilespmem:s29+$0x1B0]  }
0x16c: {  	[tilespmem:s29+$0x150] =	vst v9;
	v9 =	vmul.f32 v10, v14;
	v10 =	vld [tilespmem:s29+$0x1C0]  }
0x16d: {  	[tilespmem:s29+$0x160] =	vst v8;
	v8 =	vmul.f32 v15, v13;
	v14 =	vld [tilespmem:s29+$0x1D0]  }
0x16e: {  	[tilespmem:s29+$0x170] =	vst v9;
	v9 =	vmul.f32 v11, v13;
	v11 =	vld [tilespmem:s29+$0x1E0]  }
0x16f: {  	[tilespmem:s29+$0x180] =	vst v8;
	v8 =	vmul.f32 v12, v13;
	v12 =	vld [tilespmem:s29+$0x1F0]  }
0x170: {  	[tilespmem:s29+$0x190] =	vst v9;
	v9 =	vmul.f32 v16, v13;
	v15 =	vld [tilespmem:s29+$0x200]  }
0x171: {  	[tilespmem:s29+$0x1A0] =	vst v8;
	v8 =	vmul.f32 v10, v13;
	v10 =	vld [tilespmem:s29+$0x210]  }
0x172: {  	[tilespmem:s29+$0x1B0] =	vst v9;
	v9 =	vmul.f32 v14, v13;
	v14 =	vld [tilespmem:s29+$0x220]  }
0x173: {  	[tilespmem:s29+$0x1C0] =	vst v8;
	v8 =	vmul.f32 v11, v13;
	v11 =	vld [tilespmem:s29+$0x230]  }
0x174: {  	[tilespmem:s29+$0x1D0] =	vst v9;
	v9 =	vmul.f32 v12, v13;
	v12 =	vld [tilespmem:s29+$0x240]  }
0x175: {  	[tilespmem:s29+$0x1E0] =	vst v8;
	v8 =	vmul.f32 v15, v7;
	v13 =	vld [tilespmem:s29+$0x250]  }
0x176: {  	[tilespmem:s29+$0x1F0] =	vst v9;
	v9 =	vmul.f32 v10, v7;
	v10 =	vld [tilespmem:s29+$0x260]  }
0x177: {  	[tilespmem:s29+$0x200] =	vst v8;
	v8 =	vmul.f32 v14, v7;
	v14 =	vld [tilespmem:s29+$0x270]  }
0x178: {  	[tilespmem:s29+$0x210] =	vst v9;
	v9 =	vmul.f32 v11, v7;
	v11 =	vld [tilespmem:s29+$0x280]  }
0x179: {  	[tilespmem:s29+$0x220] =	vst v8;
	v8 =	vmul.f32 v12, v7;
	v12 =	vld [tilespmem:s29+$0x290]  }
0x17a: {  	[tilespmem:s29+$0x230] =	vst v9;
	v9 =	vmul.f32 v13, v7;
	v13 =	vld [tilespmem:s29+$0x2A0]  }
0x17b: {  	[tilespmem:s29+$0x240] =	vst v8;
	v8 =	vmul.f32 v10, v7;
	v10 =	vbroadcast v1, $0x5;
	v15 =	vld [tilespmem:s29+$0x2B0]  }
0x17c: {  	[tilespmem:s29+$0x250] =	vst v9;
	v7 =	vmul.f32 v14, v7;
	v9 =	vld [tilespmem:s29+$0x2C0]  }
0x17d: {  	[tilespmem:s29+$0x260] =	vst v8;
	v8 =	vmul.f32 v11, v10;
	v11 =	vld [tilespmem:s29+$0x2D0]  }
0x17e: {  	[tilespmem:s29+$0x270] =	vst v7;
	v7 =	vmul.f32 v12, v10;
	v12 =	vld [tilespmem:s29+$0x2E0]  }
0x17f: {  	[tilespmem:s29+$0x280] =	vst v8;
	v8 =	vmul.f32 v13, v10;
	v13 =	vld [tilespmem:s29+$0x2F0]  }
0x180: {  	[tilespmem:s29+$0x290] =	vst v7;
	v7 =	vmul.f32 v15, v10;
	v14 =	vld [tilespmem:s29+$0x300]  }
0x181: {  	[tilespmem:s29+$0x2A0] =	vst v8;
	v8 =	vmul.f32 v9, v10;
	v9 =	vld [tilespmem:s29+$0x310]  }
0x182: {  	[tilespmem:s29+$0x2B0] =	vst v7;
	v7 =	vmul.f32 v11, v10;
	v11 =	vld [tilespmem:s29+$0x320]  }
0x183: {  	[tilespmem:s29+$0x2C0] =	vst v8;
	v8 =	vmul.f32 v12, v10;
	v12 =	vbroadcast v1, $0x6;
	v15 =	vld [tilespmem:s29+$0x330]  }
0x184: {  	[tilespmem:s29+$0x2D0] =	vst v7;
	v7 =	vmul.f32 v13, v10;
	v10 =	vld [tilespmem:s29+$0x340]  }
0x185: {  	[tilespmem:s29+$0x2E0] =	vst v8;
	v8 =	vmul.f32 v14, v12;
	v13 =	vld [tilespmem:s29+$0x350]  }
0x186: {  	[tilespmem:s29+$0x2F0] =	vst v7;
	v7 =	vmul.f32 v9, v12;
	v9 =	vld [tilespmem:s29+$0x360]  }
0x187: {  	[tilespmem:s29+$0x300] =	vst v8;
	v8 =	vmul.f32 v11, v12;
	v11 =	vld [tilespmem:s29+$0x370]  }
0x188: {  	[tilespmem:s29+$0x310] =	vst v7;
	v7 =	vmul.f32 v15, v12;
	v14 =	vld [tilespmem:s29+$0x380]  }
0x189: {  	[tilespmem:s29+$0x320] =	vst v8;
	v8 =	vmul.f32 v10, v12;
	v10 =	vld [tilespmem:s29+$0x390]  }
0x18a: {  	[tilespmem:s29+$0x330] =	vst v7;
	v7 =	vmul.f32 v13, v12;
	v13 =	vld [tilespmem:s29+$0x3A0]  }
0x18b: {  	[tilespmem:s29+$0x340] =	vst v8;
	v8 =	vmul.f32 v9, v12;
	v9 =	vbroadcast v1, $0x7;
	v15 =	vld [tilespmem:s29+$0x3B0]  }
0x18c: {  	[tilespmem:s29+$0x350] =	vst v7;
	v7 =	vmul.f32 v11, v12;
	v11 =	vld [tilespmem:s29+$0x3C0]  }
0x18d: {  	[tilespmem:s29+$0x360] =	vst v8;
	v8 =	vmul.f32 v14, v9;
	v12 =	vld [tilespmem:s29+$0x3D0]  }
0x18e: {  	[tilespmem:s29+$0x370] =	vst v7;
	v7 =	vmul.f32 v10, v9;
	v10 =	vld [tilespmem:s29+$0x3E0]  }
0x18f: {  	[tilespmem:s29+$0x380] =	vst v8;
	v8 =	vmul.f32 v13, v9;
	v13 =	vld [tilespmem:s29+$0x3F0]  }
0x190: {  	[tilespmem:s29+$0x390] =	vst v7;
	v7 =	vmul.f32 v15, v9;
	v14 =	vld [tilespmem:s29+$0x400]  }
0x191: {  	[tilespmem:s29+$0x3A0] =	vst v8;
	v8 =	vmul.f32 v11, v9;
	v11 =	vld [tilespmem:s29+$0x410]  }
0x192: {  	[tilespmem:s29+$0x3B0] =	vst v7;
	v7 =	vmul.f32 v12, v9;
	v12 =	vld [tilespmem:s29+$0x420]  }
0x193: {  	[tilespmem:s29+$0x3C0] =	vst v8;
	v8 =	vmul.f32 v10, v9;
	v10 =	vbroadcast v1, $0x8;
	v15 =	vld [tilespmem:s29+$0x430]  }
0x194: {  	[tilespmem:s29+$0x3D0] =	vst v7;
	v7 =	vmul.f32 v13, v9;
	v9 =	vld [tilespmem:s29+$0x440]  }
0x195: {  	[tilespmem:s29+$0x3E0] =	vst v8;
	v8 =	vmul.f32 v14, v10;
	v13 =	vld [tilespmem:s29+$0x450]  }
0x196: {  	[tilespmem:s29+$0x3F0] =	vst v7;
	v7 =	vmul.f32 v11, v10;
	v11 =	vld [tilespmem:s29+$0x460]  }
0x197: {  	[tilespmem:s29+$0x400] =	vst v8;
	v8 =	vmul.f32 v12, v10;
	v12 =	vld [tilespmem:s29+$0x470]  }
0x198: {  	[tilespmem:s29+$0x410] =	vst v7;
	v7 =	vmul.f32 v15, v10;
	v14 =	vld [tilespmem:s29+$0x480]  }
0x199: {  	[tilespmem:s29+$0x420] =	vst v8;
	v8 =	vmul.f32 v9, v10;
	v9 =	vld [tilespmem:s29+$0x490]  }
0x19a: {  	[tilespmem:s29+$0x430] =	vst v7;
	v7 =	vmul.f32 v13, v10;
	v13 =	vld [tilespmem:s29+$0x4A0]  }
0x19b: {  	[tilespmem:s29+$0x440] =	vst v8;
	v8 =	vmul.f32 v11, v10;
	v11 =	vbroadcast v1, $0x9;
	v15 =	vld [tilespmem:s29+$0x4B0]  }
0x19c: {  	[tilespmem:s29+$0x450] =	vst v7;
	v7 =	vmul.f32 v12, v10;
	v10 =	vld [tilespmem:s29+$0x4C0]  }
0x19d: {  	[tilespmem:s29+$0x460] =	vst v8;
	v8 =	vmul.f32 v14, v11;
	v12 =	vld [tilespmem:s29+$0x4D0]  }
0x19e: {  	[tilespmem:s29+$0x470] =	vst v7;
	v7 =	vmul.f32 v9, v11;
	v9 =	vld [tilespmem:s29+$0x4E0]  }
0x19f: {  	[tilespmem:s29+$0x480] =	vst v8;
	v8 =	vmul.f32 v13, v11;
	v13 =	vld [tilespmem:s29+$0x4F0]  }
0x1a0: {  	[tilespmem:s29+$0x490] =	vst v7;
	v7 =	vmul.f32 v15, v11;
	v14 =	vld [tilespmem:s29+$0x500]  }
0x1a1: {  	[tilespmem:s29+$0x4A0] =	vst v8;
	v8 =	vmul.f32 v10, v11;
	v10 =	vld [tilespmem:s29+$0x510]  }
0x1a2: {  	[tilespmem:s29+$0x4B0] =	vst v7;
	v7 =	vmul.f32 v12, v11;
	v12 =	vld [tilespmem:s29+$0x520]  }
0x1a3: {  	[tilespmem:s29+$0x4C0] =	vst v8;
	v8 =	vmul.f32 v9, v11;
	v9 =	vld [tilespmem:s29+$0x530]  }
0x1a4: {  	[tilespmem:s29+$0x4D0] =	vst v7;
	v7 =	vmul.f32 v13, v11;
	v11 =	vld [tilespmem:s29+$0x540]  }
0x1a5: {  	[tilespmem:s29+$0x4E0] =	vst v8;
	v8 =	vmul.f32 v14, v4;
	v13 =	vld [tilespmem:s29+$0x550]  }
0x1a6: {  	[tilespmem:s29+$0x4F0] =	vst v7;
	v7 =	vmul.f32 v10, v4;
	v10 =	vld [tilespmem:s29+$0x560]  }
0x1a7: {  	v14 =	vld [tilespmem:s29+$0x0];
	[tilespmem:s29+$0x500] =	vst v8;
	v8 =	vmul.f32 v12, v4  }
0x1a8: {  	v12 =	vld [tilespmem:s29+$0x10];
	[tilespmem:s29+$0x510] =	vst v7;
	v7 =	vmul.f32 v9, v4  }
0x1a9: {  	v9 =	vld [tilespmem:s29+$0x40];
	[tilespmem:s29+$0x520] =	vst v8;
	v8 =	vmul.f32 v11, v4  }
0x1aa: {  	v11 =	vld [tilespmem:s29+$0x50];
	[tilespmem:s29+$0x530] =	vst v7;
	v7 =	vmul.f32 v13, v4  }
0x1ab: {  	[tilespmem:s29+$0x540] =	vst v8;
	v8 =	vmul.f32 v10, v4;
	v10 =	vbroadcast v1, $0xB;
	v13 =	vld [tilespmem:s29+$0x5A0]  }
0x1ac: {  	v4 =	vbroadcast v1, $0xF;
	v14 =	vmul.f32 v2, v14;
	[tilespmem:s29+$0x550] =	vst v7;
	v7 =	vld [tilespmem:s29+$0x5B0]  }
0x1ad: {  	v12 =	vmul.f32 v12, v2;
	[tilespmem:s29+$0x560] =	vst v8;
	v5 =	vmul.f32 v5, v10;
	v8 =	vld [tilespmem:s29+$0x5C0]  }
0x1ae: {  	v6 =	vmul.f32 v6, v10;
	[tilespmem:s29+$0x0] =	vst v14;
	v9 =	vmul.f32 v9, v2;
	v14 =	vld [tilespmem:s29+$0x5D0]  }
0x1af: {  	v3 =	vmul.f32 v3, v4;
	v11 =	vmul.f32 v11, v2;
	[tilespmem:s29+$0x580] =	vst v5;
	v2 =	vld [tilespmem:s29+$0x5E0]  }
0x1b0: {  	[tilespmem:s29+$0x590] =	vst v6;
	v5 =	vmul.f32 v13, v10;
	v6 =	vld [tilespmem:s29+$0x5F0]  }
0x1b1: {  	v7 =	vmul.f32 v7, v10;
	v13 =	vld [tilespmem:s29+$0x600];
	[tilespmem:s29+$0x7D0] =	vst v3  }
0x1b2: {  	[tilespmem:s29+$0x10] =	vst v12;
	v3 =	vmul.f32 v8, v10;
	v8 =	vld [tilespmem:s29+$0x610]  }
0x1b3: {  	[tilespmem:s29+$0x40] =	vst v9;
	v9 =	vmul.f32 v14, v10;
	v12 =	vld [tilespmem:s29+$0x620]  }
0x1b4: {  	v14 =	vbroadcast v1, $0xC;
	[tilespmem:s29+$0x5A0] =	vst v5;
	v5 =	vmul.f32 v2, v10;
	v15 =	vld [tilespmem:s29+$0x630]  }
0x1b5: {  	[tilespmem:s29+$0x5D0] =	vst v9;
	v6 =	vmul.f32 v6, v10;
	v9 =	vld [tilespmem:s29+$0x640]  }
0x1b6: {  	[tilespmem:s29+$0x5B0] =	vst v7;
	v2 =	vmul.f32 v13, v14;
	v7 =	vld [tilespmem:s29+$0x650]  }
0x1b7: {  	[tilespmem:s29+$0x5C0] =	vst v3;
	v3 =	vmul.f32 v8, v14;
	v8 =	vld [tilespmem:s29+$0x660]  }
0x1b8: {  	[tilespmem:s29+$0x600] =	vst v2;
	v2 =	vmul.f32 v12, v14;
	v10 =	vld [tilespmem:s29+$0x670]  }
0x1b9: {  	[tilespmem:s29+$0x610] =	vst v3;
	v3 =	vld [tilespmem:s29+$0x680]  }
0x1ba: {  	[tilespmem:s29+$0x50] =	vst v11;
	v9 =	vmul.f32 v9, v14;
	v11 =	vld [tilespmem:s29+$0x690]  }
0x1bb: {  	[tilespmem:s29+$0x5E0] =	vst v5;
	v5 =	vmul.f32 v7, v14;
	v7 =	vld [tilespmem:s29+$0x6A0]  }
0x1bc: {  	[tilespmem:s29+$0x640] =	vst v9;
	v8 =	vmul.f32 v8, v14;
	v9 =	vbroadcast v1, $0xD;
	v12 =	vld [tilespmem:s29+$0x6B0]  }
0x1bd: {  	[tilespmem:s29+$0x650] =	vst v5;
	v5 =	vmul.f32 v10, v14;
	v10 =	vld [tilespmem:s29+$0x6C0]  }
0x1be: {  	[tilespmem:s29+$0x660] =	vst v8;
	v3 =	vmul.f32 v3, v9;
	v8 =	vld [tilespmem:s29+$0x6D0]  }
0x1bf: {  	[tilespmem:s29+$0x670] =	vst v5;
	v5 =	vmul.f32 v11, v9;
	v11 =	vld [tilespmem:s29+$0x6E0]  }
0x1c0: {  	[tilespmem:s29+$0x680] =	vst v3;
	v3 =	vmul.f32 v7, v9;
	v7 =	vld [tilespmem:s29+$0x6F0]  }
0x1c1: {  	[tilespmem:s29+$0x690] =	vst v5;
	v5 =	vmul.f32 v12, v9;
	v12 =	vld [tilespmem:s29+$0x700]  }
0x1c2: {  	[tilespmem:s29+$0x6A0] =	vst v3;
	v3 =	vmul.f32 v10, v9;
	v10 =	vld [tilespmem:s29+$0x710]  }
0x1c3: {  	[tilespmem:s29+$0x6B0] =	vst v5;
	v5 =	vmul.f32 v8, v9;
	v8 =	vld [tilespmem:s29+$0x720]  }
0x1c4: {  	v1 =	vbroadcast v1, $0xE;
	[tilespmem:s29+$0x5F0] =	vst v6;
	v6 =	vmul.f32 v11, v9;
	v11 =	vld [tilespmem:s29+$0x730]  }
0x1c5: {  	[tilespmem:s29+$0x6D0] =	vst v5;
	v5 =	vmul.f32 v7, v9;
	v7 =	vld [tilespmem:s29+$0x740]  }
0x1c6: {  	[tilespmem:s29+$0x6E0] =	vst v6;
	v6 =	vmul.f32 v12, v1;
	v9 =	vld [tilespmem:s29+$0x750]  }
0x1c7: {  	[tilespmem:s29+$0x6F0] =	vst v5;
	v5 =	vmul.f32 v10, v1;
	v10 =	vld [tilespmem:s29+$0x760]  }
0x1c8: {  	[tilespmem:s29+$0x700] =	vst v6;
	v6 =	vmul.f32 v8, v1;
	v8 =	vld [tilespmem:s29+$0x770]  }
0x1c9: {  	[tilespmem:s29+$0x710] =	vst v5;
	v5 =	vmul.f32 v11, v1;
	v11 =	vld [tilespmem:s29+$0x780]  }
0x1ca: {  	[tilespmem:s29+$0x720] =	vst v6;
	v6 =	vmul.f32 v7, v1;
	v7 =	vld [tilespmem:s29+$0x790]  }
0x1cb: {  	[tilespmem:s29+$0x730] =	vst v5;
	v5 =	vmul.f32 v9, v1;
	v9 =	vld [tilespmem:s29+$0x7A0]  }
0x1cc: {  	[tilespmem:s29+$0x740] =	vst v6;
	v6 =	vmul.f32 v10, v1;
	v10 =	vld [tilespmem:s29+$0x7B0]  }
0x1cd: {  	[tilespmem:s29+$0x6C0] =	vst v3;
	v1 =	vmul.f32 v8, v1;
	v3 =	vld [tilespmem:s29+$0x7C0]  }
0x1ce: {  	[tilespmem:s29+$0x760] =	vst v6;
	v6 =	vmul.f32 v11, v4;
	v8 =	vld [tilespmem:s29+$0x7E0]  }
0x1cf: {  	[tilespmem:s29+$0x770] =	vst v1;
	v1 =	vmul.f32 v7, v4;
	v7 =	vld [tilespmem:s29+$0x7F0]  }
0x1d0: {  	[tilespmem:s29+$0x780] =	vst v6;
	v6 =	vmul.f32 v9, v4  }
0x1d1: {  	[tilespmem:s29+$0x790] =	vst v1;
	v1 =	vmul.f32 v10, v4  }
0x1d2: {  	v9 =	vmul.f32 v15, v14;
	[tilespmem:s29+$0x7A0] =	vst v6  }
0x1d3: {  	[tilespmem:s29+$0x7B0] =	vst v1;
	v1 =	vmul.f32 v3, v4  }
.Ltmp1:
0x1d4: {  	[tilespmem:s29+$0x630] =	vst v9;
	v3 =	vmul.f32 v7, v4;
	(pc) =	sbr.rel @p0 .LBB2_5-.Ltmp1, $4  }
0x1d5: {  	[tilespmem:s29+$0x7C0] =	vst v1  }
0x1d6: {  	v1 =	vmul.f32 v8, v4;
	[tilespmem:s29+$0x7F0] =	vst v3  }
0x1d7: {  	[tilespmem:s29+$0x750] =	vst v5  }
0x1d8: {  	[tilespmem:s29+$0x7E0] =	vst v1  }
0x1d9: {  	[tilespmem:s29+$0x620] =	vst v2;
	s0 =	rddreg [dreg:$0x3];
	s4 =	simm.s32 $0x0  }
0x1da: {  	[spmem:s0] =	stream.indirect.scatter.add.f32 [tilespmem:s4], [sflag:$0xB], $0x80, s31, s12, $0xb8;
	[tilespmem:$0x1C780] =	vst v63  }
0x1db: {  	s4 =	simm.s32 $0x8200  }
0x1dc: {  	[spmem:s23] =	stream.indirect.scatter.add.f32 [tilespmem:s4], [sflag:$0xD], $0x1, s31, s12, $0xb8;
	[tilespmem:$0x1C780] =	vst v63  }
0x1dd: {  	_ =	swait.ge [sflag:s3], $0x4000  }
0x1de: {  	[sflag:s3] =	ssyncset.done $0x0  }
0x1df: {  	[sflag:s3] =	ssyncadd.s32 $0xFFFFC000  }
0x1e0: {  	_ =	swait.ge [sflag:s10], $0x80  }
0x1e1: {  	p0 =	seq.s32 s21, $0x27;
	s0 =	rddreg [dreg:$0x13]  }
0x1e2: {  	s0 =	sadd.s32 @!p0 s28, s0  }
0x1e3: {  	s29 =	simm.s32 @!p0 $0x8000;
	[sflag:s10] =	ssyncset.done $0x0;
	s0 =	sshrl.u32 @!p0 s0, $0x3  }
0x1e4: {  	[sflag:s10] =	ssyncadd.s32 $0xFFFFFF80;
	s28 =	simm.s32 @!p0 $0x0;
	s4 =	sadd.s32 @!p0 s5, s0  }
0x1e5: {  	[tilespmem:s29], [sflag:$0x1] =	stream.linear.gather @!p0 [hbm4b:s4+s28], $0x80, $0x38;
	[tilespmem:$0x1C780] =	vst v63  }
0x1e6: {  	s0 =	sadd.s32 @!p0 s7, s0;
	s4 =	simm.s32 @!p0 $0x8100  }
0x1e7: {  	[tilespmem:s4], [sflag:$0x3] =	stream.linear.gather @!p0 [hbm4b:s0+s28], $0x80, $0x38;
	[tilespmem:$0x1C780] =	vst v63  }
0x1e8: {  	s0 =	simm.s32 @!p0 $0x1  }
0x1e9: {  	_ =	swait.ge @!p0 [sflag:s0], $0x80  }
0x1ea: {  	[sflag:s0] =	ssyncset.done @!p0 $0x0  }
0x1eb: {  	[sflag:s0] =	ssyncadd.s32 @!p0 $0xFFFFFF80;
	s0 =	simm.s32 @!p0 $0x3  }
0x1ec: {  	_ =	swait.ge @!p0 [sflag:s0], $0x80  }
0x1ed: {  	s22 =	smov.u32 s5;
	[sflag:s0] =	ssyncset.done @!p0 $0x0  }
0x1ee: {  	s5 =	simm.s32 @!p0 $0x8300;
	[sflag:s0] =	ssyncadd.s32 @!p0 $0xFFFFFF80;
	s0 =	simm.s32 @!p0 $0x80  }
0x1ef: {  	[tilespmem:s5], [sflag:$0x7] =	stream.indirect.gather @!p0 [hbm4b:s8+s0], $0x1, s29, s0, $0xb8;
	[tilespmem:$0x1C780] =	vst v63  }
0x1f0: {  	s5 =	simm.s32 @!p0 $0x8400  }
0x1f1: {  	[tilespmem:s5], [sflag:$0x9] =	stream.indirect.gather @!p0 [hbm4b:s9+s0], $0x1, s4, s0, $0xb8;
	[tilespmem:$0x1C780] =	vst v63  }
0x1f2: {  	s0 =	simm.s32 @!p0 $0x40  }
0x1f3: {  	[tilespmem:s28], [sflag:$0x5] =	stream.indirect.gather @!p0 [hbm4b:s1+s0], $0x80, s29, s0, $0xb8;
	[tilespmem:$0x1C780] =	vst v63  }
0x1f4: {  	s4 =	simm.s32 @!p0 $0x8040;
	s5 =	simm.s32 @!p0 $0x2000  }
0x1f5: {  	[tilespmem:s5], [sflag:$0xF] =	stream.indirect.gather @!p0 [hbm4b:s1+s0], $0x80, s4, s0, $0xb8;
	[tilespmem:$0x1C780] =	vst v63  }
0x1f6: {  	_ =	swait.ge [sflag:s11], $0x80  }
0x1f7: {  	[sflag:s11] =	ssyncset.done $0x0  }
0x1f8: {  	[sflag:s11] =	ssyncadd.s32 $0xFFFFFF80  }
0x1f9: {  	_ =	swait.ge [sflag:s6], $0x80  }
0x1fa: {  	[sflag:s6] =	ssyncset.done $0x0  }
0x1fb: {  	[sflag:s6] =	ssyncadd.s32 $0xFFFFFF80  }
0x1fc: {  	_ =	swait.ge [sflag:s18], $0x2000  }
0x1fd: {  	[sflag:s18] =	ssyncset.done $0x0  }
0x1fe: {  	[sflag:s18] =	ssyncadd.s32 $0xFFFFE000  }
0x1ff: {  	_ =	swait.ge [sflag:s19], $0x2000  }
0x200: {  	[sflag:s19] =	ssyncset.done $0x0  }
0x201: {  	[sflag:s19] =	ssyncadd.s32 $0xFFFFE000  }
0x202: {  	v1 =	vld [tilespmem:$0x8380]  }
0x203: {  	v2 =	vld [tilespmem:$0x8480]  }
0x204: {  	v3 =	vld [tilespmem:$0x8390]  }
0x205: {  	v4 =	vld [tilespmem:$0x8490]  }
0x206: {  	v5 =	vld [tilespmem:$0x83A0]  }
0x207: {  	v6 =	vld [tilespmem:$0x84A0]  }
0x208: {  	v7 =	vld [tilespmem:$0x84B0]  }
0x209: {  	v9 =	vld [tilespmem:$0x83C0];
	v1 =	vadd.f32 v2, v1  }
0x20a: {  	v2 =	vld [tilespmem:$0x83B0]  }
0x20b: {  	v10 =	vld [tilespmem:$0x84C0];
	v8 =	vmul.f32 $2.000000030e-01, v1  }
0x20c: {  	v53 =	vld [tilespmem:$0x83D0];
	vm0 =	vge.f32 v1, $0.0e+00  }
0x20d: {  	v54 =	vld [tilespmem:$0x84D0];
	v3 =	vadd.f32 v4, v3;
	v1 =	vsel vm0, v1, v8  }
0x20e: {  	v56 =	vld [tilespmem:$0x83E0];
	v5 =	vadd.f32 v6, v5;
	v1 =	vmul.f32 $1.442695020e+00, v1  }
0x20f: {  	v12 =	vld [tilespmem:$0x83F0];
	v55 =	vmul.f32 $2.000000030e-01, v3;
	v2 =	vadd.f32 v7, v2  }
0x210: {  	v58 =	vld [tilespmem:$0x84F0];
	vm9 =	vge.f32 v3, $0.0e+00;
	(erf) = vpow2.f32 v1;
	v1 =	vmul.f32 $2.000000030e-01, v5  }
0x211: {  	v11 =	vld [tilespmem:$0x84E0];
	vm10 =	vge.f32 v5, $0.0e+00;
	v3 =	vsel vm9, v3, v55;
	v57 =	vmul.f32 $2.000000030e-01, v2  }
0x212: {  	v3 =	vmul.f32 $1.442695020e+00, v3;
	vm11 =	vge.f32 v2, $0.0e+00;
	v1 =	vsel vm10, v5, v1  }
0x213: {  	v2 =	vsel vm11, v2, v57;
	v1 =	vmul.f32 $1.442695020e+00, v1  }
0x214: {  	v59 =	vadd.f32 v10, v9;
	(erf) = vpow2.f32 v3;
	v2 =	vmul.f32 $1.442695020e+00, v2  }
0x215: {  	v3 =	vadd.f32 v54, v53;
	v5 =	vadd.f32 v58, v12;
	(erf) = vpow2.f32 v1  }
0x216: {  	v1 =	vmul.f32 $2.000000030e-01, v59;
	(erf) = vpow2.f32 v2;
	v2 =	vadd.f32 v11, v56  }
0x217: {  	vm12 =	vge.f32 v59, $0.0e+00;
	v4 =	vmul.f32 $2.000000030e-01, v3;
	vm13 =	vge.f32 v3, $0.0e+00  }
0x218: {  	v61 =	vmul.f32 $2.000000030e-01, v5;
	v1 =	vsel vm12, v59, v1;
	v60 =	vmul.f32 $2.000000030e-01, v2  }
0x219: {  	v3 =	vsel vm13, v3, v4;
	v1 =	vmul.f32 $1.442695020e+00, v1;
	vm14 =	vge.f32 v2, $0.0e+00  }
0x21a: {  	vm15 =	vge.f32 v5, $0.0e+00;
	v3 =	vmul.f32 $1.442695020e+00, v3;
	v2 =	vsel vm14, v2, v60  }
0x21b: {  	(erf) = vpow2.f32 v1;
	v1 =	vmul.f32 $1.442695020e+00, v2;
	v2 =	vsel vm15, v5, v61  }
0x21c: {  	(erf) = vpow2.f32 v3;
	v2 =	vmul.f32 $1.442695020e+00, v2  }
0x21d: {  	(erf) = vpow2.f32 v1  }
0x21e: {  	(erf) = vpow2.f32 v2;
	_ =	sdelay $0x1  }
0x21f: {  	v1 =	vpop (erf)  }
0x220: {  	v2 =	vpop (erf);
	[tilespmem:$0x8280] =	vst v1  }
0x221: {  	v1 =	vpop (erf);
	[tilespmem:$0x8290] =	vst v2  }
0x222: {  	v2 =	vpop (erf);
	[tilespmem:$0x82A0] =	vst v1  }
0x223: {  	v1 =	vpop (erf);
	[tilespmem:$0x82B0] =	vst v2  }
0x224: {  	v2 =	vpop (erf);
	[tilespmem:$0x82C0] =	vst v1  }
0x225: {  	[tilespmem:$0x82D0] =	vst v2;
	v1 =	vpop (erf)  }
0x226: {  	s5 =	simm.s32 $0x0;
	[tilespmem:$0x82E0] =	vst v1;
	v1 =	vpop (erf)  }
0x227: {  	s0 =	sand.u32 $0x3FFFFFF0, s5;
	[tilespmem:$0x82F0] =	vst v1  }
0x228: {  	s29 =	simm.s32 $0x0;
	v1 =	vld [tilespmem:s0+$0x8280]  }
0x229: {  	s28 =	sand.u32 $0x3FFFF800, s29  }
0x22a: {  	v3 =	vld [tilespmem:s28+$0x4020]  }
0x22b: {  	v17 =	vld [tilespmem:s28+$0x4030]  }
0x22c: {  	v19 =	vld [tilespmem:s28+$0x4060]  }
0x22d: {  	v20 =	vld [tilespmem:s28+$0x4070];
	v2 =	vbroadcast v1, $0x0  }
0x22e: {  	v21 =	vld [tilespmem:s28+$0x4080]  }
0x22f: {  	v13 =	vld [tilespmem:s28+$0x4090];
	v3 =	vmul.f32 v3, v2  }
0x230: {  	v14 =	vld [tilespmem:s28+$0x40A0];
	v4 =	vmul.f32 v17, v2  }
0x231: {  	v16 =	vld [tilespmem:s28+$0x40B0];
	v23 =	vbroadcast v1, $0x1;
	v22 =	vmul.f32 v19, v2;
	[tilespmem:s28+$0x4020] =	vst v3  }
0x232: {  	v62 =	vld [tilespmem:s28+$0x40C0];
	v11 =	vmul.f32 v20, v2;
	[tilespmem:s28+$0x4030] =	vst v4  }
0x233: {  	v63 =	vld [tilespmem:s28+$0x40D0];
	v12 =	vmul.f32 v21, v23;
	[tilespmem:s28+$0x4060] =	vst v22  }
0x234: {  	v25 =	vld [tilespmem:s28+$0x40F0];
	v13 =	vmul.f32 v13, v23;
	[tilespmem:s28+$0x4070] =	vst v11  }
0x235: {  	v26 =	vld [tilespmem:s28+$0x4100];
	v14 =	vmul.f32 v14, v23;
	[tilespmem:s28+$0x4080] =	vst v12  }
0x236: {  	v27 =	vld [tilespmem:s28+$0x4110];
	v9 =	vmul.f32 v16, v23;
	[tilespmem:s28+$0x4090] =	vst v13  }
0x237: {  	v18 =	vld [tilespmem:s28+$0x4570];
	v7 =	vmul.f32 v62, v23;
	[tilespmem:s28+$0x40A0] =	vst v14  }
0x238: {  	v24 =	vld [tilespmem:s28+$0x40E0];
	v15 =	vbroadcast v1, $0x2;
	v8 =	vmul.f32 v63, v23;
	[tilespmem:s28+$0x40B0] =	vst v9  }
0x239: {  	v28 =	vld [tilespmem:s28+$0x4120];
	v10 =	vmul.f32 v25, v23;
	[tilespmem:s28+$0x40C0] =	vst v7  }
0x23a: {  	v29 =	vld [tilespmem:s28+$0x4130];
	v5 =	vbroadcast v1, $0xA;
	v32 =	vmul.f32 v26, v15;
	[tilespmem:s28+$0x40D0] =	vst v8  }
0x23b: {  	v30 =	vld [tilespmem:s28+$0x4140];
	v34 =	vmul.f32 v27, v15;
	[tilespmem:s28+$0x40F0] =	vst v10  }
0x23c: {  	v33 =	vld [tilespmem:s28+$0x4160];
	v3 =	vmul.f32 v18, v5;
	[tilespmem:s28+$0x4100] =	vst v32  }
0x23d: {  	v35 =	vld [tilespmem:s28+$0x4170];
	v11 =	vmul.f32 v24, v23;
	[tilespmem:s28+$0x4110] =	vst v34  }
0x23e: {  	v36 =	vld [tilespmem:s28+$0x4180];
	v9 =	vmul.f32 v28, v15;
	[tilespmem:s28+$0x4570] =	vst v3  }
0x23f: {  	v31 =	vld [tilespmem:s28+$0x4150];
	v7 =	vmul.f32 v29, v15;
	[tilespmem:s28+$0x40E0] =	vst v11  }
0x240: {  	v37 =	vld [tilespmem:s28+$0x4190];
	v8 =	vmul.f32 v30, v15;
	[tilespmem:s28+$0x4120] =	vst v9  }
0x241: {  	v38 =	vld [tilespmem:s28+$0x41A0];
	v41 =	vbroadcast v1, $0x3;
	v10 =	vmul.f32 v33, v15;
	[tilespmem:s28+$0x4130] =	vst v7  }
0x242: {  	v39 =	vld [tilespmem:s28+$0x41B0];
	v12 =	vmul.f32 v35, v15;
	[tilespmem:s28+$0x4140] =	vst v8  }
0x243: {  	v42 =	vld [tilespmem:s28+$0x41D0];
	v13 =	vmul.f32 v36, v41;
	[tilespmem:s28+$0x4160] =	vst v10  }
0x244: {  	v43 =	vld [tilespmem:s28+$0x41E0];
	v11 =	vmul.f32 v31, v15;
	[tilespmem:s28+$0x4170] =	vst v12  }
0x245: {  	v44 =	vld [tilespmem:s28+$0x41F0];
	v9 =	vmul.f32 v37, v41;
	[tilespmem:s28+$0x4180] =	vst v13  }
0x246: {  	v40 =	vld [tilespmem:s28+$0x41C0];
	v7 =	vmul.f32 v38, v41;
	[tilespmem:s28+$0x4150] =	vst v11  }
0x247: {  	v45 =	vld [tilespmem:s28+$0x4200];
	v8 =	vmul.f32 v39, v41;
	[tilespmem:s28+$0x4190] =	vst v9  }
0x248: {  	v46 =	vld [tilespmem:s28+$0x4210];
	v10 =	vmul.f32 v42, v41;
	[tilespmem:s28+$0x41A0] =	vst v7  }
0x249: {  	v47 =	vld [tilespmem:s28+$0x4220];
	v12 =	vmul.f32 v43, v41;
	[tilespmem:s28+$0x41B0] =	vst v8  }
0x24a: {  	v49 =	vld [tilespmem:s28+$0x4240];
	v50 =	vbroadcast v1, $0x4;
	v13 =	vmul.f32 v44, v41;
	[tilespmem:s28+$0x41D0] =	vst v10  }
0x24b: {  	v51 =	vld [tilespmem:s28+$0x4250];
	v11 =	vmul.f32 v40, v41;
	[tilespmem:s28+$0x41E0] =	vst v12  }
0x24c: {  	v52 =	vld [tilespmem:s28+$0x4260];
	v9 =	vmul.f32 v45, v50;
	[tilespmem:s28+$0x41F0] =	vst v13  }
0x24d: {  	v48 =	vld [tilespmem:s28+$0x4230];
	v7 =	vmul.f32 v46, v50;
	[tilespmem:s28+$0x41C0] =	vst v11  }
0x24e: {  	v53 =	vld [tilespmem:s28+$0x4270];
	v8 =	vmul.f32 v47, v50;
	[tilespmem:s28+$0x4200] =	vst v9  }
0x24f: {  	v54 =	vld [tilespmem:s28+$0x4280];
	v10 =	vmul.f32 v49, v50;
	[tilespmem:s28+$0x4210] =	vst v7  }
0x250: {  	v55 =	vld [tilespmem:s28+$0x4290];
	v12 =	vmul.f32 v51, v50;
	[tilespmem:s28+$0x4220] =	vst v8  }
0x251: {  	v57 =	vld [tilespmem:s28+$0x42B0];
	v13 =	vmul.f32 v52, v50;
	[tilespmem:s28+$0x4240] =	vst v10  }
0x252: {  	v58 =	vld [tilespmem:s28+$0x42C0];
	v59 =	vbroadcast v1, $0x5;
	v11 =	vmul.f32 v48, v50;
	[tilespmem:s28+$0x4250] =	vst v12  }
0x253: {  	v60 =	vld [tilespmem:s28+$0x42D0];
	v9 =	vmul.f32 v53, v50;
	[tilespmem:s28+$0x4260] =	vst v13  }
0x254: {  	v56 =	vld [tilespmem:s28+$0x42A0];
	v7 =	vmul.f32 v54, v59;
	[tilespmem:s28+$0x4230] =	vst v11  }
0x255: {  	v61 =	vld [tilespmem:s28+$0x42E0];
	v8 =	vmul.f32 v55, v59;
	[tilespmem:s28+$0x4270] =	vst v9  }
0x256: {  	v62 =	vld [tilespmem:s28+$0x42F0];
	v10 =	vmul.f32 v57, v59;
	[tilespmem:s28+$0x4280] =	vst v7  }
0x257: {  	v63 =	vld [tilespmem:s28+$0x4300];
	v12 =	vmul.f32 v58, v59;
	[tilespmem:s28+$0x4290] =	vst v8  }
0x258: {  	v19 =	vld [tilespmem:s28+$0x4320];
	v13 =	vmul.f32 v60, v59;
	[tilespmem:s28+$0x42B0] =	vst v10  }
0x259: {  	v20 =	vld [tilespmem:s28+$0x4330];
	v11 =	vmul.f32 v56, v59;
	[tilespmem:s28+$0x42C0] =	vst v12  }
0x25a: {  	v21 =	vld [tilespmem:s28+$0x4340];
	v22 =	vbroadcast v1, $0x6;
	v9 =	vmul.f32 v61, v59;
	[tilespmem:s28+$0x42D0] =	vst v13  }
0x25b: {  	v18 =	vld [tilespmem:s28+$0x4310];
	v7 =	vmul.f32 v62, v59;
	[tilespmem:s28+$0x42A0] =	vst v11  }
0x25c: {  	v23 =	vld [tilespmem:s28+$0x4350];
	v8 =	vmul.f32 v63, v22;
	[tilespmem:s28+$0x42E0] =	vst v9  }
0x25d: {  	v24 =	vld [tilespmem:s28+$0x4360];
	v10 =	vmul.f32 v19, v22;
	[tilespmem:s28+$0x42F0] =	vst v7  }
0x25e: {  	v25 =	vld [tilespmem:s28+$0x4370];
	v12 =	vmul.f32 v20, v22;
	[tilespmem:s28+$0x4300] =	vst v8  }
0x25f: {  	v27 =	vld [tilespmem:s28+$0x4390];
	v13 =	vmul.f32 v21, v22;
	[tilespmem:s28+$0x4320] =	vst v10  }
0x260: {  	v28 =	vld [tilespmem:s28+$0x43A0];
	v11 =	vmul.f32 v18, v22;
	[tilespmem:s28+$0x4330] =	vst v12  }
0x261: {  	v29 =	vld [tilespmem:s28+$0x43B0];
	v9 =	vmul.f32 v23, v22;
	[tilespmem:s28+$0x4340] =	vst v13  }
0x262: {  	v31 =	vbroadcast v1, $0x7;
	v53 =	vld [tilespmem:s28+$0x4500];
	v7 =	vmul.f32 v24, v22;
	[tilespmem:s28+$0x4310] =	vst v11  }
0x263: {  	v57 =	vld [tilespmem:s28+$0x4540];
	v8 =	vmul.f32 v25, v22;
	[tilespmem:s28+$0x4350] =	vst v9  }
0x264: {  	v58 =	vld [tilespmem:s28+$0x4550];
	v10 =	vmul.f32 v27, v31;
	[tilespmem:s28+$0x4360] =	vst v7  }
0x265: {  	v26 =	vld [tilespmem:s28+$0x4380];
	v12 =	vmul.f32 v28, v31;
	[tilespmem:s28+$0x4370] =	vst v8  }
0x266: {  	v30 =	vld [tilespmem:s28+$0x43C0];
	v13 =	vmul.f32 v29, v31;
	[tilespmem:s28+$0x4390] =	vst v10  }
0x267: {  	v32 =	vld [tilespmem:s28+$0x43D0];
	v59 =	vmul.f32 v53, v5;
	[tilespmem:s28+$0x43A0] =	vst v12  }
0x268: {  	v33 =	vld [tilespmem:s28+$0x43E0];
	v18 =	vmul.f32 v57, v5;
	[tilespmem:s28+$0x43B0] =	vst v13  }
0x269: {  	v35 =	vld [tilespmem:s28+$0x4400];
	v20 =	vmul.f32 v58, v5;
	[tilespmem:s28+$0x4500] =	vst v59  }
0x26a: {  	v36 =	vld [tilespmem:s28+$0x4410];
	v11 =	vmul.f32 v26, v31;
	[tilespmem:s28+$0x4540] =	vst v18  }
0x26b: {  	v37 =	vld [tilespmem:s28+$0x4420];
	v9 =	vmul.f32 v30, v31;
	[tilespmem:s28+$0x4550] =	vst v20  }
0x26c: {  	v4 =	vld [tilespmem:s28+$0x4580];
	v40 =	vbroadcast v1, $0x8;
	v7 =	vmul.f32 v32, v31;
	[tilespmem:s28+$0x4380] =	vst v11  }
0x26d: {  	v6 =	vld [tilespmem:s28+$0x4590];
	v8 =	vmul.f32 v33, v31;
	[tilespmem:s28+$0x43C0] =	vst v9  }
0x26e: {  	v3 =	vld [tilespmem:s28+$0x47D0];
	v10 =	vmul.f32 v35, v40;
	[tilespmem:s28+$0x43D0] =	vst v7  }
0x26f: {  	v61 =	vld [tilespmem:s28+$0x4000];
	v23 =	vbroadcast v1, $0xB;
	v12 =	vmul.f32 v36, v40;
	[tilespmem:s28+$0x43E0] =	vst v8  }
0x270: {  	v34 =	vld [tilespmem:s28+$0x43F0];
	v13 =	vmul.f32 v37, v40;
	[tilespmem:s28+$0x4400] =	vst v10  }
0x271: {  	v38 =	vld [tilespmem:s28+$0x4430];
	v27 =	vbroadcast v1, $0xF;
	v4 =	vmul.f32 v4, v23;
	[tilespmem:s28+$0x4410] =	vst v12  }
0x272: {  	v39 =	vld [tilespmem:s28+$0x4440];
	v6 =	vmul.f32 v6, v23;
	[tilespmem:s28+$0x4420] =	vst v13  }
0x273: {  	v41 =	vld [tilespmem:s28+$0x4450];
	v3 =	vmul.f32 v3, v27;
	[tilespmem:s28+$0x4580] =	vst v4  }
0x274: {  	v43 =	vld [tilespmem:s28+$0x4470];
	v24 =	vmul.f32 v2, v61;
	[tilespmem:s28+$0x4590] =	vst v6  }
0x275: {  	v44 =	vld [tilespmem:s28+$0x4480];
	v11 =	vmul.f32 v34, v31;
	[tilespmem:s28+$0x47D0] =	vst v3  }
0x276: {  	v45 =	vld [tilespmem:s28+$0x4490];
	v9 =	vmul.f32 v38, v40;
	[tilespmem:s28+$0x4000] =	vst v24  }
0x277: {  	v63 =	vld [tilespmem:s28+$0x4040];
	v7 =	vmul.f32 v39, v40;
	[tilespmem:s28+$0x43F0] =	vst v11  }
0x278: {  	v49 =	vbroadcast v1, $0x9;
	v29 =	vld [tilespmem:s28+$0x45F0];
	v8 =	vmul.f32 v41, v40;
	[tilespmem:s28+$0x4430] =	vst v9  }
0x279: {  	v42 =	vld [tilespmem:s28+$0x4460];
	v10 =	vmul.f32 v43, v40;
	[tilespmem:s28+$0x4440] =	vst v7  }
0x27a: {  	v46 =	vld [tilespmem:s28+$0x44A0];
	v12 =	vmul.f32 v44, v49;
	[tilespmem:s28+$0x4450] =	vst v8  }
0x27b: {  	v47 =	vld [tilespmem:s28+$0x44B0];
	v13 =	vmul.f32 v45, v49;
	[tilespmem:s28+$0x4470] =	vst v10  }
0x27c: {  	v48 =	vld [tilespmem:s28+$0x44C0];
	v3 =	vmul.f32 v63, v2;
	[tilespmem:s28+$0x4480] =	vst v12  }
0x27d: {  	v51 =	vld [tilespmem:s28+$0x44E0];
	v6 =	vmul.f32 v29, v23;
	[tilespmem:s28+$0x4490] =	vst v13  }
0x27e: {  	v52 =	vld [tilespmem:s28+$0x44F0];
	v11 =	vmul.f32 v42, v40;
	[tilespmem:s28+$0x4040] =	vst v3  }
0x27f: {  	v28 =	vld [tilespmem:s28+$0x45E0];
	v9 =	vmul.f32 v46, v49;
	[tilespmem:s28+$0x45F0] =	vst v6  }
0x280: {  	v26 =	vld [tilespmem:s28+$0x45D0];
	v7 =	vmul.f32 v47, v49;
	[tilespmem:s28+$0x4460] =	vst v11  }
0x281: {  	v30 =	vld [tilespmem:s28+$0x4600];
	v8 =	vmul.f32 v48, v49;
	[tilespmem:s28+$0x44A0] =	vst v9  }
0x282: {  	v50 =	vld [tilespmem:s28+$0x44D0];
	v10 =	vmul.f32 v51, v49;
	[tilespmem:s28+$0x44B0] =	vst v7  }
0x283: {  	v54 =	vld [tilespmem:s28+$0x4510];
	v12 =	vmul.f32 v52, v49;
	[tilespmem:s28+$0x44C0] =	vst v8  }
0x284: {  	v55 =	vld [tilespmem:s28+$0x4520];
	v35 =	vbroadcast v1, $0xC;
	v40 =	vmul.f32 v28, v23;
	[tilespmem:s28+$0x44E0] =	vst v10  }
0x285: {  	v56 =	vld [tilespmem:s28+$0x4530];
	v32 =	vmul.f32 v26, v23;
	[tilespmem:s28+$0x44F0] =	vst v12  }
0x286: {  	v60 =	vld [tilespmem:s28+$0x4560];
	v15 =	vmul.f32 v30, v35;
	[tilespmem:s28+$0x45E0] =	vst v40  }
0x287: {  	v62 =	vld [tilespmem:s28+$0x4010];
	v11 =	vmul.f32 v50, v49;
	[tilespmem:s28+$0x45D0] =	vst v32  }
0x288: {  	v19 =	vld [tilespmem:s28+$0x4050];
	v9 =	vmul.f32 v54, v5;
	[tilespmem:s28+$0x4600] =	vst v15  }
0x289: {  	v33 =	vld [tilespmem:s28+$0x4630];
	v7 =	vmul.f32 v55, v5;
	[tilespmem:s28+$0x44D0] =	vst v11  }
0x28a: {  	v61 =	vld [tilespmem:s28+$0x47F0];
	v8 =	vmul.f32 v56, v5;
	[tilespmem:s28+$0x4510] =	vst v9  }
0x28b: {  	v38 =	vld [tilespmem:s28+$0x4670];
	v5 =	vmul.f32 v60, v5;
	[tilespmem:s28+$0x4520] =	vst v7  }
0x28c: {  	v21 =	vld [tilespmem:s28+$0x45A0];
	v12 =	vmul.f32 v62, v2;
	[tilespmem:s28+$0x4530] =	vst v8  }
0x28d: {  	v22 =	vld [tilespmem:s28+$0x45B0];
	v2 =	vmul.f32 v19, v2;
	[tilespmem:s28+$0x4560] =	vst v5  }
0x28e: {  	v25 =	vld [tilespmem:s28+$0x45C0];
	v62 =	vmul.f32 v33, v35;
	[tilespmem:s28+$0x4010] =	vst v12  }
0x28f: {  	v31 =	vld [tilespmem:s28+$0x4610];
	v63 =	vmul.f32 v61, v27;
	[tilespmem:s28+$0x4050] =	vst v2  }
0x290: {  	v34 =	vld [tilespmem:s28+$0x4640];
	v15 =	vmul.f32 v38, v35;
	[tilespmem:s28+$0x4630] =	vst v62  }
0x291: {  	v41 =	vld [tilespmem:s28+$0x46A0];
	v7 =	vmul.f32 v21, v23;
	[tilespmem:s28+$0x47F0] =	vst v63  }
0x292: {  	v46 =	vld [tilespmem:s28+$0x46E0];
	v8 =	vmul.f32 v22, v23;
	[tilespmem:s28+$0x4670] =	vst v15  }
0x293: {  	v36 =	vld [tilespmem:s28+$0x4650];
	v5 =	vmul.f32 v25, v23;
	[tilespmem:s28+$0x45A0] =	vst v7  }
0x294: {  	v44 =	vbroadcast v1, $0xD;
	v9 =	vmul.f32 v31, v35;
	v2 =	vld [tilespmem:s28+$0x4690];
	[tilespmem:s28+$0x45B0] =	vst v8  }
0x295: {  	v37 =	vld [tilespmem:s28+$0x4660];
	v12 =	vmul.f32 v34, v35;
	[tilespmem:s28+$0x45C0] =	vst v5  }
0x296: {  	v39 =	vld [tilespmem:s28+$0x4680];
	v11 =	vmul.f32 v41, v44;
	[tilespmem:s28+$0x4610] =	vst v9  }
0x297: {  	v42 =	vld [tilespmem:s28+$0x46B0];
	v51 =	vmul.f32 v46, v44;
	[tilespmem:s28+$0x4640] =	vst v12  }
0x298: {  	v48 =	vld [tilespmem:s28+$0x4710];
	v8 =	vmul.f32 v36, v35;
	[tilespmem:s28+$0x46A0] =	vst v11  }
0x299: {  	v49 =	vld [tilespmem:s28+$0x4720];
	[tilespmem:s28+$0x46E0] =	vst v51;
	v2 =	vmul.f32 v2, v44  }
0x29a: {  	v50 =	vld [tilespmem:s28+$0x4730];
	v5 =	vmul.f32 v37, v35;
	[tilespmem:s28+$0x4650] =	vst v8  }
0x29b: {  	v1 =	vbroadcast v1, $0xE;
	v9 =	vmul.f32 v39, v44;
	[tilespmem:s28+$0x4690] =	vst v2;
	v2 =	vld [tilespmem:s28+$0x4700]  }
0x29c: {  	v60 =	vld [tilespmem:s28+$0x47E0];
	v12 =	vmul.f32 v42, v44;
	[tilespmem:s28+$0x4660] =	vst v5  }
0x29d: {  	v45 =	vld [tilespmem:s28+$0x46D0];
	v11 =	vmul.f32 v48, v1;
	[tilespmem:s28+$0x4680] =	vst v9  }
0x29e: {  	v47 =	vld [tilespmem:s28+$0x46F0];
	v10 =	vmul.f32 v49, v1;
	[tilespmem:s28+$0x46B0] =	vst v12  }
0x29f: {  	v43 =	vld [tilespmem:s28+$0x46C0];
	v6 =	vmul.f32 v50, v1;
	[tilespmem:s28+$0x4710] =	vst v11  }
0x2a0: {  	v55 =	vld [tilespmem:s28+$0x4780];
	[tilespmem:s28+$0x4720] =	vst v10;
	v2 =	vmul.f32 v2, v1  }
0x2a1: {  	v57 =	vld [tilespmem:s28+$0x47A0];
	v4 =	vmul.f32 v60, v27;
	[tilespmem:s28+$0x4730] =	vst v6  }
0x2a2: {  	v5 =	vmul.f32 v45, v44;
	[tilespmem:s28+$0x4700] =	vst v2;
	v2 =	vld [tilespmem:s28+$0x4770]  }
0x2a3: {  	v52 =	vld [tilespmem:s28+$0x4740];
	v9 =	vmul.f32 v47, v44;
	[tilespmem:s28+$0x47E0] =	vst v4  }
0x2a4: {  	v56 =	vld [tilespmem:s28+$0x4790];
	v8 =	vmul.f32 v43, v44;
	[tilespmem:s28+$0x46D0] =	vst v5  }
0x2a5: {  	v54 =	vld [tilespmem:s28+$0x4760];
	v11 =	vmul.f32 v55, v27;
	[tilespmem:s28+$0x46F0] =	vst v9  }
0x2a6: {  	v58 =	vld [tilespmem:s28+$0x47B0];
	v6 =	vmul.f32 v57, v27;
	[tilespmem:s28+$0x46C0] =	vst v8  }
0x2a7: {  	v53 =	vld [tilespmem:s28+$0x4750];
	[tilespmem:s28+$0x4780] =	vst v11;
	v2 =	vmul.f32 v2, v1  }
0x2a8: {  	v59 =	vld [tilespmem:s28+$0x47C0];
	v5 =	vmul.f32 v52, v1;
	[tilespmem:s28+$0x47A0] =	vst v6  }
0x2a9: {  	[tilespmem:s28+$0x4770] =	vst v2;
	v2 =	vmul.f32 v56, v27  }
0x2aa: {  	v3 =	vld [tilespmem:s28+$0x4620];
	v9 =	vmul.f32 v54, v1;
	[tilespmem:s28+$0x4740] =	vst v5  }
0x2ab: {  	[tilespmem:s28+$0x4790] =	vst v2;
	v2 =	vmul.f32 v58, v27  }
0x2ac: {  	[tilespmem:s28+$0x4760] =	vst v9;
	v1 =	vmul.f32 v53, v1  }
0x2ad: {  	[tilespmem:s28+$0x47B0] =	vst v2;
	v2 =	vmul.f32 v59, v27  }
0x2ae: {  	[tilespmem:s28+$0x4750] =	vst v1  }
0x2af: {  	s0 =	simm.s32 $0x1;
	[tilespmem:s28+$0x47C0] =	vst v2;
	v2 =	vmul.f32 v3, v35  }
.LBB2_7:
0x2b0: {  	s4 =	sshll.u32 s0, $0x4  }
0x2b1: {  	p0 =	sne.s32 s0, $0x7;
	[tilespmem:s28+$0x4620] =	vst v2;
	s5 =	smov.u32 s0;
	s0 =	sadd.s32 $0x1, s0  }
0x2b2: {  	s4 =	sand.u32 $0x3FFFFFF0, s4  }
0x2b3: {  	v1 =	vld [tilespmem:s4+$0x8280];
	s4 =	sshll.u32 s5, $0xB  }
0x2b4: {  	s28 =	sand.u32 $0x3FFFF800, s4  }
0x2b5: {  	v8 =	vld [tilespmem:s28+$0x40C0]  }
0x2b6: {  	v9 =	vld [tilespmem:s28+$0x40D0]  }
0x2b7: {  	v10 =	vld [tilespmem:s28+$0x40B0]  }
0x2b8: {  	v2 =	vbroadcast v1, $0x0;
	v3 =	vld [tilespmem:s28+$0x4020];
	v7 =	vbroadcast v1, $0x4  }
0x2b9: {  	v5 =	vld [tilespmem:s28+$0x4030]  }
0x2ba: {  	v6 =	vld [tilespmem:s28+$0x4570]  }
0x2bb: {  	v11 =	vld [tilespmem:s28+$0x4060]  }
0x2bc: {  	v12 =	vld [tilespmem:s28+$0x4070]  }
0x2bd: {  	v4 =	vbroadcast v1, $0xA;
	v3 =	vmul.f32 v3, v2;
	v13 =	vld [tilespmem:s28+$0x4080]  }
0x2be: {  	v5 =	vmul.f32 v5, v2;
	v14 =	vld [tilespmem:s28+$0x4090]  }
0x2bf: {  	[tilespmem:s28+$0x4020] =	vst v3;
	v15 =	vld [tilespmem:s28+$0x40A0];
	v3 =	vmul.f32 v6, v4  }
0x2c0: {  	[tilespmem:s28+$0x4030] =	vst v5;
	v6 =	vmul.f32 v11, v2;
	v11 =	vbroadcast v1, $0x1;
	v5 =	vld [tilespmem:s28+$0x4580]  }
0x2c1: {  	v12 =	vmul.f32 v12, v2;
	[tilespmem:s28+$0x4570] =	vst v3;
	v3 =	vld [tilespmem:s28+$0x47D0]  }
0x2c2: {  	[tilespmem:s28+$0x4060] =	vst v6;
	v13 =	vmul.f32 v13, v11;
	v6 =	vld [tilespmem:s28+$0x4590]  }
0x2c3: {  	[tilespmem:s28+$0x4070] =	vst v12;
	v12 =	vmul.f32 v14, v11;
	v14 =	vld [tilespmem:s28+$0x40E0]  }
0x2c4: {  	[tilespmem:s28+$0x4080] =	vst v13;
	v13 =	vmul.f32 v15, v11;
	v15 =	vld [tilespmem:s28+$0x40F0]  }
0x2c5: {  	v10 =	vmul.f32 v10, v11;
	[tilespmem:s28+$0x4090] =	vst v12;
	v12 =	vld [tilespmem:s28+$0x4100]  }
0x2c6: {  	v8 =	vmul.f32 v8, v11;
	[tilespmem:s28+$0x40A0] =	vst v13;
	v13 =	vld [tilespmem:s28+$0x4110]  }
0x2c7: {  	v9 =	vmul.f32 v9, v11;
	[tilespmem:s28+$0x40B0] =	vst v10;
	v10 =	vld [tilespmem:s28+$0x4120]  }
0x2c8: {  	[tilespmem:s28+$0x40C0] =	vst v8;
	v8 =	vmul.f32 v14, v11;
	v14 =	vbroadcast v1, $0x2;
	v16 =	vld [tilespmem:s28+$0x4130]  }
0x2c9: {  	[tilespmem:s28+$0x40D0] =	vst v9;
	v9 =	vmul.f32 v15, v11;
	v11 =	vld [tilespmem:s28+$0x4140]  }
0x2ca: {  	[tilespmem:s28+$0x40E0] =	vst v8;
	v8 =	vmul.f32 v12, v14;
	v12 =	vld [tilespmem:s28+$0x4150]  }
0x2cb: {  	[tilespmem:s28+$0x40F0] =	vst v9;
	v9 =	vmul.f32 v13, v14;
	v13 =	vld [tilespmem:s28+$0x4160]  }
0x2cc: {  	[tilespmem:s28+$0x4100] =	vst v8;
	v8 =	vmul.f32 v10, v14;
	v10 =	vld [tilespmem:s28+$0x4170]  }
0x2cd: {  	[tilespmem:s28+$0x4110] =	vst v9;
	v9 =	vmul.f32 v16, v14;
	v15 =	vld [tilespmem:s28+$0x4180]  }
0x2ce: {  	[tilespmem:s28+$0x4120] =	vst v8;
	v8 =	vmul.f32 v11, v14;
	v11 =	vld [tilespmem:s28+$0x4190]  }
0x2cf: {  	[tilespmem:s28+$0x4130] =	vst v9;
	v9 =	vmul.f32 v12, v14;
	v12 =	vld [tilespmem:s28+$0x41A0]  }
0x2d0: {  	[tilespmem:s28+$0x4140] =	vst v8;
	v8 =	vmul.f32 v13, v14;
	v13 =	vbroadcast v1, $0x3;
	v16 =	vld [tilespmem:s28+$0x41B0]  }
0x2d1: {  	[tilespmem:s28+$0x4150] =	vst v9;
	v9 =	vmul.f32 v10, v14;
	v10 =	vld [tilespmem:s28+$0x41C0]  }
0x2d2: {  	[tilespmem:s28+$0x4160] =	vst v8;
	v8 =	vmul.f32 v15, v13;
	v14 =	vld [tilespmem:s28+$0x41D0]  }
0x2d3: {  	[tilespmem:s28+$0x4170] =	vst v9;
	v9 =	vmul.f32 v11, v13;
	v11 =	vld [tilespmem:s28+$0x41E0]  }
0x2d4: {  	[tilespmem:s28+$0x4180] =	vst v8;
	v8 =	vmul.f32 v12, v13;
	v12 =	vld [tilespmem:s28+$0x41F0]  }
0x2d5: {  	[tilespmem:s28+$0x4190] =	vst v9;
	v9 =	vmul.f32 v16, v13;
	v15 =	vld [tilespmem:s28+$0x4200]  }
0x2d6: {  	[tilespmem:s28+$0x41A0] =	vst v8;
	v8 =	vmul.f32 v10, v13;
	v10 =	vld [tilespmem:s28+$0x4210]  }
0x2d7: {  	[tilespmem:s28+$0x41B0] =	vst v9;
	v9 =	vmul.f32 v14, v13;
	v14 =	vld [tilespmem:s28+$0x4220]  }
0x2d8: {  	[tilespmem:s28+$0x41C0] =	vst v8;
	v8 =	vmul.f32 v11, v13;
	v11 =	vld [tilespmem:s28+$0x4230]  }
0x2d9: {  	[tilespmem:s28+$0x41D0] =	vst v9;
	v9 =	vmul.f32 v12, v13;
	v12 =	vld [tilespmem:s28+$0x4240]  }
0x2da: {  	[tilespmem:s28+$0x41E0] =	vst v8;
	v8 =	vmul.f32 v15, v7;
	v13 =	vld [tilespmem:s28+$0x4250]  }
0x2db: {  	[tilespmem:s28+$0x41F0] =	vst v9;
	v9 =	vmul.f32 v10, v7;
	v10 =	vld [tilespmem:s28+$0x4260]  }
0x2dc: {  	[tilespmem:s28+$0x4200] =	vst v8;
	v8 =	vmul.f32 v14, v7;
	v14 =	vld [tilespmem:s28+$0x4270]  }
0x2dd: {  	[tilespmem:s28+$0x4210] =	vst v9;
	v9 =	vmul.f32 v11, v7;
	v11 =	vld [tilespmem:s28+$0x4280]  }
0x2de: {  	[tilespmem:s28+$0x4220] =	vst v8;
	v8 =	vmul.f32 v12, v7;
	v12 =	vld [tilespmem:s28+$0x4290]  }
0x2df: {  	[tilespmem:s28+$0x4230] =	vst v9;
	v9 =	vmul.f32 v13, v7;
	v13 =	vld [tilespmem:s28+$0x42A0]  }
0x2e0: {  	[tilespmem:s28+$0x4240] =	vst v8;
	v8 =	vmul.f32 v10, v7;
	v10 =	vbroadcast v1, $0x5;
	v15 =	vld [tilespmem:s28+$0x42B0]  }
0x2e1: {  	[tilespmem:s28+$0x4250] =	vst v9;
	v7 =	vmul.f32 v14, v7;
	v9 =	vld [tilespmem:s28+$0x42C0]  }
0x2e2: {  	[tilespmem:s28+$0x4260] =	vst v8;
	v8 =	vmul.f32 v11, v10;
	v11 =	vld [tilespmem:s28+$0x42D0]  }
0x2e3: {  	[tilespmem:s28+$0x4270] =	vst v7;
	v7 =	vmul.f32 v12, v10;
	v12 =	vld [tilespmem:s28+$0x42E0]  }
0x2e4: {  	[tilespmem:s28+$0x4280] =	vst v8;
	v8 =	vmul.f32 v13, v10;
	v13 =	vld [tilespmem:s28+$0x42F0]  }
0x2e5: {  	[tilespmem:s28+$0x4290] =	vst v7;
	v7 =	vmul.f32 v15, v10;
	v14 =	vld [tilespmem:s28+$0x4300]  }
0x2e6: {  	[tilespmem:s28+$0x42A0] =	vst v8;
	v8 =	vmul.f32 v9, v10;
	v9 =	vld [tilespmem:s28+$0x4310]  }
0x2e7: {  	[tilespmem:s28+$0x42B0] =	vst v7;
	v7 =	vmul.f32 v11, v10;
	v11 =	vld [tilespmem:s28+$0x4320]  }
0x2e8: {  	[tilespmem:s28+$0x42C0] =	vst v8;
	v8 =	vmul.f32 v12, v10;
	v12 =	vbroadcast v1, $0x6;
	v15 =	vld [tilespmem:s28+$0x4330]  }
0x2e9: {  	[tilespmem:s28+$0x42D0] =	vst v7;
	v7 =	vmul.f32 v13, v10;
	v10 =	vld [tilespmem:s28+$0x4340]  }
0x2ea: {  	[tilespmem:s28+$0x42E0] =	vst v8;
	v8 =	vmul.f32 v14, v12;
	v13 =	vld [tilespmem:s28+$0x4350]  }
0x2eb: {  	[tilespmem:s28+$0x42F0] =	vst v7;
	v7 =	vmul.f32 v9, v12;
	v9 =	vld [tilespmem:s28+$0x4360]  }
0x2ec: {  	[tilespmem:s28+$0x4300] =	vst v8;
	v8 =	vmul.f32 v11, v12;
	v11 =	vld [tilespmem:s28+$0x4370]  }
0x2ed: {  	[tilespmem:s28+$0x4310] =	vst v7;
	v7 =	vmul.f32 v15, v12;
	v14 =	vld [tilespmem:s28+$0x4380]  }
0x2ee: {  	[tilespmem:s28+$0x4320] =	vst v8;
	v8 =	vmul.f32 v10, v12;
	v10 =	vld [tilespmem:s28+$0x4390]  }
0x2ef: {  	[tilespmem:s28+$0x4330] =	vst v7;
	v7 =	vmul.f32 v13, v12;
	v13 =	vld [tilespmem:s28+$0x43A0]  }
0x2f0: {  	[tilespmem:s28+$0x4340] =	vst v8;
	v8 =	vmul.f32 v9, v12;
	v9 =	vbroadcast v1, $0x7;
	v15 =	vld [tilespmem:s28+$0x43B0]  }
0x2f1: {  	[tilespmem:s28+$0x4350] =	vst v7;
	v7 =	vmul.f32 v11, v12;
	v11 =	vld [tilespmem:s28+$0x43C0]  }
0x2f2: {  	[tilespmem:s28+$0x4360] =	vst v8;
	v8 =	vmul.f32 v14, v9;
	v12 =	vld [tilespmem:s28+$0x43D0]  }
0x2f3: {  	[tilespmem:s28+$0x4370] =	vst v7;
	v7 =	vmul.f32 v10, v9;
	v10 =	vld [tilespmem:s28+$0x43E0]  }
0x2f4: {  	[tilespmem:s28+$0x4380] =	vst v8;
	v8 =	vmul.f32 v13, v9;
	v13 =	vld [tilespmem:s28+$0x43F0]  }
0x2f5: {  	[tilespmem:s28+$0x4390] =	vst v7;
	v7 =	vmul.f32 v15, v9;
	v14 =	vld [tilespmem:s28+$0x4400]  }
0x2f6: {  	[tilespmem:s28+$0x43A0] =	vst v8;
	v8 =	vmul.f32 v11, v9;
	v11 =	vld [tilespmem:s28+$0x4410]  }
0x2f7: {  	[tilespmem:s28+$0x43B0] =	vst v7;
	v7 =	vmul.f32 v12, v9;
	v12 =	vld [tilespmem:s28+$0x4420]  }
0x2f8: {  	[tilespmem:s28+$0x43C0] =	vst v8;
	v8 =	vmul.f32 v10, v9;
	v10 =	vbroadcast v1, $0x8;
	v15 =	vld [tilespmem:s28+$0x4430]  }
0x2f9: {  	[tilespmem:s28+$0x43D0] =	vst v7;
	v7 =	vmul.f32 v13, v9;
	v9 =	vld [tilespmem:s28+$0x4440]  }
0x2fa: {  	[tilespmem:s28+$0x43E0] =	vst v8;
	v8 =	vmul.f32 v14, v10;
	v13 =	vld [tilespmem:s28+$0x4450]  }
0x2fb: {  	[tilespmem:s28+$0x43F0] =	vst v7;
	v7 =	vmul.f32 v11, v10;
	v11 =	vld [tilespmem:s28+$0x4460]  }
0x2fc: {  	[tilespmem:s28+$0x4400] =	vst v8;
	v8 =	vmul.f32 v12, v10;
	v12 =	vld [tilespmem:s28+$0x4470]  }
0x2fd: {  	[tilespmem:s28+$0x4410] =	vst v7;
	v7 =	vmul.f32 v15, v10;
	v14 =	vld [tilespmem:s28+$0x4480]  }
0x2fe: {  	[tilespmem:s28+$0x4420] =	vst v8;
	v8 =	vmul.f32 v9, v10;
	v9 =	vld [tilespmem:s28+$0x4490]  }
0x2ff: {  	[tilespmem:s28+$0x4430] =	vst v7;
	v7 =	vmul.f32 v13, v10;
	v13 =	vld [tilespmem:s28+$0x44A0]  }
0x300: {  	[tilespmem:s28+$0x4440] =	vst v8;
	v8 =	vmul.f32 v11, v10;
	v11 =	vbroadcast v1, $0x9;
	v15 =	vld [tilespmem:s28+$0x44B0]  }
0x301: {  	[tilespmem:s28+$0x4450] =	vst v7;
	v7 =	vmul.f32 v12, v10;
	v10 =	vld [tilespmem:s28+$0x44C0]  }
0x302: {  	[tilespmem:s28+$0x4460] =	vst v8;
	v8 =	vmul.f32 v14, v11;
	v12 =	vld [tilespmem:s28+$0x44D0]  }
0x303: {  	[tilespmem:s28+$0x4470] =	vst v7;
	v7 =	vmul.f32 v9, v11;
	v9 =	vld [tilespmem:s28+$0x44E0]  }
0x304: {  	[tilespmem:s28+$0x4480] =	vst v8;
	v8 =	vmul.f32 v13, v11;
	v13 =	vld [tilespmem:s28+$0x44F0]  }
0x305: {  	[tilespmem:s28+$0x4490] =	vst v7;
	v7 =	vmul.f32 v15, v11;
	v14 =	vld [tilespmem:s28+$0x4500]  }
0x306: {  	[tilespmem:s28+$0x44A0] =	vst v8;
	v8 =	vmul.f32 v10, v11;
	v10 =	vld [tilespmem:s28+$0x4510]  }
0x307: {  	[tilespmem:s28+$0x44B0] =	vst v7;
	v7 =	vmul.f32 v12, v11;
	v12 =	vld [tilespmem:s28+$0x4520]  }
0x308: {  	[tilespmem:s28+$0x44C0] =	vst v8;
	v8 =	vmul.f32 v9, v11;
	v9 =	vld [tilespmem:s28+$0x4530]  }
0x309: {  	[tilespmem:s28+$0x44D0] =	vst v7;
	v7 =	vmul.f32 v13, v11;
	v11 =	vld [tilespmem:s28+$0x4540]  }
0x30a: {  	[tilespmem:s28+$0x44E0] =	vst v8;
	v8 =	vmul.f32 v14, v4;
	v13 =	vld [tilespmem:s28+$0x4550]  }
0x30b: {  	[tilespmem:s28+$0x44F0] =	vst v7;
	v7 =	vmul.f32 v10, v4;
	v10 =	vld [tilespmem:s28+$0x4560]  }
0x30c: {  	v14 =	vld [tilespmem:s28+$0x4000];
	[tilespmem:s28+$0x4500] =	vst v8;
	v8 =	vmul.f32 v12, v4  }
0x30d: {  	v12 =	vld [tilespmem:s28+$0x4010];
	[tilespmem:s28+$0x4510] =	vst v7;
	v7 =	vmul.f32 v9, v4  }
0x30e: {  	v9 =	vld [tilespmem:s28+$0x4040];
	[tilespmem:s28+$0x4520] =	vst v8;
	v8 =	vmul.f32 v11, v4  }
0x30f: {  	v11 =	vld [tilespmem:s28+$0x4050];
	[tilespmem:s28+$0x4530] =	vst v7;
	v7 =	vmul.f32 v13, v4  }
0x310: {  	[tilespmem:s28+$0x4540] =	vst v8;
	v8 =	vmul.f32 v10, v4;
	v10 =	vbroadcast v1, $0xB;
	v13 =	vld [tilespmem:s28+$0x45A0]  }
0x311: {  	v4 =	vbroadcast v1, $0xF;
	v14 =	vmul.f32 v2, v14;
	[tilespmem:s28+$0x4550] =	vst v7;
	v7 =	vld [tilespmem:s28+$0x45B0]  }
0x312: {  	v12 =	vmul.f32 v12, v2;
	[tilespmem:s28+$0x4560] =	vst v8;
	v5 =	vmul.f32 v5, v10;
	v8 =	vld [tilespmem:s28+$0x45C0]  }
0x313: {  	v6 =	vmul.f32 v6, v10;
	[tilespmem:s28+$0x4000] =	vst v14;
	v9 =	vmul.f32 v9, v2;
	v14 =	vld [tilespmem:s28+$0x45D0]  }
0x314: {  	v3 =	vmul.f32 v3, v4;
	v11 =	vmul.f32 v11, v2;
	[tilespmem:s28+$0x4580] =	vst v5;
	v2 =	vld [tilespmem:s28+$0x45E0]  }
0x315: {  	[tilespmem:s28+$0x4590] =	vst v6;
	v5 =	vmul.f32 v13, v10;
	v6 =	vld [tilespmem:s28+$0x45F0]  }
0x316: {  	v7 =	vmul.f32 v7, v10;
	v13 =	vld [tilespmem:s28+$0x4600];
	[tilespmem:s28+$0x47D0] =	vst v3  }
0x317: {  	[tilespmem:s28+$0x4010] =	vst v12;
	v3 =	vmul.f32 v8, v10;
	v8 =	vld [tilespmem:s28+$0x4610]  }
0x318: {  	[tilespmem:s28+$0x4040] =	vst v9;
	v9 =	vmul.f32 v14, v10;
	v12 =	vld [tilespmem:s28+$0x4620]  }
0x319: {  	v14 =	vbroadcast v1, $0xC;
	[tilespmem:s28+$0x45A0] =	vst v5;
	v5 =	vmul.f32 v2, v10;
	v15 =	vld [tilespmem:s28+$0x4630]  }
0x31a: {  	[tilespmem:s28+$0x45D0] =	vst v9;
	v6 =	vmul.f32 v6, v10;
	v9 =	vld [tilespmem:s28+$0x4640]  }
0x31b: {  	[tilespmem:s28+$0x45B0] =	vst v7;
	v2 =	vmul.f32 v13, v14;
	v7 =	vld [tilespmem:s28+$0x4650]  }
0x31c: {  	[tilespmem:s28+$0x45C0] =	vst v3;
	v3 =	vmul.f32 v8, v14;
	v8 =	vld [tilespmem:s28+$0x4660]  }
0x31d: {  	[tilespmem:s28+$0x4600] =	vst v2;
	v2 =	vmul.f32 v12, v14;
	v10 =	vld [tilespmem:s28+$0x4670]  }
0x31e: {  	[tilespmem:s28+$0x4610] =	vst v3;
	v3 =	vld [tilespmem:s28+$0x4680]  }
0x31f: {  	[tilespmem:s28+$0x4050] =	vst v11;
	v9 =	vmul.f32 v9, v14;
	v11 =	vld [tilespmem:s28+$0x4690]  }
0x320: {  	[tilespmem:s28+$0x45E0] =	vst v5;
	v5 =	vmul.f32 v7, v14;
	v7 =	vld [tilespmem:s28+$0x46A0]  }
0x321: {  	[tilespmem:s28+$0x4640] =	vst v9;
	v8 =	vmul.f32 v8, v14;
	v9 =	vbroadcast v1, $0xD;
	v12 =	vld [tilespmem:s28+$0x46B0]  }
0x322: {  	[tilespmem:s28+$0x4650] =	vst v5;
	v5 =	vmul.f32 v10, v14;
	v10 =	vld [tilespmem:s28+$0x46C0]  }
0x323: {  	[tilespmem:s28+$0x4660] =	vst v8;
	v3 =	vmul.f32 v3, v9;
	v8 =	vld [tilespmem:s28+$0x46D0]  }
0x324: {  	[tilespmem:s28+$0x4670] =	vst v5;
	v5 =	vmul.f32 v11, v9;
	v11 =	vld [tilespmem:s28+$0x46E0]  }
0x325: {  	[tilespmem:s28+$0x4680] =	vst v3;
	v3 =	vmul.f32 v7, v9;
	v7 =	vld [tilespmem:s28+$0x46F0]  }
0x326: {  	[tilespmem:s28+$0x4690] =	vst v5;
	v5 =	vmul.f32 v12, v9;
	v12 =	vld [tilespmem:s28+$0x4700]  }
0x327: {  	[tilespmem:s28+$0x46A0] =	vst v3;
	v3 =	vmul.f32 v10, v9;
	v10 =	vld [tilespmem:s28+$0x4710]  }
0x328: {  	[tilespmem:s28+$0x46B0] =	vst v5;
	v5 =	vmul.f32 v8, v9;
	v8 =	vld [tilespmem:s28+$0x4720]  }
0x329: {  	v1 =	vbroadcast v1, $0xE;
	[tilespmem:s28+$0x45F0] =	vst v6;
	v6 =	vmul.f32 v11, v9;
	v11 =	vld [tilespmem:s28+$0x4730]  }
0x32a: {  	[tilespmem:s28+$0x46D0] =	vst v5;
	v5 =	vmul.f32 v7, v9;
	v7 =	vld [tilespmem:s28+$0x4740]  }
0x32b: {  	[tilespmem:s28+$0x46E0] =	vst v6;
	v6 =	vmul.f32 v12, v1;
	v9 =	vld [tilespmem:s28+$0x4750]  }
0x32c: {  	[tilespmem:s28+$0x46F0] =	vst v5;
	v5 =	vmul.f32 v10, v1;
	v10 =	vld [tilespmem:s28+$0x4760]  }
0x32d: {  	[tilespmem:s28+$0x4700] =	vst v6;
	v6 =	vmul.f32 v8, v1;
	v8 =	vld [tilespmem:s28+$0x4770]  }
0x32e: {  	[tilespmem:s28+$0x4710] =	vst v5;
	v5 =	vmul.f32 v11, v1;
	v11 =	vld [tilespmem:s28+$0x4780]  }
0x32f: {  	[tilespmem:s28+$0x4720] =	vst v6;
	v6 =	vmul.f32 v7, v1;
	v7 =	vld [tilespmem:s28+$0x4790]  }
0x330: {  	[tilespmem:s28+$0x4730] =	vst v5;
	v5 =	vmul.f32 v9, v1;
	v9 =	vld [tilespmem:s28+$0x47A0]  }
0x331: {  	[tilespmem:s28+$0x4740] =	vst v6;
	v6 =	vmul.f32 v10, v1;
	v10 =	vld [tilespmem:s28+$0x47B0]  }
0x332: {  	[tilespmem:s28+$0x46C0] =	vst v3;
	v1 =	vmul.f32 v8, v1;
	v3 =	vld [tilespmem:s28+$0x47C0]  }
0x333: {  	[tilespmem:s28+$0x4760] =	vst v6;
	v6 =	vmul.f32 v11, v4;
	v8 =	vld [tilespmem:s28+$0x47E0]  }
0x334: {  	[tilespmem:s28+$0x4770] =	vst v1;
	v1 =	vmul.f32 v7, v4;
	v7 =	vld [tilespmem:s28+$0x47F0]  }
0x335: {  	[tilespmem:s28+$0x4780] =	vst v6;
	v6 =	vmul.f32 v9, v4  }
0x336: {  	[tilespmem:s28+$0x4790] =	vst v1;
	v1 =	vmul.f32 v10, v4  }
0x337: {  	v9 =	vmul.f32 v15, v14;
	[tilespmem:s28+$0x47A0] =	vst v6  }
0x338: {  	[tilespmem:s28+$0x47B0] =	vst v1;
	v1 =	vmul.f32 v3, v4  }
.Ltmp2:
0x339: {  	[tilespmem:s28+$0x4630] =	vst v9;
	v3 =	vmul.f32 v7, v4;
	(pc) =	sbr.rel @p0 .LBB2_7-.Ltmp2, $4  }
0x33a: {  	[tilespmem:s28+$0x47C0] =	vst v1  }
0x33b: {  	v1 =	vmul.f32 v8, v4;
	[tilespmem:s28+$0x47F0] =	vst v3  }
0x33c: {  	[tilespmem:s28+$0x4750] =	vst v5  }
0x33d: {  	[tilespmem:s28+$0x47E0] =	vst v1  }
0x33e: {  	s21 =	sadd.s32 $0x1, s21  }
0x33f: {  	p0 =	sne.s32 s21, $0x28  }
.Ltmp3:
0x340: {  	_ = 	snop;
	(pc) =	sbr.rel @p0 .LBB2_4-.Ltmp3, $4  }
0x341: {  	[tilespmem:s28+$0x4620] =	vst v2;
	s0 =	rddreg [dreg:$0x3]  }
0x342: {  	[spmem:s0] =	stream.indirect.scatter.add.f32 [tilespmem:s20], [sflag:$0xC], $0x80, s15, s12, $0xb8;
	[tilespmem:$0x1C780] =	vst v63  }
0x343: {  	s29 =	simm.s32 $0x8280;
	s5 =	smov.u32 s22  }
0x344: {  	[spmem:s23] =	stream.indirect.scatter.add.f32 [tilespmem:s29], [sflag:$0xE], $0x1, s15, s12, $0xb8;
	[tilespmem:$0x1C780] =	vst v63  }
0x345: {  	s0 =	simm.s32 $0xC  }
0x346: {  	_ =	swait.ge [sflag:s0], $0x4000  }
0x347: {  	[sflag:s0] =	ssyncset.done $0x0  }
0x348: {  	s21 =	simm.s32 $0xE;
	[sflag:s0] =	ssyncadd.s32 $0xFFFFC000  }
0x349: {  	_ =	swait.ge [sflag:s21], $0x80  }
0x34a: {  	[sflag:s21] =	ssyncset.done $0x0  }
0x34b: {  	[sflag:s21] =	ssyncadd.s32 $0xFFFFFF80  }
0x34c: {  	s22 =	stileid.u32;
	[bflag:$0x0] =	sbarrier.arrive $0xFFFF  }
0x34d: {  	s29 =	simm.s32 $0x11;
	s0 =	sshll.u32 s22, $0x6;
	s22 =	rddreg [dreg:$0x6]  }
0x34e: {  	s0 =	sor.u32 $0x1C11, s0;
	s21 =	rddreg [dreg:$0x14];
	s4 =	sshrl.u32 s22, $0x3  }
0x34f: {  	[hbm:s21], [sflag:s0] =	dma.local [spmem:s4], $0x2800  }
0x350: {  	_ =	swait.ge [sflag:s29], $0x2800  }
0x351: {  	[sflag:s29] =	ssyncset.done $0x0;
	s28 =	rddreg [dreg:$0x7]  }
0x352: {  	s21 =	rddreg [dreg:$0x15];
	[sflag:s29] =	ssyncadd.s32 $0xFFFFD800;
	s4 =	sshrl.u32 s28, $0x3  }
0x353: {  	[hbm:s21], [sflag:s0] =	dma.local [spmem:s4], $0x50  }
0x354: {  	_ =	swait.ge [sflag:s29], $0x50  }
0x355: {  	s0 =	rddreg [dreg:$0x17]  }
0x356: {  	s21 =	rddreg [dreg:$0x16];
	s4 =	sadd.s32 $0x1, s0  }
0x357: {  	p0 =	sne.s32 s4, s21  }
.Ltmp4:
0x358: {  	_ = 	snop;
	(pc) =	sbr.rel @p0 .LBB2_1-.Ltmp4, $3  }
0x359: {  	_ =	sdelay $0x1  }
0x35a: {  	[sflag:s29] =	ssyncset.done $0x0  }
0x35b: {  	[sflag:s29] =	ssyncadd.s32 $0xFFFFFFB0  }
0x35c: {  	_ =	sfence.sel $0x180000  }
0x35d: {  	[bflag:$0x0] =	sbarrier.arrive $0xFFFF  }
0x35e: {  	_ =	strace $0x90000047  }
0x35f: {  	s0 =	stileid.u32;
	[bflag:$0x2] =	sbarrier.arrive $0xFFFF  }
0x360: {  	p0 =	sne.s32 s0, $0x0;
	s0 =	rddreg [dreg:$0x5]  }
0x361: {  	s0 =	sadd.s32 @!p0 $0x100000, s0  }
0x362: {  	[sflag:s0] =	ssyncadd.tile.s32 @!p0 $0x1;
	_ =	shalt  }
.Lfunc_end2:
_tile_overlayer_lowered:
.L_overlay_start_2:
0x363: {  	(tag) =	ssettag $0x2  }
0x364: {  	s0 =	rddreg [dreg:$0x0];
	s2 =	stileid.u32  }
0x365: {  	s1 =	rddreg [dreg:$0x1];
	p0 =	sne.s32 s2, $0x0  }
0x366: {  	s3 =	rddreg [dreg:$0x2];
	[bflag:$0x3] =	sbarrier.arrive $0xFFFF;
	s2 =	simm.s32 @!p0 $0x1C11  }
0x367: {  	[timem:s3], [sflag:s2] =	dma.local @!p0 [hbm:s0], s1  }
0x368: {  	s0 =	simm.s32 @!p0 $0x11  }
0x369: {  	_ =	swait.ge @!p0 [sflag:s0], s1  }
0x36a: {  	s1 =	ssub.s32 @!p0 $0x0, s1;
	[sflag:s0] =	ssyncset.done @!p0 $0x0  }
0x36b: {  	[sflag:s0] =	ssyncadd.s32 @!p0 s1  }
0x36c: {  	[bflag:$0x3] =	sbarrier.arrive $0xFFFF  }
0x36d: {  	_ =	shalt  }

</sc_bundles>
